<compile_context>
chip_gen: v7x
topology: tpu7x:2x2x1
jax: 0.10.2.dev20260603
libtpu: 0.0.44.dev20260713+nightly
codegen_flags: <defaults>
</compile_context>

<pallas_src>
import functools

import jax
import jax.numpy as jnp
from jax import lax
from jax.experimental import pallas as pl
from jax.experimental.pallas import tpu as pltpu
from jax.experimental.pallas import tpu_sc as plsc

N = 10000
E = 320000
D_IN = 128
D_HID = 128
D_OUT = 40
D_PAD = 128

NC = 2
NS = 16
NW = NC * NS
CH = 80
EPW = E // NW
NCHUNK = EPW // CH

ZR = 640
ZR_LAST = N - 15 * ZR


def _make_scatter(D):
    mesh = plsc.VectorSubcoreMesh(core_axis_name="c", subcore_axis_name="s")

    @functools.partial(
        pl.kernel,
        out_type=jax.ShapeDtypeStruct((NC, N, D), jnp.float32),
        mesh=mesh,
        scratch_types=(
            [pltpu.VMEM((CH,), jnp.int32)] * 6 +
            [pltpu.VMEM((CH,), jnp.int32)] * 6 +
            [pltpu.VMEM((CH, D), jnp.float32)] * 4 +
            [pltpu.VMEM_SHARED((N, D), jnp.float32)] +
            [pltpu.SemaphoreType.DMA] * 10
        ),
    )
    def scatter_kernel(h_hbm, src_hbm, dst_hbm, zero_hbm, out_hbm,
                       s0, s1, s2, s3, s4, s5, d0, d1, d2, d3, d4, d5,
                       r0, r1, r2, r3, acc_sh,
                       g0, g1, g2, g3, i0, i1, i2, i3, i4, i5):
        c = lax.axis_index("c")
        s = lax.axis_index("s")
        wid = s * NC + c

        @pl.when(s < 15)
        def _():
            pltpu.sync_copy(zero_hbm.at[pl.ds(s * ZR, ZR)],
                            acc_sh.at[pl.ds(s * ZR, ZR)])

        @pl.when(s == 15)
        def _():
            pltpu.sync_copy(zero_hbm.at[pl.ds(15 * ZR, ZR_LAST)],
                            acc_sh.at[pl.ds(15 * ZR, ZR_LAST)])

        plsc.subcore_barrier()

        src = (s0, s1, s2, s3, s4, s5)
        dst = (d0, d1, d2, d3, d4, d5)
        rows = (r0, r1, r2, r3)
        gsem = (g0, g1, g2, g3)
        isem = (i0, i1, i2, i3, i4, i5)
        base0 = wid * EPW

        def idx_issue(i, b):
            base = base0 + jnp.minimum(i, NCHUNK - 1) * CH
            pltpu.async_copy(src_hbm.at[pl.ds(base, CH)], src[b], isem[b])
            pltpu.async_copy(dst_hbm.at[pl.ds(base, CH)], dst[b], isem[b])

        def iwait(b):
            pltpu.make_async_copy(src_hbm.at[pl.ds(0, CH)], src[b],
                                  isem[b]).wait()
            pltpu.make_async_copy(dst_hbm.at[pl.ds(0, CH)], dst[b],
                                  isem[b]).wait()

        def gwait(b):
            pltpu.make_async_copy(h_hbm.at[pl.ds(0, CH)], rows[b],
                                  gsem[b]).wait()

        def body(i, q4, q6, pre_swait, pre_gather, pre_idx):
            if pre_gather:
                iwait((q6 + 2) % 6)
                pltpu.async_copy(h_hbm.at[src[(q6 + 2) % 6]],
                                 rows[(q4 + 2) % 4],
                                 gsem[(q4 + 2) % 4])
            gwait(q4)
            pltpu.sync_copy(rows[q4], acc_sh.at[dst[q6]], add=True)
            if pre_idx:
                idx_issue(i + 4, (q6 + 4) % 6)

        pltpu.sync_copy(src_hbm.at[pl.ds(base0, CH)], s0)
        pltpu.sync_copy(dst_hbm.at[pl.ds(base0, CH)], d0)
        pltpu.sync_copy(src_hbm.at[pl.ds(base0 + CH, CH)], s1)
        pltpu.sync_copy(dst_hbm.at[pl.ds(base0 + CH, CH)], d1)
        pltpu.async_copy(h_hbm.at[s0], r0, g0)
        pltpu.async_copy(h_hbm.at[s1], r1, g1)
        idx_issue(2, 2)
        idx_issue(3, 3)

        body(0, 0, 0, pre_swait=False, pre_gather=True, pre_idx=True)
        body(1, 1, 1, pre_swait=False, pre_gather=True, pre_idx=True)

        MAIN_LO, MAIN_HI = 2, 2 + 12 * ((NCHUNK - 3 - 2 + 1) // 12)

        @pl.loop(MAIN_LO, MAIN_HI, step=12)
        def _(j):
            for b in range(12):
                body(j + b, (MAIN_LO + b) % 4, (MAIN_LO + b) % 6,
                     pre_swait=True, pre_gather=True, pre_idx=True)

        for t in range(MAIN_HI, NCHUNK):
            body(t, t % 4, t % 6, pre_swait=True,
                 pre_gather=(t <= NCHUNK - 3), pre_idx=(t <= NCHUNK - 5))

        iwait(NCHUNK % 6)

        plsc.subcore_barrier()

        @pl.when(s < 15)
        def _():
            pltpu.sync_copy(acc_sh.at[pl.ds(s * ZR, ZR)],
                            out_hbm.at[c].at[pl.ds(s * ZR, ZR)])

        @pl.when(s == 15)
        def _():
            pltpu.sync_copy(acc_sh.at[pl.ds(15 * ZR, ZR_LAST)],
                            out_hbm.at[c].at[pl.ds(15 * ZR, ZR_LAST)])

    return scatter_kernel


_scatter128 = _make_scatter(D_HID)


def _mm(x, w):
    def body(x_ref, w_ref, o_ref):
        o_ref[...] = jnp.dot(x_ref[...], w_ref[...],
                             preferred_element_type=jnp.float32)

    return pl.pallas_call(
        body,
        out_shape=jax.ShapeDtypeStruct((x.shape[0], w.shape[1]), jnp.float32),
    )(x, w)


def _fuse_mm(p, b, w):
    def body(p_ref, b_ref, w_ref, o_ref):
        h = jnp.maximum(p_ref[0] + p_ref[1] + b_ref[...], 0.0)
        o_ref[...] = jnp.dot(h, w_ref[...], preferred_element_type=jnp.float32)

    return pl.pallas_call(
        body,
        out_shape=jax.ShapeDtypeStruct((p.shape[1], w.shape[1]), jnp.float32),
    )(p, b.reshape(1, -1), w)


def _finalize(q, b2p):
    def body(q_ref, b_ref, o_ref):
        h = q_ref[0] + q_ref[1] + b_ref[...]
        m = jnp.max(h, axis=1, keepdims=True)
        e = jnp.exp(h - m)
        lse = jnp.log(jnp.sum(e, axis=1, keepdims=True))
        o_ref[...] = h - m - lse

    return pl.pallas_call(
        body,
        out_shape=jax.ShapeDtypeStruct((q.shape[1], q.shape[2]), jnp.float32),
    )(q, b2p.reshape(1, -1))


def kernel(x, edge_index, W0, b0, W1, b1, W2, b2):
    src = edge_index[0]
    dst2 = edge_index[1]
    zeros128 = jnp.zeros((N, D_HID), jnp.float32)
    W2p = jnp.pad(W2, ((0, 0), (0, D_PAD - D_OUT)))
    b2p = jnp.concatenate(
        [b2, jnp.full((D_PAD - D_OUT,), -1e30, jnp.float32)])

    h = _mm(x, W0)
    p = _scatter128(h, src, dst2, zeros128)
    h = _fuse_mm(p, b0, W1)
    p = _scatter128(h, src, dst2, zeros128)
    h = _fuse_mm(p, b1, W2p)
    q = _scatter128(h, src, dst2, zeros128)
    out = _finalize(q, b2p)
    return out[:, :D_OUT]

# --- scband reference (transcript-rebuilt; emitter-appended) ---
"""Pipeline reference for scband-adj-gcn-23596550324896 (READ-ONLY COPY).

The authoritative reference and input builder live on the scoring server;
editing this copy changes nothing except your own understanding.
"""

import jax, jax.numpy as jnp
import numpy as np

N = 10000
E = 320000
D_IN = 128
D_HID = 128
D_OUT = 40


def setup_inputs(seed: int = 0) -> dict:
    key = jax.random.key(seed)
    ks = jax.random.split(key, 9)
    x = jax.random.normal(ks[0], (N, D_IN), dtype=jnp.float32)
    edge_index = jax.random.randint(ks[1], (2, E), 0, N, dtype=jnp.int32)
    def glorot(k, fan_in, fan_out):
        limit = float(np.sqrt(6.0 / (fan_in + fan_out)))
        return jax.random.uniform(k, (fan_in, fan_out), dtype=jnp.float32, minval=-limit, maxval=limit)
    W0 = glorot(ks[2], D_IN, D_HID)
    b0 = jnp.zeros((D_HID,), dtype=jnp.float32)
    W1 = glorot(ks[3], D_HID, D_HID)
    b1 = jnp.zeros((D_HID,), dtype=jnp.float32)
    W2 = glorot(ks[4], D_HID, D_OUT)
    b2 = jnp.zeros((D_OUT,), dtype=jnp.float32)
    return {"x": x, "edge_index": edge_index, "W0": W0, "b0": b0, "W1": W1, "b1": b1, "W2": W2, "b2": b2}


def reference(x, edge_index, W0, b0, W1, b1, W2, b2):
    # GCNConv(normalize=False): h = x @ W; out = scatter_add over edges (adj_t @ h); out += b
    src = edge_index[0]
    dst = edge_index[1]

    def gcn_conv(h, W, b):
        h = h @ W
        msgs = jnp.take(h, src, axis=0)
        agg = jax.ops.segment_sum(msgs, dst, num_segments=N)
        return agg + b

    # layer 0 (dropout omitted: eval mode / deterministic reference)
    h = gcn_conv(x, W0, b0)
    h = jax.nn.relu(h)
    # layer 1
    h = gcn_conv(h, W1, b1)
    h = jax.nn.relu(h)
    # final layer
    h = gcn_conv(h, W2, b2)
    return jax.nn.log_softmax(h, axis=-1)

if __name__ == "__main__":
    import jax
    _d = setup_inputs()
    print(jax.jit(kernel)(*tuple(_d.values())))

</pallas_src>

<mosaic_0001>
#map = affine_map<(d0, d1) -> (0, 0)>
#map1 = affine_map<(d0, d1) -> (0)>
#map2 = affine_map<(d0, d1) -> (0, 0, 0)>
module attributes {stable_mosaic.version = 14 : i64} {
  func.func @scatter_kernel(%arg0: i32, %arg1: i32, %arg2: memref<10000x128xf32, #tpu.memory_space<hbm>>, %arg3: memref<320000xi32, #tpu.memory_space<hbm>>, %arg4: memref<320000xi32, #tpu.memory_space<hbm>>, %arg5: memref<10000x128xf32, #tpu.memory_space<hbm>>, %arg6: memref<2x10000x128xf32, #tpu.memory_space<hbm>>, %arg7: memref<80xi32, #tpu.memory_space<vmem>>, %arg8: memref<80xi32, #tpu.memory_space<vmem>>, %arg9: memref<80xi32, #tpu.memory_space<vmem>>, %arg10: memref<80xi32, #tpu.memory_space<vmem>>, %arg11: memref<80xi32, #tpu.memory_space<vmem>>, %arg12: memref<80xi32, #tpu.memory_space<vmem>>, %arg13: memref<80xi32, #tpu.memory_space<vmem>>, %arg14: memref<80xi32, #tpu.memory_space<vmem>>, %arg15: memref<80xi32, #tpu.memory_space<vmem>>, %arg16: memref<80xi32, #tpu.memory_space<vmem>>, %arg17: memref<80xi32, #tpu.memory_space<vmem>>, %arg18: memref<80xi32, #tpu.memory_space<vmem>>, %arg19: memref<80x128xf32, #tpu.memory_space<vmem>>, %arg20: memref<80x128xf32, #tpu.memory_space<vmem>>, %arg21: memref<80x128xf32, #tpu.memory_space<vmem>>, %arg22: memref<80x128xf32, #tpu.memory_space<vmem>>, %arg23: memref<10000x128xf32, #tpu.memory_space<vmem_shared>>, %arg24: memref<!tpu.dma_semaphore, #tpu.memory_space<semaphore_mem>>, %arg25: memref<!tpu.dma_semaphore, #tpu.memory_space<semaphore_mem>>, %arg26: memref<!tpu.dma_semaphore, #tpu.memory_space<semaphore_mem>>, %arg27: memref<!tpu.dma_semaphore, #tpu.memory_space<semaphore_mem>>, %arg28: memref<!tpu.dma_semaphore, #tpu.memory_space<semaphore_mem>>, %arg29: memref<!tpu.dma_semaphore, #tpu.memory_space<semaphore_mem>>, %arg30: memref<!tpu.dma_semaphore, #tpu.memory_space<semaphore_mem>>, %arg31: memref<!tpu.dma_semaphore, #tpu.memory_space<semaphore_mem>>, %arg32: memref<!tpu.dma_semaphore, #tpu.memory_space<semaphore_mem>>, %arg33: memref<!tpu.dma_semaphore, #tpu.memory_space<semaphore_mem>>) attributes {dimension_semantics = [#tpu.dimension_semantics<core_parallel>, #tpu.dimension_semantics<subcore_parallel>], iteration_bounds = array<i64: 2, 16>, scalar_prefetch = 0 : i64, scratch_operands = 27 : i64, tpu.core_type = #tpu.core_type<sc_vector_subcore>, window_params = [{transform_indices = #map}, {transform_indices = #map1}, {transform_indices = #map1}, {transform_indices = #map}, {transform_indices = #map2}]} {
    %mul3A = arith.constant 2 : i32
    %mul3A_0 = arith.muli %arg1, %mul3A : i32
    %add3A = arith.addi %mul3A_0, %arg0 : i32
    %lt3A = arith.constant 15 : i32
    %lt3A_1 = arith.cmpi slt, %arg1, %lt3A : i32
    %convert_element_type3A = arith.extui %lt3A_1 : i1 to i32
    %cond3A = arith.constant 0 : i32
    %cond3A_2 = arith.cmpi ne, %convert_element_type3A, %cond3A : i32
    scf.if %cond3A_2 {
      %mul3A_142 = arith.constant 640 : i32
      %mul3A_143 = arith.muli %arg1, %mul3A_142 : i32
      %mul3A_144 = arith.constant 640 : i32
      %mul3A_145 = arith.muli %arg1, %mul3A_144 : i32
      "tpu.region"() ({
        %run_scoped3A = tpu.sem_alloc : memref<!tpu.dma_semaphore, #tpu.memory_space<semaphore_mem>>
        %dma_start3A_146 = arith.constant 0 : i32
        %dma_start3A_147 = tpu.memref_slice %arg23[%mul3A_145, %dma_start3A_146] : memref<10000x128xf32, #tpu.memory_space<vmem_shared>> -> memref<640x128xf32, #tpu.memory_space<vmem_shared>>
        %dma_start3A_148 = arith.constant 0 : i32
        %dma_start3A_149 = tpu.memref_slice %arg5[%mul3A_143, %dma_start3A_148] : memref<10000x128xf32, #tpu.memory_space<hbm>> -> memref<640x128xf32, #tpu.memory_space<hbm>>
        tpu.enqueue_dma source(%dma_start3A_149 : memref<640x128xf32, #tpu.memory_space<hbm>>) target(%dma_start3A_147 : memref<640x128xf32, #tpu.memory_space<vmem_shared>>) target_semaphore(%run_scoped3A : memref<!tpu.dma_semaphore, #tpu.memory_space<semaphore_mem>>)
        %dma_wait3A_150 = arith.constant 0 : i32
        %dma_wait3A_151 = tpu.memref_slice %arg23[%mul3A_145, %dma_wait3A_150] : memref<10000x128xf32, #tpu.memory_space<vmem_shared>> -> memref<640x128xf32, #tpu.memory_space<vmem_shared>>
        %dma_wait3A_152 = arith.constant 0 : i32
        %dma_wait3A_153 = tpu.memref_slice %arg5[%mul3A_143, %dma_wait3A_152] : memref<10000x128xf32, #tpu.memory_space<hbm>> -> memref<640x128xf32, #tpu.memory_space<hbm>>
        tpu.wait_dma2 semaphore(%run_scoped3A : memref<!tpu.dma_semaphore, #tpu.memory_space<semaphore_mem>>) src(%dma_wait3A_153 : memref<640x128xf32, #tpu.memory_space<hbm>>) dst(%dma_wait3A_151 : memref<640x128xf32, #tpu.memory_space<vmem_shared>>)
        tpu.yield
      }) : () -> ()
    } else {
    }
    %eq3A = arith.constant 15 : i32
    %eq3A_3 = arith.cmpi eq, %arg1, %eq3A : i32
    %convert_element_type3A_4 = arith.extui %eq3A_3 : i1 to i32
    %cond3A_5 = arith.constant 0 : i32
    %cond3A_6 = arith.cmpi ne, %convert_element_type3A_4, %cond3A_5 : i32
    scf.if %cond3A_6 {
      "tpu.region"() ({
        %run_scoped3A = tpu.sem_alloc : memref<!tpu.dma_semaphore, #tpu.memory_space<semaphore_mem>>
        %dma_start3A_142 = arith.constant 9600 : i32
        %dma_start3A_143 = arith.constant 0 : i32
        %dma_start3A_144 = tpu.memref_slice %arg23[%dma_start3A_142, %dma_start3A_143] : memref<10000x128xf32, #tpu.memory_space<vmem_shared>> -> memref<400x128xf32, #tpu.memory_space<vmem_shared>>
        %dma_start3A_145 = arith.constant 9600 : i32
        %dma_start3A_146 = arith.constant 0 : i32
        %dma_start3A_147 = tpu.memref_slice %arg5[%dma_start3A_145, %dma_start3A_146] : memref<10000x128xf32, #tpu.memory_space<hbm>> -> memref<400x128xf32, #tpu.memory_space<hbm>>
        tpu.enqueue_dma source(%dma_start3A_147 : memref<400x128xf32, #tpu.memory_space<hbm>>) target(%dma_start3A_144 : memref<400x128xf32, #tpu.memory_space<vmem_shared>>) target_semaphore(%run_scoped3A : memref<!tpu.dma_semaphore, #tpu.memory_space<semaphore_mem>>)
        %dma_wait3A_148 = arith.constant 9600 : i32
        %dma_wait3A_149 = arith.constant 0 : i32
        %dma_wait3A_150 = tpu.memref_slice %arg23[%dma_wait3A_148, %dma_wait3A_149] : memref<10000x128xf32, #tpu.memory_space<vmem_shared>> -> memref<400x128xf32, #tpu.memory_space<vmem_shared>>
        %dma_wait3A_151 = arith.constant 9600 : i32
        %dma_wait3A_152 = arith.constant 0 : i32
        %dma_wait3A_153 = tpu.memref_slice %arg5[%dma_wait3A_151, %dma_wait3A_152] : memref<10000x128xf32, #tpu.memory_space<hbm>> -> memref<400x128xf32, #tpu.memory_space<hbm>>
        tpu.wait_dma2 semaphore(%run_scoped3A : memref<!tpu.dma_semaphore, #tpu.memory_space<semaphore_mem>>) src(%dma_wait3A_153 : memref<400x128xf32, #tpu.memory_space<hbm>>) dst(%dma_wait3A_150 : memref<400x128xf32, #tpu.memory_space<vmem_shared>>)
        tpu.yield
      }) : () -> ()
    } else {
    }
    %barrier3A = arith.constant 0 : index
    tpu.barrier barrier_id(%barrier3A)
    %mul3A_7 = arith.constant 10000 : i32
    %mul3A_8 = arith.muli %add3A, %mul3A_7 : i32
    "tpu.region"() ({
      %run_scoped3A = tpu.sem_alloc : memref<!tpu.dma_semaphore, #tpu.memory_space<semaphore_mem>>
      %dma_start3A_142 = tpu.memref_slice %arg3[%mul3A_8] : memref<320000xi32, #tpu.memory_space<hbm>> -> memref<80xi32, #tpu.memory_space<hbm>>
      %dma_start3A_143 = tpu.memref_slice %arg3[%mul3A_8] : memref<320000xi32, #tpu.memory_space<hbm>> -> memref<80xi32, #tpu.memory_space<hbm>>
      tpu.enqueue_dma source(%dma_start3A_143 : memref<80xi32, #tpu.memory_space<hbm>>) target(%arg7 : memref<80xi32, #tpu.memory_space<vmem>>) target_semaphore(%run_scoped3A : memref<!tpu.dma_semaphore, #tpu.memory_space<semaphore_mem>>)
      %dma_wait3A_144 = tpu.memref_slice %arg3[%mul3A_8] : memref<320000xi32, #tpu.memory_space<hbm>> -> memref<80xi32, #tpu.memory_space<hbm>>
      %dma_wait3A_145 = tpu.memref_slice %arg3[%mul3A_8] : memref<320000xi32, #tpu.memory_space<hbm>> -> memref<80xi32, #tpu.memory_space<hbm>>
      tpu.wait_dma2 semaphore(%run_scoped3A : memref<!tpu.dma_semaphore, #tpu.memory_space<semaphore_mem>>) src(%dma_wait3A_145 : memref<80xi32, #tpu.memory_space<hbm>>) dst(%arg7 : memref<80xi32, #tpu.memory_space<vmem>>)
      tpu.yield
    }) : () -> ()
    "tpu.region"() ({
      %run_scoped3A = tpu.sem_alloc : memref<!tpu.dma_semaphore, #tpu.memory_space<semaphore_mem>>
      %dma_start3A_142 = tpu.memref_slice %arg4[%mul3A_8] : memref<320000xi32, #tpu.memory_space<hbm>> -> memref<80xi32, #tpu.memory_space<hbm>>
      %dma_start3A_143 = tpu.memref_slice %arg4[%mul3A_8] : memref<320000xi32, #tpu.memory_space<hbm>> -> memref<80xi32, #tpu.memory_space<hbm>>
      tpu.enqueue_dma source(%dma_start3A_143 : memref<80xi32, #tpu.memory_space<hbm>>) target(%arg13 : memref<80xi32, #tpu.memory_space<vmem>>) target_semaphore(%run_scoped3A : memref<!tpu.dma_semaphore, #tpu.memory_space<semaphore_mem>>)
      %dma_wait3A_144 = tpu.memref_slice %arg4[%mul3A_8] : memref<320000xi32, #tpu.memory_space<hbm>> -> memref<80xi32, #tpu.memory_space<hbm>>
      %dma_wait3A_145 = tpu.memref_slice %arg4[%mul3A_8] : memref<320000xi32, #tpu.memory_space<hbm>> -> memref<80xi32, #tpu.memory_space<hbm>>
      tpu.wait_dma2 semaphore(%run_scoped3A : memref<!tpu.dma_semaphore, #tpu.memory_space<semaphore_mem>>) src(%dma_wait3A_145 : memref<80xi32, #tpu.memory_space<hbm>>) dst(%arg13 : memref<80xi32, #tpu.memory_space<vmem>>)
      tpu.yield
    }) : () -> ()
    %add3A_9 = arith.constant 80 : i32
    %add3A_10 = arith.addi %mul3A_8, %add3A_9 : i32
    "tpu.region"() ({
      %run_scoped3A = tpu.sem_alloc : memref<!tpu.dma_semaphore, #tpu.memory_space<semaphore_mem>>
      %dma_start3A_142 = tpu.memref_slice %arg3[%add3A_10] : memref<320000xi32, #tpu.memory_space<hbm>> -> memref<80xi32, #tpu.memory_space<hbm>>
      %dma_start3A_143 = tpu.memref_slice %arg3[%add3A_10] : memref<320000xi32, #tpu.memory_space<hbm>> -> memref<80xi32, #tpu.memory_space<hbm>>
      tpu.enqueue_dma source(%dma_start3A_143 : memref<80xi32, #tpu.memory_space<hbm>>) target(%arg8 : memref<80xi32, #tpu.memory_space<vmem>>) target_semaphore(%run_scoped3A : memref<!tpu.dma_semaphore, #tpu.memory_space<semaphore_mem>>)
      %dma_wait3A_144 = tpu.memref_slice %arg3[%add3A_10] : memref<320000xi32, #tpu.memory_space<hbm>> -> memref<80xi32, #tpu.memory_space<hbm>>
      %dma_wait3A_145 = tpu.memref_slice %arg3[%add3A_10] : memref<320000xi32, #tpu.memory_space<hbm>> -> memref<80xi32, #tpu.memory_space<hbm>>
      tpu.wait_dma2 semaphore(%run_scoped3A : memref<!tpu.dma_semaphore, #tpu.memory_space<semaphore_mem>>) src(%dma_wait3A_145 : memref<80xi32, #tpu.memory_space<hbm>>) dst(%arg8 : memref<80xi32, #tpu.memory_space<vmem>>)
      tpu.yield
    }) : () -> ()
    %add3A_11 = arith.constant 80 : i32
    %add3A_12 = arith.addi %mul3A_8, %add3A_11 : i32
    "tpu.region"() ({
      %run_scoped3A = tpu.sem_alloc : memref<!tpu.dma_semaphore, #tpu.memory_space<semaphore_mem>>
      %dma_start3A_142 = tpu.memref_slice %arg4[%add3A_12] : memref<320000xi32, #tpu.memory_space<hbm>> -> memref<80xi32, #tpu.memory_space<hbm>>
      %dma_start3A_143 = tpu.memref_slice %arg4[%add3A_12] : memref<320000xi32, #tpu.memory_space<hbm>> -> memref<80xi32, #tpu.memory_space<hbm>>
      tpu.enqueue_dma source(%dma_start3A_143 : memref<80xi32, #tpu.memory_space<hbm>>) target(%arg14 : memref<80xi32, #tpu.memory_space<vmem>>) target_semaphore(%run_scoped3A : memref<!tpu.dma_semaphore, #tpu.memory_space<semaphore_mem>>)
      %dma_wait3A_144 = tpu.memref_slice %arg4[%add3A_12] : memref<320000xi32, #tpu.memory_space<hbm>> -> memref<80xi32, #tpu.memory_space<hbm>>
      %dma_wait3A_145 = tpu.memref_slice %arg4[%add3A_12] : memref<320000xi32, #tpu.memory_space<hbm>> -> memref<80xi32, #tpu.memory_space<hbm>>
      tpu.wait_dma2 semaphore(%run_scoped3A : memref<!tpu.dma_semaphore, #tpu.memory_space<semaphore_mem>>) src(%dma_wait3A_145 : memref<80xi32, #tpu.memory_space<hbm>>) dst(%arg14 : memref<80xi32, #tpu.memory_space<vmem>>)
      tpu.yield
    }) : () -> ()
    %dma_start3A = arith.constant 0 : i32
    %dma_start3A_13 = arith.constant 0 : i32
    %dma_start3A_14 = tpu.memref_slice %arg2[%dma_start3A, %dma_start3A_13] : memref<10000x128xf32, #tpu.memory_space<hbm>> -> memref<10000x128xf32, #tpu.memory_space<hbm>>
    tpu.enqueue_indirect_dma source(%dma_start3A_14 : memref<10000x128xf32, #tpu.memory_space<hbm>>) target(%arg19 : memref<80x128xf32, #tpu.memory_space<vmem>>) offsets(%arg7 : memref<80xi32, #tpu.memory_space<vmem>>) semaphore(%arg24 : memref<!tpu.dma_semaphore, #tpu.memory_space<semaphore_mem>>)
    %dma_start3A_15 = arith.constant 0 : i32
    %dma_start3A_16 = arith.constant 0 : i32
    %dma_start3A_17 = tpu.memref_slice %arg2[%dma_start3A_15, %dma_start3A_16] : memref<10000x128xf32, #tpu.memory_space<hbm>> -> memref<10000x128xf32, #tpu.memory_space<hbm>>
    tpu.enqueue_indirect_dma source(%dma_start3A_17 : memref<10000x128xf32, #tpu.memory_space<hbm>>) target(%arg20 : memref<80x128xf32, #tpu.memory_space<vmem>>) offsets(%arg8 : memref<80xi32, #tpu.memory_space<vmem>>) semaphore(%arg25 : memref<!tpu.dma_semaphore, #tpu.memory_space<semaphore_mem>>)
    %min3A = arith.constant 2 : i32
    %min3A_18 = arith.constant 124 : i32
    %min3A_19 = arith.minsi %min3A, %min3A_18 : i32
    %mul3A_20 = arith.constant 80 : i32
    %mul3A_21 = arith.muli %min3A_19, %mul3A_20 : i32
    %add3A_22 = arith.addi %mul3A_8, %mul3A_21 : i32
    %dma_start3A_23 = tpu.memref_slice %arg3[%add3A_22] : memref<320000xi32, #tpu.memory_space<hbm>> -> memref<80xi32, #tpu.memory_space<hbm>>
    %dma_start3A_24 = tpu.memref_slice %arg3[%add3A_22] : memref<320000xi32, #tpu.memory_space<hbm>> -> memref<80xi32, #tpu.memory_space<hbm>>
    tpu.enqueue_dma source(%dma_start3A_24 : memref<80xi32, #tpu.memory_space<hbm>>) target(%arg9 : memref<80xi32, #tpu.memory_space<vmem>>) target_semaphore(%arg30 : memref<!tpu.dma_semaphore, #tpu.memory_space<semaphore_mem>>)
    %dma_start3A_25 = tpu.memref_slice %arg4[%add3A_22] : memref<320000xi32, #tpu.memory_space<hbm>> -> memref<80xi32, #tpu.memory_space<hbm>>
    %dma_start3A_26 = tpu.memref_slice %arg4[%add3A_22] : memref<320000xi32, #tpu.memory_space<hbm>> -> memref<80xi32, #tpu.memory_space<hbm>>
    tpu.enqueue_dma source(%dma_start3A_26 : memref<80xi32, #tpu.memory_space<hbm>>) target(%arg15 : memref<80xi32, #tpu.memory_space<vmem>>) target_semaphore(%arg30 : memref<!tpu.dma_semaphore, #tpu.memory_space<semaphore_mem>>)
    %min3A_27 = arith.constant 3 : i32
    %min3A_28 = arith.constant 124 : i32
    %min3A_29 = arith.minsi %min3A_27, %min3A_28 : i32
    %mul3A_30 = arith.constant 80 : i32
    %mul3A_31 = arith.muli %min3A_29, %mul3A_30 : i32
    %add3A_32 = arith.addi %mul3A_8, %mul3A_31 : i32
    %dma_start3A_33 = tpu.memref_slice %arg3[%add3A_32] : memref<320000xi32, #tpu.memory_space<hbm>> -> memref<80xi32, #tpu.memory_space<hbm>>
    %dma_start3A_34 = tpu.memref_slice %arg3[%add3A_32] : memref<320000xi32, #tpu.memory_space<hbm>> -> memref<80xi32, #tpu.memory_space<hbm>>
    tpu.enqueue_dma source(%dma_start3A_34 : memref<80xi32, #tpu.memory_space<hbm>>) target(%arg10 : memref<80xi32, #tpu.memory_space<vmem>>) target_semaphore(%arg31 : memref<!tpu.dma_semaphore, #tpu.memory_space<semaphore_mem>>)
    %dma_start3A_35 = tpu.memref_slice %arg4[%add3A_32] : memref<320000xi32, #tpu.memory_space<hbm>> -> memref<80xi32, #tpu.memory_space<hbm>>
    %dma_start3A_36 = tpu.memref_slice %arg4[%add3A_32] : memref<320000xi32, #tpu.memory_space<hbm>> -> memref<80xi32, #tpu.memory_space<hbm>>
    tpu.enqueue_dma source(%dma_start3A_36 : memref<80xi32, #tpu.memory_space<hbm>>) target(%arg16 : memref<80xi32, #tpu.memory_space<vmem>>) target_semaphore(%arg31 : memref<!tpu.dma_semaphore, #tpu.memory_space<semaphore_mem>>)
    %dma_wait3A = arith.constant 0 : i32
    %dma_wait3A_37 = tpu.memref_slice %arg3[%dma_wait3A] : memref<320000xi32, #tpu.memory_space<hbm>> -> memref<80xi32, #tpu.memory_space<hbm>>
    %dma_wait3A_38 = arith.constant 0 : i32
    %dma_wait3A_39 = tpu.memref_slice %arg3[%dma_wait3A_38] : memref<320000xi32, #tpu.memory_space<hbm>> -> memref<80xi32, #tpu.memory_space<hbm>>
    tpu.wait_dma2 semaphore(%arg30 : memref<!tpu.dma_semaphore, #tpu.memory_space<semaphore_mem>>) src(%dma_wait3A_39 : memref<80xi32, #tpu.memory_space<hbm>>) dst(%arg9 : memref<80xi32, #tpu.memory_space<vmem>>)
    %dma_wait3A_40 = arith.constant 0 : i32
    %dma_wait3A_41 = tpu.memref_slice %arg4[%dma_wait3A_40] : memref<320000xi32, #tpu.memory_space<hbm>> -> memref<80xi32, #tpu.memory_space<hbm>>
    %dma_wait3A_42 = arith.constant 0 : i32
    %dma_wait3A_43 = tpu.memref_slice %arg4[%dma_wait3A_42] : memref<320000xi32, #tpu.memory_space<hbm>> -> memref<80xi32, #tpu.memory_space<hbm>>
    tpu.wait_dma2 semaphore(%arg30 : memref<!tpu.dma_semaphore, #tpu.memory_space<semaphore_mem>>) src(%dma_wait3A_43 : memref<80xi32, #tpu.memory_space<hbm>>) dst(%arg15 : memref<80xi32, #tpu.memory_space<vmem>>)
    %dma_start3A_44 = arith.constant 0 : i32
    %dma_start3A_45 = arith.constant 0 : i32
    %dma_start3A_46 = tpu.memref_slice %arg2[%dma_start3A_44, %dma_start3A_45] : memref<10000x128xf32, #tpu.memory_space<hbm>> -> memref<10000x128xf32, #tpu.memory_space<hbm>>
    tpu.enqueue_indirect_dma source(%dma_start3A_46 : memref<10000x128xf32, #tpu.memory_space<hbm>>) target(%arg21 : memref<80x128xf32, #tpu.memory_space<vmem>>) offsets(%arg9 : memref<80xi32, #tpu.memory_space<vmem>>) semaphore(%arg26 : memref<!tpu.dma_semaphore, #tpu.memory_space<semaphore_mem>>)
    %dma_wait3A_47 = arith.constant 0 : i32
    %dma_wait3A_48 = arith.constant 0 : i32
    %dma_wait3A_49 = tpu.memref_slice %arg2[%dma_wait3A_47, %dma_wait3A_48] : memref<10000x128xf32, #tpu.memory_space<hbm>> -> memref<80x128xf32, #tpu.memory_space<hbm>>
    %dma_wait3A_50 = arith.constant 0 : i32
    %dma_wait3A_51 = arith.constant 0 : i32
    %dma_wait3A_52 = tpu.memref_slice %arg2[%dma_wait3A_50, %dma_wait3A_51] : memref<10000x128xf32, #tpu.memory_space<hbm>> -> memref<80x128xf32, #tpu.memory_space<hbm>>
    tpu.wait_dma2 semaphore(%arg24 : memref<!tpu.dma_semaphore, #tpu.memory_space<semaphore_mem>>) src(%dma_wait3A_52 : memref<80x128xf32, #tpu.memory_space<hbm>>) dst(%arg19 : memref<80x128xf32, #tpu.memory_space<vmem>>)
    "tpu.region"() ({
      %run_scoped3A = tpu.sem_alloc : memref<!tpu.dma_semaphore, #tpu.memory_space<semaphore_mem>>
      %dma_start3A_142 = arith.constant 0 : i32
      %dma_start3A_143 = arith.constant 0 : i32
      %dma_start3A_144 = tpu.memref_slice %arg23[%dma_start3A_142, %dma_start3A_143] : memref<10000x128xf32, #tpu.memory_space<vmem_shared>> -> memref<10000x128xf32, #tpu.memory_space<vmem_shared>>
      tpu.enqueue_indirect_dma source(%arg19 : memref<80x128xf32, #tpu.memory_space<vmem>>) target(%dma_start3A_144 : memref<10000x128xf32, #tpu.memory_space<vmem_shared>>) offsets(%arg13 : memref<80xi32, #tpu.memory_space<vmem>>) semaphore(%run_scoped3A : memref<!tpu.dma_semaphore, #tpu.memory_space<semaphore_mem>>) {add = true}
      %dma_wait3A_145 = arith.constant 0 : i32
      %dma_wait3A_146 = arith.constant 0 : i32
      %dma_wait3A_147 = tpu.memref_slice %arg23[%dma_wait3A_145, %dma_wait3A_146] : memref<10000x128xf32, #tpu.memory_space<vmem_shared>> -> memref<10000x128xf32, #tpu.memory_space<vmem_shared>>
      tpu.wait_indirect_dma semaphore(%run_scoped3A : memref<!tpu.dma_semaphore, #tpu.memory_space<semaphore_mem>>) src(%arg19 : memref<80x128xf32, #tpu.memory_space<vmem>>) dst(%dma_wait3A_147 : memref<10000x128xf32, #tpu.memory_space<vmem_shared>>)
      tpu.yield
    }) : () -> ()
    %min3A_53 = arith.constant 4 : i32
    %min3A_54 = arith.constant 124 : i32
    %min3A_55 = arith.minsi %min3A_53, %min3A_54 : i32
    %mul3A_56 = arith.constant 80 : i32
    %mul3A_57 = arith.muli %min3A_55, %mul3A_56 : i32
    %add3A_58 = arith.addi %mul3A_8, %mul3A_57 : i32
    %dma_start3A_59 = tpu.memref_slice %arg3[%add3A_58] : memref<320000xi32, #tpu.memory_space<hbm>> -> memref<80xi32, #tpu.memory_space<hbm>>
    %dma_start3A_60 = tpu.memref_slice %arg3[%add3A_58] : memref<320000xi32, #tpu.memory_space<hbm>> -> memref<80xi32, #tpu.memory_space<hbm>>
    tpu.enqueue_dma source(%dma_start3A_60 : memref<80xi32, #tpu.memory_space<hbm>>) target(%arg11 : memref<80xi32, #tpu.memory_space<vmem>>) target_semaphore(%arg32 : memref<!tpu.dma_semaphore, #tpu.memory_space<semaphore_mem>>)
    %dma_start3A_61 = tpu.memref_slice %arg4[%add3A_58] : memref<320000xi32, #tpu.memory_space<hbm>> -> memref<80xi32, #tpu.memory_space<hbm>>
    %dma_start3A_62 = tpu.memref_slice %arg4[%add3A_58] : memref<320000xi32, #tpu.memory_space<hbm>> -> memref<80xi32, #tpu.memory_space<hbm>>
    tpu.enqueue_dma source(%dma_start3A_62 : memref<80xi32, #tpu.memory_space<hbm>>) target(%arg17 : memref<80xi32, #tpu.memory_space<vmem>>) target_semaphore(%arg32 : memref<!tpu.dma_semaphore, #tpu.memory_space<semaphore_mem>>)
    %dma_wait3A_63 = arith.constant 0 : i32
    %dma_wait3A_64 = tpu.memref_slice %arg3[%dma_wait3A_63] : memref<320000xi32, #tpu.memory_space<hbm>> -> memref<80xi32, #tpu.memory_space<hbm>>
    %dma_wait3A_65 = arith.constant 0 : i32
    %dma_wait3A_66 = tpu.memref_slice %arg3[%dma_wait3A_65] : memref<320000xi32, #tpu.memory_space<hbm>> -> memref<80xi32, #tpu.memory_space<hbm>>
    tpu.wait_dma2 semaphore(%arg31 : memref<!tpu.dma_semaphore, #tpu.memory_space<semaphore_mem>>) src(%dma_wait3A_66 : memref<80xi32, #tpu.memory_space<hbm>>) dst(%arg10 : memref<80xi32, #tpu.memory_space<vmem>>)
    %dma_wait3A_67 = arith.constant 0 : i32
    %dma_wait3A_68 = tpu.memref_slice %arg4[%dma_wait3A_67] : memref<320000xi32, #tpu.memory_space<hbm>> -> memref<80xi32, #tpu.memory_space<hbm>>
    %dma_wait3A_69 = arith.constant 0 : i32
    %dma_wait3A_70 = tpu.memref_slice %arg4[%dma_wait3A_69] : memref<320000xi32, #tpu.memory_space<hbm>> -> memref<80xi32, #tpu.memory_space<hbm>>
    tpu.wait_dma2 semaphore(%arg31 : memref<!tpu.dma_semaphore, #tpu.memory_space<semaphore_mem>>) src(%dma_wait3A_70 : memref<80xi32, #tpu.memory_space<hbm>>) dst(%arg16 : memref<80xi32, #tpu.memory_space<vmem>>)
    %dma_start3A_71 = arith.constant 0 : i32
    %dma_start3A_72 = arith.constant 0 : i32
    %dma_start3A_73 = tpu.memref_slice %arg2[%dma_start3A_71, %dma_start3A_72] : memref<10000x128xf32, #tpu.memory_space<hbm>> -> memref<10000x128xf32, #tpu.memory_space<hbm>>
    tpu.enqueue_indirect_dma source(%dma_start3A_73 : memref<10000x128xf32, #tpu.memory_space<hbm>>) target(%arg22 : memref<80x128xf32, #tpu.memory_space<vmem>>) offsets(%arg10 : memref<80xi32, #tpu.memory_space<vmem>>) semaphore(%arg27 : memref<!tpu.dma_semaphore, #tpu.memory_space<semaphore_mem>>)
    %dma_wait3A_74 = arith.constant 0 : i32
    %dma_wait3A_75 = arith.constant 0 : i32
    %dma_wait3A_76 = tpu.memref_slice %arg2[%dma_wait3A_74, %dma_wait3A_75] : memref<10000x128xf32, #tpu.memory_space<hbm>> -> memref<80x128xf32, #tpu.memory_space<hbm>>
    %dma_wait3A_77 = arith.constant 0 : i32
    %dma_wait3A_78 = arith.constant 0 : i32
    %dma_wait3A_79 = tpu.memref_slice %arg2[%dma_wait3A_77, %dma_wait3A_78] : memref<10000x128xf32, #tpu.memory_space<hbm>> -> memref<80x128xf32, #tpu.memory_space<hbm>>
    tpu.wait_dma2 semaphore(%arg25 : memref<!tpu.dma_semaphore, #tpu.memory_space<semaphore_mem>>) src(%dma_wait3A_79 : memref<80x128xf32, #tpu.memory_space<hbm>>) dst(%arg20 : memref<80x128xf32, #tpu.memory_space<vmem>>)
    "tpu.region"() ({
      %run_scoped3A = tpu.sem_alloc : memref<!tpu.dma_semaphore, #tpu.memory_space<semaphore_mem>>
      %dma_start3A_142 = arith.constant 0 : i32
      %dma_start3A_143 = arith.constant 0 : i32
      %dma_start3A_144 = tpu.memref_slice %arg23[%dma_start3A_142, %dma_start3A_143] : memref<10000x128xf32, #tpu.memory_space<vmem_shared>> -> memref<10000x128xf32, #tpu.memory_space<vmem_shared>>
      tpu.enqueue_indirect_dma source(%arg20 : memref<80x128xf32, #tpu.memory_space<vmem>>) target(%dma_start3A_144 : memref<10000x128xf32, #tpu.memory_space<vmem_shared>>) offsets(%arg14 : memref<80xi32, #tpu.memory_space<vmem>>) semaphore(%run_scoped3A : memref<!tpu.dma_semaphore, #tpu.memory_space<semaphore_mem>>) {add = true}
      %dma_wait3A_145 = arith.constant 0 : i32
      %dma_wait3A_146 = arith.constant 0 : i32
      %dma_wait3A_147 = tpu.memref_slice %arg23[%dma_wait3A_145, %dma_wait3A_146] : memref<10000x128xf32, #tpu.memory_space<vmem_shared>> -> memref<10000x128xf32, #tpu.memory_space<vmem_shared>>
      tpu.wait_indirect_dma semaphore(%run_scoped3A : memref<!tpu.dma_semaphore, #tpu.memory_space<semaphore_mem>>) src(%arg20 : memref<80x128xf32, #tpu.memory_space<vmem>>) dst(%dma_wait3A_147 : memref<10000x128xf32, #tpu.memory_space<vmem_shared>>)
      tpu.yield
    }) : () -> ()
    %min3A_80 = arith.constant 5 : i32
    %min3A_81 = arith.constant 124 : i32
    %min3A_82 = arith.minsi %min3A_80, %min3A_81 : i32
    %mul3A_83 = arith.constant 80 : i32
    %mul3A_84 = arith.muli %min3A_82, %mul3A_83 : i32
    %add3A_85 = arith.addi %mul3A_8, %mul3A_84 : i32
    %dma_start3A_86 = tpu.memref_slice %arg3[%add3A_85] : memref<320000xi32, #tpu.memory_space<hbm>> -> memref<80xi32, #tpu.memory_space<hbm>>
    %dma_start3A_87 = tpu.memref_slice %arg3[%add3A_85] : memref<320000xi32, #tpu.memory_space<hbm>> -> memref<80xi32, #tpu.memory_space<hbm>>
    tpu.enqueue_dma source(%dma_start3A_87 : memref<80xi32, #tpu.memory_space<hbm>>) target(%arg12 : memref<80xi32, #tpu.memory_space<vmem>>) target_semaphore(%arg33 : memref<!tpu.dma_semaphore, #tpu.memory_space<semaphore_mem>>)
    %dma_start3A_88 = tpu.memref_slice %arg4[%add3A_85] : memref<320000xi32, #tpu.memory_space<hbm>> -> memref<80xi32, #tpu.memory_space<hbm>>
    %dma_start3A_89 = tpu.memref_slice %arg4[%add3A_85] : memref<320000xi32, #tpu.memory_space<hbm>> -> memref<80xi32, #tpu.memory_space<hbm>>
    tpu.enqueue_dma source(%dma_start3A_89 : memref<80xi32, #tpu.memory_space<hbm>>) target(%arg18 : memref<80xi32, #tpu.memory_space<vmem>>) target_semaphore(%arg33 : memref<!tpu.dma_semaphore, #tpu.memory_space<semaphore_mem>>)
    %scan3A = arith.constant 0 : i32
    %scan3A_90 = arith.constant 10 : i32
    %scan3A_91 = arith.addi %scan3A, %scan3A_90 : i32
    %scan3A_92 = arith.constant 1 : i32
    scf.for %scan3A_142 = %scan3A to %scan3A_91 step %scan3A_92  : i32 {
      %mul3A_143 = arith.constant 12 : i32
      %mul3A_144 = arith.muli %scan3A_142, %mul3A_143 : i32
      %add3A_145 = arith.constant 2 : i32
      %add3A_146 = arith.addi %add3A_145, %mul3A_144 : i32
      %add3A_147 = arith.constant 0 : i32
      %add3A_148 = arith.addi %add3A_146, %add3A_147 : i32
      %dma_wait3A_149 = arith.constant 0 : i32
      %dma_wait3A_150 = tpu.memref_slice %arg3[%dma_wait3A_149] : memref<320000xi32, #tpu.memory_space<hbm>> -> memref<80xi32, #tpu.memory_space<hbm>>
      %dma_wait3A_151 = arith.constant 0 : i32
      %dma_wait3A_152 = tpu.memref_slice %arg3[%dma_wait3A_151] : memref<320000xi32, #tpu.memory_space<hbm>> -> memref<80xi32, #tpu.memory_space<hbm>>
      tpu.wait_dma2 semaphore(%arg32 : memref<!tpu.dma_semaphore, #tpu.memory_space<semaphore_mem>>) src(%dma_wait3A_152 : memref<80xi32, #tpu.memory_space<hbm>>) dst(%arg11 : memref<80xi32, #tpu.memory_space<vmem>>)
      %dma_wait3A_153 = arith.constant 0 : i32
      %dma_wait3A_154 = tpu.memref_slice %arg4[%dma_wait3A_153] : memref<320000xi32, #tpu.memory_space<hbm>> -> memref<80xi32, #tpu.memory_space<hbm>>
      %dma_wait3A_155 = arith.constant 0 : i32
      %dma_wait3A_156 = tpu.memref_slice %arg4[%dma_wait3A_155] : memref<320000xi32, #tpu.memory_space<hbm>> -> memref<80xi32, #tpu.memory_space<hbm>>
      tpu.wait_dma2 semaphore(%arg32 : memref<!tpu.dma_semaphore, #tpu.memory_space<semaphore_mem>>) src(%dma_wait3A_156 : memref<80xi32, #tpu.memory_space<hbm>>) dst(%arg17 : memref<80xi32, #tpu.memory_space<vmem>>)
      %dma_start3A_157 = arith.constant 0 : i32
      %dma_start3A_158 = arith.constant 0 : i32
      %dma_start3A_159 = tpu.memref_slice %arg2[%dma_start3A_157, %dma_start3A_158] : memref<10000x128xf32, #tpu.memory_space<hbm>> -> memref<10000x128xf32, #tpu.memory_space<hbm>>
      tpu.enqueue_indirect_dma source(%dma_start3A_159 : memref<10000x128xf32, #tpu.memory_space<hbm>>) target(%arg19 : memref<80x128xf32, #tpu.memory_space<vmem>>) offsets(%arg11 : memref<80xi32, #tpu.memory_space<vmem>>) semaphore(%arg24 : memref<!tpu.dma_semaphore, #tpu.memory_space<semaphore_mem>>)
      %dma_wait3A_160 = arith.constant 0 : i32
      %dma_wait3A_161 = arith.constant 0 : i32
      %dma_wait3A_162 = tpu.memref_slice %arg2[%dma_wait3A_160, %dma_wait3A_161] : memref<10000x128xf32, #tpu.memory_space<hbm>> -> memref<80x128xf32, #tpu.memory_space<hbm>>
      %dma_wait3A_163 = arith.constant 0 : i32
      %dma_wait3A_164 = arith.constant 0 : i32
      %dma_wait3A_165 = tpu.memref_slice %arg2[%dma_wait3A_163, %dma_wait3A_164] : memref<10000x128xf32, #tpu.memory_space<hbm>> -> memref<80x128xf32, #tpu.memory_space<hbm>>
      tpu.wait_dma2 semaphore(%arg26 : memref<!tpu.dma_semaphore, #tpu.memory_space<semaphore_mem>>) src(%dma_wait3A_165 : memref<80x128xf32, #tpu.memory_space<hbm>>) dst(%arg21 : memref<80x128xf32, #tpu.memory_space<vmem>>)
      "tpu.region"() ({
        %run_scoped3A = tpu.sem_alloc : memref<!tpu.dma_semaphore, #tpu.memory_space<semaphore_mem>>
        %dma_start3A_507 = arith.constant 0 : i32
        %dma_start3A_508 = arith.constant 0 : i32
        %dma_start3A_509 = tpu.memref_slice %arg23[%dma_start3A_507, %dma_start3A_508] : memref<10000x128xf32, #tpu.memory_space<vmem_shared>> -> memref<10000x128xf32, #tpu.memory_space<vmem_shared>>
        tpu.enqueue_indirect_dma source(%arg21 : memref<80x128xf32, #tpu.memory_space<vmem>>) target(%dma_start3A_509 : memref<10000x128xf32, #tpu.memory_space<vmem_shared>>) offsets(%arg15 : memref<80xi32, #tpu.memory_space<vmem>>) semaphore(%run_scoped3A : memref<!tpu.dma_semaphore, #tpu.memory_space<semaphore_mem>>) {add = true}
        %dma_wait3A_510 = arith.constant 0 : i32
        %dma_wait3A_511 = arith.constant 0 : i32
        %dma_wait3A_512 = tpu.memref_slice %arg23[%dma_wait3A_510, %dma_wait3A_511] : memref<10000x128xf32, #tpu.memory_space<vmem_shared>> -> memref<10000x128xf32, #tpu.memory_space<vmem_shared>>
        tpu.wait_indirect_dma semaphore(%run_scoped3A : memref<!tpu.dma_semaphore, #tpu.memory_space<semaphore_mem>>) src(%arg21 : memref<80x128xf32, #tpu.memory_space<vmem>>) dst(%dma_wait3A_512 : memref<10000x128xf32, #tpu.memory_space<vmem_shared>>)
        tpu.yield
      }) : () -> ()
      %add3A_166 = arith.constant 4 : i32
      %add3A_167 = arith.addi %add3A_148, %add3A_166 : i32
      %min3A_168 = arith.constant 124 : i32
      %min3A_169 = arith.minsi %add3A_167, %min3A_168 : i32
      %mul3A_170 = arith.constant 80 : i32
      %mul3A_171 = arith.muli %min3A_169, %mul3A_170 : i32
      %add3A_172 = arith.addi %mul3A_8, %mul3A_171 : i32
      %dma_start3A_173 = tpu.memref_slice %arg3[%add3A_172] : memref<320000xi32, #tpu.memory_space<hbm>> -> memref<80xi32, #tpu.memory_space<hbm>>
      %dma_start3A_174 = tpu.memref_slice %arg3[%add3A_172] : memref<320000xi32, #tpu.memory_space<hbm>> -> memref<80xi32, #tpu.memory_space<hbm>>
      tpu.enqueue_dma source(%dma_start3A_174 : memref<80xi32, #tpu.memory_space<hbm>>) target(%arg7 : memref<80xi32, #tpu.memory_space<vmem>>) target_semaphore(%arg28 : memref<!tpu.dma_semaphore, #tpu.memory_space<semaphore_mem>>)
      %dma_start3A_175 = tpu.memref_slice %arg4[%add3A_172] : memref<320000xi32, #tpu.memory_space<hbm>> -> memref<80xi32, #tpu.memory_space<hbm>>
      %dma_start3A_176 = tpu.memref_slice %arg4[%add3A_172] : memref<320000xi32, #tpu.memory_space<hbm>> -> memref<80xi32, #tpu.memory_space<hbm>>
      tpu.enqueue_dma source(%dma_start3A_176 : memref<80xi32, #tpu.memory_space<hbm>>) target(%arg13 : memref<80xi32, #tpu.memory_space<vmem>>) target_semaphore(%arg28 : memref<!tpu.dma_semaphore, #tpu.memory_space<semaphore_mem>>)
      %add3A_177 = arith.constant 1 : i32
      %add3A_178 = arith.addi %add3A_146, %add3A_177 : i32
      %dma_wait3A_179 = arith.constant 0 : i32
      %dma_wait3A_180 = tpu.memref_slice %arg3[%dma_wait3A_179] : memref<320000xi32, #tpu.memory_space<hbm>> -> memref<80xi32, #tpu.memory_space<hbm>>
      %dma_wait3A_181 = arith.constant 0 : i32
      %dma_wait3A_182 = tpu.memref_slice %arg3[%dma_wait3A_181] : memref<320000xi32, #tpu.memory_space<hbm>> -> memref<80xi32, #tpu.memory_space<hbm>>
      tpu.wait_dma2 semaphore(%arg33 : memref<!tpu.dma_semaphore, #tpu.memory_space<semaphore_mem>>) src(%dma_wait3A_182 : memref<80xi32, #tpu.memory_space<hbm>>) dst(%arg12 : memref<80xi32, #tpu.memory_space<vmem>>)
      %dma_wait3A_183 = arith.constant 0 : i32
      %dma_wait3A_184 = tpu.memref_slice %arg4[%dma_wait3A_183] : memref<320000xi32, #tpu.memory_space<hbm>> -> memref<80xi32, #tpu.memory_space<hbm>>
      %dma_wait3A_185 = arith.constant 0 : i32
      %dma_wait3A_186 = tpu.memref_slice %arg4[%dma_wait3A_185] : memref<320000xi32, #tpu.memory_space<hbm>> -> memref<80xi32, #tpu.memory_space<hbm>>
      tpu.wait_dma2 semaphore(%arg33 : memref<!tpu.dma_semaphore, #tpu.memory_space<semaphore_mem>>) src(%dma_wait3A_186 : memref<80xi32, #tpu.memory_space<hbm>>) dst(%arg18 : memref<80xi32, #tpu.memory_space<vmem>>)
      %dma_start3A_187 = arith.constant 0 : i32
      %dma_start3A_188 = arith.constant 0 : i32
      %dma_start3A_189 = tpu.memref_slice %arg2[%dma_start3A_187, %dma_start3A_188] : memref<10000x128xf32, #tpu.memory_space<hbm>> -> memref<10000x128xf32, #tpu.memory_space<hbm>>
      tpu.enqueue_indirect_dma source(%dma_start3A_189 : memref<10000x128xf32, #tpu.memory_space<hbm>>) target(%arg20 : memref<80x128xf32, #tpu.memory_space<vmem>>) offsets(%arg12 : memref<80xi32, #tpu.memory_space<vmem>>) semaphore(%arg25 : memref<!tpu.dma_semaphore, #tpu.memory_space<semaphore_mem>>)
      %dma_wait3A_190 = arith.constant 0 : i32
      %dma_wait3A_191 = arith.constant 0 : i32
      %dma_wait3A_192 = tpu.memref_slice %arg2[%dma_wait3A_190, %dma_wait3A_191] : memref<10000x128xf32, #tpu.memory_space<hbm>> -> memref<80x128xf32, #tpu.memory_space<hbm>>
      %dma_wait3A_193 = arith.constant 0 : i32
      %dma_wait3A_194 = arith.constant 0 : i32
      %dma_wait3A_195 = tpu.memref_slice %arg2[%dma_wait3A_193, %dma_wait3A_194] : memref<10000x128xf32, #tpu.memory_space<hbm>> -> memref<80x128xf32, #tpu.memory_space<hbm>>
      tpu.wait_dma2 semaphore(%arg27 : memref<!tpu.dma_semaphore, #tpu.memory_space<semaphore_mem>>) src(%dma_wait3A_195 : memref<80x128xf32, #tpu.memory_space<hbm>>) dst(%arg22 : memref<80x128xf32, #tpu.memory_space<vmem>>)
      "tpu.region"() ({
        %run_scoped3A = tpu.sem_alloc : memref<!tpu.dma_semaphore, #tpu.memory_space<semaphore_mem>>
        %dma_start3A_507 = arith.constant 0 : i32
        %dma_start3A_508 = arith.constant 0 : i32
        %dma_start3A_509 = tpu.memref_slice %arg23[%dma_start3A_507, %dma_start3A_508] : memref<10000x128xf32, #tpu.memory_space<vmem_shared>> -> memref<10000x128xf32, #tpu.memory_space<vmem_shared>>
        tpu.enqueue_indirect_dma source(%arg22 : memref<80x128xf32, #tpu.memory_space<vmem>>) target(%dma_start3A_509 : memref<10000x128xf32, #tpu.memory_space<vmem_shared>>) offsets(%arg16 : memref<80xi32, #tpu.memory_space<vmem>>) semaphore(%run_scoped3A : memref<!tpu.dma_semaphore, #tpu.memory_space<semaphore_mem>>) {add = true}
        %dma_wait3A_510 = arith.constant 0 : i32
        %dma_wait3A_511 = arith.constant 0 : i32
        %dma_wait3A_512 = tpu.memref_slice %arg23[%dma_wait3A_510, %dma_wait3A_511] : memref<10000x128xf32, #tpu.memory_space<vmem_shared>> -> memref<10000x128xf32, #tpu.memory_space<vmem_shared>>
        tpu.wait_indirect_dma semaphore(%run_scoped3A : memref<!tpu.dma_semaphore, #tpu.memory_space<semaphore_mem>>) src(%arg22 : memref<80x128xf32, #tpu.memory_space<vmem>>) dst(%dma_wait3A_512 : memref<10000x128xf32, #tpu.memory_space<vmem_shared>>)
        tpu.yield
      }) : () -> ()
      %add3A_196 = arith.constant 4 : i32
      %add3A_197 = arith.addi %add3A_178, %add3A_196 : i32
      %min3A_198 = arith.constant 124 : i32
      %min3A_199 = arith.minsi %add3A_197, %min3A_198 : i32
      %mul3A_200 = arith.constant 80 : i32
      %mul3A_201 = arith.muli %min3A_199, %mul3A_200 : i32
      %add3A_202 = arith.addi %mul3A_8, %mul3A_201 : i32
      %dma_start3A_203 = tpu.memref_slice %arg3[%add3A_202] : memref<320000xi32, #tpu.memory_space<hbm>> -> memref<80xi32, #tpu.memory_space<hbm>>
      %dma_start3A_204 = tpu.memref_slice %arg3[%add3A_202] : memref<320000xi32, #tpu.memory_space<hbm>> -> memref<80xi32, #tpu.memory_space<hbm>>
      tpu.enqueue_dma source(%dma_start3A_204 : memref<80xi32, #tpu.memory_space<hbm>>) target(%arg8 : memref<80xi32, #tpu.memory_space<vmem>>) target_semaphore(%arg29 : memref<!tpu.dma_semaphore, #tpu.memory_space<semaphore_mem>>)
      %dma_start3A_205 = tpu.memref_slice %arg4[%add3A_202] : memref<320000xi32, #tpu.memory_space<hbm>> -> memref<80xi32, #tpu.memory_space<hbm>>
      %dma_start3A_206 = tpu.memref_slice %arg4[%add3A_202] : memref<320000xi32, #tpu.memory_space<hbm>> -> memref<80xi32, #tpu.memory_space<hbm>>
      tpu.enqueue_dma source(%dma_start3A_206 : memref<80xi32, #tpu.memory_space<hbm>>) target(%arg14 : memref<80xi32, #tpu.memory_space<vmem>>) target_semaphore(%arg29 : memref<!tpu.dma_semaphore, #tpu.memory_space<semaphore_mem>>)
      %add3A_207 = arith.constant 2 : i32
      %add3A_208 = arith.addi %add3A_146, %add3A_207 : i32
      %dma_wait3A_209 = arith.constant 0 : i32
      %dma_wait3A_210 = tpu.memref_slice %arg3[%dma_wait3A_209] : memref<320000xi32, #tpu.memory_space<hbm>> -> memref<80xi32, #tpu.memory_space<hbm>>
      %dma_wait3A_211 = arith.constant 0 : i32
      %dma_wait3A_212 = tpu.memref_slice %arg3[%dma_wait3A_211] : memref<320000xi32, #tpu.memory_space<hbm>> -> memref<80xi32, #tpu.memory_space<hbm>>
      tpu.wait_dma2 semaphore(%arg28 : memref<!tpu.dma_semaphore, #tpu.memory_space<semaphore_mem>>) src(%dma_wait3A_212 : memref<80xi32, #tpu.memory_space<hbm>>) dst(%arg7 : memref<80xi32, #tpu.memory_space<vmem>>)
      %dma_wait3A_213 = arith.constant 0 : i32
      %dma_wait3A_214 = tpu.memref_slice %arg4[%dma_wait3A_213] : memref<320000xi32, #tpu.memory_space<hbm>> -> memref<80xi32, #tpu.memory_space<hbm>>
      %dma_wait3A_215 = arith.constant 0 : i32
      %dma_wait3A_216 = tpu.memref_slice %arg4[%dma_wait3A_215] : memref<320000xi32, #tpu.memory_space<hbm>> -> memref<80xi32, #tpu.memory_space<hbm>>
      tpu.wait_dma2 semaphore(%arg28 : memref<!tpu.dma_semaphore, #tpu.memory_space<semaphore_mem>>) src(%dma_wait3A_216 : memref<80xi32, #tpu.memory_space<hbm>>) dst(%arg13 : memref<80xi32, #tpu.memory_space<vmem>>)
      %dma_start3A_217 = arith.constant 0 : i32
      %dma_start3A_218 = arith.constant 0 : i32
      %dma_start3A_219 = tpu.memref_slice %arg2[%dma_start3A_217, %dma_start3A_218] : memref<10000x128xf32, #tpu.memory_space<hbm>> -> memref<10000x128xf32, #tpu.memory_space<hbm>>
      tpu.enqueue_indirect_dma source(%dma_start3A_219 : memref<10000x128xf32, #tpu.memory_space<hbm>>) target(%arg21 : memref<80x128xf32, #tpu.memory_space<vmem>>) offsets(%arg7 : memref<80xi32, #tpu.memory_space<vmem>>) semaphore(%arg26 : memref<!tpu.dma_semaphore, #tpu.memory_space<semaphore_mem>>)
      %dma_wait3A_220 = arith.constant 0 : i32
      %dma_wait3A_221 = arith.constant 0 : i32
      %dma_wait3A_222 = tpu.memref_slice %arg2[%dma_wait3A_220, %dma_wait3A_221] : memref<10000x128xf32, #tpu.memory_space<hbm>> -> memref<80x128xf32, #tpu.memory_space<hbm>>
      %dma_wait3A_223 = arith.constant 0 : i32
      %dma_wait3A_224 = arith.constant 0 : i32
      %dma_wait3A_225 = tpu.memref_slice %arg2[%dma_wait3A_223, %dma_wait3A_224] : memref<10000x128xf32, #tpu.memory_space<hbm>> -> memref<80x128xf32, #tpu.memory_space<hbm>>
      tpu.wait_dma2 semaphore(%arg24 : memref<!tpu.dma_semaphore, #tpu.memory_space<semaphore_mem>>) src(%dma_wait3A_225 : memref<80x128xf32, #tpu.memory_space<hbm>>) dst(%arg19 : memref<80x128xf32, #tpu.memory_space<vmem>>)
      "tpu.region"() ({
        %run_scoped3A = tpu.sem_alloc : memref<!tpu.dma_semaphore, #tpu.memory_space<semaphore_mem>>
        %dma_start3A_507 = arith.constant 0 : i32
        %dma_start3A_508 = arith.constant 0 : i32
        %dma_start3A_509 = tpu.memref_slice %arg23[%dma_start3A_507, %dma_start3A_508] : memref<10000x128xf32, #tpu.memory_space<vmem_shared>> -> memref<10000x128xf32, #tpu.memory_space<vmem_shared>>
        tpu.enqueue_indirect_dma source(%arg19 : memref<80x128xf32, #tpu.memory_space<vmem>>) target(%dma_start3A_509 : memref<10000x128xf32, #tpu.memory_space<vmem_shared>>) offsets(%arg17 : memref<80xi32, #tpu.memory_space<vmem>>) semaphore(%run_scoped3A : memref<!tpu.dma_semaphore, #tpu.memory_space<semaphore_mem>>) {add = true}
        %dma_wait3A_510 = arith.constant 0 : i32
        %dma_wait3A_511 = arith.constant 0 : i32
        %dma_wait3A_512 = tpu.memref_slice %arg23[%dma_wait3A_510, %dma_wait3A_511] : memref<10000x128xf32, #tpu.memory_space<vmem_shared>> -> memref<10000x128xf32, #tpu.memory_space<vmem_shared>>
        tpu.wait_indirect_dma semaphore(%run_scoped3A : memref<!tpu.dma_semaphore, #tpu.memory_space<semaphore_mem>>) src(%arg19 : memref<80x128xf32, #tpu.memory_space<vmem>>) dst(%dma_wait3A_512 : memref<10000x128xf32, #tpu.memory_space<vmem_shared>>)
        tpu.yield
      }) : () -> ()
      %add3A_226 = arith.constant 4 : i32
      %add3A_227 = arith.addi %add3A_208, %add3A_226 : i32
      %min3A_228 = arith.constant 124 : i32
      %min3A_229 = arith.minsi %add3A_227, %min3A_228 : i32
      %mul3A_230 = arith.constant 80 : i32
      %mul3A_231 = arith.muli %min3A_229, %mul3A_230 : i32
      %add3A_232 = arith.addi %mul3A_8, %mul3A_231 : i32
      %dma_start3A_233 = tpu.memref_slice %arg3[%add3A_232] : memref<320000xi32, #tpu.memory_space<hbm>> -> memref<80xi32, #tpu.memory_space<hbm>>
      %dma_start3A_234 = tpu.memref_slice %arg3[%add3A_232] : memref<320000xi32, #tpu.memory_space<hbm>> -> memref<80xi32, #tpu.memory_space<hbm>>
      tpu.enqueue_dma source(%dma_start3A_234 : memref<80xi32, #tpu.memory_space<hbm>>) target(%arg9 : memref<80xi32, #tpu.memory_space<vmem>>) target_semaphore(%arg30 : memref<!tpu.dma_semaphore, #tpu.memory_space<semaphore_mem>>)
      %dma_start3A_235 = tpu.memref_slice %arg4[%add3A_232] : memref<320000xi32, #tpu.memory_space<hbm>> -> memref<80xi32, #tpu.memory_space<hbm>>
      %dma_start3A_236 = tpu.memref_slice %arg4[%add3A_232] : memref<320000xi32, #tpu.memory_space<hbm>> -> memref<80xi32, #tpu.memory_space<hbm>>
      tpu.enqueue_dma source(%dma_start3A_236 : memref<80xi32, #tpu.memory_space<hbm>>) target(%arg15 : memref<80xi32, #tpu.memory_space<vmem>>) target_semaphore(%arg30 : memref<!tpu.dma_semaphore, #tpu.memory_space<semaphore_mem>>)
      %add3A_237 = arith.constant 3 : i32
      %add3A_238 = arith.addi %add3A_146, %add3A_237 : i32
      %dma_wait3A_239 = arith.constant 0 : i32
      %dma_wait3A_240 = tpu.memref_slice %arg3[%dma_wait3A_239] : memref<320000xi32, #tpu.memory_space<hbm>> -> memref<80xi32, #tpu.memory_space<hbm>>
      %dma_wait3A_241 = arith.constant 0 : i32
      %dma_wait3A_242 = tpu.memref_slice %arg3[%dma_wait3A_241] : memref<320000xi32, #tpu.memory_space<hbm>> -> memref<80xi32, #tpu.memory_space<hbm>>
      tpu.wait_dma2 semaphore(%arg29 : memref<!tpu.dma_semaphore, #tpu.memory_space<semaphore_mem>>) src(%dma_wait3A_242 : memref<80xi32, #tpu.memory_space<hbm>>) dst(%arg8 : memref<80xi32, #tpu.memory_space<vmem>>)
      %dma_wait3A_243 = arith.constant 0 : i32
      %dma_wait3A_244 = tpu.memref_slice %arg4[%dma_wait3A_243] : memref<320000xi32, #tpu.memory_space<hbm>> -> memref<80xi32, #tpu.memory_space<hbm>>
      %dma_wait3A_245 = arith.constant 0 : i32
      %dma_wait3A_246 = tpu.memref_slice %arg4[%dma_wait3A_245] : memref<320000xi32, #tpu.memory_space<hbm>> -> memref<80xi32, #tpu.memory_space<hbm>>
      tpu.wait_dma2 semaphore(%arg29 : memref<!tpu.dma_semaphore, #tpu.memory_space<semaphore_mem>>) src(%dma_wait3A_246 : memref<80xi32, #tpu.memory_space<hbm>>) dst(%arg14 : memref<80xi32, #tpu.memory_space<vmem>>)
      %dma_start3A_247 = arith.constant 0 : i32
      %dma_start3A_248 = arith.constant 0 : i32
      %dma_start3A_249 = tpu.memref_slice %arg2[%dma_start3A_247, %dma_start3A_248] : memref<10000x128xf32, #tpu.memory_space<hbm>> -> memref<10000x128xf32, #tpu.memory_space<hbm>>
      tpu.enqueue_indirect_dma source(%dma_start3A_249 : memref<10000x128xf32, #tpu.memory_space<hbm>>) target(%arg22 : memref<80x128xf32, #tpu.memory_space<vmem>>) offsets(%arg8 : memref<80xi32, #tpu.memory_space<vmem>>) semaphore(%arg27 : memref<!tpu.dma_semaphore, #tpu.memory_space<semaphore_mem>>)
      %dma_wait3A_250 = arith.constant 0 : i32
      %dma_wait3A_251 = arith.constant 0 : i32
      %dma_wait3A_252 = tpu.memref_slice %arg2[%dma_wait3A_250, %dma_wait3A_251] : memref<10000x128xf32, #tpu.memory_space<hbm>> -> memref<80x128xf32, #tpu.memory_space<hbm>>
      %dma_wait3A_253 = arith.constant 0 : i32
      %dma_wait3A_254 = arith.constant 0 : i32
      %dma_wait3A_255 = tpu.memref_slice %arg2[%dma_wait3A_253, %dma_wait3A_254] : memref<10000x128xf32, #tpu.memory_space<hbm>> -> memref<80x128xf32, #tpu.memory_space<hbm>>
      tpu.wait_dma2 semaphore(%arg25 : memref<!tpu.dma_semaphore, #tpu.memory_space<semaphore_mem>>) src(%dma_wait3A_255 : memref<80x128xf32, #tpu.memory_space<hbm>>) dst(%arg20 : memref<80x128xf32, #tpu.memory_space<vmem>>)
      "tpu.region"() ({
        %run_scoped3A = tpu.sem_alloc : memref<!tpu.dma_semaphore, #tpu.memory_space<semaphore_mem>>
        %dma_start3A_507 = arith.constant 0 : i32
        %dma_start3A_508 = arith.constant 0 : i32
        %dma_start3A_509 = tpu.memref_slice %arg23[%dma_start3A_507, %dma_start3A_508] : memref<10000x128xf32, #tpu.memory_space<vmem_shared>> -> memref<10000x128xf32, #tpu.memory_space<vmem_shared>>
        tpu.enqueue_indirect_dma source(%arg20 : memref<80x128xf32, #tpu.memory_space<vmem>>) target(%dma_start3A_509 : memref<10000x128xf32, #tpu.memory_space<vmem_shared>>) offsets(%arg18 : memref<80xi32, #tpu.memory_space<vmem>>) semaphore(%run_scoped3A : memref<!tpu.dma_semaphore, #tpu.memory_space<semaphore_mem>>) {add = true}
        %dma_wait3A_510 = arith.constant 0 : i32
        %dma_wait3A_511 = arith.constant 0 : i32
        %dma_wait3A_512 = tpu.memref_slice %arg23[%dma_wait3A_510, %dma_wait3A_511] : memref<10000x128xf32, #tpu.memory_space<vmem_shared>> -> memref<10000x128xf32, #tpu.memory_space<vmem_shared>>
        tpu.wait_indirect_dma semaphore(%run_scoped3A : memref<!tpu.dma_semaphore, #tpu.memory_space<semaphore_mem>>) src(%arg20 : memref<80x128xf32, #tpu.memory_space<vmem>>) dst(%dma_wait3A_512 : memref<10000x128xf32, #tpu.memory_space<vmem_shared>>)
        tpu.yield
      }) : () -> ()
      %add3A_256 = arith.constant 4 : i32
      %add3A_257 = arith.addi %add3A_238, %add3A_256 : i32
      %min3A_258 = arith.constant 124 : i32
      %min3A_259 = arith.minsi %add3A_257, %min3A_258 : i32
      %mul3A_260 = arith.constant 80 : i32
      %mul3A_261 = arith.muli %min3A_259, %mul3A_260 : i32
      %add3A_262 = arith.addi %mul3A_8, %mul3A_261 : i32
      %dma_start3A_263 = tpu.memref_slice %arg3[%add3A_262] : memref<320000xi32, #tpu.memory_space<hbm>> -> memref<80xi32, #tpu.memory_space<hbm>>
      %dma_start3A_264 = tpu.memref_slice %arg3[%add3A_262] : memref<320000xi32, #tpu.memory_space<hbm>> -> memref<80xi32, #tpu.memory_space<hbm>>
      tpu.enqueue_dma source(%dma_start3A_264 : memref<80xi32, #tpu.memory_space<hbm>>) target(%arg10 : memref<80xi32, #tpu.memory_space<vmem>>) target_semaphore(%arg31 : memref<!tpu.dma_semaphore, #tpu.memory_space<semaphore_mem>>)
      %dma_start3A_265 = tpu.memref_slice %arg4[%add3A_262] : memref<320000xi32, #tpu.memory_space<hbm>> -> memref<80xi32, #tpu.memory_space<hbm>>
      %dma_start3A_266 = tpu.memref_slice %arg4[%add3A_262] : memref<320000xi32, #tpu.memory_space<hbm>> -> memref<80xi32, #tpu.memory_space<hbm>>
      tpu.enqueue_dma source(%dma_start3A_266 : memref<80xi32, #tpu.memory_space<hbm>>) target(%arg16 : memref<80xi32, #tpu.memory_space<vmem>>) target_semaphore(%arg31 : memref<!tpu.dma_semaphore, #tpu.memory_space<semaphore_mem>>)
      %add3A_267 = arith.constant 4 : i32
      %add3A_268 = arith.addi %add3A_146, %add3A_267 : i32
      %dma_wait3A_269 = arith.constant 0 : i32
      %dma_wait3A_270 = tpu.memref_slice %arg3[%dma_wait3A_269] : memref<320000xi32, #tpu.memory_space<hbm>> -> memref<80xi32, #tpu.memory_space<hbm>>
      %dma_wait3A_271 = arith.constant 0 : i32
      %dma_wait3A_272 = tpu.memref_slice %arg3[%dma_wait3A_271] : memref<320000xi32, #tpu.memory_space<hbm>> -> memref<80xi32, #tpu.memory_space<hbm>>
      tpu.wait_dma2 semaphore(%arg30 : memref<!tpu.dma_semaphore, #tpu.memory_space<semaphore_mem>>) src(%dma_wait3A_272 : memref<80xi32, #tpu.memory_space<hbm>>) dst(%arg9 : memref<80xi32, #tpu.memory_space<vmem>>)
      %dma_wait3A_273 = arith.constant 0 : i32
      %dma_wait3A_274 = tpu.memref_slice %arg4[%dma_wait3A_273] : memref<320000xi32, #tpu.memory_space<hbm>> -> memref<80xi32, #tpu.memory_space<hbm>>
      %dma_wait3A_275 = arith.constant 0 : i32
      %dma_wait3A_276 = tpu.memref_slice %arg4[%dma_wait3A_275] : memref<320000xi32, #tpu.memory_space<hbm>> -> memref<80xi32, #tpu.memory_space<hbm>>
      tpu.wait_dma2 semaphore(%arg30 : memref<!tpu.dma_semaphore, #tpu.memory_space<semaphore_mem>>) src(%dma_wait3A_276 : memref<80xi32, #tpu.memory_space<hbm>>) dst(%arg15 : memref<80xi32, #tpu.memory_space<vmem>>)
      %dma_start3A_277 = arith.constant 0 : i32
      %dma_start3A_278 = arith.constant 0 : i32
      %dma_start3A_279 = tpu.memref_slice %arg2[%dma_start3A_277, %dma_start3A_278] : memref<10000x128xf32, #tpu.memory_space<hbm>> -> memref<10000x128xf32, #tpu.memory_space<hbm>>
      tpu.enqueue_indirect_dma source(%dma_start3A_279 : memref<10000x128xf32, #tpu.memory_space<hbm>>) target(%arg19 : memref<80x128xf32, #tpu.memory_space<vmem>>) offsets(%arg9 : memref<80xi32, #tpu.memory_space<vmem>>) semaphore(%arg24 : memref<!tpu.dma_semaphore, #tpu.memory_space<semaphore_mem>>)
      %dma_wait3A_280 = arith.constant 0 : i32
      %dma_wait3A_281 = arith.constant 0 : i32
      %dma_wait3A_282 = tpu.memref_slice %arg2[%dma_wait3A_280, %dma_wait3A_281] : memref<10000x128xf32, #tpu.memory_space<hbm>> -> memref<80x128xf32, #tpu.memory_space<hbm>>
      %dma_wait3A_283 = arith.constant 0 : i32
      %dma_wait3A_284 = arith.constant 0 : i32
      %dma_wait3A_285 = tpu.memref_slice %arg2[%dma_wait3A_283, %dma_wait3A_284] : memref<10000x128xf32, #tpu.memory_space<hbm>> -> memref<80x128xf32, #tpu.memory_space<hbm>>
      tpu.wait_dma2 semaphore(%arg26 : memref<!tpu.dma_semaphore, #tpu.memory_space<semaphore_mem>>) src(%dma_wait3A_285 : memref<80x128xf32, #tpu.memory_space<hbm>>) dst(%arg21 : memref<80x128xf32, #tpu.memory_space<vmem>>)
      "tpu.region"() ({
        %run_scoped3A = tpu.sem_alloc : memref<!tpu.dma_semaphore, #tpu.memory_space<semaphore_mem>>
        %dma_start3A_507 = arith.constant 0 : i32
        %dma_start3A_508 = arith.constant 0 : i32
        %dma_start3A_509 = tpu.memref_slice %arg23[%dma_start3A_507, %dma_start3A_508] : memref<10000x128xf32, #tpu.memory_space<vmem_shared>> -> memref<10000x128xf32, #tpu.memory_space<vmem_shared>>
        tpu.enqueue_indirect_dma source(%arg21 : memref<80x128xf32, #tpu.memory_space<vmem>>) target(%dma_start3A_509 : memref<10000x128xf32, #tpu.memory_space<vmem_shared>>) offsets(%arg13 : memref<80xi32, #tpu.memory_space<vmem>>) semaphore(%run_scoped3A : memref<!tpu.dma_semaphore, #tpu.memory_space<semaphore_mem>>) {add = true}
        %dma_wait3A_510 = arith.constant 0 : i32
        %dma_wait3A_511 = arith.constant 0 : i32
        %dma_wait3A_512 = tpu.memref_slice %arg23[%dma_wait3A_510, %dma_wait3A_511] : memref<10000x128xf32, #tpu.memory_space<vmem_shared>> -> memref<10000x128xf32, #tpu.memory_space<vmem_shared>>
        tpu.wait_indirect_dma semaphore(%run_scoped3A : memref<!tpu.dma_semaphore, #tpu.memory_space<semaphore_mem>>) src(%arg21 : memref<80x128xf32, #tpu.memory_space<vmem>>) dst(%dma_wait3A_512 : memref<10000x128xf32, #tpu.memory_space<vmem_shared>>)
        tpu.yield
      }) : () -> ()
      %add3A_286 = arith.constant 4 : i32
      %add3A_287 = arith.addi %add3A_268, %add3A_286 : i32
      %min3A_288 = arith.constant 124 : i32
      %min3A_289 = arith.minsi %add3A_287, %min3A_288 : i32
      %mul3A_290 = arith.constant 80 : i32
      %mul3A_291 = arith.muli %min3A_289, %mul3A_290 : i32
      %add3A_292 = arith.addi %mul3A_8, %mul3A_291 : i32
      %dma_start3A_293 = tpu.memref_slice %arg3[%add3A_292] : memref<320000xi32, #tpu.memory_space<hbm>> -> memref<80xi32, #tpu.memory_space<hbm>>
      %dma_start3A_294 = tpu.memref_slice %arg3[%add3A_292] : memref<320000xi32, #tpu.memory_space<hbm>> -> memref<80xi32, #tpu.memory_space<hbm>>
      tpu.enqueue_dma source(%dma_start3A_294 : memref<80xi32, #tpu.memory_space<hbm>>) target(%arg11 : memref<80xi32, #tpu.memory_space<vmem>>) target_semaphore(%arg32 : memref<!tpu.dma_semaphore, #tpu.memory_space<semaphore_mem>>)
      %dma_start3A_295 = tpu.memref_slice %arg4[%add3A_292] : memref<320000xi32, #tpu.memory_space<hbm>> -> memref<80xi32, #tpu.memory_space<hbm>>
      %dma_start3A_296 = tpu.memref_slice %arg4[%add3A_292] : memref<320000xi32, #tpu.memory_space<hbm>> -> memref<80xi32, #tpu.memory_space<hbm>>
      tpu.enqueue_dma source(%dma_start3A_296 : memref<80xi32, #tpu.memory_space<hbm>>) target(%arg17 : memref<80xi32, #tpu.memory_space<vmem>>) target_semaphore(%arg32 : memref<!tpu.dma_semaphore, #tpu.memory_space<semaphore_mem>>)
      %add3A_297 = arith.constant 5 : i32
      %add3A_298 = arith.addi %add3A_146, %add3A_297 : i32
      %dma_wait3A_299 = arith.constant 0 : i32
      %dma_wait3A_300 = tpu.memref_slice %arg3[%dma_wait3A_299] : memref<320000xi32, #tpu.memory_space<hbm>> -> memref<80xi32, #tpu.memory_space<hbm>>
      %dma_wait3A_301 = arith.constant 0 : i32
      %dma_wait3A_302 = tpu.memref_slice %arg3[%dma_wait3A_301] : memref<320000xi32, #tpu.memory_space<hbm>> -> memref<80xi32, #tpu.memory_space<hbm>>
      tpu.wait_dma2 semaphore(%arg31 : memref<!tpu.dma_semaphore, #tpu.memory_space<semaphore_mem>>) src(%dma_wait3A_302 : memref<80xi32, #tpu.memory_space<hbm>>) dst(%arg10 : memref<80xi32, #tpu.memory_space<vmem>>)
      %dma_wait3A_303 = arith.constant 0 : i32
      %dma_wait3A_304 = tpu.memref_slice %arg4[%dma_wait3A_303] : memref<320000xi32, #tpu.memory_space<hbm>> -> memref<80xi32, #tpu.memory_space<hbm>>
      %dma_wait3A_305 = arith.constant 0 : i32
      %dma_wait3A_306 = tpu.memref_slice %arg4[%dma_wait3A_305] : memref<320000xi32, #tpu.memory_space<hbm>> -> memref<80xi32, #tpu.memory_space<hbm>>
      tpu.wait_dma2 semaphore(%arg31 : memref<!tpu.dma_semaphore, #tpu.memory_space<semaphore_mem>>) src(%dma_wait3A_306 : memref<80xi32, #tpu.memory_space<hbm>>) dst(%arg16 : memref<80xi32, #tpu.memory_space<vmem>>)
      %dma_start3A_307 = arith.constant 0 : i32
      %dma_start3A_308 = arith.constant 0 : i32
      %dma_start3A_309 = tpu.memref_slice %arg2[%dma_start3A_307, %dma_start3A_308] : memref<10000x128xf32, #tpu.memory_space<hbm>> -> memref<10000x128xf32, #tpu.memory_space<hbm>>
      tpu.enqueue_indirect_dma source(%dma_start3A_309 : memref<10000x128xf32, #tpu.memory_space<hbm>>) target(%arg20 : memref<80x128xf32, #tpu.memory_space<vmem>>) offsets(%arg10 : memref<80xi32, #tpu.memory_space<vmem>>) semaphore(%arg25 : memref<!tpu.dma_semaphore, #tpu.memory_space<semaphore_mem>>)
      %dma_wait3A_310 = arith.constant 0 : i32
      %dma_wait3A_311 = arith.constant 0 : i32
      %dma_wait3A_312 = tpu.memref_slice %arg2[%dma_wait3A_310, %dma_wait3A_311] : memref<10000x128xf32, #tpu.memory_space<hbm>> -> memref<80x128xf32, #tpu.memory_space<hbm>>
      %dma_wait3A_313 = arith.constant 0 : i32
      %dma_wait3A_314 = arith.constant 0 : i32
      %dma_wait3A_315 = tpu.memref_slice %arg2[%dma_wait3A_313, %dma_wait3A_314] : memref<10000x128xf32, #tpu.memory_space<hbm>> -> memref<80x128xf32, #tpu.memory_space<hbm>>
      tpu.wait_dma2 semaphore(%arg27 : memref<!tpu.dma_semaphore, #tpu.memory_space<semaphore_mem>>) src(%dma_wait3A_315 : memref<80x128xf32, #tpu.memory_space<hbm>>) dst(%arg22 : memref<80x128xf32, #tpu.memory_space<vmem>>)
      "tpu.region"() ({
        %run_scoped3A = tpu.sem_alloc : memref<!tpu.dma_semaphore, #tpu.memory_space<semaphore_mem>>
        %dma_start3A_507 = arith.constant 0 : i32
        %dma_start3A_508 = arith.constant 0 : i32
        %dma_start3A_509 = tpu.memref_slice %arg23[%dma_start3A_507, %dma_start3A_508] : memref<10000x128xf32, #tpu.memory_space<vmem_shared>> -> memref<10000x128xf32, #tpu.memory_space<vmem_shared>>
        tpu.enqueue_indirect_dma source(%arg22 : memref<80x128xf32, #tpu.memory_space<vmem>>) target(%dma_start3A_509 : memref<10000x128xf32, #tpu.memory_space<vmem_shared>>) offsets(%arg14 : memref<80xi32, #tpu.memory_space<vmem>>) semaphore(%run_scoped3A : memref<!tpu.dma_semaphore, #tpu.memory_space<semaphore_mem>>) {add = true}
        %dma_wait3A_510 = arith.constant 0 : i32
        %dma_wait3A_511 = arith.constant 0 : i32
        %dma_wait3A_512 = tpu.memref_slice %arg23[%dma_wait3A_510, %dma_wait3A_511] : memref<10000x128xf32, #tpu.memory_space<vmem_shared>> -> memref<10000x128xf32, #tpu.memory_space<vmem_shared>>
        tpu.wait_indirect_dma semaphore(%run_scoped3A : memref<!tpu.dma_semaphore, #tpu.memory_space<semaphore_mem>>) src(%arg22 : memref<80x128xf32, #tpu.memory_space<vmem>>) dst(%dma_wait3A_512 : memref<10000x128xf32, #tpu.memory_space<vmem_shared>>)
        tpu.yield
      }) : () -> ()
      %add3A_316 = arith.constant 4 : i32
      %add3A_317 = arith.addi %add3A_298, %add3A_316 : i32
      %min3A_318 = arith.constant 124 : i32
      %min3A_319 = arith.minsi %add3A_317, %min3A_318 : i32
      %mul3A_320 = arith.constant 80 : i32
      %mul3A_321 = arith.muli %min3A_319, %mul3A_320 : i32
      %add3A_322 = arith.addi %mul3A_8, %mul3A_321 : i32
      %dma_start3A_323 = tpu.memref_slice %arg3[%add3A_322] : memref<320000xi32, #tpu.memory_space<hbm>> -> memref<80xi32, #tpu.memory_space<hbm>>
      %dma_start3A_324 = tpu.memref_slice %arg3[%add3A_322] : memref<320000xi32, #tpu.memory_space<hbm>> -> memref<80xi32, #tpu.memory_space<hbm>>
      tpu.enqueue_dma source(%dma_start3A_324 : memref<80xi32, #tpu.memory_space<hbm>>) target(%arg12 : memref<80xi32, #tpu.memory_space<vmem>>) target_semaphore(%arg33 : memref<!tpu.dma_semaphore, #tpu.memory_space<semaphore_mem>>)
      %dma_start3A_325 = tpu.memref_slice %arg4[%add3A_322] : memref<320000xi32, #tpu.memory_space<hbm>> -> memref<80xi32, #tpu.memory_space<hbm>>
      %dma_start3A_326 = tpu.memref_slice %arg4[%add3A_322] : memref<320000xi32, #tpu.memory_space<hbm>> -> memref<80xi32, #tpu.memory_space<hbm>>
      tpu.enqueue_dma source(%dma_start3A_326 : memref<80xi32, #tpu.memory_space<hbm>>) target(%arg18 : memref<80xi32, #tpu.memory_space<vmem>>) target_semaphore(%arg33 : memref<!tpu.dma_semaphore, #tpu.memory_space<semaphore_mem>>)
      %add3A_327 = arith.constant 6 : i32
      %add3A_328 = arith.addi %add3A_146, %add3A_327 : i32
      %dma_wait3A_329 = arith.constant 0 : i32
      %dma_wait3A_330 = tpu.memref_slice %arg3[%dma_wait3A_329] : memref<320000xi32, #tpu.memory_space<hbm>> -> memref<80xi32, #tpu.memory_space<hbm>>
      %dma_wait3A_331 = arith.constant 0 : i32
      %dma_wait3A_332 = tpu.memref_slice %arg3[%dma_wait3A_331] : memref<320000xi32, #tpu.memory_space<hbm>> -> memref<80xi32, #tpu.memory_space<hbm>>
      tpu.wait_dma2 semaphore(%arg32 : memref<!tpu.dma_semaphore, #tpu.memory_space<semaphore_mem>>) src(%dma_wait3A_332 : memref<80xi32, #tpu.memory_space<hbm>>) dst(%arg11 : memref<80xi32, #tpu.memory_space<vmem>>)
      %dma_wait3A_333 = arith.constant 0 : i32
      %dma_wait3A_334 = tpu.memref_slice %arg4[%dma_wait3A_333] : memref<320000xi32, #tpu.memory_space<hbm>> -> memref<80xi32, #tpu.memory_space<hbm>>
      %dma_wait3A_335 = arith.constant 0 : i32
      %dma_wait3A_336 = tpu.memref_slice %arg4[%dma_wait3A_335] : memref<320000xi32, #tpu.memory_space<hbm>> -> memref<80xi32, #tpu.memory_space<hbm>>
      tpu.wait_dma2 semaphore(%arg32 : memref<!tpu.dma_semaphore, #tpu.memory_space<semaphore_mem>>) src(%dma_wait3A_336 : memref<80xi32, #tpu.memory_space<hbm>>) dst(%arg17 : memref<80xi32, #tpu.memory_space<vmem>>)
      %dma_start3A_337 = arith.constant 0 : i32
      %dma_start3A_338 = arith.constant 0 : i32
      %dma_start3A_339 = tpu.memref_slice %arg2[%dma_start3A_337, %dma_start3A_338] : memref<10000x128xf32, #tpu.memory_space<hbm>> -> memref<10000x128xf32, #tpu.memory_space<hbm>>
      tpu.enqueue_indirect_dma source(%dma_start3A_339 : memref<10000x128xf32, #tpu.memory_space<hbm>>) target(%arg21 : memref<80x128xf32, #tpu.memory_space<vmem>>) offsets(%arg11 : memref<80xi32, #tpu.memory_space<vmem>>) semaphore(%arg26 : memref<!tpu.dma_semaphore, #tpu.memory_space<semaphore_mem>>)
      %dma_wait3A_340 = arith.constant 0 : i32
      %dma_wait3A_341 = arith.constant 0 : i32
      %dma_wait3A_342 = tpu.memref_slice %arg2[%dma_wait3A_340, %dma_wait3A_341] : memref<10000x128xf32, #tpu.memory_space<hbm>> -> memref<80x128xf32, #tpu.memory_space<hbm>>
      %dma_wait3A_343 = arith.constant 0 : i32
      %dma_wait3A_344 = arith.constant 0 : i32
      %dma_wait3A_345 = tpu.memref_slice %arg2[%dma_wait3A_343, %dma_wait3A_344] : memref<10000x128xf32, #tpu.memory_space<hbm>> -> memref<80x128xf32, #tpu.memory_space<hbm>>
      tpu.wait_dma2 semaphore(%arg24 : memref<!tpu.dma_semaphore, #tpu.memory_space<semaphore_mem>>) src(%dma_wait3A_345 : memref<80x128xf32, #tpu.memory_space<hbm>>) dst(%arg19 : memref<80x128xf32, #tpu.memory_space<vmem>>)
      "tpu.region"() ({
        %run_scoped3A = tpu.sem_alloc : memref<!tpu.dma_semaphore, #tpu.memory_space<semaphore_mem>>
        %dma_start3A_507 = arith.constant 0 : i32
        %dma_start3A_508 = arith.constant 0 : i32
        %dma_start3A_509 = tpu.memref_slice %arg23[%dma_start3A_507, %dma_start3A_508] : memref<10000x128xf32, #tpu.memory_space<vmem_shared>> -> memref<10000x128xf32, #tpu.memory_space<vmem_shared>>
        tpu.enqueue_indirect_dma source(%arg19 : memref<80x128xf32, #tpu.memory_space<vmem>>) target(%dma_start3A_509 : memref<10000x128xf32, #tpu.memory_space<vmem_shared>>) offsets(%arg15 : memref<80xi32, #tpu.memory_space<vmem>>) semaphore(%run_scoped3A : memref<!tpu.dma_semaphore, #tpu.memory_space<semaphore_mem>>) {add = true}
        %dma_wait3A_510 = arith.constant 0 : i32
        %dma_wait3A_511 = arith.constant 0 : i32
        %dma_wait3A_512 = tpu.memref_slice %arg23[%dma_wait3A_510, %dma_wait3A_511] : memref<10000x128xf32, #tpu.memory_space<vmem_shared>> -> memref<10000x128xf32, #tpu.memory_space<vmem_shared>>
        tpu.wait_indirect_dma semaphore(%run_scoped3A : memref<!tpu.dma_semaphore, #tpu.memory_space<semaphore_mem>>) src(%arg19 : memref<80x128xf32, #tpu.memory_space<vmem>>) dst(%dma_wait3A_512 : memref<10000x128xf32, #tpu.memory_space<vmem_shared>>)
        tpu.yield
      }) : () -> ()
      %add3A_346 = arith.constant 4 : i32
      %add3A_347 = arith.addi %add3A_328, %add3A_346 : i32
      %min3A_348 = arith.constant 124 : i32
      %min3A_349 = arith.minsi %add3A_347, %min3A_348 : i32
      %mul3A_350 = arith.constant 80 : i32
      %mul3A_351 = arith.muli %min3A_349, %mul3A_350 : i32
      %add3A_352 = arith.addi %mul3A_8, %mul3A_351 : i32
      %dma_start3A_353 = tpu.memref_slice %arg3[%add3A_352] : memref<320000xi32, #tpu.memory_space<hbm>> -> memref<80xi32, #tpu.memory_space<hbm>>
      %dma_start3A_354 = tpu.memref_slice %arg3[%add3A_352] : memref<320000xi32, #tpu.memory_space<hbm>> -> memref<80xi32, #tpu.memory_space<hbm>>
      tpu.enqueue_dma source(%dma_start3A_354 : memref<80xi32, #tpu.memory_space<hbm>>) target(%arg7 : memref<80xi32, #tpu.memory_space<vmem>>) target_semaphore(%arg28 : memref<!tpu.dma_semaphore, #tpu.memory_space<semaphore_mem>>)
      %dma_start3A_355 = tpu.memref_slice %arg4[%add3A_352] : memref<320000xi32, #tpu.memory_space<hbm>> -> memref<80xi32, #tpu.memory_space<hbm>>
      %dma_start3A_356 = tpu.memref_slice %arg4[%add3A_352] : memref<320000xi32, #tpu.memory_space<hbm>> -> memref<80xi32, #tpu.memory_space<hbm>>
      tpu.enqueue_dma source(%dma_start3A_356 : memref<80xi32, #tpu.memory_space<hbm>>) target(%arg13 : memref<80xi32, #tpu.memory_space<vmem>>) target_semaphore(%arg28 : memref<!tpu.dma_semaphore, #tpu.memory_space<semaphore_mem>>)
      %add3A_357 = arith.constant 7 : i32
      %add3A_358 = arith.addi %add3A_146, %add3A_357 : i32
      %dma_wait3A_359 = arith.constant 0 : i32
      %dma_wait3A_360 = tpu.memref_slice %arg3[%dma_wait3A_359] : memref<320000xi32, #tpu.memory_space<hbm>> -> memref<80xi32, #tpu.memory_space<hbm>>
      %dma_wait3A_361 = arith.constant 0 : i32
      %dma_wait3A_362 = tpu.memref_slice %arg3[%dma_wait3A_361] : memref<320000xi32, #tpu.memory_space<hbm>> -> memref<80xi32, #tpu.memory_space<hbm>>
      tpu.wait_dma2 semaphore(%arg33 : memref<!tpu.dma_semaphore, #tpu.memory_space<semaphore_mem>>) src(%dma_wait3A_362 : memref<80xi32, #tpu.memory_space<hbm>>) dst(%arg12 : memref<80xi32, #tpu.memory_space<vmem>>)
      %dma_wait3A_363 = arith.constant 0 : i32
      %dma_wait3A_364 = tpu.memref_slice %arg4[%dma_wait3A_363] : memref<320000xi32, #tpu.memory_space<hbm>> -> memref<80xi32, #tpu.memory_space<hbm>>
      %dma_wait3A_365 = arith.constant 0 : i32
      %dma_wait3A_366 = tpu.memref_slice %arg4[%dma_wait3A_365] : memref<320000xi32, #tpu.memory_space<hbm>> -> memref<80xi32, #tpu.memory_space<hbm>>
      tpu.wait_dma2 semaphore(%arg33 : memref<!tpu.dma_semaphore, #tpu.memory_space<semaphore_mem>>) src(%dma_wait3A_366 : memref<80xi32, #tpu.memory_space<hbm>>) dst(%arg18 : memref<80xi32, #tpu.memory_space<vmem>>)
      %dma_start3A_367 = arith.constant 0 : i32
      %dma_start3A_368 = arith.constant 0 : i32
      %dma_start3A_369 = tpu.memref_slice %arg2[%dma_start3A_367, %dma_start3A_368] : memref<10000x128xf32, #tpu.memory_space<hbm>> -> memref<10000x128xf32, #tpu.memory_space<hbm>>
      tpu.enqueue_indirect_dma source(%dma_start3A_369 : memref<10000x128xf32, #tpu.memory_space<hbm>>) target(%arg22 : memref<80x128xf32, #tpu.memory_space<vmem>>) offsets(%arg12 : memref<80xi32, #tpu.memory_space<vmem>>) semaphore(%arg27 : memref<!tpu.dma_semaphore, #tpu.memory_space<semaphore_mem>>)
      %dma_wait3A_370 = arith.constant 0 : i32
      %dma_wait3A_371 = arith.constant 0 : i32
      %dma_wait3A_372 = tpu.memref_slice %arg2[%dma_wait3A_370, %dma_wait3A_371] : memref<10000x128xf32, #tpu.memory_space<hbm>> -> memref<80x128xf32, #tpu.memory_space<hbm>>
      %dma_wait3A_373 = arith.constant 0 : i32
      %dma_wait3A_374 = arith.constant 0 : i32
      %dma_wait3A_375 = tpu.memref_slice %arg2[%dma_wait3A_373, %dma_wait3A_374] : memref<10000x128xf32, #tpu.memory_space<hbm>> -> memref<80x128xf32, #tpu.memory_space<hbm>>
      tpu.wait_dma2 semaphore(%arg25 : memref<!tpu.dma_semaphore, #tpu.memory_space<semaphore_mem>>) src(%dma_wait3A_375 : memref<80x128xf32, #tpu.memory_space<hbm>>) dst(%arg20 : memref<80x128xf32, #tpu.memory_space<vmem>>)
      "tpu.region"() ({
        %run_scoped3A = tpu.sem_alloc : memref<!tpu.dma_semaphore, #tpu.memory_space<semaphore_mem>>
        %dma_start3A_507 = arith.constant 0 : i32
        %dma_start3A_508 = arith.constant 0 : i32
        %dma_start3A_509 = tpu.memref_slice %arg23[%dma_start3A_507, %dma_start3A_508] : memref<10000x128xf32, #tpu.memory_space<vmem_shared>> -> memref<10000x128xf32, #tpu.memory_space<vmem_shared>>
        tpu.enqueue_indirect_dma source(%arg20 : memref<80x128xf32, #tpu.memory_space<vmem>>) target(%dma_start3A_509 : memref<10000x128xf32, #tpu.memory_space<vmem_shared>>) offsets(%arg16 : memref<80xi32, #tpu.memory_space<vmem>>) semaphore(%run_scoped3A : memref<!tpu.dma_semaphore, #tpu.memory_space<semaphore_mem>>) {add = true}
        %dma_wait3A_510 = arith.constant 0 : i32
        %dma_wait3A_511 = arith.constant 0 : i32
        %dma_wait3A_512 = tpu.memref_slice %arg23[%dma_wait3A_510, %dma_wait3A_511] : memref<10000x128xf32, #tpu.memory_space<vmem_shared>> -> memref<10000x128xf32, #tpu.memory_space<vmem_shared>>
        tpu.wait_indirect_dma semaphore(%run_scoped3A : memref<!tpu.dma_semaphore, #tpu.memory_space<semaphore_mem>>) src(%arg20 : memref<80x128xf32, #tpu.memory_space<vmem>>) dst(%dma_wait3A_512 : memref<10000x128xf32, #tpu.memory_space<vmem_shared>>)
        tpu.yield
      }) : () -> ()
      %add3A_376 = arith.constant 4 : i32
      %add3A_377 = arith.addi %add3A_358, %add3A_376 : i32
      %min3A_378 = arith.constant 124 : i32
      %min3A_379 = arith.minsi %add3A_377, %min3A_378 : i32
      %mul3A_380 = arith.constant 80 : i32
      %mul3A_381 = arith.muli %min3A_379, %mul3A_380 : i32
      %add3A_382 = arith.addi %mul3A_8, %mul3A_381 : i32
      %dma_start3A_383 = tpu.memref_slice %arg3[%add3A_382] : memref<320000xi32, #tpu.memory_space<hbm>> -> memref<80xi32, #tpu.memory_space<hbm>>
      %dma_start3A_384 = tpu.memref_slice %arg3[%add3A_382] : memref<320000xi32, #tpu.memory_space<hbm>> -> memref<80xi32, #tpu.memory_space<hbm>>
      tpu.enqueue_dma source(%dma_start3A_384 : memref<80xi32, #tpu.memory_space<hbm>>) target(%arg8 : memref<80xi32, #tpu.memory_space<vmem>>) target_semaphore(%arg29 : memref<!tpu.dma_semaphore, #tpu.memory_space<semaphore_mem>>)
      %dma_start3A_385 = tpu.memref_slice %arg4[%add3A_382] : memref<320000xi32, #tpu.memory_space<hbm>> -> memref<80xi32, #tpu.memory_space<hbm>>
      %dma_start3A_386 = tpu.memref_slice %arg4[%add3A_382] : memref<320000xi32, #tpu.memory_space<hbm>> -> memref<80xi32, #tpu.memory_space<hbm>>
      tpu.enqueue_dma source(%dma_start3A_386 : memref<80xi32, #tpu.memory_space<hbm>>) target(%arg14 : memref<80xi32, #tpu.memory_space<vmem>>) target_semaphore(%arg29 : memref<!tpu.dma_semaphore, #tpu.memory_space<semaphore_mem>>)
      %add3A_387 = arith.constant 8 : i32
      %add3A_388 = arith.addi %add3A_146, %add3A_387 : i32
      %dma_wait3A_389 = arith.constant 0 : i32
      %dma_wait3A_390 = tpu.memref_slice %arg3[%dma_wait3A_389] : memref<320000xi32, #tpu.memory_space<hbm>> -> memref<80xi32, #tpu.memory_space<hbm>>
      %dma_wait3A_391 = arith.constant 0 : i32
      %dma_wait3A_392 = tpu.memref_slice %arg3[%dma_wait3A_391] : memref<320000xi32, #tpu.memory_space<hbm>> -> memref<80xi32, #tpu.memory_space<hbm>>
      tpu.wait_dma2 semaphore(%arg28 : memref<!tpu.dma_semaphore, #tpu.memory_space<semaphore_mem>>) src(%dma_wait3A_392 : memref<80xi32, #tpu.memory_space<hbm>>) dst(%arg7 : memref<80xi32, #tpu.memory_space<vmem>>)
      %dma_wait3A_393 = arith.constant 0 : i32
      %dma_wait3A_394 = tpu.memref_slice %arg4[%dma_wait3A_393] : memref<320000xi32, #tpu.memory_space<hbm>> -> memref<80xi32, #tpu.memory_space<hbm>>
      %dma_wait3A_395 = arith.constant 0 : i32
      %dma_wait3A_396 = tpu.memref_slice %arg4[%dma_wait3A_395] : memref<320000xi32, #tpu.memory_space<hbm>> -> memref<80xi32, #tpu.memory_space<hbm>>
      tpu.wait_dma2 semaphore(%arg28 : memref<!tpu.dma_semaphore, #tpu.memory_space<semaphore_mem>>) src(%dma_wait3A_396 : memref<80xi32, #tpu.memory_space<hbm>>) dst(%arg13 : memref<80xi32, #tpu.memory_space<vmem>>)
      %dma_start3A_397 = arith.constant 0 : i32
      %dma_start3A_398 = arith.constant 0 : i32
      %dma_start3A_399 = tpu.memref_slice %arg2[%dma_start3A_397, %dma_start3A_398] : memref<10000x128xf32, #tpu.memory_space<hbm>> -> memref<10000x128xf32, #tpu.memory_space<hbm>>
      tpu.enqueue_indirect_dma source(%dma_start3A_399 : memref<10000x128xf32, #tpu.memory_space<hbm>>) target(%arg19 : memref<80x128xf32, #tpu.memory_space<vmem>>) offsets(%arg7 : memref<80xi32, #tpu.memory_space<vmem>>) semaphore(%arg24 : memref<!tpu.dma_semaphore, #tpu.memory_space<semaphore_mem>>)
      %dma_wait3A_400 = arith.constant 0 : i32
      %dma_wait3A_401 = arith.constant 0 : i32
      %dma_wait3A_402 = tpu.memref_slice %arg2[%dma_wait3A_400, %dma_wait3A_401] : memref<10000x128xf32, #tpu.memory_space<hbm>> -> memref<80x128xf32, #tpu.memory_space<hbm>>
      %dma_wait3A_403 = arith.constant 0 : i32
      %dma_wait3A_404 = arith.constant 0 : i32
      %dma_wait3A_405 = tpu.memref_slice %arg2[%dma_wait3A_403, %dma_wait3A_404] : memref<10000x128xf32, #tpu.memory_space<hbm>> -> memref<80x128xf32, #tpu.memory_space<hbm>>
      tpu.wait_dma2 semaphore(%arg26 : memref<!tpu.dma_semaphore, #tpu.memory_space<semaphore_mem>>) src(%dma_wait3A_405 : memref<80x128xf32, #tpu.memory_space<hbm>>) dst(%arg21 : memref<80x128xf32, #tpu.memory_space<vmem>>)
      "tpu.region"() ({
        %run_scoped3A = tpu.sem_alloc : memref<!tpu.dma_semaphore, #tpu.memory_space<semaphore_mem>>
        %dma_start3A_507 = arith.constant 0 : i32
        %dma_start3A_508 = arith.constant 0 : i32
        %dma_start3A_509 = tpu.memref_slice %arg23[%dma_start3A_507, %dma_start3A_508] : memref<10000x128xf32, #tpu.memory_space<vmem_shared>> -> memref<10000x128xf32, #tpu.memory_space<vmem_shared>>
        tpu.enqueue_indirect_dma source(%arg21 : memref<80x128xf32, #tpu.memory_space<vmem>>) target(%dma_start3A_509 : memref<10000x128xf32, #tpu.memory_space<vmem_shared>>) offsets(%arg17 : memref<80xi32, #tpu.memory_space<vmem>>) semaphore(%run_scoped3A : memref<!tpu.dma_semaphore, #tpu.memory_space<semaphore_mem>>) {add = true}
        %dma_wait3A_510 = arith.constant 0 : i32
        %dma_wait3A_511 = arith.constant 0 : i32
        %dma_wait3A_512 = tpu.memref_slice %arg23[%dma_wait3A_510, %dma_wait3A_511] : memref<10000x128xf32, #tpu.memory_space<vmem_shared>> -> memref<10000x128xf32, #tpu.memory_space<vmem_shared>>
        tpu.wait_indirect_dma semaphore(%run_scoped3A : memref<!tpu.dma_semaphore, #tpu.memory_space<semaphore_mem>>) src(%arg21 : memref<80x128xf32, #tpu.memory_space<vmem>>) dst(%dma_wait3A_512 : memref<10000x128xf32, #tpu.memory_space<vmem_shared>>)
        tpu.yield
      }) : () -> ()
      %add3A_406 = arith.constant 4 : i32
      %add3A_407 = arith.addi %add3A_388, %add3A_406 : i32
      %min3A_408 = arith.constant 124 : i32
      %min3A_409 = arith.minsi %add3A_407, %min3A_408 : i32
      %mul3A_410 = arith.constant 80 : i32
      %mul3A_411 = arith.muli %min3A_409, %mul3A_410 : i32
      %add3A_412 = arith.addi %mul3A_8, %mul3A_411 : i32
      %dma_start3A_413 = tpu.memref_slice %arg3[%add3A_412] : memref<320000xi32, #tpu.memory_space<hbm>> -> memref<80xi32, #tpu.memory_space<hbm>>
      %dma_start3A_414 = tpu.memref_slice %arg3[%add3A_412] : memref<320000xi32, #tpu.memory_space<hbm>> -> memref<80xi32, #tpu.memory_space<hbm>>
      tpu.enqueue_dma source(%dma_start3A_414 : memref<80xi32, #tpu.memory_space<hbm>>) target(%arg9 : memref<80xi32, #tpu.memory_space<vmem>>) target_semaphore(%arg30 : memref<!tpu.dma_semaphore, #tpu.memory_space<semaphore_mem>>)
      %dma_start3A_415 = tpu.memref_slice %arg4[%add3A_412] : memref<320000xi32, #tpu.memory_space<hbm>> -> memref<80xi32, #tpu.memory_space<hbm>>
      %dma_start3A_416 = tpu.memref_slice %arg4[%add3A_412] : memref<320000xi32, #tpu.memory_space<hbm>> -> memref<80xi32, #tpu.memory_space<hbm>>
      tpu.enqueue_dma source(%dma_start3A_416 : memref<80xi32, #tpu.memory_space<hbm>>) target(%arg15 : memref<80xi32, #tpu.memory_space<vmem>>) target_semaphore(%arg30 : memref<!tpu.dma_semaphore, #tpu.memory_space<semaphore_mem>>)
      %add3A_417 = arith.constant 9 : i32
      %add3A_418 = arith.addi %add3A_146, %add3A_417 : i32
      %dma_wait3A_419 = arith.constant 0 : i32
      %dma_wait3A_420 = tpu.memref_slice %arg3[%dma_wait3A_419] : memref<320000xi32, #tpu.memory_space<hbm>> -> memref<80xi32, #tpu.memory_space<hbm>>
      %dma_wait3A_421 = arith.constant 0 : i32
      %dma_wait3A_422 = tpu.memref_slice %arg3[%dma_wait3A_421] : memref<320000xi32, #tpu.memory_space<hbm>> -> memref<80xi32, #tpu.memory_space<hbm>>
      tpu.wait_dma2 semaphore(%arg29 : memref<!tpu.dma_semaphore, #tpu.memory_space<semaphore_mem>>) src(%dma_wait3A_422 : memref<80xi32, #tpu.memory_space<hbm>>) dst(%arg8 : memref<80xi32, #tpu.memory_space<vmem>>)
      %dma_wait3A_423 = arith.constant 0 : i32
      %dma_wait3A_424 = tpu.memref_slice %arg4[%dma_wait3A_423] : memref<320000xi32, #tpu.memory_space<hbm>> -> memref<80xi32, #tpu.memory_space<hbm>>
      %dma_wait3A_425 = arith.constant 0 : i32
      %dma_wait3A_426 = tpu.memref_slice %arg4[%dma_wait3A_425] : memref<320000xi32, #tpu.memory_space<hbm>> -> memref<80xi32, #tpu.memory_space<hbm>>
      tpu.wait_dma2 semaphore(%arg29 : memref<!tpu.dma_semaphore, #tpu.memory_space<semaphore_mem>>) src(%dma_wait3A_426 : memref<80xi32, #tpu.memory_space<hbm>>) dst(%arg14 : memref<80xi32, #tpu.memory_space<vmem>>)
      %dma_start3A_427 = arith.constant 0 : i32
      %dma_start3A_428 = arith.constant 0 : i32
      %dma_start3A_429 = tpu.memref_slice %arg2[%dma_start3A_427, %dma_start3A_428] : memref<10000x128xf32, #tpu.memory_space<hbm>> -> memref<10000x128xf32, #tpu.memory_space<hbm>>
      tpu.enqueue_indirect_dma source(%dma_start3A_429 : memref<10000x128xf32, #tpu.memory_space<hbm>>) target(%arg20 : memref<80x128xf32, #tpu.memory_space<vmem>>) offsets(%arg8 : memref<80xi32, #tpu.memory_space<vmem>>) semaphore(%arg25 : memref<!tpu.dma_semaphore, #tpu.memory_space<semaphore_mem>>)
      %dma_wait3A_430 = arith.constant 0 : i32
      %dma_wait3A_431 = arith.constant 0 : i32
      %dma_wait3A_432 = tpu.memref_slice %arg2[%dma_wait3A_430, %dma_wait3A_431] : memref<10000x128xf32, #tpu.memory_space<hbm>> -> memref<80x128xf32, #tpu.memory_space<hbm>>
      %dma_wait3A_433 = arith.constant 0 : i32
      %dma_wait3A_434 = arith.constant 0 : i32
      %dma_wait3A_435 = tpu.memref_slice %arg2[%dma_wait3A_433, %dma_wait3A_434] : memref<10000x128xf32, #tpu.memory_space<hbm>> -> memref<80x128xf32, #tpu.memory_space<hbm>>
      tpu.wait_dma2 semaphore(%arg27 : memref<!tpu.dma_semaphore, #tpu.memory_space<semaphore_mem>>) src(%dma_wait3A_435 : memref<80x128xf32, #tpu.memory_space<hbm>>) dst(%arg22 : memref<80x128xf32, #tpu.memory_space<vmem>>)
      "tpu.region"() ({
        %run_scoped3A = tpu.sem_alloc : memref<!tpu.dma_semaphore, #tpu.memory_space<semaphore_mem>>
        %dma_start3A_507 = arith.constant 0 : i32
        %dma_start3A_508 = arith.constant 0 : i32
        %dma_start3A_509 = tpu.memref_slice %arg23[%dma_start3A_507, %dma_start3A_508] : memref<10000x128xf32, #tpu.memory_space<vmem_shared>> -> memref<10000x128xf32, #tpu.memory_space<vmem_shared>>
        tpu.enqueue_indirect_dma source(%arg22 : memref<80x128xf32, #tpu.memory_space<vmem>>) target(%dma_start3A_509 : memref<10000x128xf32, #tpu.memory_space<vmem_shared>>) offsets(%arg18 : memref<80xi32, #tpu.memory_space<vmem>>) semaphore(%run_scoped3A : memref<!tpu.dma_semaphore, #tpu.memory_space<semaphore_mem>>) {add = true}
        %dma_wait3A_510 = arith.constant 0 : i32
        %dma_wait3A_511 = arith.constant 0 : i32
        %dma_wait3A_512 = tpu.memref_slice %arg23[%dma_wait3A_510, %dma_wait3A_511] : memref<10000x128xf32, #tpu.memory_space<vmem_shared>> -> memref<10000x128xf32, #tpu.memory_space<vmem_shared>>
        tpu.wait_indirect_dma semaphore(%run_scoped3A : memref<!tpu.dma_semaphore, #tpu.memory_space<semaphore_mem>>) src(%arg22 : memref<80x128xf32, #tpu.memory_space<vmem>>) dst(%dma_wait3A_512 : memref<10000x128xf32, #tpu.memory_space<vmem_shared>>)
        tpu.yield
      }) : () -> ()
      %add3A_436 = arith.constant 4 : i32
      %add3A_437 = arith.addi %add3A_418, %add3A_436 : i32
      %min3A_438 = arith.constant 124 : i32
      %min3A_439 = arith.minsi %add3A_437, %min3A_438 : i32
      %mul3A_440 = arith.constant 80 : i32
      %mul3A_441 = arith.muli %min3A_439, %mul3A_440 : i32
      %add3A_442 = arith.addi %mul3A_8, %mul3A_441 : i32
      %dma_start3A_443 = tpu.memref_slice %arg3[%add3A_442] : memref<320000xi32, #tpu.memory_space<hbm>> -> memref<80xi32, #tpu.memory_space<hbm>>
      %dma_start3A_444 = tpu.memref_slice %arg3[%add3A_442] : memref<320000xi32, #tpu.memory_space<hbm>> -> memref<80xi32, #tpu.memory_space<hbm>>
      tpu.enqueue_dma source(%dma_start3A_444 : memref<80xi32, #tpu.memory_space<hbm>>) target(%arg10 : memref<80xi32, #tpu.memory_space<vmem>>) target_semaphore(%arg31 : memref<!tpu.dma_semaphore, #tpu.memory_space<semaphore_mem>>)
      %dma_start3A_445 = tpu.memref_slice %arg4[%add3A_442] : memref<320000xi32, #tpu.memory_space<hbm>> -> memref<80xi32, #tpu.memory_space<hbm>>
      %dma_start3A_446 = tpu.memref_slice %arg4[%add3A_442] : memref<320000xi32, #tpu.memory_space<hbm>> -> memref<80xi32, #tpu.memory_space<hbm>>
      tpu.enqueue_dma source(%dma_start3A_446 : memref<80xi32, #tpu.memory_space<hbm>>) target(%arg16 : memref<80xi32, #tpu.memory_space<vmem>>) target_semaphore(%arg31 : memref<!tpu.dma_semaphore, #tpu.memory_space<semaphore_mem>>)
      %add3A_447 = arith.constant 10 : i32
      %add3A_448 = arith.addi %add3A_146, %add3A_447 : i32
      %dma_wait3A_449 = arith.constant 0 : i32
      %dma_wait3A_450 = tpu.memref_slice %arg3[%dma_wait3A_449] : memref<320000xi32, #tpu.memory_space<hbm>> -> memref<80xi32, #tpu.memory_space<hbm>>
      %dma_wait3A_451 = arith.constant 0 : i32
      %dma_wait3A_452 = tpu.memref_slice %arg3[%dma_wait3A_451] : memref<320000xi32, #tpu.memory_space<hbm>> -> memref<80xi32, #tpu.memory_space<hbm>>
      tpu.wait_dma2 semaphore(%arg30 : memref<!tpu.dma_semaphore, #tpu.memory_space<semaphore_mem>>) src(%dma_wait3A_452 : memref<80xi32, #tpu.memory_space<hbm>>) dst(%arg9 : memref<80xi32, #tpu.memory_space<vmem>>)
      %dma_wait3A_453 = arith.constant 0 : i32
      %dma_wait3A_454 = tpu.memref_slice %arg4[%dma_wait3A_453] : memref<320000xi32, #tpu.memory_space<hbm>> -> memref<80xi32, #tpu.memory_space<hbm>>
      %dma_wait3A_455 = arith.constant 0 : i32
      %dma_wait3A_456 = tpu.memref_slice %arg4[%dma_wait3A_455] : memref<320000xi32, #tpu.memory_space<hbm>> -> memref<80xi32, #tpu.memory_space<hbm>>
      tpu.wait_dma2 semaphore(%arg30 : memref<!tpu.dma_semaphore, #tpu.memory_space<semaphore_mem>>) src(%dma_wait3A_456 : memref<80xi32, #tpu.memory_space<hbm>>) dst(%arg15 : memref<80xi32, #tpu.memory_space<vmem>>)
      %dma_start3A_457 = arith.constant 0 : i32
      %dma_start3A_458 = arith.constant 0 : i32
      %dma_start3A_459 = tpu.memref_slice %arg2[%dma_start3A_457, %dma_start3A_458] : memref<10000x128xf32, #tpu.memory_space<hbm>> -> memref<10000x128xf32, #tpu.memory_space<hbm>>
      tpu.enqueue_indirect_dma source(%dma_start3A_459 : memref<10000x128xf32, #tpu.memory_space<hbm>>) target(%arg21 : memref<80x128xf32, #tpu.memory_space<vmem>>) offsets(%arg9 : memref<80xi32, #tpu.memory_space<vmem>>) semaphore(%arg26 : memref<!tpu.dma_semaphore, #tpu.memory_space<semaphore_mem>>)
      %dma_wait3A_460 = arith.constant 0 : i32
      %dma_wait3A_461 = arith.constant 0 : i32
      %dma_wait3A_462 = tpu.memref_slice %arg2[%dma_wait3A_460, %dma_wait3A_461] : memref<10000x128xf32, #tpu.memory_space<hbm>> -> memref<80x128xf32, #tpu.memory_space<hbm>>
      %dma_wait3A_463 = arith.constant 0 : i32
      %dma_wait3A_464 = arith.constant 0 : i32
      %dma_wait3A_465 = tpu.memref_slice %arg2[%dma_wait3A_463, %dma_wait3A_464] : memref<10000x128xf32, #tpu.memory_space<hbm>> -> memref<80x128xf32, #tpu.memory_space<hbm>>
      tpu.wait_dma2 semaphore(%arg24 : memref<!tpu.dma_semaphore, #tpu.memory_space<semaphore_mem>>) src(%dma_wait3A_465 : memref<80x128xf32, #tpu.memory_space<hbm>>) dst(%arg19 : memref<80x128xf32, #tpu.memory_space<vmem>>)
      "tpu.region"() ({
        %run_scoped3A = tpu.sem_alloc : memref<!tpu.dma_semaphore, #tpu.memory_space<semaphore_mem>>
        %dma_start3A_507 = arith.constant 0 : i32
        %dma_start3A_508 = arith.constant 0 : i32
        %dma_start3A_509 = tpu.memref_slice %arg23[%dma_start3A_507, %dma_start3A_508] : memref<10000x128xf32, #tpu.memory_space<vmem_shared>> -> memref<10000x128xf32, #tpu.memory_space<vmem_shared>>
        tpu.enqueue_indirect_dma source(%arg19 : memref<80x128xf32, #tpu.memory_space<vmem>>) target(%dma_start3A_509 : memref<10000x128xf32, #tpu.memory_space<vmem_shared>>) offsets(%arg13 : memref<80xi32, #tpu.memory_space<vmem>>) semaphore(%run_scoped3A : memref<!tpu.dma_semaphore, #tpu.memory_space<semaphore_mem>>) {add = true}
        %dma_wait3A_510 = arith.constant 0 : i32
        %dma_wait3A_511 = arith.constant 0 : i32
        %dma_wait3A_512 = tpu.memref_slice %arg23[%dma_wait3A_510, %dma_wait3A_511] : memref<10000x128xf32, #tpu.memory_space<vmem_shared>> -> memref<10000x128xf32, #tpu.memory_space<vmem_shared>>
        tpu.wait_indirect_dma semaphore(%run_scoped3A : memref<!tpu.dma_semaphore, #tpu.memory_space<semaphore_mem>>) src(%arg19 : memref<80x128xf32, #tpu.memory_space<vmem>>) dst(%dma_wait3A_512 : memref<10000x128xf32, #tpu.memory_space<vmem_shared>>)
        tpu.yield
      }) : () -> ()
      %add3A_466 = arith.constant 4 : i32
      %add3A_467 = arith.addi %add3A_448, %add3A_466 : i32
      %min3A_468 = arith.constant 124 : i32
      %min3A_469 = arith.minsi %add3A_467, %min3A_468 : i32
      %mul3A_470 = arith.constant 80 : i32
      %mul3A_471 = arith.muli %min3A_469, %mul3A_470 : i32
      %add3A_472 = arith.addi %mul3A_8, %mul3A_471 : i32
      %dma_start3A_473 = tpu.memref_slice %arg3[%add3A_472] : memref<320000xi32, #tpu.memory_space<hbm>> -> memref<80xi32, #tpu.memory_space<hbm>>
      %dma_start3A_474 = tpu.memref_slice %arg3[%add3A_472] : memref<320000xi32, #tpu.memory_space<hbm>> -> memref<80xi32, #tpu.memory_space<hbm>>
      tpu.enqueue_dma source(%dma_start3A_474 : memref<80xi32, #tpu.memory_space<hbm>>) target(%arg11 : memref<80xi32, #tpu.memory_space<vmem>>) target_semaphore(%arg32 : memref<!tpu.dma_semaphore, #tpu.memory_space<semaphore_mem>>)
      %dma_start3A_475 = tpu.memref_slice %arg4[%add3A_472] : memref<320000xi32, #tpu.memory_space<hbm>> -> memref<80xi32, #tpu.memory_space<hbm>>
      %dma_start3A_476 = tpu.memref_slice %arg4[%add3A_472] : memref<320000xi32, #tpu.memory_space<hbm>> -> memref<80xi32, #tpu.memory_space<hbm>>
      tpu.enqueue_dma source(%dma_start3A_476 : memref<80xi32, #tpu.memory_space<hbm>>) target(%arg17 : memref<80xi32, #tpu.memory_space<vmem>>) target_semaphore(%arg32 : memref<!tpu.dma_semaphore, #tpu.memory_space<semaphore_mem>>)
      %add3A_477 = arith.constant 11 : i32
      %add3A_478 = arith.addi %add3A_146, %add3A_477 : i32
      %dma_wait3A_479 = arith.constant 0 : i32
      %dma_wait3A_480 = tpu.memref_slice %arg3[%dma_wait3A_479] : memref<320000xi32, #tpu.memory_space<hbm>> -> memref<80xi32, #tpu.memory_space<hbm>>
      %dma_wait3A_481 = arith.constant 0 : i32
      %dma_wait3A_482 = tpu.memref_slice %arg3[%dma_wait3A_481] : memref<320000xi32, #tpu.memory_space<hbm>> -> memref<80xi32, #tpu.memory_space<hbm>>
      tpu.wait_dma2 semaphore(%arg31 : memref<!tpu.dma_semaphore, #tpu.memory_space<semaphore_mem>>) src(%dma_wait3A_482 : memref<80xi32, #tpu.memory_space<hbm>>) dst(%arg10 : memref<80xi32, #tpu.memory_space<vmem>>)
      %dma_wait3A_483 = arith.constant 0 : i32
      %dma_wait3A_484 = tpu.memref_slice %arg4[%dma_wait3A_483] : memref<320000xi32, #tpu.memory_space<hbm>> -> memref<80xi32, #tpu.memory_space<hbm>>
      %dma_wait3A_485 = arith.constant 0 : i32
      %dma_wait3A_486 = tpu.memref_slice %arg4[%dma_wait3A_485] : memref<320000xi32, #tpu.memory_space<hbm>> -> memref<80xi32, #tpu.memory_space<hbm>>
      tpu.wait_dma2 semaphore(%arg31 : memref<!tpu.dma_semaphore, #tpu.memory_space<semaphore_mem>>) src(%dma_wait3A_486 : memref<80xi32, #tpu.memory_space<hbm>>) dst(%arg16 : memref<80xi32, #tpu.memory_space<vmem>>)
      %dma_start3A_487 = arith.constant 0 : i32
      %dma_start3A_488 = arith.constant 0 : i32
      %dma_start3A_489 = tpu.memref_slice %arg2[%dma_start3A_487, %dma_start3A_488] : memref<10000x128xf32, #tpu.memory_space<hbm>> -> memref<10000x128xf32, #tpu.memory_space<hbm>>
      tpu.enqueue_indirect_dma source(%dma_start3A_489 : memref<10000x128xf32, #tpu.memory_space<hbm>>) target(%arg22 : memref<80x128xf32, #tpu.memory_space<vmem>>) offsets(%arg10 : memref<80xi32, #tpu.memory_space<vmem>>) semaphore(%arg27 : memref<!tpu.dma_semaphore, #tpu.memory_space<semaphore_mem>>)
      %dma_wait3A_490 = arith.constant 0 : i32
      %dma_wait3A_491 = arith.constant 0 : i32
      %dma_wait3A_492 = tpu.memref_slice %arg2[%dma_wait3A_490, %dma_wait3A_491] : memref<10000x128xf32, #tpu.memory_space<hbm>> -> memref<80x128xf32, #tpu.memory_space<hbm>>
      %dma_wait3A_493 = arith.constant 0 : i32
      %dma_wait3A_494 = arith.constant 0 : i32
      %dma_wait3A_495 = tpu.memref_slice %arg2[%dma_wait3A_493, %dma_wait3A_494] : memref<10000x128xf32, #tpu.memory_space<hbm>> -> memref<80x128xf32, #tpu.memory_space<hbm>>
      tpu.wait_dma2 semaphore(%arg25 : memref<!tpu.dma_semaphore, #tpu.memory_space<semaphore_mem>>) src(%dma_wait3A_495 : memref<80x128xf32, #tpu.memory_space<hbm>>) dst(%arg20 : memref<80x128xf32, #tpu.memory_space<vmem>>)
      "tpu.region"() ({
        %run_scoped3A = tpu.sem_alloc : memref<!tpu.dma_semaphore, #tpu.memory_space<semaphore_mem>>
        %dma_start3A_507 = arith.constant 0 : i32
        %dma_start3A_508 = arith.constant 0 : i32
        %dma_start3A_509 = tpu.memref_slice %arg23[%dma_start3A_507, %dma_start3A_508] : memref<10000x128xf32, #tpu.memory_space<vmem_shared>> -> memref<10000x128xf32, #tpu.memory_space<vmem_shared>>
        tpu.enqueue_indirect_dma source(%arg20 : memref<80x128xf32, #tpu.memory_space<vmem>>) target(%dma_start3A_509 : memref<10000x128xf32, #tpu.memory_space<vmem_shared>>) offsets(%arg14 : memref<80xi32, #tpu.memory_space<vmem>>) semaphore(%run_scoped3A : memref<!tpu.dma_semaphore, #tpu.memory_space<semaphore_mem>>) {add = true}
        %dma_wait3A_510 = arith.constant 0 : i32
        %dma_wait3A_511 = arith.constant 0 : i32
        %dma_wait3A_512 = tpu.memref_slice %arg23[%dma_wait3A_510, %dma_wait3A_511] : memref<10000x128xf32, #tpu.memory_space<vmem_shared>> -> memref<10000x128xf32, #tpu.memory_space<vmem_shared>>
        tpu.wait_indirect_dma semaphore(%run_scoped3A : memref<!tpu.dma_semaphore, #tpu.memory_space<semaphore_mem>>) src(%arg20 : memref<80x128xf32, #tpu.memory_space<vmem>>) dst(%dma_wait3A_512 : memref<10000x128xf32, #tpu.memory_space<vmem_shared>>)
        tpu.yield
      }) : () -> ()
      %add3A_496 = arith.constant 4 : i32
      %add3A_497 = arith.addi %add3A_478, %add3A_496 : i32
      %min3A_498 = arith.constant 124 : i32
      %min3A_499 = arith.minsi %add3A_497, %min3A_498 : i32
      %mul3A_500 = arith.constant 80 : i32
      %mul3A_501 = arith.muli %min3A_499, %mul3A_500 : i32
      %add3A_502 = arith.addi %mul3A_8, %mul3A_501 : i32
      %dma_start3A_503 = tpu.memref_slice %arg3[%add3A_502] : memref<320000xi32, #tpu.memory_space<hbm>> -> memref<80xi32, #tpu.memory_space<hbm>>
      %dma_start3A_504 = tpu.memref_slice %arg3[%add3A_502] : memref<320000xi32, #tpu.memory_space<hbm>> -> memref<80xi32, #tpu.memory_space<hbm>>
      tpu.enqueue_dma source(%dma_start3A_504 : memref<80xi32, #tpu.memory_space<hbm>>) target(%arg12 : memref<80xi32, #tpu.memory_space<vmem>>) target_semaphore(%arg33 : memref<!tpu.dma_semaphore, #tpu.memory_space<semaphore_mem>>)
      %dma_start3A_505 = tpu.memref_slice %arg4[%add3A_502] : memref<320000xi32, #tpu.memory_space<hbm>> -> memref<80xi32, #tpu.memory_space<hbm>>
      %dma_start3A_506 = tpu.memref_slice %arg4[%add3A_502] : memref<320000xi32, #tpu.memory_space<hbm>> -> memref<80xi32, #tpu.memory_space<hbm>>
      tpu.enqueue_dma source(%dma_start3A_506 : memref<80xi32, #tpu.memory_space<hbm>>) target(%arg18 : memref<80xi32, #tpu.memory_space<vmem>>) target_semaphore(%arg33 : memref<!tpu.dma_semaphore, #tpu.memory_space<semaphore_mem>>)
    }
    %scan3A_93 = arith.constant 10 : i32
    %dma_wait3A_94 = arith.constant 0 : i32
    %dma_wait3A_95 = tpu.memref_slice %arg3[%dma_wait3A_94] : memref<320000xi32, #tpu.memory_space<hbm>> -> memref<80xi32, #tpu.memory_space<hbm>>
    %dma_wait3A_96 = arith.constant 0 : i32
    %dma_wait3A_97 = tpu.memref_slice %arg3[%dma_wait3A_96] : memref<320000xi32, #tpu.memory_space<hbm>> -> memref<80xi32, #tpu.memory_space<hbm>>
    tpu.wait_dma2 semaphore(%arg32 : memref<!tpu.dma_semaphore, #tpu.memory_space<semaphore_mem>>) src(%dma_wait3A_97 : memref<80xi32, #tpu.memory_space<hbm>>) dst(%arg11 : memref<80xi32, #tpu.memory_space<vmem>>)
    %dma_wait3A_98 = arith.constant 0 : i32
    %dma_wait3A_99 = tpu.memref_slice %arg4[%dma_wait3A_98] : memref<320000xi32, #tpu.memory_space<hbm>> -> memref<80xi32, #tpu.memory_space<hbm>>
    %dma_wait3A_100 = arith.constant 0 : i32
    %dma_wait3A_101 = tpu.memref_slice %arg4[%dma_wait3A_100] : memref<320000xi32, #tpu.memory_space<hbm>> -> memref<80xi32, #tpu.memory_space<hbm>>
    tpu.wait_dma2 semaphore(%arg32 : memref<!tpu.dma_semaphore, #tpu.memory_space<semaphore_mem>>) src(%dma_wait3A_101 : memref<80xi32, #tpu.memory_space<hbm>>) dst(%arg17 : memref<80xi32, #tpu.memory_space<vmem>>)
    %dma_start3A_102 = arith.constant 0 : i32
    %dma_start3A_103 = arith.constant 0 : i32
    %dma_start3A_104 = tpu.memref_slice %arg2[%dma_start3A_102, %dma_start3A_103] : memref<10000x128xf32, #tpu.memory_space<hbm>> -> memref<10000x128xf32, #tpu.memory_space<hbm>>
    tpu.enqueue_indirect_dma source(%dma_start3A_104 : memref<10000x128xf32, #tpu.memory_space<hbm>>) target(%arg19 : memref<80x128xf32, #tpu.memory_space<vmem>>) offsets(%arg11 : memref<80xi32, #tpu.memory_space<vmem>>) semaphore(%arg24 : memref<!tpu.dma_semaphore, #tpu.memory_space<semaphore_mem>>)
    %dma_wait3A_105 = arith.constant 0 : i32
    %dma_wait3A_106 = arith.constant 0 : i32
    %dma_wait3A_107 = tpu.memref_slice %arg2[%dma_wait3A_105, %dma_wait3A_106] : memref<10000x128xf32, #tpu.memory_space<hbm>> -> memref<80x128xf32, #tpu.memory_space<hbm>>
    %dma_wait3A_108 = arith.constant 0 : i32
    %dma_wait3A_109 = arith.constant 0 : i32
    %dma_wait3A_110 = tpu.memref_slice %arg2[%dma_wait3A_108, %dma_wait3A_109] : memref<10000x128xf32, #tpu.memory_space<hbm>> -> memref<80x128xf32, #tpu.memory_space<hbm>>
    tpu.wait_dma2 semaphore(%arg26 : memref<!tpu.dma_semaphore, #tpu.memory_space<semaphore_mem>>) src(%dma_wait3A_110 : memref<80x128xf32, #tpu.memory_space<hbm>>) dst(%arg21 : memref<80x128xf32, #tpu.memory_space<vmem>>)
    "tpu.region"() ({
      %run_scoped3A = tpu.sem_alloc : memref<!tpu.dma_semaphore, #tpu.memory_space<semaphore_mem>>
      %dma_start3A_142 = arith.constant 0 : i32
      %dma_start3A_143 = arith.constant 0 : i32
      %dma_start3A_144 = tpu.memref_slice %arg23[%dma_start3A_142, %dma_start3A_143] : memref<10000x128xf32, #tpu.memory_space<vmem_shared>> -> memref<10000x128xf32, #tpu.memory_space<vmem_shared>>
      tpu.enqueue_indirect_dma source(%arg21 : memref<80x128xf32, #tpu.memory_space<vmem>>) target(%dma_start3A_144 : memref<10000x128xf32, #tpu.memory_space<vmem_shared>>) offsets(%arg15 : memref<80xi32, #tpu.memory_space<vmem>>) semaphore(%run_scoped3A : memref<!tpu.dma_semaphore, #tpu.memory_space<semaphore_mem>>) {add = true}
      %dma_wait3A_145 = arith.constant 0 : i32
      %dma_wait3A_146 = arith.constant 0 : i32
      %dma_wait3A_147 = tpu.memref_slice %arg23[%dma_wait3A_145, %dma_wait3A_146] : memref<10000x128xf32, #tpu.memory_space<vmem_shared>> -> memref<10000x128xf32, #tpu.memory_space<vmem_shared>>
      tpu.wait_indirect_dma semaphore(%run_scoped3A : memref<!tpu.dma_semaphore, #tpu.memory_space<semaphore_mem>>) src(%arg21 : memref<80x128xf32, #tpu.memory_space<vmem>>) dst(%dma_wait3A_147 : memref<10000x128xf32, #tpu.memory_space<vmem_shared>>)
      tpu.yield
    }) : () -> ()
    %dma_wait3A_111 = arith.constant 0 : i32
    %dma_wait3A_112 = arith.constant 0 : i32
    %dma_wait3A_113 = tpu.memref_slice %arg2[%dma_wait3A_111, %dma_wait3A_112] : memref<10000x128xf32, #tpu.memory_space<hbm>> -> memref<80x128xf32, #tpu.memory_space<hbm>>
    %dma_wait3A_114 = arith.constant 0 : i32
    %dma_wait3A_115 = arith.constant 0 : i32
    %dma_wait3A_116 = tpu.memref_slice %arg2[%dma_wait3A_114, %dma_wait3A_115] : memref<10000x128xf32, #tpu.memory_space<hbm>> -> memref<80x128xf32, #tpu.memory_space<hbm>>
    tpu.wait_dma2 semaphore(%arg27 : memref<!tpu.dma_semaphore, #tpu.memory_space<semaphore_mem>>) src(%dma_wait3A_116 : memref<80x128xf32, #tpu.memory_space<hbm>>) dst(%arg22 : memref<80x128xf32, #tpu.memory_space<vmem>>)
    "tpu.region"() ({
      %run_scoped3A = tpu.sem_alloc : memref<!tpu.dma_semaphore, #tpu.memory_space<semaphore_mem>>
      %dma_start3A_142 = arith.constant 0 : i32
      %dma_start3A_143 = arith.constant 0 : i32
      %dma_start3A_144 = tpu.memref_slice %arg23[%dma_start3A_142, %dma_start3A_143] : memref<10000x128xf32, #tpu.memory_space<vmem_shared>> -> memref<10000x128xf32, #tpu.memory_space<vmem_shared>>
      tpu.enqueue_indirect_dma source(%arg22 : memref<80x128xf32, #tpu.memory_space<vmem>>) target(%dma_start3A_144 : memref<10000x128xf32, #tpu.memory_space<vmem_shared>>) offsets(%arg16 : memref<80xi32, #tpu.memory_space<vmem>>) semaphore(%run_scoped3A : memref<!tpu.dma_semaphore, #tpu.memory_space<semaphore_mem>>) {add = true}
      %dma_wait3A_145 = arith.constant 0 : i32
      %dma_wait3A_146 = arith.constant 0 : i32
      %dma_wait3A_147 = tpu.memref_slice %arg23[%dma_wait3A_145, %dma_wait3A_146] : memref<10000x128xf32, #tpu.memory_space<vmem_shared>> -> memref<10000x128xf32, #tpu.memory_space<vmem_shared>>
      tpu.wait_indirect_dma semaphore(%run_scoped3A : memref<!tpu.dma_semaphore, #tpu.memory_space<semaphore_mem>>) src(%arg22 : memref<80x128xf32, #tpu.memory_space<vmem>>) dst(%dma_wait3A_147 : memref<10000x128xf32, #tpu.memory_space<vmem_shared>>)
      tpu.yield
    }) : () -> ()
    %dma_wait3A_117 = arith.constant 0 : i32
    %dma_wait3A_118 = arith.constant 0 : i32
    %dma_wait3A_119 = tpu.memref_slice %arg2[%dma_wait3A_117, %dma_wait3A_118] : memref<10000x128xf32, #tpu.memory_space<hbm>> -> memref<80x128xf32, #tpu.memory_space<hbm>>
    %dma_wait3A_120 = arith.constant 0 : i32
    %dma_wait3A_121 = arith.constant 0 : i32
    %dma_wait3A_122 = tpu.memref_slice %arg2[%dma_wait3A_120, %dma_wait3A_121] : memref<10000x128xf32, #tpu.memory_space<hbm>> -> memref<80x128xf32, #tpu.memory_space<hbm>>
    tpu.wait_dma2 semaphore(%arg24 : memref<!tpu.dma_semaphore, #tpu.memory_space<semaphore_mem>>) src(%dma_wait3A_122 : memref<80x128xf32, #tpu.memory_space<hbm>>) dst(%arg19 : memref<80x128xf32, #tpu.memory_space<vmem>>)
    "tpu.region"() ({
      %run_scoped3A = tpu.sem_alloc : memref<!tpu.dma_semaphore, #tpu.memory_space<semaphore_mem>>
      %dma_start3A_142 = arith.constant 0 : i32
      %dma_start3A_143 = arith.constant 0 : i32
      %dma_start3A_144 = tpu.memref_slice %arg23[%dma_start3A_142, %dma_start3A_143] : memref<10000x128xf32, #tpu.memory_space<vmem_shared>> -> memref<10000x128xf32, #tpu.memory_space<vmem_shared>>
      tpu.enqueue_indirect_dma source(%arg19 : memref<80x128xf32, #tpu.memory_space<vmem>>) target(%dma_start3A_144 : memref<10000x128xf32, #tpu.memory_space<vmem_shared>>) offsets(%arg17 : memref<80xi32, #tpu.memory_space<vmem>>) semaphore(%run_scoped3A : memref<!tpu.dma_semaphore, #tpu.memory_space<semaphore_mem>>) {add = true}
      %dma_wait3A_145 = arith.constant 0 : i32
      %dma_wait3A_146 = arith.constant 0 : i32
      %dma_wait3A_147 = tpu.memref_slice %arg23[%dma_wait3A_145, %dma_wait3A_146] : memref<10000x128xf32, #tpu.memory_space<vmem_shared>> -> memref<10000x128xf32, #tpu.memory_space<vmem_shared>>
      tpu.wait_indirect_dma semaphore(%run_scoped3A : memref<!tpu.dma_semaphore, #tpu.memory_space<semaphore_mem>>) src(%arg19 : memref<80x128xf32, #tpu.memory_space<vmem>>) dst(%dma_wait3A_147 : memref<10000x128xf32, #tpu.memory_space<vmem_shared>>)
      tpu.yield
    }) : () -> ()
    %dma_wait3A_123 = arith.constant 0 : i32
    %dma_wait3A_124 = tpu.memref_slice %arg3[%dma_wait3A_123] : memref<320000xi32, #tpu.memory_space<hbm>> -> memref<80xi32, #tpu.memory_space<hbm>>
    %dma_wait3A_125 = arith.constant 0 : i32
    %dma_wait3A_126 = tpu.memref_slice %arg3[%dma_wait3A_125] : memref<320000xi32, #tpu.memory_space<hbm>> -> memref<80xi32, #tpu.memory_space<hbm>>
    tpu.wait_dma2 semaphore(%arg33 : memref<!tpu.dma_semaphore, #tpu.memory_space<semaphore_mem>>) src(%dma_wait3A_126 : memref<80xi32, #tpu.memory_space<hbm>>) dst(%arg12 : memref<80xi32, #tpu.memory_space<vmem>>)
    %dma_wait3A_127 = arith.constant 0 : i32
    %dma_wait3A_128 = tpu.memref_slice %arg4[%dma_wait3A_127] : memref<320000xi32, #tpu.memory_space<hbm>> -> memref<80xi32, #tpu.memory_space<hbm>>
    %dma_wait3A_129 = arith.constant 0 : i32
    %dma_wait3A_130 = tpu.memref_slice %arg4[%dma_wait3A_129] : memref<320000xi32, #tpu.memory_space<hbm>> -> memref<80xi32, #tpu.memory_space<hbm>>
    tpu.wait_dma2 semaphore(%arg33 : memref<!tpu.dma_semaphore, #tpu.memory_space<semaphore_mem>>) src(%dma_wait3A_130 : memref<80xi32, #tpu.memory_space<hbm>>) dst(%arg18 : memref<80xi32, #tpu.memory_space<vmem>>)
    %barrier3A_131 = arith.constant 0 : index
    tpu.barrier barrier_id(%barrier3A_131)
    %lt3A_132 = arith.constant 15 : i32
    %lt3A_133 = arith.cmpi slt, %arg1, %lt3A_132 : i32
    %convert_element_type3A_134 = arith.extui %lt3A_133 : i1 to i32
    %cond3A_135 = arith.constant 0 : i32
    %cond3A_136 = arith.cmpi ne, %convert_element_type3A_134, %cond3A_135 : i32
    scf.if %cond3A_136 {
      %mul3A_142 = arith.constant 640 : i32
      %mul3A_143 = arith.muli %arg1, %mul3A_142 : i32
      %mul3A_144 = arith.constant 640 : i32
      %mul3A_145 = arith.muli %arg1, %mul3A_144 : i32
      "tpu.region"() ({
        %run_scoped3A = tpu.sem_alloc : memref<!tpu.dma_semaphore, #tpu.memory_space<semaphore_mem>>
        %dma_start3A_146 = arith.constant 0 : i32
        %dma_start3A_147 = arith.constant 0 : i32
        %dma_start3A_148 = tpu.memref_slice %arg6[%arg0, %dma_start3A_146, %dma_start3A_147] : memref<2x10000x128xf32, #tpu.memory_space<hbm>> -> memref<1x10000x128xf32, #tpu.memory_space<hbm>>
        %dma_start3A_149 = tpu.memref_squeeze %dma_start3A_148 : memref<1x10000x128xf32, #tpu.memory_space<hbm>> -> memref<10000x128xf32, #tpu.memory_space<hbm>>
        %dma_start3A_150 = arith.constant 0 : i32
        %dma_start3A_151 = tpu.memref_slice %dma_start3A_149[%mul3A_145, %dma_start3A_150] : memref<10000x128xf32, #tpu.memory_space<hbm>> -> memref<640x128xf32, #tpu.memory_space<hbm>>
        %dma_start3A_152 = arith.constant 0 : i32
        %dma_start3A_153 = tpu.memref_slice %arg23[%mul3A_143, %dma_start3A_152] : memref<10000x128xf32, #tpu.memory_space<vmem_shared>> -> memref<640x128xf32, #tpu.memory_space<vmem_shared>>
        tpu.enqueue_dma source(%dma_start3A_153 : memref<640x128xf32, #tpu.memory_space<vmem_shared>>) target(%dma_start3A_151 : memref<640x128xf32, #tpu.memory_space<hbm>>) target_semaphore(%run_scoped3A : memref<!tpu.dma_semaphore, #tpu.memory_space<semaphore_mem>>)
        %dma_wait3A_154 = arith.constant 0 : i32
        %dma_wait3A_155 = arith.constant 0 : i32
        %dma_wait3A_156 = tpu.memref_slice %arg6[%arg0, %dma_wait3A_154, %dma_wait3A_155] : memref<2x10000x128xf32, #tpu.memory_space<hbm>> -> memref<1x10000x128xf32, #tpu.memory_space<hbm>>
        %dma_wait3A_157 = tpu.memref_squeeze %dma_wait3A_156 : memref<1x10000x128xf32, #tpu.memory_space<hbm>> -> memref<10000x128xf32, #tpu.memory_space<hbm>>
        %dma_wait3A_158 = arith.constant 0 : i32
        %dma_wait3A_159 = tpu.memref_slice %dma_wait3A_157[%mul3A_145, %dma_wait3A_158] : memref<10000x128xf32, #tpu.memory_space<hbm>> -> memref<640x128xf32, #tpu.memory_space<hbm>>
        %dma_wait3A_160 = arith.constant 0 : i32
        %dma_wait3A_161 = tpu.memref_slice %arg23[%mul3A_143, %dma_wait3A_160] : memref<10000x128xf32, #tpu.memory_space<vmem_shared>> -> memref<640x128xf32, #tpu.memory_space<vmem_shared>>
        tpu.wait_dma2 semaphore(%run_scoped3A : memref<!tpu.dma_semaphore, #tpu.memory_space<semaphore_mem>>) src(%dma_wait3A_161 : memref<640x128xf32, #tpu.memory_space<vmem_shared>>) dst(%dma_wait3A_159 : memref<640x128xf32, #tpu.memory_space<hbm>>)
        tpu.yield
      }) : () -> ()
    } else {
    }
    %eq3A_137 = arith.constant 15 : i32
    %eq3A_138 = arith.cmpi eq, %arg1, %eq3A_137 : i32
    %convert_element_type3A_139 = arith.extui %eq3A_138 : i1 to i32
    %cond3A_140 = arith.constant 0 : i32
    %cond3A_141 = arith.cmpi ne, %convert_element_type3A_139, %cond3A_140 : i32
    scf.if %cond3A_141 {
      "tpu.region"() ({
        %run_scoped3A = tpu.sem_alloc : memref<!tpu.dma_semaphore, #tpu.memory_space<semaphore_mem>>
        %dma_start3A_142 = arith.constant 0 : i32
        %dma_start3A_143 = arith.constant 0 : i32
        %dma_start3A_144 = tpu.memref_slice %arg6[%arg0, %dma_start3A_142, %dma_start3A_143] : memref<2x10000x128xf32, #tpu.memory_space<hbm>> -> memref<1x10000x128xf32, #tpu.memory_space<hbm>>
        %dma_start3A_145 = tpu.memref_squeeze %dma_start3A_144 : memref<1x10000x128xf32, #tpu.memory_space<hbm>> -> memref<10000x128xf32, #tpu.memory_space<hbm>>
        %dma_start3A_146 = arith.constant 9600 : i32
        %dma_start3A_147 = arith.constant 0 : i32
        %dma_start3A_148 = tpu.memref_slice %dma_start3A_145[%dma_start3A_146, %dma_start3A_147] : memref<10000x128xf32, #tpu.memory_space<hbm>> -> memref<400x128xf32, #tpu.memory_space<hbm>>
        %dma_start3A_149 = arith.constant 9600 : i32
        %dma_start3A_150 = arith.constant 0 : i32
        %dma_start3A_151 = tpu.memref_slice %arg23[%dma_start3A_149, %dma_start3A_150] : memref<10000x128xf32, #tpu.memory_space<vmem_shared>> -> memref<400x128xf32, #tpu.memory_space<vmem_shared>>
        tpu.enqueue_dma source(%dma_start3A_151 : memref<400x128xf32, #tpu.memory_space<vmem_shared>>) target(%dma_start3A_148 : memref<400x128xf32, #tpu.memory_space<hbm>>) target_semaphore(%run_scoped3A : memref<!tpu.dma_semaphore, #tpu.memory_space<semaphore_mem>>)
        %dma_wait3A_152 = arith.constant 0 : i32
        %dma_wait3A_153 = arith.constant 0 : i32
        %dma_wait3A_154 = tpu.memref_slice %arg6[%arg0, %dma_wait3A_152, %dma_wait3A_153] : memref<2x10000x128xf32, #tpu.memory_space<hbm>> -> memref<1x10000x128xf32, #tpu.memory_space<hbm>>
        %dma_wait3A_155 = tpu.memref_squeeze %dma_wait3A_154 : memref<1x10000x128xf32, #tpu.memory_space<hbm>> -> memref<10000x128xf32, #tpu.memory_space<hbm>>
        %dma_wait3A_156 = arith.constant 9600 : i32
        %dma_wait3A_157 = arith.constant 0 : i32
        %dma_wait3A_158 = tpu.memref_slice %dma_wait3A_155[%dma_wait3A_156, %dma_wait3A_157] : memref<10000x128xf32, #tpu.memory_space<hbm>> -> memref<400x128xf32, #tpu.memory_space<hbm>>
        %dma_wait3A_159 = arith.constant 9600 : i32
        %dma_wait3A_160 = arith.constant 0 : i32
        %dma_wait3A_161 = tpu.memref_slice %arg23[%dma_wait3A_159, %dma_wait3A_160] : memref<10000x128xf32, #tpu.memory_space<vmem_shared>> -> memref<400x128xf32, #tpu.memory_space<vmem_shared>>
        tpu.wait_dma2 semaphore(%run_scoped3A : memref<!tpu.dma_semaphore, #tpu.memory_space<semaphore_mem>>) src(%dma_wait3A_161 : memref<400x128xf32, #tpu.memory_space<vmem_shared>>) dst(%dma_wait3A_158 : memref<400x128xf32, #tpu.memory_space<hbm>>)
        tpu.yield
      }) : () -> ()
    } else {
    }
    return
  }
}

#map = affine_map<(d0, d1) -> (0, 0)>
#map1 = affine_map<(d0, d1) -> (0)>
#map2 = affine_map<(d0, d1) -> (0, 0, 0)>
module attributes {stable_mosaic.version = 14 : i64} {
  func.func @scatter_kernel(%arg0: i32, %arg1: i32, %arg2: memref<10000x128xf32, #tpu.memory_space<hbm>>, %arg3: memref<320000xi32, #tpu.memory_space<hbm>>, %arg4: memref<320000xi32, #tpu.memory_space<hbm>>, %arg5: memref<10000x128xf32, #tpu.memory_space<hbm>>, %arg6: memref<2x10000x128xf32, #tpu.memory_space<hbm>>, %arg7: memref<80xi32, #tpu.memory_space<vmem>>, %arg8: memref<80xi32, #tpu.memory_space<vmem>>, %arg9: memref<80xi32, #tpu.memory_space<vmem>>, %arg10: memref<80xi32, #tpu.memory_space<vmem>>, %arg11: memref<80xi32, #tpu.memory_space<vmem>>, %arg12: memref<80xi32, #tpu.memory_space<vmem>>, %arg13: memref<80xi32, #tpu.memory_space<vmem>>, %arg14: memref<80xi32, #tpu.memory_space<vmem>>, %arg15: memref<80xi32, #tpu.memory_space<vmem>>, %arg16: memref<80xi32, #tpu.memory_space<vmem>>, %arg17: memref<80xi32, #tpu.memory_space<vmem>>, %arg18: memref<80xi32, #tpu.memory_space<vmem>>, %arg19: memref<80x128xf32, #tpu.memory_space<vmem>>, %arg20: memref<80x128xf32, #tpu.memory_space<vmem>>, %arg21: memref<80x128xf32, #tpu.memory_space<vmem>>, %arg22: memref<80x128xf32, #tpu.memory_space<vmem>>, %arg23: memref<10000x128xf32, #tpu.memory_space<vmem_shared>>, %arg24: memref<!tpu.dma_semaphore, #tpu.memory_space<semaphore_mem>>, %arg25: memref<!tpu.dma_semaphore, #tpu.memory_space<semaphore_mem>>, %arg26: memref<!tpu.dma_semaphore, #tpu.memory_space<semaphore_mem>>, %arg27: memref<!tpu.dma_semaphore, #tpu.memory_space<semaphore_mem>>, %arg28: memref<!tpu.dma_semaphore, #tpu.memory_space<semaphore_mem>>, %arg29: memref<!tpu.dma_semaphore, #tpu.memory_space<semaphore_mem>>, %arg30: memref<!tpu.dma_semaphore, #tpu.memory_space<semaphore_mem>>, %arg31: memref<!tpu.dma_semaphore, #tpu.memory_space<semaphore_mem>>, %arg32: memref<!tpu.dma_semaphore, #tpu.memory_space<semaphore_mem>>, %arg33: memref<!tpu.dma_semaphore, #tpu.memory_space<semaphore_mem>>) attributes {dimension_semantics = [#tpu.dimension_semantics<core_parallel>, #tpu.dimension_semantics<subcore_parallel>], iteration_bounds = array<i64: 2, 16>, scalar_prefetch = 0 : i64, scratch_operands = 27 : i64, tpu.core_type = #tpu.core_type<sc_vector_subcore>, window_params = [{transform_indices = #map}, {transform_indices = #map1}, {transform_indices = #map1}, {transform_indices = #map}, {transform_indices = #map2}]} {
    %mul3A = arith.constant 2 : i32
    %mul3A_0 = arith.muli %arg1, %mul3A : i32
    %add3A = arith.addi %mul3A_0, %arg0 : i32
    %lt3A = arith.constant 15 : i32
    %lt3A_1 = arith.cmpi slt, %arg1, %lt3A : i32
    %convert_element_type3A = arith.extui %lt3A_1 : i1 to i32
    %cond3A = arith.constant 0 : i32
    %cond3A_2 = arith.cmpi ne, %convert_element_type3A, %cond3A : i32
    scf.if %cond3A_2 {
      %mul3A_142 = arith.constant 640 : i32
      %mul3A_143 = arith.muli %arg1, %mul3A_142 : i32
      %mul3A_144 = arith.constant 640 : i32
      %mul3A_145 = arith.muli %arg1, %mul3A_144 : i32
      "tpu.region"() ({
        %run_scoped3A = tpu.sem_alloc : memref<!tpu.dma_semaphore, #tpu.memory_space<semaphore_mem>>
        %dma_start3A_146 = arith.constant 0 : i32
        %dma_start3A_147 = tpu.memref_slice %arg23[%mul3A_145, %dma_start3A_146] : memref<10000x128xf32, #tpu.memory_space<vmem_shared>> -> memref<640x128xf32, #tpu.memory_space<vmem_shared>>
        %dma_start3A_148 = arith.constant 0 : i32
        %dma_start3A_149 = tpu.memref_slice %arg5[%mul3A_143, %dma_start3A_148] : memref<10000x128xf32, #tpu.memory_space<hbm>> -> memref<640x128xf32, #tpu.memory_space<hbm>>
        tpu.enqueue_dma source(%dma_start3A_149 : memref<640x128xf32, #tpu.memory_space<hbm>>) target(%dma_start3A_147 : memref<640x128xf32, #tpu.memory_space<vmem_shared>>) target_semaphore(%run_scoped3A : memref<!tpu.dma_semaphore, #tpu.memory_space<semaphore_mem>>)
        %dma_wait3A_150 = arith.constant 0 : i32
        %dma_wait3A_151 = tpu.memref_slice %arg23[%mul3A_145, %dma_wait3A_150] : memref<10000x128xf32, #tpu.memory_space<vmem_shared>> -> memref<640x128xf32, #tpu.memory_space<vmem_shared>>
        %dma_wait3A_152 = arith.constant 0 : i32
        %dma_wait3A_153 = tpu.memref_slice %arg5[%mul3A_143, %dma_wait3A_152] : memref<10000x128xf32, #tpu.memory_space<hbm>> -> memref<640x128xf32, #tpu.memory_space<hbm>>
        tpu.wait_dma2 semaphore(%run_scoped3A : memref<!tpu.dma_semaphore, #tpu.memory_space<semaphore_mem>>) src(%dma_wait3A_153 : memref<640x128xf32, #tpu.memory_space<hbm>>) dst(%dma_wait3A_151 : memref<640x128xf32, #tpu.memory_space<vmem_shared>>)
        tpu.yield
      }) : () -> ()
    } else {
    }
    %eq3A = arith.constant 15 : i32
    %eq3A_3 = arith.cmpi eq, %arg1, %eq3A : i32
    %convert_element_type3A_4 = arith.extui %eq3A_3 : i1 to i32
    %cond3A_5 = arith.constant 0 : i32
    %cond3A_6 = arith.cmpi ne, %convert_element_type3A_4, %cond3A_5 : i32
    scf.if %cond3A_6 {
      "tpu.region"() ({
        %run_scoped3A = tpu.sem_alloc : memref<!tpu.dma_semaphore, #tpu.memory_space<semaphore_mem>>
        %dma_start3A_142 = arith.constant 9600 : i32
        %dma_start3A_143 = arith.constant 0 : i32
        %dma_start3A_144 = tpu.memref_slice %arg23[%dma_start3A_142, %dma_start3A_143] : memref<10000x128xf32, #tpu.memory_space<vmem_shared>> -> memref<400x128xf32, #tpu.memory_space<vmem_shared>>
        %dma_start3A_145 = arith.constant 9600 : i32
        %dma_start3A_146 = arith.constant 0 : i32
        %dma_start3A_147 = tpu.memref_slice %arg5[%dma_start3A_145, %dma_start3A_146] : memref<10000x128xf32, #tpu.memory_space<hbm>> -> memref<400x128xf32, #tpu.memory_space<hbm>>
        tpu.enqueue_dma source(%dma_start3A_147 : memref<400x128xf32, #tpu.memory_space<hbm>>) target(%dma_start3A_144 : memref<400x128xf32, #tpu.memory_space<vmem_shared>>) target_semaphore(%run_scoped3A : memref<!tpu.dma_semaphore, #tpu.memory_space<semaphore_mem>>)
        %dma_wait3A_148 = arith.constant 9600 : i32
        %dma_wait3A_149 = arith.constant 0 : i32
        %dma_wait3A_150 = tpu.memref_slice %arg23[%dma_wait3A_148, %dma_wait3A_149] : memref<10000x128xf32, #tpu.memory_space<vmem_shared>> -> memref<400x128xf32, #tpu.memory_space<vmem_shared>>
        %dma_wait3A_151 = arith.constant 9600 : i32
        %dma_wait3A_152 = arith.constant 0 : i32
        %dma_wait3A_153 = tpu.memref_slice %arg5[%dma_wait3A_151, %dma_wait3A_152] : memref<10000x128xf32, #tpu.memory_space<hbm>> -> memref<400x128xf32, #tpu.memory_space<hbm>>
        tpu.wait_dma2 semaphore(%run_scoped3A : memref<!tpu.dma_semaphore, #tpu.memory_space<semaphore_mem>>) src(%dma_wait3A_153 : memref<400x128xf32, #tpu.memory_space<hbm>>) dst(%dma_wait3A_150 : memref<400x128xf32, #tpu.memory_space<vmem_shared>>)
        tpu.yield
      }) : () -> ()
    } else {
    }
    %barrier3A = arith.constant 0 : index
    tpu.barrier barrier_id(%barrier3A)
    %mul3A_7 = arith.constant 10000 : i32
    %mul3A_8 = arith.muli %add3A, %mul3A_7 : i32
    "tpu.region"() ({
      %run_scoped3A = tpu.sem_alloc : memref<!tpu.dma_semaphore, #tpu.memory_space<semaphore_mem>>
      %dma_start3A_142 = tpu.memref_slice %arg3[%mul3A_8] : memref<320000xi32, #tpu.memory_space<hbm>> -> memref<80xi32, #tpu.memory_space<hbm>>
      %dma_start3A_143 = tpu.memref_slice %arg3[%mul3A_8] : memref<320000xi32, #tpu.memory_space<hbm>> -> memref<80xi32, #tpu.memory_space<hbm>>
      tpu.enqueue_dma source(%dma_start3A_143 : memref<80xi32, #tpu.memory_space<hbm>>) target(%arg7 : memref<80xi32, #tpu.memory_space<vmem>>) target_semaphore(%run_scoped3A : memref<!tpu.dma_semaphore, #tpu.memory_space<semaphore_mem>>)
      %dma_wait3A_144 = tpu.memref_slice %arg3[%mul3A_8] : memref<320000xi32, #tpu.memory_space<hbm>> -> memref<80xi32, #tpu.memory_space<hbm>>
      %dma_wait3A_145 = tpu.memref_slice %arg3[%mul3A_8] : memref<320000xi32, #tpu.memory_space<hbm>> -> memref<80xi32, #tpu.memory_space<hbm>>
      tpu.wait_dma2 semaphore(%run_scoped3A : memref<!tpu.dma_semaphore, #tpu.memory_space<semaphore_mem>>) src(%dma_wait3A_145 : memref<80xi32, #tpu.memory_space<hbm>>) dst(%arg7 : memref<80xi32, #tpu.memory_space<vmem>>)
      tpu.yield
    }) : () -> ()
    "tpu.region"() ({
      %run_scoped3A = tpu.sem_alloc : memref<!tpu.dma_semaphore, #tpu.memory_space<semaphore_mem>>
      %dma_start3A_142 = tpu.memref_slice %arg4[%mul3A_8] : memref<320000xi32, #tpu.memory_space<hbm>> -> memref<80xi32, #tpu.memory_space<hbm>>
      %dma_start3A_143 = tpu.memref_slice %arg4[%mul3A_8] : memref<320000xi32, #tpu.memory_space<hbm>> -> memref<80xi32, #tpu.memory_space<hbm>>
      tpu.enqueue_dma source(%dma_start3A_143 : memref<80xi32, #tpu.memory_space<hbm>>) target(%arg13 : memref<80xi32, #tpu.memory_space<vmem>>) target_semaphore(%run_scoped3A : memref<!tpu.dma_semaphore, #tpu.memory_space<semaphore_mem>>)
      %dma_wait3A_144 = tpu.memref_slice %arg4[%mul3A_8] : memref<320000xi32, #tpu.memory_space<hbm>> -> memref<80xi32, #tpu.memory_space<hbm>>
      %dma_wait3A_145 = tpu.memref_slice %arg4[%mul3A_8] : memref<320000xi32, #tpu.memory_space<hbm>> -> memref<80xi32, #tpu.memory_space<hbm>>
      tpu.wait_dma2 semaphore(%run_scoped3A : memref<!tpu.dma_semaphore, #tpu.memory_space<semaphore_mem>>) src(%dma_wait3A_145 : memref<80xi32, #tpu.memory_space<hbm>>) dst(%arg13 : memref<80xi32, #tpu.memory_space<vmem>>)
      tpu.yield
    }) : () -> ()
    %add3A_9 = arith.constant 80 : i32
    %add3A_10 = arith.addi %mul3A_8, %add3A_9 : i32
    "tpu.region"() ({
      %run_scoped3A = tpu.sem_alloc : memref<!tpu.dma_semaphore, #tpu.memory_space<semaphore_mem>>
      %dma_start3A_142 = tpu.memref_slice %arg3[%add3A_10] : memref<320000xi32, #tpu.memory_space<hbm>> -> memref<80xi32, #tpu.memory_space<hbm>>
      %dma_start3A_143 = tpu.memref_slice %arg3[%add3A_10] : memref<320000xi32, #tpu.memory_space<hbm>> -> memref<80xi32, #tpu.memory_space<hbm>>
      tpu.enqueue_dma source(%dma_start3A_143 : memref<80xi32, #tpu.memory_space<hbm>>) target(%arg8 : memref<80xi32, #tpu.memory_space<vmem>>) target_semaphore(%run_scoped3A : memref<!tpu.dma_semaphore, #tpu.memory_space<semaphore_mem>>)
      %dma_wait3A_144 = tpu.memref_slice %arg3[%add3A_10] : memref<320000xi32, #tpu.memory_space<hbm>> -> memref<80xi32, #tpu.memory_space<hbm>>
      %dma_wait3A_145 = tpu.memref_slice %arg3[%add3A_10] : memref<320000xi32, #tpu.memory_space<hbm>> -> memref<80xi32, #tpu.memory_space<hbm>>
      tpu.wait_dma2 semaphore(%run_scoped3A : memref<!tpu.dma_semaphore, #tpu.memory_space<semaphore_mem>>) src(%dma_wait3A_145 : memref<80xi32, #tpu.memory_space<hbm>>) dst(%arg8 : memref<80xi32, #tpu.memory_space<vmem>>)
      tpu.yield
    }) : () -> ()
    %add3A_11 = arith.constant 80 : i32
    %add3A_12 = arith.addi %mul3A_8, %add3A_11 : i32
    "tpu.region"() ({
      %run_scoped3A = tpu.sem_alloc : memref<!tpu.dma_semaphore, #tpu.memory_space<semaphore_mem>>
      %dma_start3A_142 = tpu.memref_slice %arg4[%add3A_12] : memref<320000xi32, #tpu.memory_space<hbm>> -> memref<80xi32, #tpu.memory_space<hbm>>
      %dma_start3A_143 = tpu.memref_slice %arg4[%add3A_12] : memref<320000xi32, #tpu.memory_space<hbm>> -> memref<80xi32, #tpu.memory_space<hbm>>
      tpu.enqueue_dma source(%dma_start3A_143 : memref<80xi32, #tpu.memory_space<hbm>>) target(%arg14 : memref<80xi32, #tpu.memory_space<vmem>>) target_semaphore(%run_scoped3A : memref<!tpu.dma_semaphore, #tpu.memory_space<semaphore_mem>>)
      %dma_wait3A_144 = tpu.memref_slice %arg4[%add3A_12] : memref<320000xi32, #tpu.memory_space<hbm>> -> memref<80xi32, #tpu.memory_space<hbm>>
      %dma_wait3A_145 = tpu.memref_slice %arg4[%add3A_12] : memref<320000xi32, #tpu.memory_space<hbm>> -> memref<80xi32, #tpu.memory_space<hbm>>
      tpu.wait_dma2 semaphore(%run_scoped3A : memref<!tpu.dma_semaphore, #tpu.memory_space<semaphore_mem>>) src(%dma_wait3A_145 : memref<80xi32, #tpu.memory_space<hbm>>) dst(%arg14 : memref<80xi32, #tpu.memory_space<vmem>>)
      tpu.yield
    }) : () -> ()
    %dma_start3A = arith.constant 0 : i32
    %dma_start3A_13 = arith.constant 0 : i32
    %dma_start3A_14 = tpu.memref_slice %arg2[%dma_start3A, %dma_start3A_13] : memref<10000x128xf32, #tpu.memory_space<hbm>> -> memref<10000x128xf32, #tpu.memory_space<hbm>>
    tpu.enqueue_indirect_dma source(%dma_start3A_14 : memref<10000x128xf32, #tpu.memory_space<hbm>>) target(%arg19 : memref<80x128xf32, #tpu.memory_space<vmem>>) offsets(%arg7 : memref<80xi32, #tpu.memory_space<vmem>>) semaphore(%arg24 : memref<!tpu.dma_semaphore, #tpu.memory_space<semaphore_mem>>)
    %dma_start3A_15 = arith.constant 0 : i32
    %dma_start3A_16 = arith.constant 0 : i32
    %dma_start3A_17 = tpu.memref_slice %arg2[%dma_start3A_15, %dma_start3A_16] : memref<10000x128xf32, #tpu.memory_space<hbm>> -> memref<10000x128xf32, #tpu.memory_space<hbm>>
    tpu.enqueue_indirect_dma source(%dma_start3A_17 : memref<10000x128xf32, #tpu.memory_space<hbm>>) target(%arg20 : memref<80x128xf32, #tpu.memory_space<vmem>>) offsets(%arg8 : memref<80xi32, #tpu.memory_space<vmem>>) semaphore(%arg25 : memref<!tpu.dma_semaphore, #tpu.memory_space<semaphore_mem>>)
    %min3A = arith.constant 2 : i32
    %min3A_18 = arith.constant 124 : i32
    %min3A_19 = arith.minsi %min3A, %min3A_18 : i32
    %mul3A_20 = arith.constant 80 : i32
    %mul3A_21 = arith.muli %min3A_19, %mul3A_20 : i32
    %add3A_22 = arith.addi %mul3A_8, %mul3A_21 : i32
    %dma_start3A_23 = tpu.memref_slice %arg3[%add3A_22] : memref<320000xi32, #tpu.memory_space<hbm>> -> memref<80xi32, #tpu.memory_space<hbm>>
    %dma_start3A_24 = tpu.memref_slice %arg3[%add3A_22] : memref<320000xi32, #tpu.memory_space<hbm>> -> memref<80xi32, #tpu.memory_space<hbm>>
    tpu.enqueue_dma source(%dma_start3A_24 : memref<80xi32, #tpu.memory_space<hbm>>) target(%arg9 : memref<80xi32, #tpu.memory_space<vmem>>) target_semaphore(%arg30 : memref<!tpu.dma_semaphore, #tpu.memory_space<semaphore_mem>>)
    %dma_start3A_25 = tpu.memref_slice %arg4[%add3A_22] : memref<320000xi32, #tpu.memory_space<hbm>> -> memref<80xi32, #tpu.memory_space<hbm>>
    %dma_start3A_26 = tpu.memref_slice %arg4[%add3A_22] : memref<320000xi32, #tpu.memory_space<hbm>> -> memref<80xi32, #tpu.memory_space<hbm>>
    tpu.enqueue_dma source(%dma_start3A_26 : memref<80xi32, #tpu.memory_space<hbm>>) target(%arg15 : memref<80xi32, #tpu.memory_space<vmem>>) target_semaphore(%arg30 : memref<!tpu.dma_semaphore, #tpu.memory_space<semaphore_mem>>)
    %min3A_27 = arith.constant 3 : i32
    %min3A_28 = arith.constant 124 : i32
    %min3A_29 = arith.minsi %min3A_27, %min3A_28 : i32
    %mul3A_30 = arith.constant 80 : i32
    %mul3A_31 = arith.muli %min3A_29, %mul3A_30 : i32
    %add3A_32 = arith.addi %mul3A_8, %mul3A_31 : i32
    %dma_start3A_33 = tpu.memref_slice %arg3[%add3A_32] : memref<320000xi32, #tpu.memory_space<hbm>> -> memref<80xi32, #tpu.memory_space<hbm>>
    %dma_start3A_34 = tpu.memref_slice %arg3[%add3A_32] : memref<320000xi32, #tpu.memory_space<hbm>> -> memref<80xi32, #tpu.memory_space<hbm>>
    tpu.enqueue_dma source(%dma_start3A_34 : memref<80xi32, #tpu.memory_space<hbm>>) target(%arg10 : memref<80xi32, #tpu.memory_space<vmem>>) target_semaphore(%arg31 : memref<!tpu.dma_semaphore, #tpu.memory_space<semaphore_mem>>)
    %dma_start3A_35 = tpu.memref_slice %arg4[%add3A_32] : memref<320000xi32, #tpu.memory_space<hbm>> -> memref<80xi32, #tpu.memory_space<hbm>>
    %dma_start3A_36 = tpu.memref_slice %arg4[%add3A_32] : memref<320000xi32, #tpu.memory_space<hbm>> -> memref<80xi32, #tpu.memory_space<hbm>>
    tpu.enqueue_dma source(%dma_start3A_36 : memref<80xi32, #tpu.memory_space<hbm>>) target(%arg16 : memref<80xi32, #tpu.memory_space<vmem>>) target_semaphore(%arg31 : memref<!tpu.dma_semaphore, #tpu.memory_space<semaphore_mem>>)
    %dma_wait3A = arith.constant 0 : i32
    %dma_wait3A_37 = tpu.memref_slice %arg3[%dma_wait3A] : memref<320000xi32, #tpu.memory_space<hbm>> -> memref<80xi32, #tpu.memory_space<hbm>>
    %dma_wait3A_38 = arith.constant 0 : i32
    %dma_wait3A_39 = tpu.memref_slice %arg3[%dma_wait3A_38] : memref<320000xi32, #tpu.memory_space<hbm>> -> memref<80xi32, #tpu.memory_space<hbm>>
    tpu.wait_dma2 semaphore(%arg30 : memref<!tpu.dma_semaphore, #tpu.memory_space<semaphore_mem>>) src(%dma_wait3A_39 : memref<80xi32, #tpu.memory_space<hbm>>) dst(%arg9 : memref<80xi32, #tpu.memory_space<vmem>>)
    %dma_wait3A_40 = arith.constant 0 : i32
    %dma_wait3A_41 = tpu.memref_slice %arg4[%dma_wait3A_40] : memref<320000xi32, #tpu.memory_space<hbm>> -> memref<80xi32, #tpu.memory_space<hbm>>
    %dma_wait3A_42 = arith.constant 0 : i32
    %dma_wait3A_43 = tpu.memref_slice %arg4[%dma_wait3A_42] : memref<320000xi32, #tpu.memory_space<hbm>> -> memref<80xi32, #tpu.memory_space<hbm>>
    tpu.wait_dma2 semaphore(%arg30 : memref<!tpu.dma_semaphore, #tpu.memory_space<semaphore_mem>>) src(%dma_wait3A_43 : memref<80xi32, #tpu.memory_space<hbm>>) dst(%arg15 : memref<80xi32, #tpu.memory_space<vmem>>)
    %dma_start3A_44 = arith.constant 0 : i32
    %dma_start3A_45 = arith.constant 0 : i32
    %dma_start3A_46 = tpu.memref_slice %arg2[%dma_start3A_44, %dma_start3A_45] : memref<10000x128xf32, #tpu.memory_space<hbm>> -> memref<10000x128xf32, #tpu.memory_space<hbm>>
    tpu.enqueue_indirect_dma source(%dma_start3A_46 : memref<10000x128xf32, #tpu.memory_space<hbm>>) target(%arg21 : memref<80x128xf32, #tpu.memory_space<vmem>>) offsets(%arg9 : memref<80xi32, #tpu.memory_space<vmem>>) semaphore(%arg26 : memref<!tpu.dma_semaphore, #tpu.memory_space<semaphore_mem>>)
    %dma_wait3A_47 = arith.constant 0 : i32
    %dma_wait3A_48 = arith.constant 0 : i32
    %dma_wait3A_49 = tpu.memref_slice %arg2[%dma_wait3A_47, %dma_wait3A_48] : memref<10000x128xf32, #tpu.memory_space<hbm>> -> memref<80x128xf32, #tpu.memory_space<hbm>>
    %dma_wait3A_50 = arith.constant 0 : i32
    %dma_wait3A_51 = arith.constant 0 : i32
    %dma_wait3A_52 = tpu.memref_slice %arg2[%dma_wait3A_50, %dma_wait3A_51] : memref<10000x128xf32, #tpu.memory_space<hbm>> -> memref<80x128xf32, #tpu.memory_space<hbm>>
    tpu.wait_dma2 semaphore(%arg24 : memref<!tpu.dma_semaphore, #tpu.memory_space<semaphore_mem>>) src(%dma_wait3A_52 : memref<80x128xf32, #tpu.memory_space<hbm>>) dst(%arg19 : memref<80x128xf32, #tpu.memory_space<vmem>>)
    "tpu.region"() ({
      %run_scoped3A = tpu.sem_alloc : memref<!tpu.dma_semaphore, #tpu.memory_space<semaphore_mem>>
      %dma_start3A_142 = arith.constant 0 : i32
      %dma_start3A_143 = arith.constant 0 : i32
      %dma_start3A_144 = tpu.memref_slice %arg23[%dma_start3A_142, %dma_start3A_143] : memref<10000x128xf32, #tpu.memory_space<vmem_shared>> -> memref<10000x128xf32, #tpu.memory_space<vmem_shared>>
      tpu.enqueue_indirect_dma source(%arg19 : memref<80x128xf32, #tpu.memory_space<vmem>>) target(%dma_start3A_144 : memref<10000x128xf32, #tpu.memory_space<vmem_shared>>) offsets(%arg13 : memref<80xi32, #tpu.memory_space<vmem>>) semaphore(%run_scoped3A : memref<!tpu.dma_semaphore, #tpu.memory_space<semaphore_mem>>) {add = true}
      %dma_wait3A_145 = arith.constant 0 : i32
      %dma_wait3A_146 = arith.constant 0 : i32
      %dma_wait3A_147 = tpu.memref_slice %arg23[%dma_wait3A_145, %dma_wait3A_146] : memref<10000x128xf32, #tpu.memory_space<vmem_shared>> -> memref<10000x128xf32, #tpu.memory_space<vmem_shared>>
      tpu.wait_indirect_dma semaphore(%run_scoped3A : memref<!tpu.dma_semaphore, #tpu.memory_space<semaphore_mem>>) src(%arg19 : memref<80x128xf32, #tpu.memory_space<vmem>>) dst(%dma_wait3A_147 : memref<10000x128xf32, #tpu.memory_space<vmem_shared>>)
      tpu.yield
    }) : () -> ()
    %min3A_53 = arith.constant 4 : i32
    %min3A_54 = arith.constant 124 : i32
    %min3A_55 = arith.minsi %min3A_53, %min3A_54 : i32
    %mul3A_56 = arith.constant 80 : i32
    %mul3A_57 = arith.muli %min3A_55, %mul3A_56 : i32
    %add3A_58 = arith.addi %mul3A_8, %mul3A_57 : i32
    %dma_start3A_59 = tpu.memref_slice %arg3[%add3A_58] : memref<320000xi32, #tpu.memory_space<hbm>> -> memref<80xi32, #tpu.memory_space<hbm>>
    %dma_start3A_60 = tpu.memref_slice %arg3[%add3A_58] : memref<320000xi32, #tpu.memory_space<hbm>> -> memref<80xi32, #tpu.memory_space<hbm>>
    tpu.enqueue_dma source(%dma_start3A_60 : memref<80xi32, #tpu.memory_space<hbm>>) target(%arg11 : memref<80xi32, #tpu.memory_space<vmem>>) target_semaphore(%arg32 : memref<!tpu.dma_semaphore, #tpu.memory_space<semaphore_mem>>)
    %dma_start3A_61 = tpu.memref_slice %arg4[%add3A_58] : memref<320000xi32, #tpu.memory_space<hbm>> -> memref<80xi32, #tpu.memory_space<hbm>>
    %dma_start3A_62 = tpu.memref_slice %arg4[%add3A_58] : memref<320000xi32, #tpu.memory_space<hbm>> -> memref<80xi32, #tpu.memory_space<hbm>>
    tpu.enqueue_dma source(%dma_start3A_62 : memref<80xi32, #tpu.memory_space<hbm>>) target(%arg17 : memref<80xi32, #tpu.memory_space<vmem>>) target_semaphore(%arg32 : memref<!tpu.dma_semaphore, #tpu.memory_space<semaphore_mem>>)
    %dma_wait3A_63 = arith.constant 0 : i32
    %dma_wait3A_64 = tpu.memref_slice %arg3[%dma_wait3A_63] : memref<320000xi32, #tpu.memory_space<hbm>> -> memref<80xi32, #tpu.memory_space<hbm>>
    %dma_wait3A_65 = arith.constant 0 : i32
    %dma_wait3A_66 = tpu.memref_slice %arg3[%dma_wait3A_65] : memref<320000xi32, #tpu.memory_space<hbm>> -> memref<80xi32, #tpu.memory_space<hbm>>
    tpu.wait_dma2 semaphore(%arg31 : memref<!tpu.dma_semaphore, #tpu.memory_space<semaphore_mem>>) src(%dma_wait3A_66 : memref<80xi32, #tpu.memory_space<hbm>>) dst(%arg10 : memref<80xi32, #tpu.memory_space<vmem>>)
    %dma_wait3A_67 = arith.constant 0 : i32
    %dma_wait3A_68 = tpu.memref_slice %arg4[%dma_wait3A_67] : memref<320000xi32, #tpu.memory_space<hbm>> -> memref<80xi32, #tpu.memory_space<hbm>>
    %dma_wait3A_69 = arith.constant 0 : i32
    %dma_wait3A_70 = tpu.memref_slice %arg4[%dma_wait3A_69] : memref<320000xi32, #tpu.memory_space<hbm>> -> memref<80xi32, #tpu.memory_space<hbm>>
    tpu.wait_dma2 semaphore(%arg31 : memref<!tpu.dma_semaphore, #tpu.memory_space<semaphore_mem>>) src(%dma_wait3A_70 : memref<80xi32, #tpu.memory_space<hbm>>) dst(%arg16 : memref<80xi32, #tpu.memory_space<vmem>>)
    %dma_start3A_71 = arith.constant 0 : i32
    %dma_start3A_72 = arith.constant 0 : i32
    %dma_start3A_73 = tpu.memref_slice %arg2[%dma_start3A_71, %dma_start3A_72] : memref<10000x128xf32, #tpu.memory_space<hbm>> -> memref<10000x128xf32, #tpu.memory_space<hbm>>
    tpu.enqueue_indirect_dma source(%dma_start3A_73 : memref<10000x128xf32, #tpu.memory_space<hbm>>) target(%arg22 : memref<80x128xf32, #tpu.memory_space<vmem>>) offsets(%arg10 : memref<80xi32, #tpu.memory_space<vmem>>) semaphore(%arg27 : memref<!tpu.dma_semaphore, #tpu.memory_space<semaphore_mem>>)
    %dma_wait3A_74 = arith.constant 0 : i32
    %dma_wait3A_75 = arith.constant 0 : i32
    %dma_wait3A_76 = tpu.memref_slice %arg2[%dma_wait3A_74, %dma_wait3A_75] : memref<10000x128xf32, #tpu.memory_space<hbm>> -> memref<80x128xf32, #tpu.memory_space<hbm>>
    %dma_wait3A_77 = arith.constant 0 : i32
    %dma_wait3A_78 = arith.constant 0 : i32
    %dma_wait3A_79 = tpu.memref_slice %arg2[%dma_wait3A_77, %dma_wait3A_78] : memref<10000x128xf32, #tpu.memory_space<hbm>> -> memref<80x128xf32, #tpu.memory_space<hbm>>
    tpu.wait_dma2 semaphore(%arg25 : memref<!tpu.dma_semaphore, #tpu.memory_space<semaphore_mem>>) src(%dma_wait3A_79 : memref<80x128xf32, #tpu.memory_space<hbm>>) dst(%arg20 : memref<80x128xf32, #tpu.memory_space<vmem>>)
    "tpu.region"() ({
      %run_scoped3A = tpu.sem_alloc : memref<!tpu.dma_semaphore, #tpu.memory_space<semaphore_mem>>
      %dma_start3A_142 = arith.constant 0 : i32
      %dma_start3A_143 = arith.constant 0 : i32
      %dma_start3A_144 = tpu.memref_slice %arg23[%dma_start3A_142, %dma_start3A_143] : memref<10000x128xf32, #tpu.memory_space<vmem_shared>> -> memref<10000x128xf32, #tpu.memory_space<vmem_shared>>
      tpu.enqueue_indirect_dma source(%arg20 : memref<80x128xf32, #tpu.memory_space<vmem>>) target(%dma_start3A_144 : memref<10000x128xf32, #tpu.memory_space<vmem_shared>>) offsets(%arg14 : memref<80xi32, #tpu.memory_space<vmem>>) semaphore(%run_scoped3A : memref<!tpu.dma_semaphore, #tpu.memory_space<semaphore_mem>>) {add = true}
      %dma_wait3A_145 = arith.constant 0 : i32
      %dma_wait3A_146 = arith.constant 0 : i32
      %dma_wait3A_147 = tpu.memref_slice %arg23[%dma_wait3A_145, %dma_wait3A_146] : memref<10000x128xf32, #tpu.memory_space<vmem_shared>> -> memref<10000x128xf32, #tpu.memory_space<vmem_shared>>
      tpu.wait_indirect_dma semaphore(%run_scoped3A : memref<!tpu.dma_semaphore, #tpu.memory_space<semaphore_mem>>) src(%arg20 : memref<80x128xf32, #tpu.memory_space<vmem>>) dst(%dma_wait3A_147 : memref<10000x128xf32, #tpu.memory_space<vmem_shared>>)
      tpu.yield
    }) : () -> ()
    %min3A_80 = arith.constant 5 : i32
    %min3A_81 = arith.constant 124 : i32
    %min3A_82 = arith.minsi %min3A_80, %min3A_81 : i32
    %mul3A_83 = arith.constant 80 : i32
    %mul3A_84 = arith.muli %min3A_82, %mul3A_83 : i32
    %add3A_85 = arith.addi %mul3A_8, %mul3A_84 : i32
    %dma_start3A_86 = tpu.memref_slice %arg3[%add3A_85] : memref<320000xi32, #tpu.memory_space<hbm>> -> memref<80xi32, #tpu.memory_space<hbm>>
    %dma_start3A_87 = tpu.memref_slice %arg3[%add3A_85] : memref<320000xi32, #tpu.memory_space<hbm>> -> memref<80xi32, #tpu.memory_space<hbm>>
    tpu.enqueue_dma source(%dma_start3A_87 : memref<80xi32, #tpu.memory_space<hbm>>) target(%arg12 : memref<80xi32, #tpu.memory_space<vmem>>) target_semaphore(%arg33 : memref<!tpu.dma_semaphore, #tpu.memory_space<semaphore_mem>>)
    %dma_start3A_88 = tpu.memref_slice %arg4[%add3A_85] : memref<320000xi32, #tpu.memory_space<hbm>> -> memref<80xi32, #tpu.memory_space<hbm>>
    %dma_start3A_89 = tpu.memref_slice %arg4[%add3A_85] : memref<320000xi32, #tpu.memory_space<hbm>> -> memref<80xi32, #tpu.memory_space<hbm>>
    tpu.enqueue_dma source(%dma_start3A_89 : memref<80xi32, #tpu.memory_space<hbm>>) target(%arg18 : memref<80xi32, #tpu.memory_space<vmem>>) target_semaphore(%arg33 : memref<!tpu.dma_semaphore, #tpu.memory_space<semaphore_mem>>)
    %scan3A = arith.constant 0 : i32
    %scan3A_90 = arith.constant 10 : i32
    %scan3A_91 = arith.addi %scan3A, %scan3A_90 : i32
    %scan3A_92 = arith.constant 1 : i32
    scf.for %scan3A_142 = %scan3A to %scan3A_91 step %scan3A_92  : i32 {
      %mul3A_143 = arith.constant 12 : i32
      %mul3A_144 = arith.muli %scan3A_142, %mul3A_143 : i32
      %add3A_145 = arith.constant 2 : i32
      %add3A_146 = arith.addi %add3A_145, %mul3A_144 : i32
      %add3A_147 = arith.constant 0 : i32
      %add3A_148 = arith.addi %add3A_146, %add3A_147 : i32
      %dma_wait3A_149 = arith.constant 0 : i32
      %dma_wait3A_150 = tpu.memref_slice %arg3[%dma_wait3A_149] : memref<320000xi32, #tpu.memory_space<hbm>> -> memref<80xi32, #tpu.memory_space<hbm>>
      %dma_wait3A_151 = arith.constant 0 : i32
      %dma_wait3A_152 = tpu.memref_slice %arg3[%dma_wait3A_151] : memref<320000xi32, #tpu.memory_space<hbm>> -> memref<80xi32, #tpu.memory_space<hbm>>
      tpu.wait_dma2 semaphore(%arg32 : memref<!tpu.dma_semaphore, #tpu.memory_space<semaphore_mem>>) src(%dma_wait3A_152 : memref<80xi32, #tpu.memory_space<hbm>>) dst(%arg11 : memref<80xi32, #tpu.memory_space<vmem>>)
      %dma_wait3A_153 = arith.constant 0 : i32
      %dma_wait3A_154 = tpu.memref_slice %arg4[%dma_wait3A_153] : memref<320000xi32, #tpu.memory_space<hbm>> -> memref<80xi32, #tpu.memory_space<hbm>>
      %dma_wait3A_155 = arith.constant 0 : i32
      %dma_wait3A_156 = tpu.memref_slice %arg4[%dma_wait3A_155] : memref<320000xi32, #tpu.memory_space<hbm>> -> memref<80xi32, #tpu.memory_space<hbm>>
      tpu.wait_dma2 semaphore(%arg32 : memref<!tpu.dma_semaphore, #tpu.memory_space<semaphore_mem>>) src(%dma_wait3A_156 : memref<80xi32, #tpu.memory_space<hbm>>) dst(%arg17 : memref<80xi32, #tpu.memory_space<vmem>>)
      %dma_start3A_157 = arith.constant 0 : i32
      %dma_start3A_158 = arith.constant 0 : i32
      %dma_start3A_159 = tpu.memref_slice %arg2[%dma_start3A_157, %dma_start3A_158] : memref<10000x128xf32, #tpu.memory_space<hbm>> -> memref<10000x128xf32, #tpu.memory_space<hbm>>
      tpu.enqueue_indirect_dma source(%dma_start3A_159 : memref<10000x128xf32, #tpu.memory_space<hbm>>) target(%arg19 : memref<80x128xf32, #tpu.memory_space<vmem>>) offsets(%arg11 : memref<80xi32, #tpu.memory_space<vmem>>) semaphore(%arg24 : memref<!tpu.dma_semaphore, #tpu.memory_space<semaphore_mem>>)
      %dma_wait3A_160 = arith.constant 0 : i32
      %dma_wait3A_161 = arith.constant 0 : i32
      %dma_wait3A_162 = tpu.memref_slice %arg2[%dma_wait3A_160, %dma_wait3A_161] : memref<10000x128xf32, #tpu.memory_space<hbm>> -> memref<80x128xf32, #tpu.memory_space<hbm>>
      %dma_wait3A_163 = arith.constant 0 : i32
      %dma_wait3A_164 = arith.constant 0 : i32
      %dma_wait3A_165 = tpu.memref_slice %arg2[%dma_wait3A_163, %dma_wait3A_164] : memref<10000x128xf32, #tpu.memory_space<hbm>> -> memref<80x128xf32, #tpu.memory_space<hbm>>
      tpu.wait_dma2 semaphore(%arg26 : memref<!tpu.dma_semaphore, #tpu.memory_space<semaphore_mem>>) src(%dma_wait3A_165 : memref<80x128xf32, #tpu.memory_space<hbm>>) dst(%arg21 : memref<80x128xf32, #tpu.memory_space<vmem>>)
      "tpu.region"() ({
        %run_scoped3A = tpu.sem_alloc : memref<!tpu.dma_semaphore, #tpu.memory_space<semaphore_mem>>
        %dma_start3A_507 = arith.constant 0 : i32
        %dma_start3A_508 = arith.constant 0 : i32
        %dma_start3A_509 = tpu.memref_slice %arg23[%dma_start3A_507, %dma_start3A_508] : memref<10000x128xf32, #tpu.memory_space<vmem_shared>> -> memref<10000x128xf32, #tpu.memory_space<vmem_shared>>
        tpu.enqueue_indirect_dma source(%arg21 : memref<80x128xf32, #tpu.memory_space<vmem>>) target(%dma_start3A_509 : memref<10000x128xf32, #tpu.memory_space<vmem_shared>>) offsets(%arg15 : memref<80xi32, #tpu.memory_space<vmem>>) semaphore(%run_scoped3A : memref<!tpu.dma_semaphore, #tpu.memory_space<semaphore_mem>>) {add = true}
        %dma_wait3A_510 = arith.constant 0 : i32
        %dma_wait3A_511 = arith.constant 0 : i32
        %dma_wait3A_512 = tpu.memref_slice %arg23[%dma_wait3A_510, %dma_wait3A_511] : memref<10000x128xf32, #tpu.memory_space<vmem_shared>> -> memref<10000x128xf32, #tpu.memory_space<vmem_shared>>
        tpu.wait_indirect_dma semaphore(%run_scoped3A : memref<!tpu.dma_semaphore, #tpu.memory_space<semaphore_mem>>) src(%arg21 : memref<80x128xf32, #tpu.memory_space<vmem>>) dst(%dma_wait3A_512 : memref<10000x128xf32, #tpu.memory_space<vmem_shared>>)
        tpu.yield
      }) : () -> ()
      %add3A_166 = arith.constant 4 : i32
      %add3A_167 = arith.addi %add3A_148, %add3A_166 : i32
      %min3A_168 = arith.constant 124 : i32
      %min3A_169 = arith.minsi %add3A_167, %min3A_168 : i32
      %mul3A_170 = arith.constant 80 : i32
      %mul3A_171 = arith.muli %min3A_169, %mul3A_170 : i32
      %add3A_172 = arith.addi %mul3A_8, %mul3A_171 : i32
      %dma_start3A_173 = tpu.memref_slice %arg3[%add3A_172] : memref<320000xi32, #tpu.memory_space<hbm>> -> memref<80xi32, #tpu.memory_space<hbm>>
      %dma_start3A_174 = tpu.memref_slice %arg3[%add3A_172] : memref<320000xi32, #tpu.memory_space<hbm>> -> memref<80xi32, #tpu.memory_space<hbm>>
      tpu.enqueue_dma source(%dma_start3A_174 : memref<80xi32, #tpu.memory_space<hbm>>) target(%arg7 : memref<80xi32, #tpu.memory_space<vmem>>) target_semaphore(%arg28 : memref<!tpu.dma_semaphore, #tpu.memory_space<semaphore_mem>>)
      %dma_start3A_175 = tpu.memref_slice %arg4[%add3A_172] : memref<320000xi32, #tpu.memory_space<hbm>> -> memref<80xi32, #tpu.memory_space<hbm>>
      %dma_start3A_176 = tpu.memref_slice %arg4[%add3A_172] : memref<320000xi32, #tpu.memory_space<hbm>> -> memref<80xi32, #tpu.memory_space<hbm>>
      tpu.enqueue_dma source(%dma_start3A_176 : memref<80xi32, #tpu.memory_space<hbm>>) target(%arg13 : memref<80xi32, #tpu.memory_space<vmem>>) target_semaphore(%arg28 : memref<!tpu.dma_semaphore, #tpu.memory_space<semaphore_mem>>)
      %add3A_177 = arith.constant 1 : i32
      %add3A_178 = arith.addi %add3A_146, %add3A_177 : i32
      %dma_wait3A_179 = arith.constant 0 : i32
      %dma_wait3A_180 = tpu.memref_slice %arg3[%dma_wait3A_179] : memref<320000xi32, #tpu.memory_space<hbm>> -> memref<80xi32, #tpu.memory_space<hbm>>
      %dma_wait3A_181 = arith.constant 0 : i32
      %dma_wait3A_182 = tpu.memref_slice %arg3[%dma_wait3A_181] : memref<320000xi32, #tpu.memory_space<hbm>> -> memref<80xi32, #tpu.memory_space<hbm>>
      tpu.wait_dma2 semaphore(%arg33 : memref<!tpu.dma_semaphore, #tpu.memory_space<semaphore_mem>>) src(%dma_wait3A_182 : memref<80xi32, #tpu.memory_space<hbm>>) dst(%arg12 : memref<80xi32, #tpu.memory_space<vmem>>)
      %dma_wait3A_183 = arith.constant 0 : i32
      %dma_wait3A_184 = tpu.memref_slice %arg4[%dma_wait3A_183] : memref<320000xi32, #tpu.memory_space<hbm>> -> memref<80xi32, #tpu.memory_space<hbm>>
      %dma_wait3A_185 = arith.constant 0 : i32
      %dma_wait3A_186 = tpu.memref_slice %arg4[%dma_wait3A_185] : memref<320000xi32, #tpu.memory_space<hbm>> -> memref<80xi32, #tpu.memory_space<hbm>>
      tpu.wait_dma2 semaphore(%arg33 : memref<!tpu.dma_semaphore, #tpu.memory_space<semaphore_mem>>) src(%dma_wait3A_186 : memref<80xi32, #tpu.memory_space<hbm>>) dst(%arg18 : memref<80xi32, #tpu.memory_space<vmem>>)
      %dma_start3A_187 = arith.constant 0 : i32
      %dma_start3A_188 = arith.constant 0 : i32
      %dma_start3A_189 = tpu.memref_slice %arg2[%dma_start3A_187, %dma_start3A_188] : memref<10000x128xf32, #tpu.memory_space<hbm>> -> memref<10000x128xf32, #tpu.memory_space<hbm>>
      tpu.enqueue_indirect_dma source(%dma_start3A_189 : memref<10000x128xf32, #tpu.memory_space<hbm>>) target(%arg20 : memref<80x128xf32, #tpu.memory_space<vmem>>) offsets(%arg12 : memref<80xi32, #tpu.memory_space<vmem>>) semaphore(%arg25 : memref<!tpu.dma_semaphore, #tpu.memory_space<semaphore_mem>>)
      %dma_wait3A_190 = arith.constant 0 : i32
      %dma_wait3A_191 = arith.constant 0 : i32
      %dma_wait3A_192 = tpu.memref_slice %arg2[%dma_wait3A_190, %dma_wait3A_191] : memref<10000x128xf32, #tpu.memory_space<hbm>> -> memref<80x128xf32, #tpu.memory_space<hbm>>
      %dma_wait3A_193 = arith.constant 0 : i32
      %dma_wait3A_194 = arith.constant 0 : i32
      %dma_wait3A_195 = tpu.memref_slice %arg2[%dma_wait3A_193, %dma_wait3A_194] : memref<10000x128xf32, #tpu.memory_space<hbm>> -> memref<80x128xf32, #tpu.memory_space<hbm>>
      tpu.wait_dma2 semaphore(%arg27 : memref<!tpu.dma_semaphore, #tpu.memory_space<semaphore_mem>>) src(%dma_wait3A_195 : memref<80x128xf32, #tpu.memory_space<hbm>>) dst(%arg22 : memref<80x128xf32, #tpu.memory_space<vmem>>)
      "tpu.region"() ({
        %run_scoped3A = tpu.sem_alloc : memref<!tpu.dma_semaphore, #tpu.memory_space<semaphore_mem>>
        %dma_start3A_507 = arith.constant 0 : i32
        %dma_start3A_508 = arith.constant 0 : i32
        %dma_start3A_509 = tpu.memref_slice %arg23[%dma_start3A_507, %dma_start3A_508] : memref<10000x128xf32, #tpu.memory_space<vmem_shared>> -> memref<10000x128xf32, #tpu.memory_space<vmem_shared>>
        tpu.enqueue_indirect_dma source(%arg22 : memref<80x128xf32, #tpu.memory_space<vmem>>) target(%dma_start3A_509 : memref<10000x128xf32, #tpu.memory_space<vmem_shared>>) offsets(%arg16 : memref<80xi32, #tpu.memory_space<vmem>>) semaphore(%run_scoped3A : memref<!tpu.dma_semaphore, #tpu.memory_space<semaphore_mem>>) {add = true}
        %dma_wait3A_510 = arith.constant 0 : i32
        %dma_wait3A_511 = arith.constant 0 : i32
        %dma_wait3A_512 = tpu.memref_slice %arg23[%dma_wait3A_510, %dma_wait3A_511] : memref<10000x128xf32, #tpu.memory_space<vmem_shared>> -> memref<10000x128xf32, #tpu.memory_space<vmem_shared>>
        tpu.wait_indirect_dma semaphore(%run_scoped3A : memref<!tpu.dma_semaphore, #tpu.memory_space<semaphore_mem>>) src(%arg22 : memref<80x128xf32, #tpu.memory_space<vmem>>) dst(%dma_wait3A_512 : memref<10000x128xf32, #tpu.memory_space<vmem_shared>>)
        tpu.yield
      }) : () -> ()
      %add3A_196 = arith.constant 4 : i32
      %add3A_197 = arith.addi %add3A_178, %add3A_196 : i32
      %min3A_198 = arith.constant 124 : i32
      %min3A_199 = arith.minsi %add3A_197, %min3A_198 : i32
      %mul3A_200 = arith.constant 80 : i32
      %mul3A_201 = arith.muli %min3A_199, %mul3A_200 : i32
      %add3A_202 = arith.addi %mul3A_8, %mul3A_201 : i32
      %dma_start3A_203 = tpu.memref_slice %arg3[%add3A_202] : memref<320000xi32, #tpu.memory_space<hbm>> -> memref<80xi32, #tpu.memory_space<hbm>>
      %dma_start3A_204 = tpu.memref_slice %arg3[%add3A_202] : memref<320000xi32, #tpu.memory_space<hbm>> -> memref<80xi32, #tpu.memory_space<hbm>>
      tpu.enqueue_dma source(%dma_start3A_204 : memref<80xi32, #tpu.memory_space<hbm>>) target(%arg8 : memref<80xi32, #tpu.memory_space<vmem>>) target_semaphore(%arg29 : memref<!tpu.dma_semaphore, #tpu.memory_space<semaphore_mem>>)
      %dma_start3A_205 = tpu.memref_slice %arg4[%add3A_202] : memref<320000xi32, #tpu.memory_space<hbm>> -> memref<80xi32, #tpu.memory_space<hbm>>
      %dma_start3A_206 = tpu.memref_slice %arg4[%add3A_202] : memref<320000xi32, #tpu.memory_space<hbm>> -> memref<80xi32, #tpu.memory_space<hbm>>
      tpu.enqueue_dma source(%dma_start3A_206 : memref<80xi32, #tpu.memory_space<hbm>>) target(%arg14 : memref<80xi32, #tpu.memory_space<vmem>>) target_semaphore(%arg29 : memref<!tpu.dma_semaphore, #tpu.memory_space<semaphore_mem>>)
      %add3A_207 = arith.constant 2 : i32
      %add3A_208 = arith.addi %add3A_146, %add3A_207 : i32
      %dma_wait3A_209 = arith.constant 0 : i32
      %dma_wait3A_210 = tpu.memref_slice %arg3[%dma_wait3A_209] : memref<320000xi32, #tpu.memory_space<hbm>> -> memref<80xi32, #tpu.memory_space<hbm>>
      %dma_wait3A_211 = arith.constant 0 : i32
      %dma_wait3A_212 = tpu.memref_slice %arg3[%dma_wait3A_211] : memref<320000xi32, #tpu.memory_space<hbm>> -> memref<80xi32, #tpu.memory_space<hbm>>
      tpu.wait_dma2 semaphore(%arg28 : memref<!tpu.dma_semaphore, #tpu.memory_space<semaphore_mem>>) src(%dma_wait3A_212 : memref<80xi32, #tpu.memory_space<hbm>>) dst(%arg7 : memref<80xi32, #tpu.memory_space<vmem>>)
      %dma_wait3A_213 = arith.constant 0 : i32
      %dma_wait3A_214 = tpu.memref_slice %arg4[%dma_wait3A_213] : memref<320000xi32, #tpu.memory_space<hbm>> -> memref<80xi32, #tpu.memory_space<hbm>>
      %dma_wait3A_215 = arith.constant 0 : i32
      %dma_wait3A_216 = tpu.memref_slice %arg4[%dma_wait3A_215] : memref<320000xi32, #tpu.memory_space<hbm>> -> memref<80xi32, #tpu.memory_space<hbm>>
      tpu.wait_dma2 semaphore(%arg28 : memref<!tpu.dma_semaphore, #tpu.memory_space<semaphore_mem>>) src(%dma_wait3A_216 : memref<80xi32, #tpu.memory_space<hbm>>) dst(%arg13 : memref<80xi32, #tpu.memory_space<vmem>>)
      %dma_start3A_217 = arith.constant 0 : i32
      %dma_start3A_218 = arith.constant 0 : i32
      %dma_start3A_219 = tpu.memref_slice %arg2[%dma_start3A_217, %dma_start3A_218] : memref<10000x128xf32, #tpu.memory_space<hbm>> -> memref<10000x128xf32, #tpu.memory_space<hbm>>
      tpu.enqueue_indirect_dma source(%dma_start3A_219 : memref<10000x128xf32, #tpu.memory_space<hbm>>) target(%arg21 : memref<80x128xf32, #tpu.memory_space<vmem>>) offsets(%arg7 : memref<80xi32, #tpu.memory_space<vmem>>) semaphore(%arg26 : memref<!tpu.dma_semaphore, #tpu.memory_space<semaphore_mem>>)
      %dma_wait3A_220 = arith.constant 0 : i32
      %dma_wait3A_221 = arith.constant 0 : i32
      %dma_wait3A_222 = tpu.memref_slice %arg2[%dma_wait3A_220, %dma_wait3A_221] : memref<10000x128xf32, #tpu.memory_space<hbm>> -> memref<80x128xf32, #tpu.memory_space<hbm>>
      %dma_wait3A_223 = arith.constant 0 : i32
      %dma_wait3A_224 = arith.constant 0 : i32
      %dma_wait3A_225 = tpu.memref_slice %arg2[%dma_wait3A_223, %dma_wait3A_224] : memref<10000x128xf32, #tpu.memory_space<hbm>> -> memref<80x128xf32, #tpu.memory_space<hbm>>
      tpu.wait_dma2 semaphore(%arg24 : memref<!tpu.dma_semaphore, #tpu.memory_space<semaphore_mem>>) src(%dma_wait3A_225 : memref<80x128xf32, #tpu.memory_space<hbm>>) dst(%arg19 : memref<80x128xf32, #tpu.memory_space<vmem>>)
      "tpu.region"() ({
        %run_scoped3A = tpu.sem_alloc : memref<!tpu.dma_semaphore, #tpu.memory_space<semaphore_mem>>
        %dma_start3A_507 = arith.constant 0 : i32
        %dma_start3A_508 = arith.constant 0 : i32
        %dma_start3A_509 = tpu.memref_slice %arg23[%dma_start3A_507, %dma_start3A_508] : memref<10000x128xf32, #tpu.memory_space<vmem_shared>> -> memref<10000x128xf32, #tpu.memory_space<vmem_shared>>
        tpu.enqueue_indirect_dma source(%arg19 : memref<80x128xf32, #tpu.memory_space<vmem>>) target(%dma_start3A_509 : memref<10000x128xf32, #tpu.memory_space<vmem_shared>>) offsets(%arg17 : memref<80xi32, #tpu.memory_space<vmem>>) semaphore(%run_scoped3A : memref<!tpu.dma_semaphore, #tpu.memory_space<semaphore_mem>>) {add = true}
        %dma_wait3A_510 = arith.constant 0 : i32
        %dma_wait3A_511 = arith.constant 0 : i32
        %dma_wait3A_512 = tpu.memref_slice %arg23[%dma_wait3A_510, %dma_wait3A_511] : memref<10000x128xf32, #tpu.memory_space<vmem_shared>> -> memref<10000x128xf32, #tpu.memory_space<vmem_shared>>
        tpu.wait_indirect_dma semaphore(%run_scoped3A : memref<!tpu.dma_semaphore, #tpu.memory_space<semaphore_mem>>) src(%arg19 : memref<80x128xf32, #tpu.memory_space<vmem>>) dst(%dma_wait3A_512 : memref<10000x128xf32, #tpu.memory_space<vmem_shared>>)
        tpu.yield
      }) : () -> ()
      %add3A_226 = arith.constant 4 : i32
      %add3A_227 = arith.addi %add3A_208, %add3A_226 : i32
      %min3A_228 = arith.constant 124 : i32
      %min3A_229 = arith.minsi %add3A_227, %min3A_228 : i32
      %mul3A_230 = arith.constant 80 : i32
      %mul3A_231 = arith.muli %min3A_229, %mul3A_230 : i32
      %add3A_232 = arith.addi %mul3A_8, %mul3A_231 : i32
      %dma_start3A_233 = tpu.memref_slice %arg3[%add3A_232] : memref<320000xi32, #tpu.memory_space<hbm>> -> memref<80xi32, #tpu.memory_space<hbm>>
      %dma_start3A_234 = tpu.memref_slice %arg3[%add3A_232] : memref<320000xi32, #tpu.memory_space<hbm>> -> memref<80xi32, #tpu.memory_space<hbm>>
      tpu.enqueue_dma source(%dma_start3A_234 : memref<80xi32, #tpu.memory_space<hbm>>) target(%arg9 : memref<80xi32, #tpu.memory_space<vmem>>) target_semaphore(%arg30 : memref<!tpu.dma_semaphore, #tpu.memory_space<semaphore_mem>>)
      %dma_start3A_235 = tpu.memref_slice %arg4[%add3A_232] : memref<320000xi32, #tpu.memory_space<hbm>> -> memref<80xi32, #tpu.memory_space<hbm>>
      %dma_start3A_236 = tpu.memref_slice %arg4[%add3A_232] : memref<320000xi32, #tpu.memory_space<hbm>> -> memref<80xi32, #tpu.memory_space<hbm>>
      tpu.enqueue_dma source(%dma_start3A_236 : memref<80xi32, #tpu.memory_space<hbm>>) target(%arg15 : memref<80xi32, #tpu.memory_space<vmem>>) target_semaphore(%arg30 : memref<!tpu.dma_semaphore, #tpu.memory_space<semaphore_mem>>)
      %add3A_237 = arith.constant 3 : i32
      %add3A_238 = arith.addi %add3A_146, %add3A_237 : i32
      %dma_wait3A_239 = arith.constant 0 : i32
      %dma_wait3A_240 = tpu.memref_slice %arg3[%dma_wait3A_239] : memref<320000xi32, #tpu.memory_space<hbm>> -> memref<80xi32, #tpu.memory_space<hbm>>
      %dma_wait3A_241 = arith.constant 0 : i32
      %dma_wait3A_242 = tpu.memref_slice %arg3[%dma_wait3A_241] : memref<320000xi32, #tpu.memory_space<hbm>> -> memref<80xi32, #tpu.memory_space<hbm>>
      tpu.wait_dma2 semaphore(%arg29 : memref<!tpu.dma_semaphore, #tpu.memory_space<semaphore_mem>>) src(%dma_wait3A_242 : memref<80xi32, #tpu.memory_space<hbm>>) dst(%arg8 : memref<80xi32, #tpu.memory_space<vmem>>)
      %dma_wait3A_243 = arith.constant 0 : i32
      %dma_wait3A_244 = tpu.memref_slice %arg4[%dma_wait3A_243] : memref<320000xi32, #tpu.memory_space<hbm>> -> memref<80xi32, #tpu.memory_space<hbm>>
      %dma_wait3A_245 = arith.constant 0 : i32
      %dma_wait3A_246 = tpu.memref_slice %arg4[%dma_wait3A_245] : memref<320000xi32, #tpu.memory_space<hbm>> -> memref<80xi32, #tpu.memory_space<hbm>>
      tpu.wait_dma2 semaphore(%arg29 : memref<!tpu.dma_semaphore, #tpu.memory_space<semaphore_mem>>) src(%dma_wait3A_246 : memref<80xi32, #tpu.memory_space<hbm>>) dst(%arg14 : memref<80xi32, #tpu.memory_space<vmem>>)
      %dma_start3A_247 = arith.constant 0 : i32
      %dma_start3A_248 = arith.constant 0 : i32
      %dma_start3A_249 = tpu.memref_slice %arg2[%dma_start3A_247, %dma_start3A_248] : memref<10000x128xf32, #tpu.memory_space<hbm>> -> memref<10000x128xf32, #tpu.memory_space<hbm>>
      tpu.enqueue_indirect_dma source(%dma_start3A_249 : memref<10000x128xf32, #tpu.memory_space<hbm>>) target(%arg22 : memref<80x128xf32, #tpu.memory_space<vmem>>) offsets(%arg8 : memref<80xi32, #tpu.memory_space<vmem>>) semaphore(%arg27 : memref<!tpu.dma_semaphore, #tpu.memory_space<semaphore_mem>>)
      %dma_wait3A_250 = arith.constant 0 : i32
      %dma_wait3A_251 = arith.constant 0 : i32
      %dma_wait3A_252 = tpu.memref_slice %arg2[%dma_wait3A_250, %dma_wait3A_251] : memref<10000x128xf32, #tpu.memory_space<hbm>> -> memref<80x128xf32, #tpu.memory_space<hbm>>
      %dma_wait3A_253 = arith.constant 0 : i32
      %dma_wait3A_254 = arith.constant 0 : i32
      %dma_wait3A_255 = tpu.memref_slice %arg2[%dma_wait3A_253, %dma_wait3A_254] : memref<10000x128xf32, #tpu.memory_space<hbm>> -> memref<80x128xf32, #tpu.memory_space<hbm>>
      tpu.wait_dma2 semaphore(%arg25 : memref<!tpu.dma_semaphore, #tpu.memory_space<semaphore_mem>>) src(%dma_wait3A_255 : memref<80x128xf32, #tpu.memory_space<hbm>>) dst(%arg20 : memref<80x128xf32, #tpu.memory_space<vmem>>)
      "tpu.region"() ({
        %run_scoped3A = tpu.sem_alloc : memref<!tpu.dma_semaphore, #tpu.memory_space<semaphore_mem>>
        %dma_start3A_507 = arith.constant 0 : i32
        %dma_start3A_508 = arith.constant 0 : i32
        %dma_start3A_509 = tpu.memref_slice %arg23[%dma_start3A_507, %dma_start3A_508] : memref<10000x128xf32, #tpu.memory_space<vmem_shared>> -> memref<10000x128xf32, #tpu.memory_space<vmem_shared>>
        tpu.enqueue_indirect_dma source(%arg20 : memref<80x128xf32, #tpu.memory_space<vmem>>) target(%dma_start3A_509 : memref<10000x128xf32, #tpu.memory_space<vmem_shared>>) offsets(%arg18 : memref<80xi32, #tpu.memory_space<vmem>>) semaphore(%run_scoped3A : memref<!tpu.dma_semaphore, #tpu.memory_space<semaphore_mem>>) {add = true}
        %dma_wait3A_510 = arith.constant 0 : i32
        %dma_wait3A_511 = arith.constant 0 : i32
        %dma_wait3A_512 = tpu.memref_slice %arg23[%dma_wait3A_510, %dma_wait3A_511] : memref<10000x128xf32, #tpu.memory_space<vmem_shared>> -> memref<10000x128xf32, #tpu.memory_space<vmem_shared>>
        tpu.wait_indirect_dma semaphore(%run_scoped3A : memref<!tpu.dma_semaphore, #tpu.memory_space<semaphore_mem>>) src(%arg20 : memref<80x128xf32, #tpu.memory_space<vmem>>) dst(%dma_wait3A_512 : memref<10000x128xf32, #tpu.memory_space<vmem_shared>>)
        tpu.yield
      }) : () -> ()
      %add3A_256 = arith.constant 4 : i32
      %add3A_257 = arith.addi %add3A_238, %add3A_256 : i32
      %min3A_258 = arith.constant 124 : i32
      %min3A_259 = arith.minsi %add3A_257, %min3A_258 : i32
      %mul3A_260 = arith.constant 80 : i32
      %mul3A_261 = arith.muli %min3A_259, %mul3A_260 : i32
      %add3A_262 = arith.addi %mul3A_8, %mul3A_261 : i32
      %dma_start3A_263 = tpu.memref_slice %arg3[%add3A_262] : memref<320000xi32, #tpu.memory_space<hbm>> -> memref<80xi32, #tpu.memory_space<hbm>>
      %dma_start3A_264 = tpu.memref_slice %arg3[%add3A_262] : memref<320000xi32, #tpu.memory_space<hbm>> -> memref<80xi32, #tpu.memory_space<hbm>>
      tpu.enqueue_dma source(%dma_start3A_264 : memref<80xi32, #tpu.memory_space<hbm>>) target(%arg10 : memref<80xi32, #tpu.memory_space<vmem>>) target_semaphore(%arg31 : memref<!tpu.dma_semaphore, #tpu.memory_space<semaphore_mem>>)
      %dma_start3A_265 = tpu.memref_slice %arg4[%add3A_262] : memref<320000xi32, #tpu.memory_space<hbm>> -> memref<80xi32, #tpu.memory_space<hbm>>
      %dma_start3A_266 = tpu.memref_slice %arg4[%add3A_262] : memref<320000xi32, #tpu.memory_space<hbm>> -> memref<80xi32, #tpu.memory_space<hbm>>
      tpu.enqueue_dma source(%dma_start3A_266 : memref<80xi32, #tpu.memory_space<hbm>>) target(%arg16 : memref<80xi32, #tpu.memory_space<vmem>>) target_semaphore(%arg31 : memref<!tpu.dma_semaphore, #tpu.memory_space<semaphore_mem>>)
      %add3A_267 = arith.constant 4 : i32
      %add3A_268 = arith.addi %add3A_146, %add3A_267 : i32
      %dma_wait3A_269 = arith.constant 0 : i32
      %dma_wait3A_270 = tpu.memref_slice %arg3[%dma_wait3A_269] : memref<320000xi32, #tpu.memory_space<hbm>> -> memref<80xi32, #tpu.memory_space<hbm>>
      %dma_wait3A_271 = arith.constant 0 : i32
      %dma_wait3A_272 = tpu.memref_slice %arg3[%dma_wait3A_271] : memref<320000xi32, #tpu.memory_space<hbm>> -> memref<80xi32, #tpu.memory_space<hbm>>
      tpu.wait_dma2 semaphore(%arg30 : memref<!tpu.dma_semaphore, #tpu.memory_space<semaphore_mem>>) src(%dma_wait3A_272 : memref<80xi32, #tpu.memory_space<hbm>>) dst(%arg9 : memref<80xi32, #tpu.memory_space<vmem>>)
      %dma_wait3A_273 = arith.constant 0 : i32
      %dma_wait3A_274 = tpu.memref_slice %arg4[%dma_wait3A_273] : memref<320000xi32, #tpu.memory_space<hbm>> -> memref<80xi32, #tpu.memory_space<hbm>>
      %dma_wait3A_275 = arith.constant 0 : i32
      %dma_wait3A_276 = tpu.memref_slice %arg4[%dma_wait3A_275] : memref<320000xi32, #tpu.memory_space<hbm>> -> memref<80xi32, #tpu.memory_space<hbm>>
      tpu.wait_dma2 semaphore(%arg30 : memref<!tpu.dma_semaphore, #tpu.memory_space<semaphore_mem>>) src(%dma_wait3A_276 : memref<80xi32, #tpu.memory_space<hbm>>) dst(%arg15 : memref<80xi32, #tpu.memory_space<vmem>>)
      %dma_start3A_277 = arith.constant 0 : i32
      %dma_start3A_278 = arith.constant 0 : i32
      %dma_start3A_279 = tpu.memref_slice %arg2[%dma_start3A_277, %dma_start3A_278] : memref<10000x128xf32, #tpu.memory_space<hbm>> -> memref<10000x128xf32, #tpu.memory_space<hbm>>
      tpu.enqueue_indirect_dma source(%dma_start3A_279 : memref<10000x128xf32, #tpu.memory_space<hbm>>) target(%arg19 : memref<80x128xf32, #tpu.memory_space<vmem>>) offsets(%arg9 : memref<80xi32, #tpu.memory_space<vmem>>) semaphore(%arg24 : memref<!tpu.dma_semaphore, #tpu.memory_space<semaphore_mem>>)
      %dma_wait3A_280 = arith.constant 0 : i32
      %dma_wait3A_281 = arith.constant 0 : i32
      %dma_wait3A_282 = tpu.memref_slice %arg2[%dma_wait3A_280, %dma_wait3A_281] : memref<10000x128xf32, #tpu.memory_space<hbm>> -> memref<80x128xf32, #tpu.memory_space<hbm>>
      %dma_wait3A_283 = arith.constant 0 : i32
      %dma_wait3A_284 = arith.constant 0 : i32
      %dma_wait3A_285 = tpu.memref_slice %arg2[%dma_wait3A_283, %dma_wait3A_284] : memref<10000x128xf32, #tpu.memory_space<hbm>> -> memref<80x128xf32, #tpu.memory_space<hbm>>
      tpu.wait_dma2 semaphore(%arg26 : memref<!tpu.dma_semaphore, #tpu.memory_space<semaphore_mem>>) src(%dma_wait3A_285 : memref<80x128xf32, #tpu.memory_space<hbm>>) dst(%arg21 : memref<80x128xf32, #tpu.memory_space<vmem>>)
      "tpu.region"() ({
        %run_scoped3A = tpu.sem_alloc : memref<!tpu.dma_semaphore, #tpu.memory_space<semaphore_mem>>
        %dma_start3A_507 = arith.constant 0 : i32
        %dma_start3A_508 = arith.constant 0 : i32
        %dma_start3A_509 = tpu.memref_slice %arg23[%dma_start3A_507, %dma_start3A_508] : memref<10000x128xf32, #tpu.memory_space<vmem_shared>> -> memref<10000x128xf32, #tpu.memory_space<vmem_shared>>
        tpu.enqueue_indirect_dma source(%arg21 : memref<80x128xf32, #tpu.memory_space<vmem>>) target(%dma_start3A_509 : memref<10000x128xf32, #tpu.memory_space<vmem_shared>>) offsets(%arg13 : memref<80xi32, #tpu.memory_space<vmem>>) semaphore(%run_scoped3A : memref<!tpu.dma_semaphore, #tpu.memory_space<semaphore_mem>>) {add = true}
        %dma_wait3A_510 = arith.constant 0 : i32
        %dma_wait3A_511 = arith.constant 0 : i32
        %dma_wait3A_512 = tpu.memref_slice %arg23[%dma_wait3A_510, %dma_wait3A_511] : memref<10000x128xf32, #tpu.memory_space<vmem_shared>> -> memref<10000x128xf32, #tpu.memory_space<vmem_shared>>
        tpu.wait_indirect_dma semaphore(%run_scoped3A : memref<!tpu.dma_semaphore, #tpu.memory_space<semaphore_mem>>) src(%arg21 : memref<80x128xf32, #tpu.memory_space<vmem>>) dst(%dma_wait3A_512 : memref<10000x128xf32, #tpu.memory_space<vmem_shared>>)
        tpu.yield
      }) : () -> ()
      %add3A_286 = arith.constant 4 : i32
      %add3A_287 = arith.addi %add3A_268, %add3A_286 : i32
      %min3A_288 = arith.constant 124 : i32
      %min3A_289 = arith.minsi %add3A_287, %min3A_288 : i32
      %mul3A_290 = arith.constant 80 : i32
      %mul3A_291 = arith.muli %min3A_289, %mul3A_290 : i32
      %add3A_292 = arith.addi %mul3A_8, %mul3A_291 : i32
      %dma_start3A_293 = tpu.memref_slice %arg3[%add3A_292] : memref<320000xi32, #tpu.memory_space<hbm>> -> memref<80xi32, #tpu.memory_space<hbm>>
      %dma_start3A_294 = tpu.memref_slice %arg3[%add3A_292] : memref<320000xi32, #tpu.memory_space<hbm>> -> memref<80xi32, #tpu.memory_space<hbm>>
      tpu.enqueue_dma source(%dma_start3A_294 : memref<80xi32, #tpu.memory_space<hbm>>) target(%arg11 : memref<80xi32, #tpu.memory_space<vmem>>) target_semaphore(%arg32 : memref<!tpu.dma_semaphore, #tpu.memory_space<semaphore_mem>>)
      %dma_start3A_295 = tpu.memref_slice %arg4[%add3A_292] : memref<320000xi32, #tpu.memory_space<hbm>> -> memref<80xi32, #tpu.memory_space<hbm>>
      %dma_start3A_296 = tpu.memref_slice %arg4[%add3A_292] : memref<320000xi32, #tpu.memory_space<hbm>> -> memref<80xi32, #tpu.memory_space<hbm>>
      tpu.enqueue_dma source(%dma_start3A_296 : memref<80xi32, #tpu.memory_space<hbm>>) target(%arg17 : memref<80xi32, #tpu.memory_space<vmem>>) target_semaphore(%arg32 : memref<!tpu.dma_semaphore, #tpu.memory_space<semaphore_mem>>)
      %add3A_297 = arith.constant 5 : i32
      %add3A_298 = arith.addi %add3A_146, %add3A_297 : i32
      %dma_wait3A_299 = arith.constant 0 : i32
      %dma_wait3A_300 = tpu.memref_slice %arg3[%dma_wait3A_299] : memref<320000xi32, #tpu.memory_space<hbm>> -> memref<80xi32, #tpu.memory_space<hbm>>
      %dma_wait3A_301 = arith.constant 0 : i32
      %dma_wait3A_302 = tpu.memref_slice %arg3[%dma_wait3A_301] : memref<320000xi32, #tpu.memory_space<hbm>> -> memref<80xi32, #tpu.memory_space<hbm>>
      tpu.wait_dma2 semaphore(%arg31 : memref<!tpu.dma_semaphore, #tpu.memory_space<semaphore_mem>>) src(%dma_wait3A_302 : memref<80xi32, #tpu.memory_space<hbm>>) dst(%arg10 : memref<80xi32, #tpu.memory_space<vmem>>)
      %dma_wait3A_303 = arith.constant 0 : i32
      %dma_wait3A_304 = tpu.memref_slice %arg4[%dma_wait3A_303] : memref<320000xi32, #tpu.memory_space<hbm>> -> memref<80xi32, #tpu.memory_space<hbm>>
      %dma_wait3A_305 = arith.constant 0 : i32
      %dma_wait3A_306 = tpu.memref_slice %arg4[%dma_wait3A_305] : memref<320000xi32, #tpu.memory_space<hbm>> -> memref<80xi32, #tpu.memory_space<hbm>>
      tpu.wait_dma2 semaphore(%arg31 : memref<!tpu.dma_semaphore, #tpu.memory_space<semaphore_mem>>) src(%dma_wait3A_306 : memref<80xi32, #tpu.memory_space<hbm>>) dst(%arg16 : memref<80xi32, #tpu.memory_space<vmem>>)
      %dma_start3A_307 = arith.constant 0 : i32
      %dma_start3A_308 = arith.constant 0 : i32
      %dma_start3A_309 = tpu.memref_slice %arg2[%dma_start3A_307, %dma_start3A_308] : memref<10000x128xf32, #tpu.memory_space<hbm>> -> memref<10000x128xf32, #tpu.memory_space<hbm>>
      tpu.enqueue_indirect_dma source(%dma_start3A_309 : memref<10000x128xf32, #tpu.memory_space<hbm>>) target(%arg20 : memref<80x128xf32, #tpu.memory_space<vmem>>) offsets(%arg10 : memref<80xi32, #tpu.memory_space<vmem>>) semaphore(%arg25 : memref<!tpu.dma_semaphore, #tpu.memory_space<semaphore_mem>>)
      %dma_wait3A_310 = arith.constant 0 : i32
      %dma_wait3A_311 = arith.constant 0 : i32
      %dma_wait3A_312 = tpu.memref_slice %arg2[%dma_wait3A_310, %dma_wait3A_311] : memref<10000x128xf32, #tpu.memory_space<hbm>> -> memref<80x128xf32, #tpu.memory_space<hbm>>
      %dma_wait3A_313 = arith.constant 0 : i32
      %dma_wait3A_314 = arith.constant 0 : i32
      %dma_wait3A_315 = tpu.memref_slice %arg2[%dma_wait3A_313, %dma_wait3A_314] : memref<10000x128xf32, #tpu.memory_space<hbm>> -> memref<80x128xf32, #tpu.memory_space<hbm>>
      tpu.wait_dma2 semaphore(%arg27 : memref<!tpu.dma_semaphore, #tpu.memory_space<semaphore_mem>>) src(%dma_wait3A_315 : memref<80x128xf32, #tpu.memory_space<hbm>>) dst(%arg22 : memref<80x128xf32, #tpu.memory_space<vmem>>)
      "tpu.region"() ({
        %run_scoped3A = tpu.sem_alloc : memref<!tpu.dma_semaphore, #tpu.memory_space<semaphore_mem>>
        %dma_start3A_507 = arith.constant 0 : i32
        %dma_start3A_508 = arith.constant 0 : i32
        %dma_start3A_509 = tpu.memref_slice %arg23[%dma_start3A_507, %dma_start3A_508] : memref<10000x128xf32, #tpu.memory_space<vmem_shared>> -> memref<10000x128xf32, #tpu.memory_space<vmem_shared>>
        tpu.enqueue_indirect_dma source(%arg22 : memref<80x128xf32, #tpu.memory_space<vmem>>) target(%dma_start3A_509 : memref<10000x128xf32, #tpu.memory_space<vmem_shared>>) offsets(%arg14 : memref<80xi32, #tpu.memory_space<vmem>>) semaphore(%run_scoped3A : memref<!tpu.dma_semaphore, #tpu.memory_space<semaphore_mem>>) {add = true}
        %dma_wait3A_510 = arith.constant 0 : i32
        %dma_wait3A_511 = arith.constant 0 : i32
        %dma_wait3A_512 = tpu.memref_slice %arg23[%dma_wait3A_510, %dma_wait3A_511] : memref<10000x128xf32, #tpu.memory_space<vmem_shared>> -> memref<10000x128xf32, #tpu.memory_space<vmem_shared>>
        tpu.wait_indirect_dma semaphore(%run_scoped3A : memref<!tpu.dma_semaphore, #tpu.memory_space<semaphore_mem>>) src(%arg22 : memref<80x128xf32, #tpu.memory_space<vmem>>) dst(%dma_wait3A_512 : memref<10000x128xf32, #tpu.memory_space<vmem_shared>>)
        tpu.yield
      }) : () -> ()
      %add3A_316 = arith.constant 4 : i32
      %add3A_317 = arith.addi %add3A_298, %add3A_316 : i32
      %min3A_318 = arith.constant 124 : i32
      %min3A_319 = arith.minsi %add3A_317, %min3A_318 : i32
      %mul3A_320 = arith.constant 80 : i32
      %mul3A_321 = arith.muli %min3A_319, %mul3A_320 : i32
      %add3A_322 = arith.addi %mul3A_8, %mul3A_321 : i32
      %dma_start3A_323 = tpu.memref_slice %arg3[%add3A_322] : memref<320000xi32, #tpu.memory_space<hbm>> -> memref<80xi32, #tpu.memory_space<hbm>>
      %dma_start3A_324 = tpu.memref_slice %arg3[%add3A_322] : memref<320000xi32, #tpu.memory_space<hbm>> -> memref<80xi32, #tpu.memory_space<hbm>>
      tpu.enqueue_dma source(%dma_start3A_324 : memref<80xi32, #tpu.memory_space<hbm>>) target(%arg12 : memref<80xi32, #tpu.memory_space<vmem>>) target_semaphore(%arg33 : memref<!tpu.dma_semaphore, #tpu.memory_space<semaphore_mem>>)
      %dma_start3A_325 = tpu.memref_slice %arg4[%add3A_322] : memref<320000xi32, #tpu.memory_space<hbm>> -> memref<80xi32, #tpu.memory_space<hbm>>
      %dma_start3A_326 = tpu.memref_slice %arg4[%add3A_322] : memref<320000xi32, #tpu.memory_space<hbm>> -> memref<80xi32, #tpu.memory_space<hbm>>
      tpu.enqueue_dma source(%dma_start3A_326 : memref<80xi32, #tpu.memory_space<hbm>>) target(%arg18 : memref<80xi32, #tpu.memory_space<vmem>>) target_semaphore(%arg33 : memref<!tpu.dma_semaphore, #tpu.memory_space<semaphore_mem>>)
      %add3A_327 = arith.constant 6 : i32
      %add3A_328 = arith.addi %add3A_146, %add3A_327 : i32
      %dma_wait3A_329 = arith.constant 0 : i32
      %dma_wait3A_330 = tpu.memref_slice %arg3[%dma_wait3A_329] : memref<320000xi32, #tpu.memory_space<hbm>> -> memref<80xi32, #tpu.memory_space<hbm>>
      %dma_wait3A_331 = arith.constant 0 : i32
      %dma_wait3A_332 = tpu.memref_slice %arg3[%dma_wait3A_331] : memref<320000xi32, #tpu.memory_space<hbm>> -> memref<80xi32, #tpu.memory_space<hbm>>
      tpu.wait_dma2 semaphore(%arg32 : memref<!tpu.dma_semaphore, #tpu.memory_space<semaphore_mem>>) src(%dma_wait3A_332 : memref<80xi32, #tpu.memory_space<hbm>>) dst(%arg11 : memref<80xi32, #tpu.memory_space<vmem>>)
      %dma_wait3A_333 = arith.constant 0 : i32
      %dma_wait3A_334 = tpu.memref_slice %arg4[%dma_wait3A_333] : memref<320000xi32, #tpu.memory_space<hbm>> -> memref<80xi32, #tpu.memory_space<hbm>>
      %dma_wait3A_335 = arith.constant 0 : i32
      %dma_wait3A_336 = tpu.memref_slice %arg4[%dma_wait3A_335] : memref<320000xi32, #tpu.memory_space<hbm>> -> memref<80xi32, #tpu.memory_space<hbm>>
      tpu.wait_dma2 semaphore(%arg32 : memref<!tpu.dma_semaphore, #tpu.memory_space<semaphore_mem>>) src(%dma_wait3A_336 : memref<80xi32, #tpu.memory_space<hbm>>) dst(%arg17 : memref<80xi32, #tpu.memory_space<vmem>>)
      %dma_start3A_337 = arith.constant 0 : i32
      %dma_start3A_338 = arith.constant 0 : i32
      %dma_start3A_339 = tpu.memref_slice %arg2[%dma_start3A_337, %dma_start3A_338] : memref<10000x128xf32, #tpu.memory_space<hbm>> -> memref<10000x128xf32, #tpu.memory_space<hbm>>
      tpu.enqueue_indirect_dma source(%dma_start3A_339 : memref<10000x128xf32, #tpu.memory_space<hbm>>) target(%arg21 : memref<80x128xf32, #tpu.memory_space<vmem>>) offsets(%arg11 : memref<80xi32, #tpu.memory_space<vmem>>) semaphore(%arg26 : memref<!tpu.dma_semaphore, #tpu.memory_space<semaphore_mem>>)
      %dma_wait3A_340 = arith.constant 0 : i32
      %dma_wait3A_341 = arith.constant 0 : i32
      %dma_wait3A_342 = tpu.memref_slice %arg2[%dma_wait3A_340, %dma_wait3A_341] : memref<10000x128xf32, #tpu.memory_space<hbm>> -> memref<80x128xf32, #tpu.memory_space<hbm>>
      %dma_wait3A_343 = arith.constant 0 : i32
      %dma_wait3A_344 = arith.constant 0 : i32
      %dma_wait3A_345 = tpu.memref_slice %arg2[%dma_wait3A_343, %dma_wait3A_344] : memref<10000x128xf32, #tpu.memory_space<hbm>> -> memref<80x128xf32, #tpu.memory_space<hbm>>
      tpu.wait_dma2 semaphore(%arg24 : memref<!tpu.dma_semaphore, #tpu.memory_space<semaphore_mem>>) src(%dma_wait3A_345 : memref<80x128xf32, #tpu.memory_space<hbm>>) dst(%arg19 : memref<80x128xf32, #tpu.memory_space<vmem>>)
      "tpu.region"() ({
        %run_scoped3A = tpu.sem_alloc : memref<!tpu.dma_semaphore, #tpu.memory_space<semaphore_mem>>
        %dma_start3A_507 = arith.constant 0 : i32
        %dma_start3A_508 = arith.constant 0 : i32
        %dma_start3A_509 = tpu.memref_slice %arg23[%dma_start3A_507, %dma_start3A_508] : memref<10000x128xf32, #tpu.memory_space<vmem_shared>> -> memref<10000x128xf32, #tpu.memory_space<vmem_shared>>
        tpu.enqueue_indirect_dma source(%arg19 : memref<80x128xf32, #tpu.memory_space<vmem>>) target(%dma_start3A_509 : memref<10000x128xf32, #tpu.memory_space<vmem_shared>>) offsets(%arg15 : memref<80xi32, #tpu.memory_space<vmem>>) semaphore(%run_scoped3A : memref<!tpu.dma_semaphore, #tpu.memory_space<semaphore_mem>>) {add = true}
        %dma_wait3A_510 = arith.constant 0 : i32
        %dma_wait3A_511 = arith.constant 0 : i32
        %dma_wait3A_512 = tpu.memref_slice %arg23[%dma_wait3A_510, %dma_wait3A_511] : memref<10000x128xf32, #tpu.memory_space<vmem_shared>> -> memref<10000x128xf32, #tpu.memory_space<vmem_shared>>
        tpu.wait_indirect_dma semaphore(%run_scoped3A : memref<!tpu.dma_semaphore, #tpu.memory_space<semaphore_mem>>) src(%arg19 : memref<80x128xf32, #tpu.memory_space<vmem>>) dst(%dma_wait3A_512 : memref<10000x128xf32, #tpu.memory_space<vmem_shared>>)
        tpu.yield
      }) : () -> ()
      %add3A_346 = arith.constant 4 : i32
      %add3A_347 = arith.addi %add3A_328, %add3A_346 : i32
      %min3A_348 = arith.constant 124 : i32
      %min3A_349 = arith.minsi %add3A_347, %min3A_348 : i32
      %mul3A_350 = arith.constant 80 : i32
      %mul3A_351 = arith.muli %min3A_349, %mul3A_350 : i32
      %add3A_352 = arith.addi %mul3A_8, %mul3A_351 : i32
      %dma_start3A_353 = tpu.memref_slice %arg3[%add3A_352] : memref<320000xi32, #tpu.memory_space<hbm>> -> memref<80xi32, #tpu.memory_space<hbm>>
      %dma_start3A_354 = tpu.memref_slice %arg3[%add3A_352] : memref<320000xi32, #tpu.memory_space<hbm>> -> memref<80xi32, #tpu.memory_space<hbm>>
      tpu.enqueue_dma source(%dma_start3A_354 : memref<80xi32, #tpu.memory_space<hbm>>) target(%arg7 : memref<80xi32, #tpu.memory_space<vmem>>) target_semaphore(%arg28 : memref<!tpu.dma_semaphore, #tpu.memory_space<semaphore_mem>>)
      %dma_start3A_355 = tpu.memref_slice %arg4[%add3A_352] : memref<320000xi32, #tpu.memory_space<hbm>> -> memref<80xi32, #tpu.memory_space<hbm>>
      %dma_start3A_356 = tpu.memref_slice %arg4[%add3A_352] : memref<320000xi32, #tpu.memory_space<hbm>> -> memref<80xi32, #tpu.memory_space<hbm>>
      tpu.enqueue_dma source(%dma_start3A_356 : memref<80xi32, #tpu.memory_space<hbm>>) target(%arg13 : memref<80xi32, #tpu.memory_space<vmem>>) target_semaphore(%arg28 : memref<!tpu.dma_semaphore, #tpu.memory_space<semaphore_mem>>)
      %add3A_357 = arith.constant 7 : i32
      %add3A_358 = arith.addi %add3A_146, %add3A_357 : i32
      %dma_wait3A_359 = arith.constant 0 : i32
      %dma_wait3A_360 = tpu.memref_slice %arg3[%dma_wait3A_359] : memref<320000xi32, #tpu.memory_space<hbm>> -> memref<80xi32, #tpu.memory_space<hbm>>
      %dma_wait3A_361 = arith.constant 0 : i32
      %dma_wait3A_362 = tpu.memref_slice %arg3[%dma_wait3A_361] : memref<320000xi32, #tpu.memory_space<hbm>> -> memref<80xi32, #tpu.memory_space<hbm>>
      tpu.wait_dma2 semaphore(%arg33 : memref<!tpu.dma_semaphore, #tpu.memory_space<semaphore_mem>>) src(%dma_wait3A_362 : memref<80xi32, #tpu.memory_space<hbm>>) dst(%arg12 : memref<80xi32, #tpu.memory_space<vmem>>)
      %dma_wait3A_363 = arith.constant 0 : i32
      %dma_wait3A_364 = tpu.memref_slice %arg4[%dma_wait3A_363] : memref<320000xi32, #tpu.memory_space<hbm>> -> memref<80xi32, #tpu.memory_space<hbm>>
      %dma_wait3A_365 = arith.constant 0 : i32
      %dma_wait3A_366 = tpu.memref_slice %arg4[%dma_wait3A_365] : memref<320000xi32, #tpu.memory_space<hbm>> -> memref<80xi32, #tpu.memory_space<hbm>>
      tpu.wait_dma2 semaphore(%arg33 : memref<!tpu.dma_semaphore, #tpu.memory_space<semaphore_mem>>) src(%dma_wait3A_366 : memref<80xi32, #tpu.memory_space<hbm>>) dst(%arg18 : memref<80xi32, #tpu.memory_space<vmem>>)
      %dma_start3A_367 = arith.constant 0 : i32
      %dma_start3A_368 = arith.constant 0 : i32
      %dma_start3A_369 = tpu.memref_slice %arg2[%dma_start3A_367, %dma_start3A_368] : memref<10000x128xf32, #tpu.memory_space<hbm>> -> memref<10000x128xf32, #tpu.memory_space<hbm>>
      tpu.enqueue_indirect_dma source(%dma_start3A_369 : memref<10000x128xf32, #tpu.memory_space<hbm>>) target(%arg22 : memref<80x128xf32, #tpu.memory_space<vmem>>) offsets(%arg12 : memref<80xi32, #tpu.memory_space<vmem>>) semaphore(%arg27 : memref<!tpu.dma_semaphore, #tpu.memory_space<semaphore_mem>>)
      %dma_wait3A_370 = arith.constant 0 : i32
      %dma_wait3A_371 = arith.constant 0 : i32
      %dma_wait3A_372 = tpu.memref_slice %arg2[%dma_wait3A_370, %dma_wait3A_371] : memref<10000x128xf32, #tpu.memory_space<hbm>> -> memref<80x128xf32, #tpu.memory_space<hbm>>
      %dma_wait3A_373 = arith.constant 0 : i32
      %dma_wait3A_374 = arith.constant 0 : i32
      %dma_wait3A_375 = tpu.memref_slice %arg2[%dma_wait3A_373, %dma_wait3A_374] : memref<10000x128xf32, #tpu.memory_space<hbm>> -> memref<80x128xf32, #tpu.memory_space<hbm>>
      tpu.wait_dma2 semaphore(%arg25 : memref<!tpu.dma_semaphore, #tpu.memory_space<semaphore_mem>>) src(%dma_wait3A_375 : memref<80x128xf32, #tpu.memory_space<hbm>>) dst(%arg20 : memref<80x128xf32, #tpu.memory_space<vmem>>)
      "tpu.region"() ({
        %run_scoped3A = tpu.sem_alloc : memref<!tpu.dma_semaphore, #tpu.memory_space<semaphore_mem>>
        %dma_start3A_507 = arith.constant 0 : i32
        %dma_start3A_508 = arith.constant 0 : i32
        %dma_start3A_509 = tpu.memref_slice %arg23[%dma_start3A_507, %dma_start3A_508] : memref<10000x128xf32, #tpu.memory_space<vmem_shared>> -> memref<10000x128xf32, #tpu.memory_space<vmem_shared>>
        tpu.enqueue_indirect_dma source(%arg20 : memref<80x128xf32, #tpu.memory_space<vmem>>) target(%dma_start3A_509 : memref<10000x128xf32, #tpu.memory_space<vmem_shared>>) offsets(%arg16 : memref<80xi32, #tpu.memory_space<vmem>>) semaphore(%run_scoped3A : memref<!tpu.dma_semaphore, #tpu.memory_space<semaphore_mem>>) {add = true}
        %dma_wait3A_510 = arith.constant 0 : i32
        %dma_wait3A_511 = arith.constant 0 : i32
        %dma_wait3A_512 = tpu.memref_slice %arg23[%dma_wait3A_510, %dma_wait3A_511] : memref<10000x128xf32, #tpu.memory_space<vmem_shared>> -> memref<10000x128xf32, #tpu.memory_space<vmem_shared>>
        tpu.wait_indirect_dma semaphore(%run_scoped3A : memref<!tpu.dma_semaphore, #tpu.memory_space<semaphore_mem>>) src(%arg20 : memref<80x128xf32, #tpu.memory_space<vmem>>) dst(%dma_wait3A_512 : memref<10000x128xf32, #tpu.memory_space<vmem_shared>>)
        tpu.yield
      }) : () -> ()
      %add3A_376 = arith.constant 4 : i32
      %add3A_377 = arith.addi %add3A_358, %add3A_376 : i32
      %min3A_378 = arith.constant 124 : i32
      %min3A_379 = arith.minsi %add3A_377, %min3A_378 : i32
      %mul3A_380 = arith.constant 80 : i32
      %mul3A_381 = arith.muli %min3A_379, %mul3A_380 : i32
      %add3A_382 = arith.addi %mul3A_8, %mul3A_381 : i32
      %dma_start3A_383 = tpu.memref_slice %arg3[%add3A_382] : memref<320000xi32, #tpu.memory_space<hbm>> -> memref<80xi32, #tpu.memory_space<hbm>>
      %dma_start3A_384 = tpu.memref_slice %arg3[%add3A_382] : memref<320000xi32, #tpu.memory_space<hbm>> -> memref<80xi32, #tpu.memory_space<hbm>>
      tpu.enqueue_dma source(%dma_start3A_384 : memref<80xi32, #tpu.memory_space<hbm>>) target(%arg8 : memref<80xi32, #tpu.memory_space<vmem>>) target_semaphore(%arg29 : memref<!tpu.dma_semaphore, #tpu.memory_space<semaphore_mem>>)
      %dma_start3A_385 = tpu.memref_slice %arg4[%add3A_382] : memref<320000xi32, #tpu.memory_space<hbm>> -> memref<80xi32, #tpu.memory_space<hbm>>
      %dma_start3A_386 = tpu.memref_slice %arg4[%add3A_382] : memref<320000xi32, #tpu.memory_space<hbm>> -> memref<80xi32, #tpu.memory_space<hbm>>
      tpu.enqueue_dma source(%dma_start3A_386 : memref<80xi32, #tpu.memory_space<hbm>>) target(%arg14 : memref<80xi32, #tpu.memory_space<vmem>>) target_semaphore(%arg29 : memref<!tpu.dma_semaphore, #tpu.memory_space<semaphore_mem>>)
      %add3A_387 = arith.constant 8 : i32
      %add3A_388 = arith.addi %add3A_146, %add3A_387 : i32
      %dma_wait3A_389 = arith.constant 0 : i32
      %dma_wait3A_390 = tpu.memref_slice %arg3[%dma_wait3A_389] : memref<320000xi32, #tpu.memory_space<hbm>> -> memref<80xi32, #tpu.memory_space<hbm>>
      %dma_wait3A_391 = arith.constant 0 : i32
      %dma_wait3A_392 = tpu.memref_slice %arg3[%dma_wait3A_391] : memref<320000xi32, #tpu.memory_space<hbm>> -> memref<80xi32, #tpu.memory_space<hbm>>
      tpu.wait_dma2 semaphore(%arg28 : memref<!tpu.dma_semaphore, #tpu.memory_space<semaphore_mem>>) src(%dma_wait3A_392 : memref<80xi32, #tpu.memory_space<hbm>>) dst(%arg7 : memref<80xi32, #tpu.memory_space<vmem>>)
      %dma_wait3A_393 = arith.constant 0 : i32
      %dma_wait3A_394 = tpu.memref_slice %arg4[%dma_wait3A_393] : memref<320000xi32, #tpu.memory_space<hbm>> -> memref<80xi32, #tpu.memory_space<hbm>>
      %dma_wait3A_395 = arith.constant 0 : i32
      %dma_wait3A_396 = tpu.memref_slice %arg4[%dma_wait3A_395] : memref<320000xi32, #tpu.memory_space<hbm>> -> memref<80xi32, #tpu.memory_space<hbm>>
      tpu.wait_dma2 semaphore(%arg28 : memref<!tpu.dma_semaphore, #tpu.memory_space<semaphore_mem>>) src(%dma_wait3A_396 : memref<80xi32, #tpu.memory_space<hbm>>) dst(%arg13 : memref<80xi32, #tpu.memory_space<vmem>>)
      %dma_start3A_397 = arith.constant 0 : i32
      %dma_start3A_398 = arith.constant 0 : i32
      %dma_start3A_399 = tpu.memref_slice %arg2[%dma_start3A_397, %dma_start3A_398] : memref<10000x128xf32, #tpu.memory_space<hbm>> -> memref<10000x128xf32, #tpu.memory_space<hbm>>
      tpu.enqueue_indirect_dma source(%dma_start3A_399 : memref<10000x128xf32, #tpu.memory_space<hbm>>) target(%arg19 : memref<80x128xf32, #tpu.memory_space<vmem>>) offsets(%arg7 : memref<80xi32, #tpu.memory_space<vmem>>) semaphore(%arg24 : memref<!tpu.dma_semaphore, #tpu.memory_space<semaphore_mem>>)
      %dma_wait3A_400 = arith.constant 0 : i32
      %dma_wait3A_401 = arith.constant 0 : i32
      %dma_wait3A_402 = tpu.memref_slice %arg2[%dma_wait3A_400, %dma_wait3A_401] : memref<10000x128xf32, #tpu.memory_space<hbm>> -> memref<80x128xf32, #tpu.memory_space<hbm>>
      %dma_wait3A_403 = arith.constant 0 : i32
      %dma_wait3A_404 = arith.constant 0 : i32
      %dma_wait3A_405 = tpu.memref_slice %arg2[%dma_wait3A_403, %dma_wait3A_404] : memref<10000x128xf32, #tpu.memory_space<hbm>> -> memref<80x128xf32, #tpu.memory_space<hbm>>
      tpu.wait_dma2 semaphore(%arg26 : memref<!tpu.dma_semaphore, #tpu.memory_space<semaphore_mem>>) src(%dma_wait3A_405 : memref<80x128xf32, #tpu.memory_space<hbm>>) dst(%arg21 : memref<80x128xf32, #tpu.memory_space<vmem>>)
      "tpu.region"() ({
        %run_scoped3A = tpu.sem_alloc : memref<!tpu.dma_semaphore, #tpu.memory_space<semaphore_mem>>
        %dma_start3A_507 = arith.constant 0 : i32
        %dma_start3A_508 = arith.constant 0 : i32
        %dma_start3A_509 = tpu.memref_slice %arg23[%dma_start3A_507, %dma_start3A_508] : memref<10000x128xf32, #tpu.memory_space<vmem_shared>> -> memref<10000x128xf32, #tpu.memory_space<vmem_shared>>
        tpu.enqueue_indirect_dma source(%arg21 : memref<80x128xf32, #tpu.memory_space<vmem>>) target(%dma_start3A_509 : memref<10000x128xf32, #tpu.memory_space<vmem_shared>>) offsets(%arg17 : memref<80xi32, #tpu.memory_space<vmem>>) semaphore(%run_scoped3A : memref<!tpu.dma_semaphore, #tpu.memory_space<semaphore_mem>>) {add = true}
        %dma_wait3A_510 = arith.constant 0 : i32
        %dma_wait3A_511 = arith.constant 0 : i32
        %dma_wait3A_512 = tpu.memref_slice %arg23[%dma_wait3A_510, %dma_wait3A_511] : memref<10000x128xf32, #tpu.memory_space<vmem_shared>> -> memref<10000x128xf32, #tpu.memory_space<vmem_shared>>
        tpu.wait_indirect_dma semaphore(%run_scoped3A : memref<!tpu.dma_semaphore, #tpu.memory_space<semaphore_mem>>) src(%arg21 : memref<80x128xf32, #tpu.memory_space<vmem>>) dst(%dma_wait3A_512 : memref<10000x128xf32, #tpu.memory_space<vmem_shared>>)
        tpu.yield
      }) : () -> ()
      %add3A_406 = arith.constant 4 : i32
      %add3A_407 = arith.addi %add3A_388, %add3A_406 : i32
      %min3A_408 = arith.constant 124 : i32
      %min3A_409 = arith.minsi %add3A_407, %min3A_408 : i32
      %mul3A_410 = arith.constant 80 : i32
      %mul3A_411 = arith.muli %min3A_409, %mul3A_410 : i32
      %add3A_412 = arith.addi %mul3A_8, %mul3A_411 : i32
      %dma_start3A_413 = tpu.memref_slice %arg3[%add3A_412] : memref<320000xi32, #tpu.memory_space<hbm>> -> memref<80xi32, #tpu.memory_space<hbm>>
      %dma_start3A_414 = tpu.memref_slice %arg3[%add3A_412] : memref<320000xi32, #tpu.memory_space<hbm>> -> memref<80xi32, #tpu.memory_space<hbm>>
      tpu.enqueue_dma source(%dma_start3A_414 : memref<80xi32, #tpu.memory_space<hbm>>) target(%arg9 : memref<80xi32, #tpu.memory_space<vmem>>) target_semaphore(%arg30 : memref<!tpu.dma_semaphore, #tpu.memory_space<semaphore_mem>>)
      %dma_start3A_415 = tpu.memref_slice %arg4[%add3A_412] : memref<320000xi32, #tpu.memory_space<hbm>> -> memref<80xi32, #tpu.memory_space<hbm>>
      %dma_start3A_416 = tpu.memref_slice %arg4[%add3A_412] : memref<320000xi32, #tpu.memory_space<hbm>> -> memref<80xi32, #tpu.memory_space<hbm>>
      tpu.enqueue_dma source(%dma_start3A_416 : memref<80xi32, #tpu.memory_space<hbm>>) target(%arg15 : memref<80xi32, #tpu.memory_space<vmem>>) target_semaphore(%arg30 : memref<!tpu.dma_semaphore, #tpu.memory_space<semaphore_mem>>)
      %add3A_417 = arith.constant 9 : i32
      %add3A_418 = arith.addi %add3A_146, %add3A_417 : i32
      %dma_wait3A_419 = arith.constant 0 : i32
      %dma_wait3A_420 = tpu.memref_slice %arg3[%dma_wait3A_419] : memref<320000xi32, #tpu.memory_space<hbm>> -> memref<80xi32, #tpu.memory_space<hbm>>
      %dma_wait3A_421 = arith.constant 0 : i32
      %dma_wait3A_422 = tpu.memref_slice %arg3[%dma_wait3A_421] : memref<320000xi32, #tpu.memory_space<hbm>> -> memref<80xi32, #tpu.memory_space<hbm>>
      tpu.wait_dma2 semaphore(%arg29 : memref<!tpu.dma_semaphore, #tpu.memory_space<semaphore_mem>>) src(%dma_wait3A_422 : memref<80xi32, #tpu.memory_space<hbm>>) dst(%arg8 : memref<80xi32, #tpu.memory_space<vmem>>)
      %dma_wait3A_423 = arith.constant 0 : i32
      %dma_wait3A_424 = tpu.memref_slice %arg4[%dma_wait3A_423] : memref<320000xi32, #tpu.memory_space<hbm>> -> memref<80xi32, #tpu.memory_space<hbm>>
      %dma_wait3A_425 = arith.constant 0 : i32
      %dma_wait3A_426 = tpu.memref_slice %arg4[%dma_wait3A_425] : memref<320000xi32, #tpu.memory_space<hbm>> -> memref<80xi32, #tpu.memory_space<hbm>>
      tpu.wait_dma2 semaphore(%arg29 : memref<!tpu.dma_semaphore, #tpu.memory_space<semaphore_mem>>) src(%dma_wait3A_426 : memref<80xi32, #tpu.memory_space<hbm>>) dst(%arg14 : memref<80xi32, #tpu.memory_space<vmem>>)
      %dma_start3A_427 = arith.constant 0 : i32
      %dma_start3A_428 = arith.constant 0 : i32
      %dma_start3A_429 = tpu.memref_slice %arg2[%dma_start3A_427, %dma_start3A_428] : memref<10000x128xf32, #tpu.memory_space<hbm>> -> memref<10000x128xf32, #tpu.memory_space<hbm>>
      tpu.enqueue_indirect_dma source(%dma_start3A_429 : memref<10000x128xf32, #tpu.memory_space<hbm>>) target(%arg20 : memref<80x128xf32, #tpu.memory_space<vmem>>) offsets(%arg8 : memref<80xi32, #tpu.memory_space<vmem>>) semaphore(%arg25 : memref<!tpu.dma_semaphore, #tpu.memory_space<semaphore_mem>>)
      %dma_wait3A_430 = arith.constant 0 : i32
      %dma_wait3A_431 = arith.constant 0 : i32
      %dma_wait3A_432 = tpu.memref_slice %arg2[%dma_wait3A_430, %dma_wait3A_431] : memref<10000x128xf32, #tpu.memory_space<hbm>> -> memref<80x128xf32, #tpu.memory_space<hbm>>
      %dma_wait3A_433 = arith.constant 0 : i32
      %dma_wait3A_434 = arith.constant 0 : i32
      %dma_wait3A_435 = tpu.memref_slice %arg2[%dma_wait3A_433, %dma_wait3A_434] : memref<10000x128xf32, #tpu.memory_space<hbm>> -> memref<80x128xf32, #tpu.memory_space<hbm>>
      tpu.wait_dma2 semaphore(%arg27 : memref<!tpu.dma_semaphore, #tpu.memory_space<semaphore_mem>>) src(%dma_wait3A_435 : memref<80x128xf32, #tpu.memory_space<hbm>>) dst(%arg22 : memref<80x128xf32, #tpu.memory_space<vmem>>)
      "tpu.region"() ({
        %run_scoped3A = tpu.sem_alloc : memref<!tpu.dma_semaphore, #tpu.memory_space<semaphore_mem>>
        %dma_start3A_507 = arith.constant 0 : i32
        %dma_start3A_508 = arith.constant 0 : i32
        %dma_start3A_509 = tpu.memref_slice %arg23[%dma_start3A_507, %dma_start3A_508] : memref<10000x128xf32, #tpu.memory_space<vmem_shared>> -> memref<10000x128xf32, #tpu.memory_space<vmem_shared>>
        tpu.enqueue_indirect_dma source(%arg22 : memref<80x128xf32, #tpu.memory_space<vmem>>) target(%dma_start3A_509 : memref<10000x128xf32, #tpu.memory_space<vmem_shared>>) offsets(%arg18 : memref<80xi32, #tpu.memory_space<vmem>>) semaphore(%run_scoped3A : memref<!tpu.dma_semaphore, #tpu.memory_space<semaphore_mem>>) {add = true}
        %dma_wait3A_510 = arith.constant 0 : i32
        %dma_wait3A_511 = arith.constant 0 : i32
        %dma_wait3A_512 = tpu.memref_slice %arg23[%dma_wait3A_510, %dma_wait3A_511] : memref<10000x128xf32, #tpu.memory_space<vmem_shared>> -> memref<10000x128xf32, #tpu.memory_space<vmem_shared>>
        tpu.wait_indirect_dma semaphore(%run_scoped3A : memref<!tpu.dma_semaphore, #tpu.memory_space<semaphore_mem>>) src(%arg22 : memref<80x128xf32, #tpu.memory_space<vmem>>) dst(%dma_wait3A_512 : memref<10000x128xf32, #tpu.memory_space<vmem_shared>>)
        tpu.yield
      }) : () -> ()
      %add3A_436 = arith.constant 4 : i32
      %add3A_437 = arith.addi %add3A_418, %add3A_436 : i32
      %min3A_438 = arith.constant 124 : i32
      %min3A_439 = arith.minsi %add3A_437, %min3A_438 : i32
      %mul3A_440 = arith.constant 80 : i32
      %mul3A_441 = arith.muli %min3A_439, %mul3A_440 : i32
      %add3A_442 = arith.addi %mul3A_8, %mul3A_441 : i32
      %dma_start3A_443 = tpu.memref_slice %arg3[%add3A_442] : memref<320000xi32, #tpu.memory_space<hbm>> -> memref<80xi32, #tpu.memory_space<hbm>>
      %dma_start3A_444 = tpu.memref_slice %arg3[%add3A_442] : memref<320000xi32, #tpu.memory_space<hbm>> -> memref<80xi32, #tpu.memory_space<hbm>>
      tpu.enqueue_dma source(%dma_start3A_444 : memref<80xi32, #tpu.memory_space<hbm>>) target(%arg10 : memref<80xi32, #tpu.memory_space<vmem>>) target_semaphore(%arg31 : memref<!tpu.dma_semaphore, #tpu.memory_space<semaphore_mem>>)
      %dma_start3A_445 = tpu.memref_slice %arg4[%add3A_442] : memref<320000xi32, #tpu.memory_space<hbm>> -> memref<80xi32, #tpu.memory_space<hbm>>
      %dma_start3A_446 = tpu.memref_slice %arg4[%add3A_442] : memref<320000xi32, #tpu.memory_space<hbm>> -> memref<80xi32, #tpu.memory_space<hbm>>
      tpu.enqueue_dma source(%dma_start3A_446 : memref<80xi32, #tpu.memory_space<hbm>>) target(%arg16 : memref<80xi32, #tpu.memory_space<vmem>>) target_semaphore(%arg31 : memref<!tpu.dma_semaphore, #tpu.memory_space<semaphore_mem>>)
      %add3A_447 = arith.constant 10 : i32
      %add3A_448 = arith.addi %add3A_146, %add3A_447 : i32
      %dma_wait3A_449 = arith.constant 0 : i32
      %dma_wait3A_450 = tpu.memref_slice %arg3[%dma_wait3A_449] : memref<320000xi32, #tpu.memory_space<hbm>> -> memref<80xi32, #tpu.memory_space<hbm>>
      %dma_wait3A_451 = arith.constant 0 : i32
      %dma_wait3A_452 = tpu.memref_slice %arg3[%dma_wait3A_451] : memref<320000xi32, #tpu.memory_space<hbm>> -> memref<80xi32, #tpu.memory_space<hbm>>
      tpu.wait_dma2 semaphore(%arg30 : memref<!tpu.dma_semaphore, #tpu.memory_space<semaphore_mem>>) src(%dma_wait3A_452 : memref<80xi32, #tpu.memory_space<hbm>>) dst(%arg9 : memref<80xi32, #tpu.memory_space<vmem>>)
      %dma_wait3A_453 = arith.constant 0 : i32
      %dma_wait3A_454 = tpu.memref_slice %arg4[%dma_wait3A_453] : memref<320000xi32, #tpu.memory_space<hbm>> -> memref<80xi32, #tpu.memory_space<hbm>>
      %dma_wait3A_455 = arith.constant 0 : i32
      %dma_wait3A_456 = tpu.memref_slice %arg4[%dma_wait3A_455] : memref<320000xi32, #tpu.memory_space<hbm>> -> memref<80xi32, #tpu.memory_space<hbm>>
      tpu.wait_dma2 semaphore(%arg30 : memref<!tpu.dma_semaphore, #tpu.memory_space<semaphore_mem>>) src(%dma_wait3A_456 : memref<80xi32, #tpu.memory_space<hbm>>) dst(%arg15 : memref<80xi32, #tpu.memory_space<vmem>>)
      %dma_start3A_457 = arith.constant 0 : i32
      %dma_start3A_458 = arith.constant 0 : i32
      %dma_start3A_459 = tpu.memref_slice %arg2[%dma_start3A_457, %dma_start3A_458] : memref<10000x128xf32, #tpu.memory_space<hbm>> -> memref<10000x128xf32, #tpu.memory_space<hbm>>
      tpu.enqueue_indirect_dma source(%dma_start3A_459 : memref<10000x128xf32, #tpu.memory_space<hbm>>) target(%arg21 : memref<80x128xf32, #tpu.memory_space<vmem>>) offsets(%arg9 : memref<80xi32, #tpu.memory_space<vmem>>) semaphore(%arg26 : memref<!tpu.dma_semaphore, #tpu.memory_space<semaphore_mem>>)
      %dma_wait3A_460 = arith.constant 0 : i32
      %dma_wait3A_461 = arith.constant 0 : i32
      %dma_wait3A_462 = tpu.memref_slice %arg2[%dma_wait3A_460, %dma_wait3A_461] : memref<10000x128xf32, #tpu.memory_space<hbm>> -> memref<80x128xf32, #tpu.memory_space<hbm>>
      %dma_wait3A_463 = arith.constant 0 : i32
      %dma_wait3A_464 = arith.constant 0 : i32
      %dma_wait3A_465 = tpu.memref_slice %arg2[%dma_wait3A_463, %dma_wait3A_464] : memref<10000x128xf32, #tpu.memory_space<hbm>> -> memref<80x128xf32, #tpu.memory_space<hbm>>
      tpu.wait_dma2 semaphore(%arg24 : memref<!tpu.dma_semaphore, #tpu.memory_space<semaphore_mem>>) src(%dma_wait3A_465 : memref<80x128xf32, #tpu.memory_space<hbm>>) dst(%arg19 : memref<80x128xf32, #tpu.memory_space<vmem>>)
      "tpu.region"() ({
        %run_scoped3A = tpu.sem_alloc : memref<!tpu.dma_semaphore, #tpu.memory_space<semaphore_mem>>
        %dma_start3A_507 = arith.constant 0 : i32
        %dma_start3A_508 = arith.constant 0 : i32
        %dma_start3A_509 = tpu.memref_slice %arg23[%dma_start3A_507, %dma_start3A_508] : memref<10000x128xf32, #tpu.memory_space<vmem_shared>> -> memref<10000x128xf32, #tpu.memory_space<vmem_shared>>
        tpu.enqueue_indirect_dma source(%arg19 : memref<80x128xf32, #tpu.memory_space<vmem>>) target(%dma_start3A_509 : memref<10000x128xf32, #tpu.memory_space<vmem_shared>>) offsets(%arg13 : memref<80xi32, #tpu.memory_space<vmem>>) semaphore(%run_scoped3A : memref<!tpu.dma_semaphore, #tpu.memory_space<semaphore_mem>>) {add = true}
        %dma_wait3A_510 = arith.constant 0 : i32
        %dma_wait3A_511 = arith.constant 0 : i32
        %dma_wait3A_512 = tpu.memref_slice %arg23[%dma_wait3A_510, %dma_wait3A_511] : memref<10000x128xf32, #tpu.memory_space<vmem_shared>> -> memref<10000x128xf32, #tpu.memory_space<vmem_shared>>
        tpu.wait_indirect_dma semaphore(%run_scoped3A : memref<!tpu.dma_semaphore, #tpu.memory_space<semaphore_mem>>) src(%arg19 : memref<80x128xf32, #tpu.memory_space<vmem>>) dst(%dma_wait3A_512 : memref<10000x128xf32, #tpu.memory_space<vmem_shared>>)
        tpu.yield
      }) : () -> ()
      %add3A_466 = arith.constant 4 : i32
      %add3A_467 = arith.addi %add3A_448, %add3A_466 : i32
      %min3A_468 = arith.constant 124 : i32
      %min3A_469 = arith.minsi %add3A_467, %min3A_468 : i32
      %mul3A_470 = arith.constant 80 : i32
      %mul3A_471 = arith.muli %min3A_469, %mul3A_470 : i32
      %add3A_472 = arith.addi %mul3A_8, %mul3A_471 : i32
      %dma_start3A_473 = tpu.memref_slice %arg3[%add3A_472] : memref<320000xi32, #tpu.memory_space<hbm>> -> memref<80xi32, #tpu.memory_space<hbm>>
      %dma_start3A_474 = tpu.memref_slice %arg3[%add3A_472] : memref<320000xi32, #tpu.memory_space<hbm>> -> memref<80xi32, #tpu.memory_space<hbm>>
      tpu.enqueue_dma source(%dma_start3A_474 : memref<80xi32, #tpu.memory_space<hbm>>) target(%arg11 : memref<80xi32, #tpu.memory_space<vmem>>) target_semaphore(%arg32 : memref<!tpu.dma_semaphore, #tpu.memory_space<semaphore_mem>>)
      %dma_start3A_475 = tpu.memref_slice %arg4[%add3A_472] : memref<320000xi32, #tpu.memory_space<hbm>> -> memref<80xi32, #tpu.memory_space<hbm>>
      %dma_start3A_476 = tpu.memref_slice %arg4[%add3A_472] : memref<320000xi32, #tpu.memory_space<hbm>> -> memref<80xi32, #tpu.memory_space<hbm>>
      tpu.enqueue_dma source(%dma_start3A_476 : memref<80xi32, #tpu.memory_space<hbm>>) target(%arg17 : memref<80xi32, #tpu.memory_space<vmem>>) target_semaphore(%arg32 : memref<!tpu.dma_semaphore, #tpu.memory_space<semaphore_mem>>)
      %add3A_477 = arith.constant 11 : i32
      %add3A_478 = arith.addi %add3A_146, %add3A_477 : i32
      %dma_wait3A_479 = arith.constant 0 : i32
      %dma_wait3A_480 = tpu.memref_slice %arg3[%dma_wait3A_479] : memref<320000xi32, #tpu.memory_space<hbm>> -> memref<80xi32, #tpu.memory_space<hbm>>
      %dma_wait3A_481 = arith.constant 0 : i32
      %dma_wait3A_482 = tpu.memref_slice %arg3[%dma_wait3A_481] : memref<320000xi32, #tpu.memory_space<hbm>> -> memref<80xi32, #tpu.memory_space<hbm>>
      tpu.wait_dma2 semaphore(%arg31 : memref<!tpu.dma_semaphore, #tpu.memory_space<semaphore_mem>>) src(%dma_wait3A_482 : memref<80xi32, #tpu.memory_space<hbm>>) dst(%arg10 : memref<80xi32, #tpu.memory_space<vmem>>)
      %dma_wait3A_483 = arith.constant 0 : i32
      %dma_wait3A_484 = tpu.memref_slice %arg4[%dma_wait3A_483] : memref<320000xi32, #tpu.memory_space<hbm>> -> memref<80xi32, #tpu.memory_space<hbm>>
      %dma_wait3A_485 = arith.constant 0 : i32
      %dma_wait3A_486 = tpu.memref_slice %arg4[%dma_wait3A_485] : memref<320000xi32, #tpu.memory_space<hbm>> -> memref<80xi32, #tpu.memory_space<hbm>>
      tpu.wait_dma2 semaphore(%arg31 : memref<!tpu.dma_semaphore, #tpu.memory_space<semaphore_mem>>) src(%dma_wait3A_486 : memref<80xi32, #tpu.memory_space<hbm>>) dst(%arg16 : memref<80xi32, #tpu.memory_space<vmem>>)
      %dma_start3A_487 = arith.constant 0 : i32
      %dma_start3A_488 = arith.constant 0 : i32
      %dma_start3A_489 = tpu.memref_slice %arg2[%dma_start3A_487, %dma_start3A_488] : memref<10000x128xf32, #tpu.memory_space<hbm>> -> memref<10000x128xf32, #tpu.memory_space<hbm>>
      tpu.enqueue_indirect_dma source(%dma_start3A_489 : memref<10000x128xf32, #tpu.memory_space<hbm>>) target(%arg22 : memref<80x128xf32, #tpu.memory_space<vmem>>) offsets(%arg10 : memref<80xi32, #tpu.memory_space<vmem>>) semaphore(%arg27 : memref<!tpu.dma_semaphore, #tpu.memory_space<semaphore_mem>>)
      %dma_wait3A_490 = arith.constant 0 : i32
      %dma_wait3A_491 = arith.constant 0 : i32
      %dma_wait3A_492 = tpu.memref_slice %arg2[%dma_wait3A_490, %dma_wait3A_491] : memref<10000x128xf32, #tpu.memory_space<hbm>> -> memref<80x128xf32, #tpu.memory_space<hbm>>
      %dma_wait3A_493 = arith.constant 0 : i32
      %dma_wait3A_494 = arith.constant 0 : i32
      %dma_wait3A_495 = tpu.memref_slice %arg2[%dma_wait3A_493, %dma_wait3A_494] : memref<10000x128xf32, #tpu.memory_space<hbm>> -> memref<80x128xf32, #tpu.memory_space<hbm>>
      tpu.wait_dma2 semaphore(%arg25 : memref<!tpu.dma_semaphore, #tpu.memory_space<semaphore_mem>>) src(%dma_wait3A_495 : memref<80x128xf32, #tpu.memory_space<hbm>>) dst(%arg20 : memref<80x128xf32, #tpu.memory_space<vmem>>)
      "tpu.region"() ({
        %run_scoped3A = tpu.sem_alloc : memref<!tpu.dma_semaphore, #tpu.memory_space<semaphore_mem>>
        %dma_start3A_507 = arith.constant 0 : i32
        %dma_start3A_508 = arith.constant 0 : i32
        %dma_start3A_509 = tpu.memref_slice %arg23[%dma_start3A_507, %dma_start3A_508] : memref<10000x128xf32, #tpu.memory_space<vmem_shared>> -> memref<10000x128xf32, #tpu.memory_space<vmem_shared>>
        tpu.enqueue_indirect_dma source(%arg20 : memref<80x128xf32, #tpu.memory_space<vmem>>) target(%dma_start3A_509 : memref<10000x128xf32, #tpu.memory_space<vmem_shared>>) offsets(%arg14 : memref<80xi32, #tpu.memory_space<vmem>>) semaphore(%run_scoped3A : memref<!tpu.dma_semaphore, #tpu.memory_space<semaphore_mem>>) {add = true}
        %dma_wait3A_510 = arith.constant 0 : i32
        %dma_wait3A_511 = arith.constant 0 : i32
        %dma_wait3A_512 = tpu.memref_slice %arg23[%dma_wait3A_510, %dma_wait3A_511] : memref<10000x128xf32, #tpu.memory_space<vmem_shared>> -> memref<10000x128xf32, #tpu.memory_space<vmem_shared>>
        tpu.wait_indirect_dma semaphore(%run_scoped3A : memref<!tpu.dma_semaphore, #tpu.memory_space<semaphore_mem>>) src(%arg20 : memref<80x128xf32, #tpu.memory_space<vmem>>) dst(%dma_wait3A_512 : memref<10000x128xf32, #tpu.memory_space<vmem_shared>>)
        tpu.yield
      }) : () -> ()
      %add3A_496 = arith.constant 4 : i32
      %add3A_497 = arith.addi %add3A_478, %add3A_496 : i32
      %min3A_498 = arith.constant 124 : i32
      %min3A_499 = arith.minsi %add3A_497, %min3A_498 : i32
      %mul3A_500 = arith.constant 80 : i32
      %mul3A_501 = arith.muli %min3A_499, %mul3A_500 : i32
      %add3A_502 = arith.addi %mul3A_8, %mul3A_501 : i32
      %dma_start3A_503 = tpu.memref_slice %arg3[%add3A_502] : memref<320000xi32, #tpu.memory_space<hbm>> -> memref<80xi32, #tpu.memory_space<hbm>>
      %dma_start3A_504 = tpu.memref_slice %arg3[%add3A_502] : memref<320000xi32, #tpu.memory_space<hbm>> -> memref<80xi32, #tpu.memory_space<hbm>>
      tpu.enqueue_dma source(%dma_start3A_504 : memref<80xi32, #tpu.memory_space<hbm>>) target(%arg12 : memref<80xi32, #tpu.memory_space<vmem>>) target_semaphore(%arg33 : memref<!tpu.dma_semaphore, #tpu.memory_space<semaphore_mem>>)
      %dma_start3A_505 = tpu.memref_slice %arg4[%add3A_502] : memref<320000xi32, #tpu.memory_space<hbm>> -> memref<80xi32, #tpu.memory_space<hbm>>
      %dma_start3A_506 = tpu.memref_slice %arg4[%add3A_502] : memref<320000xi32, #tpu.memory_space<hbm>> -> memref<80xi32, #tpu.memory_space<hbm>>
      tpu.enqueue_dma source(%dma_start3A_506 : memref<80xi32, #tpu.memory_space<hbm>>) target(%arg18 : memref<80xi32, #tpu.memory_space<vmem>>) target_semaphore(%arg33 : memref<!tpu.dma_semaphore, #tpu.memory_space<semaphore_mem>>)
    }
    %scan3A_93 = arith.constant 10 : i32
    %dma_wait3A_94 = arith.constant 0 : i32
    %dma_wait3A_95 = tpu.memref_slice %arg3[%dma_wait3A_94] : memref<320000xi32, #tpu.memory_space<hbm>> -> memref<80xi32, #tpu.memory_space<hbm>>
    %dma_wait3A_96 = arith.constant 0 : i32
    %dma_wait3A_97 = tpu.memref_slice %arg3[%dma_wait3A_96] : memref<320000xi32, #tpu.memory_space<hbm>> -> memref<80xi32, #tpu.memory_space<hbm>>
    tpu.wait_dma2 semaphore(%arg32 : memref<!tpu.dma_semaphore, #tpu.memory_space<semaphore_mem>>) src(%dma_wait3A_97 : memref<80xi32, #tpu.memory_space<hbm>>) dst(%arg11 : memref<80xi32, #tpu.memory_space<vmem>>)
    %dma_wait3A_98 = arith.constant 0 : i32
    %dma_wait3A_99 = tpu.memref_slice %arg4[%dma_wait3A_98] : memref<320000xi32, #tpu.memory_space<hbm>> -> memref<80xi32, #tpu.memory_space<hbm>>
    %dma_wait3A_100 = arith.constant 0 : i32
    %dma_wait3A_101 = tpu.memref_slice %arg4[%dma_wait3A_100] : memref<320000xi32, #tpu.memory_space<hbm>> -> memref<80xi32, #tpu.memory_space<hbm>>
    tpu.wait_dma2 semaphore(%arg32 : memref<!tpu.dma_semaphore, #tpu.memory_space<semaphore_mem>>) src(%dma_wait3A_101 : memref<80xi32, #tpu.memory_space<hbm>>) dst(%arg17 : memref<80xi32, #tpu.memory_space<vmem>>)
    %dma_start3A_102 = arith.constant 0 : i32
    %dma_start3A_103 = arith.constant 0 : i32
    %dma_start3A_104 = tpu.memref_slice %arg2[%dma_start3A_102, %dma_start3A_103] : memref<10000x128xf32, #tpu.memory_space<hbm>> -> memref<10000x128xf32, #tpu.memory_space<hbm>>
    tpu.enqueue_indirect_dma source(%dma_start3A_104 : memref<10000x128xf32, #tpu.memory_space<hbm>>) target(%arg19 : memref<80x128xf32, #tpu.memory_space<vmem>>) offsets(%arg11 : memref<80xi32, #tpu.memory_space<vmem>>) semaphore(%arg24 : memref<!tpu.dma_semaphore, #tpu.memory_space<semaphore_mem>>)
    %dma_wait3A_105 = arith.constant 0 : i32
    %dma_wait3A_106 = arith.constant 0 : i32
    %dma_wait3A_107 = tpu.memref_slice %arg2[%dma_wait3A_105, %dma_wait3A_106] : memref<10000x128xf32, #tpu.memory_space<hbm>> -> memref<80x128xf32, #tpu.memory_space<hbm>>
    %dma_wait3A_108 = arith.constant 0 : i32
    %dma_wait3A_109 = arith.constant 0 : i32
    %dma_wait3A_110 = tpu.memref_slice %arg2[%dma_wait3A_108, %dma_wait3A_109] : memref<10000x128xf32, #tpu.memory_space<hbm>> -> memref<80x128xf32, #tpu.memory_space<hbm>>
    tpu.wait_dma2 semaphore(%arg26 : memref<!tpu.dma_semaphore, #tpu.memory_space<semaphore_mem>>) src(%dma_wait3A_110 : memref<80x128xf32, #tpu.memory_space<hbm>>) dst(%arg21 : memref<80x128xf32, #tpu.memory_space<vmem>>)
    "tpu.region"() ({
      %run_scoped3A = tpu.sem_alloc : memref<!tpu.dma_semaphore, #tpu.memory_space<semaphore_mem>>
      %dma_start3A_142 = arith.constant 0 : i32
      %dma_start3A_143 = arith.constant 0 : i32
      %dma_start3A_144 = tpu.memref_slice %arg23[%dma_start3A_142, %dma_start3A_143] : memref<10000x128xf32, #tpu.memory_space<vmem_shared>> -> memref<10000x128xf32, #tpu.memory_space<vmem_shared>>
      tpu.enqueue_indirect_dma source(%arg21 : memref<80x128xf32, #tpu.memory_space<vmem>>) target(%dma_start3A_144 : memref<10000x128xf32, #tpu.memory_space<vmem_shared>>) offsets(%arg15 : memref<80xi32, #tpu.memory_space<vmem>>) semaphore(%run_scoped3A : memref<!tpu.dma_semaphore, #tpu.memory_space<semaphore_mem>>) {add = true}
      %dma_wait3A_145 = arith.constant 0 : i32
      %dma_wait3A_146 = arith.constant 0 : i32
      %dma_wait3A_147 = tpu.memref_slice %arg23[%dma_wait3A_145, %dma_wait3A_146] : memref<10000x128xf32, #tpu.memory_space<vmem_shared>> -> memref<10000x128xf32, #tpu.memory_space<vmem_shared>>
      tpu.wait_indirect_dma semaphore(%run_scoped3A : memref<!tpu.dma_semaphore, #tpu.memory_space<semaphore_mem>>) src(%arg21 : memref<80x128xf32, #tpu.memory_space<vmem>>) dst(%dma_wait3A_147 : memref<10000x128xf32, #tpu.memory_space<vmem_shared>>)
      tpu.yield
    }) : () -> ()
    %dma_wait3A_111 = arith.constant 0 : i32
    %dma_wait3A_112 = arith.constant 0 : i32
    %dma_wait3A_113 = tpu.memref_slice %arg2[%dma_wait3A_111, %dma_wait3A_112] : memref<10000x128xf32, #tpu.memory_space<hbm>> -> memref<80x128xf32, #tpu.memory_space<hbm>>
    %dma_wait3A_114 = arith.constant 0 : i32
    %dma_wait3A_115 = arith.constant 0 : i32
    %dma_wait3A_116 = tpu.memref_slice %arg2[%dma_wait3A_114, %dma_wait3A_115] : memref<10000x128xf32, #tpu.memory_space<hbm>> -> memref<80x128xf32, #tpu.memory_space<hbm>>
    tpu.wait_dma2 semaphore(%arg27 : memref<!tpu.dma_semaphore, #tpu.memory_space<semaphore_mem>>) src(%dma_wait3A_116 : memref<80x128xf32, #tpu.memory_space<hbm>>) dst(%arg22 : memref<80x128xf32, #tpu.memory_space<vmem>>)
    "tpu.region"() ({
      %run_scoped3A = tpu.sem_alloc : memref<!tpu.dma_semaphore, #tpu.memory_space<semaphore_mem>>
      %dma_start3A_142 = arith.constant 0 : i32
      %dma_start3A_143 = arith.constant 0 : i32
      %dma_start3A_144 = tpu.memref_slice %arg23[%dma_start3A_142, %dma_start3A_143] : memref<10000x128xf32, #tpu.memory_space<vmem_shared>> -> memref<10000x128xf32, #tpu.memory_space<vmem_shared>>
      tpu.enqueue_indirect_dma source(%arg22 : memref<80x128xf32, #tpu.memory_space<vmem>>) target(%dma_start3A_144 : memref<10000x128xf32, #tpu.memory_space<vmem_shared>>) offsets(%arg16 : memref<80xi32, #tpu.memory_space<vmem>>) semaphore(%run_scoped3A : memref<!tpu.dma_semaphore, #tpu.memory_space<semaphore_mem>>) {add = true}
      %dma_wait3A_145 = arith.constant 0 : i32
      %dma_wait3A_146 = arith.constant 0 : i32
      %dma_wait3A_147 = tpu.memref_slice %arg23[%dma_wait3A_145, %dma_wait3A_146] : memref<10000x128xf32, #tpu.memory_space<vmem_shared>> -> memref<10000x128xf32, #tpu.memory_space<vmem_shared>>
      tpu.wait_indirect_dma semaphore(%run_scoped3A : memref<!tpu.dma_semaphore, #tpu.memory_space<semaphore_mem>>) src(%arg22 : memref<80x128xf32, #tpu.memory_space<vmem>>) dst(%dma_wait3A_147 : memref<10000x128xf32, #tpu.memory_space<vmem_shared>>)
      tpu.yield
    }) : () -> ()
    %dma_wait3A_117 = arith.constant 0 : i32
    %dma_wait3A_118 = arith.constant 0 : i32
    %dma_wait3A_119 = tpu.memref_slice %arg2[%dma_wait3A_117, %dma_wait3A_118] : memref<10000x128xf32, #tpu.memory_space<hbm>> -> memref<80x128xf32, #tpu.memory_space<hbm>>
    %dma_wait3A_120 = arith.constant 0 : i32
    %dma_wait3A_121 = arith.constant 0 : i32
    %dma_wait3A_122 = tpu.memref_slice %arg2[%dma_wait3A_120, %dma_wait3A_121] : memref<10000x128xf32, #tpu.memory_space<hbm>> -> memref<80x128xf32, #tpu.memory_space<hbm>>
    tpu.wait_dma2 semaphore(%arg24 : memref<!tpu.dma_semaphore, #tpu.memory_space<semaphore_mem>>) src(%dma_wait3A_122 : memref<80x128xf32, #tpu.memory_space<hbm>>) dst(%arg19 : memref<80x128xf32, #tpu.memory_space<vmem>>)
    "tpu.region"() ({
      %run_scoped3A = tpu.sem_alloc : memref<!tpu.dma_semaphore, #tpu.memory_space<semaphore_mem>>
      %dma_start3A_142 = arith.constant 0 : i32
      %dma_start3A_143 = arith.constant 0 : i32
      %dma_start3A_144 = tpu.memref_slice %arg23[%dma_start3A_142, %dma_start3A_143] : memref<10000x128xf32, #tpu.memory_space<vmem_shared>> -> memref<10000x128xf32, #tpu.memory_space<vmem_shared>>
      tpu.enqueue_indirect_dma source(%arg19 : memref<80x128xf32, #tpu.memory_space<vmem>>) target(%dma_start3A_144 : memref<10000x128xf32, #tpu.memory_space<vmem_shared>>) offsets(%arg17 : memref<80xi32, #tpu.memory_space<vmem>>) semaphore(%run_scoped3A : memref<!tpu.dma_semaphore, #tpu.memory_space<semaphore_mem>>) {add = true}
      %dma_wait3A_145 = arith.constant 0 : i32
      %dma_wait3A_146 = arith.constant 0 : i32
      %dma_wait3A_147 = tpu.memref_slice %arg23[%dma_wait3A_145, %dma_wait3A_146] : memref<10000x128xf32, #tpu.memory_space<vmem_shared>> -> memref<10000x128xf32, #tpu.memory_space<vmem_shared>>
      tpu.wait_indirect_dma semaphore(%run_scoped3A : memref<!tpu.dma_semaphore, #tpu.memory_space<semaphore_mem>>) src(%arg19 : memref<80x128xf32, #tpu.memory_space<vmem>>) dst(%dma_wait3A_147 : memref<10000x128xf32, #tpu.memory_space<vmem_shared>>)
      tpu.yield
    }) : () -> ()
    %dma_wait3A_123 = arith.constant 0 : i32
    %dma_wait3A_124 = tpu.memref_slice %arg3[%dma_wait3A_123] : memref<320000xi32, #tpu.memory_space<hbm>> -> memref<80xi32, #tpu.memory_space<hbm>>
    %dma_wait3A_125 = arith.constant 0 : i32
    %dma_wait3A_126 = tpu.memref_slice %arg3[%dma_wait3A_125] : memref<320000xi32, #tpu.memory_space<hbm>> -> memref<80xi32, #tpu.memory_space<hbm>>
    tpu.wait_dma2 semaphore(%arg33 : memref<!tpu.dma_semaphore, #tpu.memory_space<semaphore_mem>>) src(%dma_wait3A_126 : memref<80xi32, #tpu.memory_space<hbm>>) dst(%arg12 : memref<80xi32, #tpu.memory_space<vmem>>)
    %dma_wait3A_127 = arith.constant 0 : i32
    %dma_wait3A_128 = tpu.memref_slice %arg4[%dma_wait3A_127] : memref<320000xi32, #tpu.memory_space<hbm>> -> memref<80xi32, #tpu.memory_space<hbm>>
    %dma_wait3A_129 = arith.constant 0 : i32
    %dma_wait3A_130 = tpu.memref_slice %arg4[%dma_wait3A_129] : memref<320000xi32, #tpu.memory_space<hbm>> -> memref<80xi32, #tpu.memory_space<hbm>>
    tpu.wait_dma2 semaphore(%arg33 : memref<!tpu.dma_semaphore, #tpu.memory_space<semaphore_mem>>) src(%dma_wait3A_130 : memref<80xi32, #tpu.memory_space<hbm>>) dst(%arg18 : memref<80xi32, #tpu.memory_space<vmem>>)
    %barrier3A_131 = arith.constant 0 : index
    tpu.barrier barrier_id(%barrier3A_131)
    %lt3A_132 = arith.constant 15 : i32
    %lt3A_133 = arith.cmpi slt, %arg1, %lt3A_132 : i32
    %convert_element_type3A_134 = arith.extui %lt3A_133 : i1 to i32
    %cond3A_135 = arith.constant 0 : i32
    %cond3A_136 = arith.cmpi ne, %convert_element_type3A_134, %cond3A_135 : i32
    scf.if %cond3A_136 {
      %mul3A_142 = arith.constant 640 : i32
      %mul3A_143 = arith.muli %arg1, %mul3A_142 : i32
      %mul3A_144 = arith.constant 640 : i32
      %mul3A_145 = arith.muli %arg1, %mul3A_144 : i32
      "tpu.region"() ({
        %run_scoped3A = tpu.sem_alloc : memref<!tpu.dma_semaphore, #tpu.memory_space<semaphore_mem>>
        %dma_start3A_146 = arith.constant 0 : i32
        %dma_start3A_147 = arith.constant 0 : i32
        %dma_start3A_148 = tpu.memref_slice %arg6[%arg0, %dma_start3A_146, %dma_start3A_147] : memref<2x10000x128xf32, #tpu.memory_space<hbm>> -> memref<1x10000x128xf32, #tpu.memory_space<hbm>>
        %dma_start3A_149 = tpu.memref_squeeze %dma_start3A_148 : memref<1x10000x128xf32, #tpu.memory_space<hbm>> -> memref<10000x128xf32, #tpu.memory_space<hbm>>
        %dma_start3A_150 = arith.constant 0 : i32
        %dma_start3A_151 = tpu.memref_slice %dma_start3A_149[%mul3A_145, %dma_start3A_150] : memref<10000x128xf32, #tpu.memory_space<hbm>> -> memref<640x128xf32, #tpu.memory_space<hbm>>
        %dma_start3A_152 = arith.constant 0 : i32
        %dma_start3A_153 = tpu.memref_slice %arg23[%mul3A_143, %dma_start3A_152] : memref<10000x128xf32, #tpu.memory_space<vmem_shared>> -> memref<640x128xf32, #tpu.memory_space<vmem_shared>>
        tpu.enqueue_dma source(%dma_start3A_153 : memref<640x128xf32, #tpu.memory_space<vmem_shared>>) target(%dma_start3A_151 : memref<640x128xf32, #tpu.memory_space<hbm>>) target_semaphore(%run_scoped3A : memref<!tpu.dma_semaphore, #tpu.memory_space<semaphore_mem>>)
        %dma_wait3A_154 = arith.constant 0 : i32
        %dma_wait3A_155 = arith.constant 0 : i32
        %dma_wait3A_156 = tpu.memref_slice %arg6[%arg0, %dma_wait3A_154, %dma_wait3A_155] : memref<2x10000x128xf32, #tpu.memory_space<hbm>> -> memref<1x10000x128xf32, #tpu.memory_space<hbm>>
        %dma_wait3A_157 = tpu.memref_squeeze %dma_wait3A_156 : memref<1x10000x128xf32, #tpu.memory_space<hbm>> -> memref<10000x128xf32, #tpu.memory_space<hbm>>
        %dma_wait3A_158 = arith.constant 0 : i32
        %dma_wait3A_159 = tpu.memref_slice %dma_wait3A_157[%mul3A_145, %dma_wait3A_158] : memref<10000x128xf32, #tpu.memory_space<hbm>> -> memref<640x128xf32, #tpu.memory_space<hbm>>
        %dma_wait3A_160 = arith.constant 0 : i32
        %dma_wait3A_161 = tpu.memref_slice %arg23[%mul3A_143, %dma_wait3A_160] : memref<10000x128xf32, #tpu.memory_space<vmem_shared>> -> memref<640x128xf32, #tpu.memory_space<vmem_shared>>
        tpu.wait_dma2 semaphore(%run_scoped3A : memref<!tpu.dma_semaphore, #tpu.memory_space<semaphore_mem>>) src(%dma_wait3A_161 : memref<640x128xf32, #tpu.memory_space<vmem_shared>>) dst(%dma_wait3A_159 : memref<640x128xf32, #tpu.memory_space<hbm>>)
        tpu.yield
      }) : () -> ()
    } else {
    }
    %eq3A_137 = arith.constant 15 : i32
    %eq3A_138 = arith.cmpi eq, %arg1, %eq3A_137 : i32
    %convert_element_type3A_139 = arith.extui %eq3A_138 : i1 to i32
    %cond3A_140 = arith.constant 0 : i32
    %cond3A_141 = arith.cmpi ne, %convert_element_type3A_139, %cond3A_140 : i32
    scf.if %cond3A_141 {
      "tpu.region"() ({
        %run_scoped3A = tpu.sem_alloc : memref<!tpu.dma_semaphore, #tpu.memory_space<semaphore_mem>>
        %dma_start3A_142 = arith.constant 0 : i32
        %dma_start3A_143 = arith.constant 0 : i32
        %dma_start3A_144 = tpu.memref_slice %arg6[%arg0, %dma_start3A_142, %dma_start3A_143] : memref<2x10000x128xf32, #tpu.memory_space<hbm>> -> memref<1x10000x128xf32, #tpu.memory_space<hbm>>
        %dma_start3A_145 = tpu.memref_squeeze %dma_start3A_144 : memref<1x10000x128xf32, #tpu.memory_space<hbm>> -> memref<10000x128xf32, #tpu.memory_space<hbm>>
        %dma_start3A_146 = arith.constant 9600 : i32
        %dma_start3A_147 = arith.constant 0 : i32
        %dma_start3A_148 = tpu.memref_slice %dma_start3A_145[%dma_start3A_146, %dma_start3A_147] : memref<10000x128xf32, #tpu.memory_space<hbm>> -> memref<400x128xf32, #tpu.memory_space<hbm>>
        %dma_start3A_149 = arith.constant 9600 : i32
        %dma_start3A_150 = arith.constant 0 : i32
        %dma_start3A_151 = tpu.memref_slice %arg23[%dma_start3A_149, %dma_start3A_150] : memref<10000x128xf32, #tpu.memory_space<vmem_shared>> -> memref<400x128xf32, #tpu.memory_space<vmem_shared>>
        tpu.enqueue_dma source(%dma_start3A_151 : memref<400x128xf32, #tpu.memory_space<vmem_shared>>) target(%dma_start3A_148 : memref<400x128xf32, #tpu.memory_space<hbm>>) target_semaphore(%run_scoped3A : memref<!tpu.dma_semaphore, #tpu.memory_space<semaphore_mem>>)
        %dma_wait3A_152 = arith.constant 0 : i32
        %dma_wait3A_153 = arith.constant 0 : i32
        %dma_wait3A_154 = tpu.memref_slice %arg6[%arg0, %dma_wait3A_152, %dma_wait3A_153] : memref<2x10000x128xf32, #tpu.memory_space<hbm>> -> memref<1x10000x128xf32, #tpu.memory_space<hbm>>
        %dma_wait3A_155 = tpu.memref_squeeze %dma_wait3A_154 : memref<1x10000x128xf32, #tpu.memory_space<hbm>> -> memref<10000x128xf32, #tpu.memory_space<hbm>>
        %dma_wait3A_156 = arith.constant 9600 : i32
        %dma_wait3A_157 = arith.constant 0 : i32
        %dma_wait3A_158 = tpu.memref_slice %dma_wait3A_155[%dma_wait3A_156, %dma_wait3A_157] : memref<10000x128xf32, #tpu.memory_space<hbm>> -> memref<400x128xf32, #tpu.memory_space<hbm>>
        %dma_wait3A_159 = arith.constant 9600 : i32
        %dma_wait3A_160 = arith.constant 0 : i32
        %dma_wait3A_161 = tpu.memref_slice %arg23[%dma_wait3A_159, %dma_wait3A_160] : memref<10000x128xf32, #tpu.memory_space<vmem_shared>> -> memref<400x128xf32, #tpu.memory_space<vmem_shared>>
        tpu.wait_dma2 semaphore(%run_scoped3A : memref<!tpu.dma_semaphore, #tpu.memory_space<semaphore_mem>>) src(%dma_wait3A_161 : memref<400x128xf32, #tpu.memory_space<vmem_shared>>) dst(%dma_wait3A_158 : memref<400x128xf32, #tpu.memory_space<hbm>>)
        tpu.yield
      }) : () -> ()
    } else {
    }
    return
  }
}

#map = affine_map<(d0, d1) -> (0, 0)>
#map1 = affine_map<(d0, d1) -> (0)>
#map2 = affine_map<(d0, d1) -> (0, 0, 0)>
module attributes {stable_mosaic.version = 14 : i64} {
  func.func @scatter_kernel(%arg0: i32, %arg1: i32, %arg2: memref<10000x128xf32, #tpu.memory_space<hbm>>, %arg3: memref<320000xi32, #tpu.memory_space<hbm>>, %arg4: memref<320000xi32, #tpu.memory_space<hbm>>, %arg5: memref<10000x128xf32, #tpu.memory_space<hbm>>, %arg6: memref<2x10000x128xf32, #tpu.memory_space<hbm>>, %arg7: memref<80xi32, #tpu.memory_space<vmem>>, %arg8: memref<80xi32, #tpu.memory_space<vmem>>, %arg9: memref<80xi32, #tpu.memory_space<vmem>>, %arg10: memref<80xi32, #tpu.memory_space<vmem>>, %arg11: memref<80xi32, #tpu.memory_space<vmem>>, %arg12: memref<80xi32, #tpu.memory_space<vmem>>, %arg13: memref<80xi32, #tpu.memory_space<vmem>>, %arg14: memref<80xi32, #tpu.memory_space<vmem>>, %arg15: memref<80xi32, #tpu.memory_space<vmem>>, %arg16: memref<80xi32, #tpu.memory_space<vmem>>, %arg17: memref<80xi32, #tpu.memory_space<vmem>>, %arg18: memref<80xi32, #tpu.memory_space<vmem>>, %arg19: memref<80x128xf32, #tpu.memory_space<vmem>>, %arg20: memref<80x128xf32, #tpu.memory_space<vmem>>, %arg21: memref<80x128xf32, #tpu.memory_space<vmem>>, %arg22: memref<80x128xf32, #tpu.memory_space<vmem>>, %arg23: memref<10000x128xf32, #tpu.memory_space<vmem_shared>>, %arg24: memref<!tpu.dma_semaphore, #tpu.memory_space<semaphore_mem>>, %arg25: memref<!tpu.dma_semaphore, #tpu.memory_space<semaphore_mem>>, %arg26: memref<!tpu.dma_semaphore, #tpu.memory_space<semaphore_mem>>, %arg27: memref<!tpu.dma_semaphore, #tpu.memory_space<semaphore_mem>>, %arg28: memref<!tpu.dma_semaphore, #tpu.memory_space<semaphore_mem>>, %arg29: memref<!tpu.dma_semaphore, #tpu.memory_space<semaphore_mem>>, %arg30: memref<!tpu.dma_semaphore, #tpu.memory_space<semaphore_mem>>, %arg31: memref<!tpu.dma_semaphore, #tpu.memory_space<semaphore_mem>>, %arg32: memref<!tpu.dma_semaphore, #tpu.memory_space<semaphore_mem>>, %arg33: memref<!tpu.dma_semaphore, #tpu.memory_space<semaphore_mem>>) attributes {dimension_semantics = [#tpu.dimension_semantics<core_parallel>, #tpu.dimension_semantics<subcore_parallel>], iteration_bounds = array<i64: 2, 16>, scalar_prefetch = 0 : i64, scratch_operands = 27 : i64, tpu.core_type = #tpu.core_type<sc_vector_subcore>, window_params = [{transform_indices = #map}, {transform_indices = #map1}, {transform_indices = #map1}, {transform_indices = #map}, {transform_indices = #map2}]} {
    %mul3A = arith.constant 2 : i32
    %mul3A_0 = arith.muli %arg1, %mul3A : i32
    %add3A = arith.addi %mul3A_0, %arg0 : i32
    %lt3A = arith.constant 15 : i32
    %lt3A_1 = arith.cmpi slt, %arg1, %lt3A : i32
    %convert_element_type3A = arith.extui %lt3A_1 : i1 to i32
    %cond3A = arith.constant 0 : i32
    %cond3A_2 = arith.cmpi ne, %convert_element_type3A, %cond3A : i32
    scf.if %cond3A_2 {
      %mul3A_142 = arith.constant 640 : i32
      %mul3A_143 = arith.muli %arg1, %mul3A_142 : i32
      %mul3A_144 = arith.constant 640 : i32
      %mul3A_145 = arith.muli %arg1, %mul3A_144 : i32
      "tpu.region"() ({
        %run_scoped3A = tpu.sem_alloc : memref<!tpu.dma_semaphore, #tpu.memory_space<semaphore_mem>>
        %dma_start3A_146 = arith.constant 0 : i32
        %dma_start3A_147 = tpu.memref_slice %arg23[%mul3A_145, %dma_start3A_146] : memref<10000x128xf32, #tpu.memory_space<vmem_shared>> -> memref<640x128xf32, #tpu.memory_space<vmem_shared>>
        %dma_start3A_148 = arith.constant 0 : i32
        %dma_start3A_149 = tpu.memref_slice %arg5[%mul3A_143, %dma_start3A_148] : memref<10000x128xf32, #tpu.memory_space<hbm>> -> memref<640x128xf32, #tpu.memory_space<hbm>>
        tpu.enqueue_dma source(%dma_start3A_149 : memref<640x128xf32, #tpu.memory_space<hbm>>) target(%dma_start3A_147 : memref<640x128xf32, #tpu.memory_space<vmem_shared>>) target_semaphore(%run_scoped3A : memref<!tpu.dma_semaphore, #tpu.memory_space<semaphore_mem>>)
        %dma_wait3A_150 = arith.constant 0 : i32
        %dma_wait3A_151 = tpu.memref_slice %arg23[%mul3A_145, %dma_wait3A_150] : memref<10000x128xf32, #tpu.memory_space<vmem_shared>> -> memref<640x128xf32, #tpu.memory_space<vmem_shared>>
        %dma_wait3A_152 = arith.constant 0 : i32
        %dma_wait3A_153 = tpu.memref_slice %arg5[%mul3A_143, %dma_wait3A_152] : memref<10000x128xf32, #tpu.memory_space<hbm>> -> memref<640x128xf32, #tpu.memory_space<hbm>>
        tpu.wait_dma2 semaphore(%run_scoped3A : memref<!tpu.dma_semaphore, #tpu.memory_space<semaphore_mem>>) src(%dma_wait3A_153 : memref<640x128xf32, #tpu.memory_space<hbm>>) dst(%dma_wait3A_151 : memref<640x128xf32, #tpu.memory_space<vmem_shared>>)
        tpu.yield
      }) : () -> ()
    } else {
    }
    %eq3A = arith.constant 15 : i32
    %eq3A_3 = arith.cmpi eq, %arg1, %eq3A : i32
    %convert_element_type3A_4 = arith.extui %eq3A_3 : i1 to i32
    %cond3A_5 = arith.constant 0 : i32
    %cond3A_6 = arith.cmpi ne, %convert_element_type3A_4, %cond3A_5 : i32
    scf.if %cond3A_6 {
      "tpu.region"() ({
        %run_scoped3A = tpu.sem_alloc : memref<!tpu.dma_semaphore, #tpu.memory_space<semaphore_mem>>
        %dma_start3A_142 = arith.constant 9600 : i32
        %dma_start3A_143 = arith.constant 0 : i32
        %dma_start3A_144 = tpu.memref_slice %arg23[%dma_start3A_142, %dma_start3A_143] : memref<10000x128xf32, #tpu.memory_space<vmem_shared>> -> memref<400x128xf32, #tpu.memory_space<vmem_shared>>
        %dma_start3A_145 = arith.constant 9600 : i32
        %dma_start3A_146 = arith.constant 0 : i32
        %dma_start3A_147 = tpu.memref_slice %arg5[%dma_start3A_145, %dma_start3A_146] : memref<10000x128xf32, #tpu.memory_space<hbm>> -> memref<400x128xf32, #tpu.memory_space<hbm>>
        tpu.enqueue_dma source(%dma_start3A_147 : memref<400x128xf32, #tpu.memory_space<hbm>>) target(%dma_start3A_144 : memref<400x128xf32, #tpu.memory_space<vmem_shared>>) target_semaphore(%run_scoped3A : memref<!tpu.dma_semaphore, #tpu.memory_space<semaphore_mem>>)
        %dma_wait3A_148 = arith.constant 9600 : i32
        %dma_wait3A_149 = arith.constant 0 : i32
        %dma_wait3A_150 = tpu.memref_slice %arg23[%dma_wait3A_148, %dma_wait3A_149] : memref<10000x128xf32, #tpu.memory_space<vmem_shared>> -> memref<400x128xf32, #tpu.memory_space<vmem_shared>>
        %dma_wait3A_151 = arith.constant 9600 : i32
        %dma_wait3A_152 = arith.constant 0 : i32
        %dma_wait3A_153 = tpu.memref_slice %arg5[%dma_wait3A_151, %dma_wait3A_152] : memref<10000x128xf32, #tpu.memory_space<hbm>> -> memref<400x128xf32, #tpu.memory_space<hbm>>
        tpu.wait_dma2 semaphore(%run_scoped3A : memref<!tpu.dma_semaphore, #tpu.memory_space<semaphore_mem>>) src(%dma_wait3A_153 : memref<400x128xf32, #tpu.memory_space<hbm>>) dst(%dma_wait3A_150 : memref<400x128xf32, #tpu.memory_space<vmem_shared>>)
        tpu.yield
      }) : () -> ()
    } else {
    }
    %barrier3A = arith.constant 0 : index
    tpu.barrier barrier_id(%barrier3A)
    %mul3A_7 = arith.constant 10000 : i32
    %mul3A_8 = arith.muli %add3A, %mul3A_7 : i32
    "tpu.region"() ({
      %run_scoped3A = tpu.sem_alloc : memref<!tpu.dma_semaphore, #tpu.memory_space<semaphore_mem>>
      %dma_start3A_142 = tpu.memref_slice %arg3[%mul3A_8] : memref<320000xi32, #tpu.memory_space<hbm>> -> memref<80xi32, #tpu.memory_space<hbm>>
      %dma_start3A_143 = tpu.memref_slice %arg3[%mul3A_8] : memref<320000xi32, #tpu.memory_space<hbm>> -> memref<80xi32, #tpu.memory_space<hbm>>
      tpu.enqueue_dma source(%dma_start3A_143 : memref<80xi32, #tpu.memory_space<hbm>>) target(%arg7 : memref<80xi32, #tpu.memory_space<vmem>>) target_semaphore(%run_scoped3A : memref<!tpu.dma_semaphore, #tpu.memory_space<semaphore_mem>>)
      %dma_wait3A_144 = tpu.memref_slice %arg3[%mul3A_8] : memref<320000xi32, #tpu.memory_space<hbm>> -> memref<80xi32, #tpu.memory_space<hbm>>
      %dma_wait3A_145 = tpu.memref_slice %arg3[%mul3A_8] : memref<320000xi32, #tpu.memory_space<hbm>> -> memref<80xi32, #tpu.memory_space<hbm>>
      tpu.wait_dma2 semaphore(%run_scoped3A : memref<!tpu.dma_semaphore, #tpu.memory_space<semaphore_mem>>) src(%dma_wait3A_145 : memref<80xi32, #tpu.memory_space<hbm>>) dst(%arg7 : memref<80xi32, #tpu.memory_space<vmem>>)
      tpu.yield
    }) : () -> ()
    "tpu.region"() ({
      %run_scoped3A = tpu.sem_alloc : memref<!tpu.dma_semaphore, #tpu.memory_space<semaphore_mem>>
      %dma_start3A_142 = tpu.memref_slice %arg4[%mul3A_8] : memref<320000xi32, #tpu.memory_space<hbm>> -> memref<80xi32, #tpu.memory_space<hbm>>
      %dma_start3A_143 = tpu.memref_slice %arg4[%mul3A_8] : memref<320000xi32, #tpu.memory_space<hbm>> -> memref<80xi32, #tpu.memory_space<hbm>>
      tpu.enqueue_dma source(%dma_start3A_143 : memref<80xi32, #tpu.memory_space<hbm>>) target(%arg13 : memref<80xi32, #tpu.memory_space<vmem>>) target_semaphore(%run_scoped3A : memref<!tpu.dma_semaphore, #tpu.memory_space<semaphore_mem>>)
      %dma_wait3A_144 = tpu.memref_slice %arg4[%mul3A_8] : memref<320000xi32, #tpu.memory_space<hbm>> -> memref<80xi32, #tpu.memory_space<hbm>>
      %dma_wait3A_145 = tpu.memref_slice %arg4[%mul3A_8] : memref<320000xi32, #tpu.memory_space<hbm>> -> memref<80xi32, #tpu.memory_space<hbm>>
      tpu.wait_dma2 semaphore(%run_scoped3A : memref<!tpu.dma_semaphore, #tpu.memory_space<semaphore_mem>>) src(%dma_wait3A_145 : memref<80xi32, #tpu.memory_space<hbm>>) dst(%arg13 : memref<80xi32, #tpu.memory_space<vmem>>)
      tpu.yield
    }) : () -> ()
    %add3A_9 = arith.constant 80 : i32
    %add3A_10 = arith.addi %mul3A_8, %add3A_9 : i32
    "tpu.region"() ({
      %run_scoped3A = tpu.sem_alloc : memref<!tpu.dma_semaphore, #tpu.memory_space<semaphore_mem>>
      %dma_start3A_142 = tpu.memref_slice %arg3[%add3A_10] : memref<320000xi32, #tpu.memory_space<hbm>> -> memref<80xi32, #tpu.memory_space<hbm>>
      %dma_start3A_143 = tpu.memref_slice %arg3[%add3A_10] : memref<320000xi32, #tpu.memory_space<hbm>> -> memref<80xi32, #tpu.memory_space<hbm>>
      tpu.enqueue_dma source(%dma_start3A_143 : memref<80xi32, #tpu.memory_space<hbm>>) target(%arg8 : memref<80xi32, #tpu.memory_space<vmem>>) target_semaphore(%run_scoped3A : memref<!tpu.dma_semaphore, #tpu.memory_space<semaphore_mem>>)
      %dma_wait3A_144 = tpu.memref_slice %arg3[%add3A_10] : memref<320000xi32, #tpu.memory_space<hbm>> -> memref<80xi32, #tpu.memory_space<hbm>>
      %dma_wait3A_145 = tpu.memref_slice %arg3[%add3A_10] : memref<320000xi32, #tpu.memory_space<hbm>> -> memref<80xi32, #tpu.memory_space<hbm>>
      tpu.wait_dma2 semaphore(%run_scoped3A : memref<!tpu.dma_semaphore, #tpu.memory_space<semaphore_mem>>) src(%dma_wait3A_145 : memref<80xi32, #tpu.memory_space<hbm>>) dst(%arg8 : memref<80xi32, #tpu.memory_space<vmem>>)
      tpu.yield
    }) : () -> ()
    %add3A_11 = arith.constant 80 : i32
    %add3A_12 = arith.addi %mul3A_8, %add3A_11 : i32
    "tpu.region"() ({
      %run_scoped3A = tpu.sem_alloc : memref<!tpu.dma_semaphore, #tpu.memory_space<semaphore_mem>>
      %dma_start3A_142 = tpu.memref_slice %arg4[%add3A_12] : memref<320000xi32, #tpu.memory_space<hbm>> -> memref<80xi32, #tpu.memory_space<hbm>>
      %dma_start3A_143 = tpu.memref_slice %arg4[%add3A_12] : memref<320000xi32, #tpu.memory_space<hbm>> -> memref<80xi32, #tpu.memory_space<hbm>>
      tpu.enqueue_dma source(%dma_start3A_143 : memref<80xi32, #tpu.memory_space<hbm>>) target(%arg14 : memref<80xi32, #tpu.memory_space<vmem>>) target_semaphore(%run_scoped3A : memref<!tpu.dma_semaphore, #tpu.memory_space<semaphore_mem>>)
      %dma_wait3A_144 = tpu.memref_slice %arg4[%add3A_12] : memref<320000xi32, #tpu.memory_space<hbm>> -> memref<80xi32, #tpu.memory_space<hbm>>
      %dma_wait3A_145 = tpu.memref_slice %arg4[%add3A_12] : memref<320000xi32, #tpu.memory_space<hbm>> -> memref<80xi32, #tpu.memory_space<hbm>>
      tpu.wait_dma2 semaphore(%run_scoped3A : memref<!tpu.dma_semaphore, #tpu.memory_space<semaphore_mem>>) src(%dma_wait3A_145 : memref<80xi32, #tpu.memory_space<hbm>>) dst(%arg14 : memref<80xi32, #tpu.memory_space<vmem>>)
      tpu.yield
    }) : () -> ()
    %dma_start3A = arith.constant 0 : i32
    %dma_start3A_13 = arith.constant 0 : i32
    %dma_start3A_14 = tpu.memref_slice %arg2[%dma_start3A, %dma_start3A_13] : memref<10000x128xf32, #tpu.memory_space<hbm>> -> memref<10000x128xf32, #tpu.memory_space<hbm>>
    tpu.enqueue_indirect_dma source(%dma_start3A_14 : memref<10000x128xf32, #tpu.memory_space<hbm>>) target(%arg19 : memref<80x128xf32, #tpu.memory_space<vmem>>) offsets(%arg7 : memref<80xi32, #tpu.memory_space<vmem>>) semaphore(%arg24 : memref<!tpu.dma_semaphore, #tpu.memory_space<semaphore_mem>>)
    %dma_start3A_15 = arith.constant 0 : i32
    %dma_start3A_16 = arith.constant 0 : i32
    %dma_start3A_17 = tpu.memref_slice %arg2[%dma_start3A_15, %dma_start3A_16] : memref<10000x128xf32, #tpu.memory_space<hbm>> -> memref<10000x128xf32, #tpu.memory_space<hbm>>
    tpu.enqueue_indirect_dma source(%dma_start3A_17 : memref<10000x128xf32, #tpu.memory_space<hbm>>) target(%arg20 : memref<80x128xf32, #tpu.memory_space<vmem>>) offsets(%arg8 : memref<80xi32, #tpu.memory_space<vmem>>) semaphore(%arg25 : memref<!tpu.dma_semaphore, #tpu.memory_space<semaphore_mem>>)
    %min3A = arith.constant 2 : i32
    %min3A_18 = arith.constant 124 : i32
    %min3A_19 = arith.minsi %min3A, %min3A_18 : i32
    %mul3A_20 = arith.constant 80 : i32
    %mul3A_21 = arith.muli %min3A_19, %mul3A_20 : i32
    %add3A_22 = arith.addi %mul3A_8, %mul3A_21 : i32
    %dma_start3A_23 = tpu.memref_slice %arg3[%add3A_22] : memref<320000xi32, #tpu.memory_space<hbm>> -> memref<80xi32, #tpu.memory_space<hbm>>
    %dma_start3A_24 = tpu.memref_slice %arg3[%add3A_22] : memref<320000xi32, #tpu.memory_space<hbm>> -> memref<80xi32, #tpu.memory_space<hbm>>
    tpu.enqueue_dma source(%dma_start3A_24 : memref<80xi32, #tpu.memory_space<hbm>>) target(%arg9 : memref<80xi32, #tpu.memory_space<vmem>>) target_semaphore(%arg30 : memref<!tpu.dma_semaphore, #tpu.memory_space<semaphore_mem>>)
    %dma_start3A_25 = tpu.memref_slice %arg4[%add3A_22] : memref<320000xi32, #tpu.memory_space<hbm>> -> memref<80xi32, #tpu.memory_space<hbm>>
    %dma_start3A_26 = tpu.memref_slice %arg4[%add3A_22] : memref<320000xi32, #tpu.memory_space<hbm>> -> memref<80xi32, #tpu.memory_space<hbm>>
    tpu.enqueue_dma source(%dma_start3A_26 : memref<80xi32, #tpu.memory_space<hbm>>) target(%arg15 : memref<80xi32, #tpu.memory_space<vmem>>) target_semaphore(%arg30 : memref<!tpu.dma_semaphore, #tpu.memory_space<semaphore_mem>>)
    %min3A_27 = arith.constant 3 : i32
    %min3A_28 = arith.constant 124 : i32
    %min3A_29 = arith.minsi %min3A_27, %min3A_28 : i32
    %mul3A_30 = arith.constant 80 : i32
    %mul3A_31 = arith.muli %min3A_29, %mul3A_30 : i32
    %add3A_32 = arith.addi %mul3A_8, %mul3A_31 : i32
    %dma_start3A_33 = tpu.memref_slice %arg3[%add3A_32] : memref<320000xi32, #tpu.memory_space<hbm>> -> memref<80xi32, #tpu.memory_space<hbm>>
    %dma_start3A_34 = tpu.memref_slice %arg3[%add3A_32] : memref<320000xi32, #tpu.memory_space<hbm>> -> memref<80xi32, #tpu.memory_space<hbm>>
    tpu.enqueue_dma source(%dma_start3A_34 : memref<80xi32, #tpu.memory_space<hbm>>) target(%arg10 : memref<80xi32, #tpu.memory_space<vmem>>) target_semaphore(%arg31 : memref<!tpu.dma_semaphore, #tpu.memory_space<semaphore_mem>>)
    %dma_start3A_35 = tpu.memref_slice %arg4[%add3A_32] : memref<320000xi32, #tpu.memory_space<hbm>> -> memref<80xi32, #tpu.memory_space<hbm>>
    %dma_start3A_36 = tpu.memref_slice %arg4[%add3A_32] : memref<320000xi32, #tpu.memory_space<hbm>> -> memref<80xi32, #tpu.memory_space<hbm>>
    tpu.enqueue_dma source(%dma_start3A_36 : memref<80xi32, #tpu.memory_space<hbm>>) target(%arg16 : memref<80xi32, #tpu.memory_space<vmem>>) target_semaphore(%arg31 : memref<!tpu.dma_semaphore, #tpu.memory_space<semaphore_mem>>)
    %dma_wait3A = arith.constant 0 : i32
    %dma_wait3A_37 = tpu.memref_slice %arg3[%dma_wait3A] : memref<320000xi32, #tpu.memory_space<hbm>> -> memref<80xi32, #tpu.memory_space<hbm>>
    %dma_wait3A_38 = arith.constant 0 : i32
    %dma_wait3A_39 = tpu.memref_slice %arg3[%dma_wait3A_38] : memref<320000xi32, #tpu.memory_space<hbm>> -> memref<80xi32, #tpu.memory_space<hbm>>
    tpu.wait_dma2 semaphore(%arg30 : memref<!tpu.dma_semaphore, #tpu.memory_space<semaphore_mem>>) src(%dma_wait3A_39 : memref<80xi32, #tpu.memory_space<hbm>>) dst(%arg9 : memref<80xi32, #tpu.memory_space<vmem>>)
    %dma_wait3A_40 = arith.constant 0 : i32
    %dma_wait3A_41 = tpu.memref_slice %arg4[%dma_wait3A_40] : memref<320000xi32, #tpu.memory_space<hbm>> -> memref<80xi32, #tpu.memory_space<hbm>>
    %dma_wait3A_42 = arith.constant 0 : i32
    %dma_wait3A_43 = tpu.memref_slice %arg4[%dma_wait3A_42] : memref<320000xi32, #tpu.memory_space<hbm>> -> memref<80xi32, #tpu.memory_space<hbm>>
    tpu.wait_dma2 semaphore(%arg30 : memref<!tpu.dma_semaphore, #tpu.memory_space<semaphore_mem>>) src(%dma_wait3A_43 : memref<80xi32, #tpu.memory_space<hbm>>) dst(%arg15 : memref<80xi32, #tpu.memory_space<vmem>>)
    %dma_start3A_44 = arith.constant 0 : i32
    %dma_start3A_45 = arith.constant 0 : i32
    %dma_start3A_46 = tpu.memref_slice %arg2[%dma_start3A_44, %dma_start3A_45] : memref<10000x128xf32, #tpu.memory_space<hbm>> -> memref<10000x128xf32, #tpu.memory_space<hbm>>
    tpu.enqueue_indirect_dma source(%dma_start3A_46 : memref<10000x128xf32, #tpu.memory_space<hbm>>) target(%arg21 : memref<80x128xf32, #tpu.memory_space<vmem>>) offsets(%arg9 : memref<80xi32, #tpu.memory_space<vmem>>) semaphore(%arg26 : memref<!tpu.dma_semaphore, #tpu.memory_space<semaphore_mem>>)
    %dma_wait3A_47 = arith.constant 0 : i32
    %dma_wait3A_48 = arith.constant 0 : i32
    %dma_wait3A_49 = tpu.memref_slice %arg2[%dma_wait3A_47, %dma_wait3A_48] : memref<10000x128xf32, #tpu.memory_space<hbm>> -> memref<80x128xf32, #tpu.memory_space<hbm>>
    %dma_wait3A_50 = arith.constant 0 : i32
    %dma_wait3A_51 = arith.constant 0 : i32
    %dma_wait3A_52 = tpu.memref_slice %arg2[%dma_wait3A_50, %dma_wait3A_51] : memref<10000x128xf32, #tpu.memory_space<hbm>> -> memref<80x128xf32, #tpu.memory_space<hbm>>
    tpu.wait_dma2 semaphore(%arg24 : memref<!tpu.dma_semaphore, #tpu.memory_space<semaphore_mem>>) src(%dma_wait3A_52 : memref<80x128xf32, #tpu.memory_space<hbm>>) dst(%arg19 : memref<80x128xf32, #tpu.memory_space<vmem>>)
    "tpu.region"() ({
      %run_scoped3A = tpu.sem_alloc : memref<!tpu.dma_semaphore, #tpu.memory_space<semaphore_mem>>
      %dma_start3A_142 = arith.constant 0 : i32
      %dma_start3A_143 = arith.constant 0 : i32
      %dma_start3A_144 = tpu.memref_slice %arg23[%dma_start3A_142, %dma_start3A_143] : memref<10000x128xf32, #tpu.memory_space<vmem_shared>> -> memref<10000x128xf32, #tpu.memory_space<vmem_shared>>
      tpu.enqueue_indirect_dma source(%arg19 : memref<80x128xf32, #tpu.memory_space<vmem>>) target(%dma_start3A_144 : memref<10000x128xf32, #tpu.memory_space<vmem_shared>>) offsets(%arg13 : memref<80xi32, #tpu.memory_space<vmem>>) semaphore(%run_scoped3A : memref<!tpu.dma_semaphore, #tpu.memory_space<semaphore_mem>>) {add = true}
      %dma_wait3A_145 = arith.constant 0 : i32
      %dma_wait3A_146 = arith.constant 0 : i32
      %dma_wait3A_147 = tpu.memref_slice %arg23[%dma_wait3A_145, %dma_wait3A_146] : memref<10000x128xf32, #tpu.memory_space<vmem_shared>> -> memref<10000x128xf32, #tpu.memory_space<vmem_shared>>
      tpu.wait_indirect_dma semaphore(%run_scoped3A : memref<!tpu.dma_semaphore, #tpu.memory_space<semaphore_mem>>) src(%arg19 : memref<80x128xf32, #tpu.memory_space<vmem>>) dst(%dma_wait3A_147 : memref<10000x128xf32, #tpu.memory_space<vmem_shared>>)
      tpu.yield
    }) : () -> ()
    %min3A_53 = arith.constant 4 : i32
    %min3A_54 = arith.constant 124 : i32
    %min3A_55 = arith.minsi %min3A_53, %min3A_54 : i32
    %mul3A_56 = arith.constant 80 : i32
    %mul3A_57 = arith.muli %min3A_55, %mul3A_56 : i32
    %add3A_58 = arith.addi %mul3A_8, %mul3A_57 : i32
    %dma_start3A_59 = tpu.memref_slice %arg3[%add3A_58] : memref<320000xi32, #tpu.memory_space<hbm>> -> memref<80xi32, #tpu.memory_space<hbm>>
    %dma_start3A_60 = tpu.memref_slice %arg3[%add3A_58] : memref<320000xi32, #tpu.memory_space<hbm>> -> memref<80xi32, #tpu.memory_space<hbm>>
    tpu.enqueue_dma source(%dma_start3A_60 : memref<80xi32, #tpu.memory_space<hbm>>) target(%arg11 : memref<80xi32, #tpu.memory_space<vmem>>) target_semaphore(%arg32 : memref<!tpu.dma_semaphore, #tpu.memory_space<semaphore_mem>>)
    %dma_start3A_61 = tpu.memref_slice %arg4[%add3A_58] : memref<320000xi32, #tpu.memory_space<hbm>> -> memref<80xi32, #tpu.memory_space<hbm>>
    %dma_start3A_62 = tpu.memref_slice %arg4[%add3A_58] : memref<320000xi32, #tpu.memory_space<hbm>> -> memref<80xi32, #tpu.memory_space<hbm>>
    tpu.enqueue_dma source(%dma_start3A_62 : memref<80xi32, #tpu.memory_space<hbm>>) target(%arg17 : memref<80xi32, #tpu.memory_space<vmem>>) target_semaphore(%arg32 : memref<!tpu.dma_semaphore, #tpu.memory_space<semaphore_mem>>)
    %dma_wait3A_63 = arith.constant 0 : i32
    %dma_wait3A_64 = tpu.memref_slice %arg3[%dma_wait3A_63] : memref<320000xi32, #tpu.memory_space<hbm>> -> memref<80xi32, #tpu.memory_space<hbm>>
    %dma_wait3A_65 = arith.constant 0 : i32
    %dma_wait3A_66 = tpu.memref_slice %arg3[%dma_wait3A_65] : memref<320000xi32, #tpu.memory_space<hbm>> -> memref<80xi32, #tpu.memory_space<hbm>>
    tpu.wait_dma2 semaphore(%arg31 : memref<!tpu.dma_semaphore, #tpu.memory_space<semaphore_mem>>) src(%dma_wait3A_66 : memref<80xi32, #tpu.memory_space<hbm>>) dst(%arg10 : memref<80xi32, #tpu.memory_space<vmem>>)
    %dma_wait3A_67 = arith.constant 0 : i32
    %dma_wait3A_68 = tpu.memref_slice %arg4[%dma_wait3A_67] : memref<320000xi32, #tpu.memory_space<hbm>> -> memref<80xi32, #tpu.memory_space<hbm>>
    %dma_wait3A_69 = arith.constant 0 : i32
    %dma_wait3A_70 = tpu.memref_slice %arg4[%dma_wait3A_69] : memref<320000xi32, #tpu.memory_space<hbm>> -> memref<80xi32, #tpu.memory_space<hbm>>
    tpu.wait_dma2 semaphore(%arg31 : memref<!tpu.dma_semaphore, #tpu.memory_space<semaphore_mem>>) src(%dma_wait3A_70 : memref<80xi32, #tpu.memory_space<hbm>>) dst(%arg16 : memref<80xi32, #tpu.memory_space<vmem>>)
    %dma_start3A_71 = arith.constant 0 : i32
    %dma_start3A_72 = arith.constant 0 : i32
    %dma_start3A_73 = tpu.memref_slice %arg2[%dma_start3A_71, %dma_start3A_72] : memref<10000x128xf32, #tpu.memory_space<hbm>> -> memref<10000x128xf32, #tpu.memory_space<hbm>>
    tpu.enqueue_indirect_dma source(%dma_start3A_73 : memref<10000x128xf32, #tpu.memory_space<hbm>>) target(%arg22 : memref<80x128xf32, #tpu.memory_space<vmem>>) offsets(%arg10 : memref<80xi32, #tpu.memory_space<vmem>>) semaphore(%arg27 : memref<!tpu.dma_semaphore, #tpu.memory_space<semaphore_mem>>)
    %dma_wait3A_74 = arith.constant 0 : i32
    %dma_wait3A_75 = arith.constant 0 : i32
    %dma_wait3A_76 = tpu.memref_slice %arg2[%dma_wait3A_74, %dma_wait3A_75] : memref<10000x128xf32, #tpu.memory_space<hbm>> -> memref<80x128xf32, #tpu.memory_space<hbm>>
    %dma_wait3A_77 = arith.constant 0 : i32
    %dma_wait3A_78 = arith.constant 0 : i32
    %dma_wait3A_79 = tpu.memref_slice %arg2[%dma_wait3A_77, %dma_wait3A_78] : memref<10000x128xf32, #tpu.memory_space<hbm>> -> memref<80x128xf32, #tpu.memory_space<hbm>>
    tpu.wait_dma2 semaphore(%arg25 : memref<!tpu.dma_semaphore, #tpu.memory_space<semaphore_mem>>) src(%dma_wait3A_79 : memref<80x128xf32, #tpu.memory_space<hbm>>) dst(%arg20 : memref<80x128xf32, #tpu.memory_space<vmem>>)
    "tpu.region"() ({
      %run_scoped3A = tpu.sem_alloc : memref<!tpu.dma_semaphore, #tpu.memory_space<semaphore_mem>>
      %dma_start3A_142 = arith.constant 0 : i32
      %dma_start3A_143 = arith.constant 0 : i32
      %dma_start3A_144 = tpu.memref_slice %arg23[%dma_start3A_142, %dma_start3A_143] : memref<10000x128xf32, #tpu.memory_space<vmem_shared>> -> memref<10000x128xf32, #tpu.memory_space<vmem_shared>>
      tpu.enqueue_indirect_dma source(%arg20 : memref<80x128xf32, #tpu.memory_space<vmem>>) target(%dma_start3A_144 : memref<10000x128xf32, #tpu.memory_space<vmem_shared>>) offsets(%arg14 : memref<80xi32, #tpu.memory_space<vmem>>) semaphore(%run_scoped3A : memref<!tpu.dma_semaphore, #tpu.memory_space<semaphore_mem>>) {add = true}
      %dma_wait3A_145 = arith.constant 0 : i32
      %dma_wait3A_146 = arith.constant 0 : i32
      %dma_wait3A_147 = tpu.memref_slice %arg23[%dma_wait3A_145, %dma_wait3A_146] : memref<10000x128xf32, #tpu.memory_space<vmem_shared>> -> memref<10000x128xf32, #tpu.memory_space<vmem_shared>>
      tpu.wait_indirect_dma semaphore(%run_scoped3A : memref<!tpu.dma_semaphore, #tpu.memory_space<semaphore_mem>>) src(%arg20 : memref<80x128xf32, #tpu.memory_space<vmem>>) dst(%dma_wait3A_147 : memref<10000x128xf32, #tpu.memory_space<vmem_shared>>)
      tpu.yield
    }) : () -> ()
    %min3A_80 = arith.constant 5 : i32
    %min3A_81 = arith.constant 124 : i32
    %min3A_82 = arith.minsi %min3A_80, %min3A_81 : i32
    %mul3A_83 = arith.constant 80 : i32
    %mul3A_84 = arith.muli %min3A_82, %mul3A_83 : i32
    %add3A_85 = arith.addi %mul3A_8, %mul3A_84 : i32
    %dma_start3A_86 = tpu.memref_slice %arg3[%add3A_85] : memref<320000xi32, #tpu.memory_space<hbm>> -> memref<80xi32, #tpu.memory_space<hbm>>
    %dma_start3A_87 = tpu.memref_slice %arg3[%add3A_85] : memref<320000xi32, #tpu.memory_space<hbm>> -> memref<80xi32, #tpu.memory_space<hbm>>
    tpu.enqueue_dma source(%dma_start3A_87 : memref<80xi32, #tpu.memory_space<hbm>>) target(%arg12 : memref<80xi32, #tpu.memory_space<vmem>>) target_semaphore(%arg33 : memref<!tpu.dma_semaphore, #tpu.memory_space<semaphore_mem>>)
    %dma_start3A_88 = tpu.memref_slice %arg4[%add3A_85] : memref<320000xi32, #tpu.memory_space<hbm>> -> memref<80xi32, #tpu.memory_space<hbm>>
    %dma_start3A_89 = tpu.memref_slice %arg4[%add3A_85] : memref<320000xi32, #tpu.memory_space<hbm>> -> memref<80xi32, #tpu.memory_space<hbm>>
    tpu.enqueue_dma source(%dma_start3A_89 : memref<80xi32, #tpu.memory_space<hbm>>) target(%arg18 : memref<80xi32, #tpu.memory_space<vmem>>) target_semaphore(%arg33 : memref<!tpu.dma_semaphore, #tpu.memory_space<semaphore_mem>>)
    %scan3A = arith.constant 0 : i32
    %scan3A_90 = arith.constant 10 : i32
    %scan3A_91 = arith.addi %scan3A, %scan3A_90 : i32
    %scan3A_92 = arith.constant 1 : i32
    scf.for %scan3A_142 = %scan3A to %scan3A_91 step %scan3A_92  : i32 {
      %mul3A_143 = arith.constant 12 : i32
      %mul3A_144 = arith.muli %scan3A_142, %mul3A_143 : i32
      %add3A_145 = arith.constant 2 : i32
      %add3A_146 = arith.addi %add3A_145, %mul3A_144 : i32
      %add3A_147 = arith.constant 0 : i32
      %add3A_148 = arith.addi %add3A_146, %add3A_147 : i32
      %dma_wait3A_149 = arith.constant 0 : i32
      %dma_wait3A_150 = tpu.memref_slice %arg3[%dma_wait3A_149] : memref<320000xi32, #tpu.memory_space<hbm>> -> memref<80xi32, #tpu.memory_space<hbm>>
      %dma_wait3A_151 = arith.constant 0 : i32
      %dma_wait3A_152 = tpu.memref_slice %arg3[%dma_wait3A_151] : memref<320000xi32, #tpu.memory_space<hbm>> -> memref<80xi32, #tpu.memory_space<hbm>>
      tpu.wait_dma2 semaphore(%arg32 : memref<!tpu.dma_semaphore, #tpu.memory_space<semaphore_mem>>) src(%dma_wait3A_152 : memref<80xi32, #tpu.memory_space<hbm>>) dst(%arg11 : memref<80xi32, #tpu.memory_space<vmem>>)
      %dma_wait3A_153 = arith.constant 0 : i32
      %dma_wait3A_154 = tpu.memref_slice %arg4[%dma_wait3A_153] : memref<320000xi32, #tpu.memory_space<hbm>> -> memref<80xi32, #tpu.memory_space<hbm>>
      %dma_wait3A_155 = arith.constant 0 : i32
      %dma_wait3A_156 = tpu.memref_slice %arg4[%dma_wait3A_155] : memref<320000xi32, #tpu.memory_space<hbm>> -> memref<80xi32, #tpu.memory_space<hbm>>
      tpu.wait_dma2 semaphore(%arg32 : memref<!tpu.dma_semaphore, #tpu.memory_space<semaphore_mem>>) src(%dma_wait3A_156 : memref<80xi32, #tpu.memory_space<hbm>>) dst(%arg17 : memref<80xi32, #tpu.memory_space<vmem>>)
      %dma_start3A_157 = arith.constant 0 : i32
      %dma_start3A_158 = arith.constant 0 : i32
      %dma_start3A_159 = tpu.memref_slice %arg2[%dma_start3A_157, %dma_start3A_158] : memref<10000x128xf32, #tpu.memory_space<hbm>> -> memref<10000x128xf32, #tpu.memory_space<hbm>>
      tpu.enqueue_indirect_dma source(%dma_start3A_159 : memref<10000x128xf32, #tpu.memory_space<hbm>>) target(%arg19 : memref<80x128xf32, #tpu.memory_space<vmem>>) offsets(%arg11 : memref<80xi32, #tpu.memory_space<vmem>>) semaphore(%arg24 : memref<!tpu.dma_semaphore, #tpu.memory_space<semaphore_mem>>)
      %dma_wait3A_160 = arith.constant 0 : i32
      %dma_wait3A_161 = arith.constant 0 : i32
      %dma_wait3A_162 = tpu.memref_slice %arg2[%dma_wait3A_160, %dma_wait3A_161] : memref<10000x128xf32, #tpu.memory_space<hbm>> -> memref<80x128xf32, #tpu.memory_space<hbm>>
      %dma_wait3A_163 = arith.constant 0 : i32
      %dma_wait3A_164 = arith.constant 0 : i32
      %dma_wait3A_165 = tpu.memref_slice %arg2[%dma_wait3A_163, %dma_wait3A_164] : memref<10000x128xf32, #tpu.memory_space<hbm>> -> memref<80x128xf32, #tpu.memory_space<hbm>>
      tpu.wait_dma2 semaphore(%arg26 : memref<!tpu.dma_semaphore, #tpu.memory_space<semaphore_mem>>) src(%dma_wait3A_165 : memref<80x128xf32, #tpu.memory_space<hbm>>) dst(%arg21 : memref<80x128xf32, #tpu.memory_space<vmem>>)
      "tpu.region"() ({
        %run_scoped3A = tpu.sem_alloc : memref<!tpu.dma_semaphore, #tpu.memory_space<semaphore_mem>>
        %dma_start3A_507 = arith.constant 0 : i32
        %dma_start3A_508 = arith.constant 0 : i32
        %dma_start3A_509 = tpu.memref_slice %arg23[%dma_start3A_507, %dma_start3A_508] : memref<10000x128xf32, #tpu.memory_space<vmem_shared>> -> memref<10000x128xf32, #tpu.memory_space<vmem_shared>>
        tpu.enqueue_indirect_dma source(%arg21 : memref<80x128xf32, #tpu.memory_space<vmem>>) target(%dma_start3A_509 : memref<10000x128xf32, #tpu.memory_space<vmem_shared>>) offsets(%arg15 : memref<80xi32, #tpu.memory_space<vmem>>) semaphore(%run_scoped3A : memref<!tpu.dma_semaphore, #tpu.memory_space<semaphore_mem>>) {add = true}
        %dma_wait3A_510 = arith.constant 0 : i32
        %dma_wait3A_511 = arith.constant 0 : i32
        %dma_wait3A_512 = tpu.memref_slice %arg23[%dma_wait3A_510, %dma_wait3A_511] : memref<10000x128xf32, #tpu.memory_space<vmem_shared>> -> memref<10000x128xf32, #tpu.memory_space<vmem_shared>>
        tpu.wait_indirect_dma semaphore(%run_scoped3A : memref<!tpu.dma_semaphore, #tpu.memory_space<semaphore_mem>>) src(%arg21 : memref<80x128xf32, #tpu.memory_space<vmem>>) dst(%dma_wait3A_512 : memref<10000x128xf32, #tpu.memory_space<vmem_shared>>)
        tpu.yield
      }) : () -> ()
      %add3A_166 = arith.constant 4 : i32
      %add3A_167 = arith.addi %add3A_148, %add3A_166 : i32
      %min3A_168 = arith.constant 124 : i32
      %min3A_169 = arith.minsi %add3A_167, %min3A_168 : i32
      %mul3A_170 = arith.constant 80 : i32
      %mul3A_171 = arith.muli %min3A_169, %mul3A_170 : i32
      %add3A_172 = arith.addi %mul3A_8, %mul3A_171 : i32
      %dma_start3A_173 = tpu.memref_slice %arg3[%add3A_172] : memref<320000xi32, #tpu.memory_space<hbm>> -> memref<80xi32, #tpu.memory_space<hbm>>
      %dma_start3A_174 = tpu.memref_slice %arg3[%add3A_172] : memref<320000xi32, #tpu.memory_space<hbm>> -> memref<80xi32, #tpu.memory_space<hbm>>
      tpu.enqueue_dma source(%dma_start3A_174 : memref<80xi32, #tpu.memory_space<hbm>>) target(%arg7 : memref<80xi32, #tpu.memory_space<vmem>>) target_semaphore(%arg28 : memref<!tpu.dma_semaphore, #tpu.memory_space<semaphore_mem>>)
      %dma_start3A_175 = tpu.memref_slice %arg4[%add3A_172] : memref<320000xi32, #tpu.memory_space<hbm>> -> memref<80xi32, #tpu.memory_space<hbm>>
      %dma_start3A_176 = tpu.memref_slice %arg4[%add3A_172] : memref<320000xi32, #tpu.memory_space<hbm>> -> memref<80xi32, #tpu.memory_space<hbm>>
      tpu.enqueue_dma source(%dma_start3A_176 : memref<80xi32, #tpu.memory_space<hbm>>) target(%arg13 : memref<80xi32, #tpu.memory_space<vmem>>) target_semaphore(%arg28 : memref<!tpu.dma_semaphore, #tpu.memory_space<semaphore_mem>>)
      %add3A_177 = arith.constant 1 : i32
      %add3A_178 = arith.addi %add3A_146, %add3A_177 : i32
      %dma_wait3A_179 = arith.constant 0 : i32
      %dma_wait3A_180 = tpu.memref_slice %arg3[%dma_wait3A_179] : memref<320000xi32, #tpu.memory_space<hbm>> -> memref<80xi32, #tpu.memory_space<hbm>>
      %dma_wait3A_181 = arith.constant 0 : i32
      %dma_wait3A_182 = tpu.memref_slice %arg3[%dma_wait3A_181] : memref<320000xi32, #tpu.memory_space<hbm>> -> memref<80xi32, #tpu.memory_space<hbm>>
      tpu.wait_dma2 semaphore(%arg33 : memref<!tpu.dma_semaphore, #tpu.memory_space<semaphore_mem>>) src(%dma_wait3A_182 : memref<80xi32, #tpu.memory_space<hbm>>) dst(%arg12 : memref<80xi32, #tpu.memory_space<vmem>>)
      %dma_wait3A_183 = arith.constant 0 : i32
      %dma_wait3A_184 = tpu.memref_slice %arg4[%dma_wait3A_183] : memref<320000xi32, #tpu.memory_space<hbm>> -> memref<80xi32, #tpu.memory_space<hbm>>
      %dma_wait3A_185 = arith.constant 0 : i32
      %dma_wait3A_186 = tpu.memref_slice %arg4[%dma_wait3A_185] : memref<320000xi32, #tpu.memory_space<hbm>> -> memref<80xi32, #tpu.memory_space<hbm>>
      tpu.wait_dma2 semaphore(%arg33 : memref<!tpu.dma_semaphore, #tpu.memory_space<semaphore_mem>>) src(%dma_wait3A_186 : memref<80xi32, #tpu.memory_space<hbm>>) dst(%arg18 : memref<80xi32, #tpu.memory_space<vmem>>)
      %dma_start3A_187 = arith.constant 0 : i32
      %dma_start3A_188 = arith.constant 0 : i32
      %dma_start3A_189 = tpu.memref_slice %arg2[%dma_start3A_187, %dma_start3A_188] : memref<10000x128xf32, #tpu.memory_space<hbm>> -> memref<10000x128xf32, #tpu.memory_space<hbm>>
      tpu.enqueue_indirect_dma source(%dma_start3A_189 : memref<10000x128xf32, #tpu.memory_space<hbm>>) target(%arg20 : memref<80x128xf32, #tpu.memory_space<vmem>>) offsets(%arg12 : memref<80xi32, #tpu.memory_space<vmem>>) semaphore(%arg25 : memref<!tpu.dma_semaphore, #tpu.memory_space<semaphore_mem>>)
      %dma_wait3A_190 = arith.constant 0 : i32
      %dma_wait3A_191 = arith.constant 0 : i32
      %dma_wait3A_192 = tpu.memref_slice %arg2[%dma_wait3A_190, %dma_wait3A_191] : memref<10000x128xf32, #tpu.memory_space<hbm>> -> memref<80x128xf32, #tpu.memory_space<hbm>>
      %dma_wait3A_193 = arith.constant 0 : i32
      %dma_wait3A_194 = arith.constant 0 : i32
      %dma_wait3A_195 = tpu.memref_slice %arg2[%dma_wait3A_193, %dma_wait3A_194] : memref<10000x128xf32, #tpu.memory_space<hbm>> -> memref<80x128xf32, #tpu.memory_space<hbm>>
      tpu.wait_dma2 semaphore(%arg27 : memref<!tpu.dma_semaphore, #tpu.memory_space<semaphore_mem>>) src(%dma_wait3A_195 : memref<80x128xf32, #tpu.memory_space<hbm>>) dst(%arg22 : memref<80x128xf32, #tpu.memory_space<vmem>>)
      "tpu.region"() ({
        %run_scoped3A = tpu.sem_alloc : memref<!tpu.dma_semaphore, #tpu.memory_space<semaphore_mem>>
        %dma_start3A_507 = arith.constant 0 : i32
        %dma_start3A_508 = arith.constant 0 : i32
        %dma_start3A_509 = tpu.memref_slice %arg23[%dma_start3A_507, %dma_start3A_508] : memref<10000x128xf32, #tpu.memory_space<vmem_shared>> -> memref<10000x128xf32, #tpu.memory_space<vmem_shared>>
        tpu.enqueue_indirect_dma source(%arg22 : memref<80x128xf32, #tpu.memory_space<vmem>>) target(%dma_start3A_509 : memref<10000x128xf32, #tpu.memory_space<vmem_shared>>) offsets(%arg16 : memref<80xi32, #tpu.memory_space<vmem>>) semaphore(%run_scoped3A : memref<!tpu.dma_semaphore, #tpu.memory_space<semaphore_mem>>) {add = true}
        %dma_wait3A_510 = arith.constant 0 : i32
        %dma_wait3A_511 = arith.constant 0 : i32
        %dma_wait3A_512 = tpu.memref_slice %arg23[%dma_wait3A_510, %dma_wait3A_511] : memref<10000x128xf32, #tpu.memory_space<vmem_shared>> -> memref<10000x128xf32, #tpu.memory_space<vmem_shared>>
        tpu.wait_indirect_dma semaphore(%run_scoped3A : memref<!tpu.dma_semaphore, #tpu.memory_space<semaphore_mem>>) src(%arg22 : memref<80x128xf32, #tpu.memory_space<vmem>>) dst(%dma_wait3A_512 : memref<10000x128xf32, #tpu.memory_space<vmem_shared>>)
        tpu.yield
      }) : () -> ()
      %add3A_196 = arith.constant 4 : i32
      %add3A_197 = arith.addi %add3A_178, %add3A_196 : i32
      %min3A_198 = arith.constant 124 : i32
      %min3A_199 = arith.minsi %add3A_197, %min3A_198 : i32
      %mul3A_200 = arith.constant 80 : i32
      %mul3A_201 = arith.muli %min3A_199, %mul3A_200 : i32
      %add3A_202 = arith.addi %mul3A_8, %mul3A_201 : i32
      %dma_start3A_203 = tpu.memref_slice %arg3[%add3A_202] : memref<320000xi32, #tpu.memory_space<hbm>> -> memref<80xi32, #tpu.memory_space<hbm>>
      %dma_start3A_204 = tpu.memref_slice %arg3[%add3A_202] : memref<320000xi32, #tpu.memory_space<hbm>> -> memref<80xi32, #tpu.memory_space<hbm>>
      tpu.enqueue_dma source(%dma_start3A_204 : memref<80xi32, #tpu.memory_space<hbm>>) target(%arg8 : memref<80xi32, #tpu.memory_space<vmem>>) target_semaphore(%arg29 : memref<!tpu.dma_semaphore, #tpu.memory_space<semaphore_mem>>)
      %dma_start3A_205 = tpu.memref_slice %arg4[%add3A_202] : memref<320000xi32, #tpu.memory_space<hbm>> -> memref<80xi32, #tpu.memory_space<hbm>>
      %dma_start3A_206 = tpu.memref_slice %arg4[%add3A_202] : memref<320000xi32, #tpu.memory_space<hbm>> -> memref<80xi32, #tpu.memory_space<hbm>>
      tpu.enqueue_dma source(%dma_start3A_206 : memref<80xi32, #tpu.memory_space<hbm>>) target(%arg14 : memref<80xi32, #tpu.memory_space<vmem>>) target_semaphore(%arg29 : memref<!tpu.dma_semaphore, #tpu.memory_space<semaphore_mem>>)
      %add3A_207 = arith.constant 2 : i32
      %add3A_208 = arith.addi %add3A_146, %add3A_207 : i32
      %dma_wait3A_209 = arith.constant 0 : i32
      %dma_wait3A_210 = tpu.memref_slice %arg3[%dma_wait3A_209] : memref<320000xi32, #tpu.memory_space<hbm>> -> memref<80xi32, #tpu.memory_space<hbm>>
      %dma_wait3A_211 = arith.constant 0 : i32
      %dma_wait3A_212 = tpu.memref_slice %arg3[%dma_wait3A_211] : memref<320000xi32, #tpu.memory_space<hbm>> -> memref<80xi32, #tpu.memory_space<hbm>>
      tpu.wait_dma2 semaphore(%arg28 : memref<!tpu.dma_semaphore, #tpu.memory_space<semaphore_mem>>) src(%dma_wait3A_212 : memref<80xi32, #tpu.memory_space<hbm>>) dst(%arg7 : memref<80xi32, #tpu.memory_space<vmem>>)
      %dma_wait3A_213 = arith.constant 0 : i32
      %dma_wait3A_214 = tpu.memref_slice %arg4[%dma_wait3A_213] : memref<320000xi32, #tpu.memory_space<hbm>> -> memref<80xi32, #tpu.memory_space<hbm>>
      %dma_wait3A_215 = arith.constant 0 : i32
      %dma_wait3A_216 = tpu.memref_slice %arg4[%dma_wait3A_215] : memref<320000xi32, #tpu.memory_space<hbm>> -> memref<80xi32, #tpu.memory_space<hbm>>
      tpu.wait_dma2 semaphore(%arg28 : memref<!tpu.dma_semaphore, #tpu.memory_space<semaphore_mem>>) src(%dma_wait3A_216 : memref<80xi32, #tpu.memory_space<hbm>>) dst(%arg13 : memref<80xi32, #tpu.memory_space<vmem>>)
      %dma_start3A_217 = arith.constant 0 : i32
      %dma_start3A_218 = arith.constant 0 : i32
      %dma_start3A_219 = tpu.memref_slice %arg2[%dma_start3A_217, %dma_start3A_218] : memref<10000x128xf32, #tpu.memory_space<hbm>> -> memref<10000x128xf32, #tpu.memory_space<hbm>>
      tpu.enqueue_indirect_dma source(%dma_start3A_219 : memref<10000x128xf32, #tpu.memory_space<hbm>>) target(%arg21 : memref<80x128xf32, #tpu.memory_space<vmem>>) offsets(%arg7 : memref<80xi32, #tpu.memory_space<vmem>>) semaphore(%arg26 : memref<!tpu.dma_semaphore, #tpu.memory_space<semaphore_mem>>)
      %dma_wait3A_220 = arith.constant 0 : i32
      %dma_wait3A_221 = arith.constant 0 : i32
      %dma_wait3A_222 = tpu.memref_slice %arg2[%dma_wait3A_220, %dma_wait3A_221] : memref<10000x128xf32, #tpu.memory_space<hbm>> -> memref<80x128xf32, #tpu.memory_space<hbm>>
      %dma_wait3A_223 = arith.constant 0 : i32
      %dma_wait3A_224 = arith.constant 0 : i32
      %dma_wait3A_225 = tpu.memref_slice %arg2[%dma_wait3A_223, %dma_wait3A_224] : memref<10000x128xf32, #tpu.memory_space<hbm>> -> memref<80x128xf32, #tpu.memory_space<hbm>>
      tpu.wait_dma2 semaphore(%arg24 : memref<!tpu.dma_semaphore, #tpu.memory_space<semaphore_mem>>) src(%dma_wait3A_225 : memref<80x128xf32, #tpu.memory_space<hbm>>) dst(%arg19 : memref<80x128xf32, #tpu.memory_space<vmem>>)
      "tpu.region"() ({
        %run_scoped3A = tpu.sem_alloc : memref<!tpu.dma_semaphore, #tpu.memory_space<semaphore_mem>>
        %dma_start3A_507 = arith.constant 0 : i32
        %dma_start3A_508 = arith.constant 0 : i32
        %dma_start3A_509 = tpu.memref_slice %arg23[%dma_start3A_507, %dma_start3A_508] : memref<10000x128xf32, #tpu.memory_space<vmem_shared>> -> memref<10000x128xf32, #tpu.memory_space<vmem_shared>>
        tpu.enqueue_indirect_dma source(%arg19 : memref<80x128xf32, #tpu.memory_space<vmem>>) target(%dma_start3A_509 : memref<10000x128xf32, #tpu.memory_space<vmem_shared>>) offsets(%arg17 : memref<80xi32, #tpu.memory_space<vmem>>) semaphore(%run_scoped3A : memref<!tpu.dma_semaphore, #tpu.memory_space<semaphore_mem>>) {add = true}
        %dma_wait3A_510 = arith.constant 0 : i32
        %dma_wait3A_511 = arith.constant 0 : i32
        %dma_wait3A_512 = tpu.memref_slice %arg23[%dma_wait3A_510, %dma_wait3A_511] : memref<10000x128xf32, #tpu.memory_space<vmem_shared>> -> memref<10000x128xf32, #tpu.memory_space<vmem_shared>>
        tpu.wait_indirect_dma semaphore(%run_scoped3A : memref<!tpu.dma_semaphore, #tpu.memory_space<semaphore_mem>>) src(%arg19 : memref<80x128xf32, #tpu.memory_space<vmem>>) dst(%dma_wait3A_512 : memref<10000x128xf32, #tpu.memory_space<vmem_shared>>)
        tpu.yield
      }) : () -> ()
      %add3A_226 = arith.constant 4 : i32
      %add3A_227 = arith.addi %add3A_208, %add3A_226 : i32
      %min3A_228 = arith.constant 124 : i32
      %min3A_229 = arith.minsi %add3A_227, %min3A_228 : i32
      %mul3A_230 = arith.constant 80 : i32
      %mul3A_231 = arith.muli %min3A_229, %mul3A_230 : i32
      %add3A_232 = arith.addi %mul3A_8, %mul3A_231 : i32
      %dma_start3A_233 = tpu.memref_slice %arg3[%add3A_232] : memref<320000xi32, #tpu.memory_space<hbm>> -> memref<80xi32, #tpu.memory_space<hbm>>
      %dma_start3A_234 = tpu.memref_slice %arg3[%add3A_232] : memref<320000xi32, #tpu.memory_space<hbm>> -> memref<80xi32, #tpu.memory_space<hbm>>
      tpu.enqueue_dma source(%dma_start3A_234 : memref<80xi32, #tpu.memory_space<hbm>>) target(%arg9 : memref<80xi32, #tpu.memory_space<vmem>>) target_semaphore(%arg30 : memref<!tpu.dma_semaphore, #tpu.memory_space<semaphore_mem>>)
      %dma_start3A_235 = tpu.memref_slice %arg4[%add3A_232] : memref<320000xi32, #tpu.memory_space<hbm>> -> memref<80xi32, #tpu.memory_space<hbm>>
      %dma_start3A_236 = tpu.memref_slice %arg4[%add3A_232] : memref<320000xi32, #tpu.memory_space<hbm>> -> memref<80xi32, #tpu.memory_space<hbm>>
      tpu.enqueue_dma source(%dma_start3A_236 : memref<80xi32, #tpu.memory_space<hbm>>) target(%arg15 : memref<80xi32, #tpu.memory_space<vmem>>) target_semaphore(%arg30 : memref<!tpu.dma_semaphore, #tpu.memory_space<semaphore_mem>>)
      %add3A_237 = arith.constant 3 : i32
      %add3A_238 = arith.addi %add3A_146, %add3A_237 : i32
      %dma_wait3A_239 = arith.constant 0 : i32
      %dma_wait3A_240 = tpu.memref_slice %arg3[%dma_wait3A_239] : memref<320000xi32, #tpu.memory_space<hbm>> -> memref<80xi32, #tpu.memory_space<hbm>>
      %dma_wait3A_241 = arith.constant 0 : i32
      %dma_wait3A_242 = tpu.memref_slice %arg3[%dma_wait3A_241] : memref<320000xi32, #tpu.memory_space<hbm>> -> memref<80xi32, #tpu.memory_space<hbm>>
      tpu.wait_dma2 semaphore(%arg29 : memref<!tpu.dma_semaphore, #tpu.memory_space<semaphore_mem>>) src(%dma_wait3A_242 : memref<80xi32, #tpu.memory_space<hbm>>) dst(%arg8 : memref<80xi32, #tpu.memory_space<vmem>>)
      %dma_wait3A_243 = arith.constant 0 : i32
      %dma_wait3A_244 = tpu.memref_slice %arg4[%dma_wait3A_243] : memref<320000xi32, #tpu.memory_space<hbm>> -> memref<80xi32, #tpu.memory_space<hbm>>
      %dma_wait3A_245 = arith.constant 0 : i32
      %dma_wait3A_246 = tpu.memref_slice %arg4[%dma_wait3A_245] : memref<320000xi32, #tpu.memory_space<hbm>> -> memref<80xi32, #tpu.memory_space<hbm>>
      tpu.wait_dma2 semaphore(%arg29 : memref<!tpu.dma_semaphore, #tpu.memory_space<semaphore_mem>>) src(%dma_wait3A_246 : memref<80xi32, #tpu.memory_space<hbm>>) dst(%arg14 : memref<80xi32, #tpu.memory_space<vmem>>)
      %dma_start3A_247 = arith.constant 0 : i32
      %dma_start3A_248 = arith.constant 0 : i32
      %dma_start3A_249 = tpu.memref_slice %arg2[%dma_start3A_247, %dma_start3A_248] : memref<10000x128xf32, #tpu.memory_space<hbm>> -> memref<10000x128xf32, #tpu.memory_space<hbm>>
      tpu.enqueue_indirect_dma source(%dma_start3A_249 : memref<10000x128xf32, #tpu.memory_space<hbm>>) target(%arg22 : memref<80x128xf32, #tpu.memory_space<vmem>>) offsets(%arg8 : memref<80xi32, #tpu.memory_space<vmem>>) semaphore(%arg27 : memref<!tpu.dma_semaphore, #tpu.memory_space<semaphore_mem>>)
      %dma_wait3A_250 = arith.constant 0 : i32
      %dma_wait3A_251 = arith.constant 0 : i32
      %dma_wait3A_252 = tpu.memref_slice %arg2[%dma_wait3A_250, %dma_wait3A_251] : memref<10000x128xf32, #tpu.memory_space<hbm>> -> memref<80x128xf32, #tpu.memory_space<hbm>>
      %dma_wait3A_253 = arith.constant 0 : i32
      %dma_wait3A_254 = arith.constant 0 : i32
      %dma_wait3A_255 = tpu.memref_slice %arg2[%dma_wait3A_253, %dma_wait3A_254] : memref<10000x128xf32, #tpu.memory_space<hbm>> -> memref<80x128xf32, #tpu.memory_space<hbm>>
      tpu.wait_dma2 semaphore(%arg25 : memref<!tpu.dma_semaphore, #tpu.memory_space<semaphore_mem>>) src(%dma_wait3A_255 : memref<80x128xf32, #tpu.memory_space<hbm>>) dst(%arg20 : memref<80x128xf32, #tpu.memory_space<vmem>>)
      "tpu.region"() ({
        %run_scoped3A = tpu.sem_alloc : memref<!tpu.dma_semaphore, #tpu.memory_space<semaphore_mem>>
        %dma_start3A_507 = arith.constant 0 : i32
        %dma_start3A_508 = arith.constant 0 : i32
        %dma_start3A_509 = tpu.memref_slice %arg23[%dma_start3A_507, %dma_start3A_508] : memref<10000x128xf32, #tpu.memory_space<vmem_shared>> -> memref<10000x128xf32, #tpu.memory_space<vmem_shared>>
        tpu.enqueue_indirect_dma source(%arg20 : memref<80x128xf32, #tpu.memory_space<vmem>>) target(%dma_start3A_509 : memref<10000x128xf32, #tpu.memory_space<vmem_shared>>) offsets(%arg18 : memref<80xi32, #tpu.memory_space<vmem>>) semaphore(%run_scoped3A : memref<!tpu.dma_semaphore, #tpu.memory_space<semaphore_mem>>) {add = true}
        %dma_wait3A_510 = arith.constant 0 : i32
        %dma_wait3A_511 = arith.constant 0 : i32
        %dma_wait3A_512 = tpu.memref_slice %arg23[%dma_wait3A_510, %dma_wait3A_511] : memref<10000x128xf32, #tpu.memory_space<vmem_shared>> -> memref<10000x128xf32, #tpu.memory_space<vmem_shared>>
        tpu.wait_indirect_dma semaphore(%run_scoped3A : memref<!tpu.dma_semaphore, #tpu.memory_space<semaphore_mem>>) src(%arg20 : memref<80x128xf32, #tpu.memory_space<vmem>>) dst(%dma_wait3A_512 : memref<10000x128xf32, #tpu.memory_space<vmem_shared>>)
        tpu.yield
      }) : () -> ()
      %add3A_256 = arith.constant 4 : i32
      %add3A_257 = arith.addi %add3A_238, %add3A_256 : i32
      %min3A_258 = arith.constant 124 : i32
      %min3A_259 = arith.minsi %add3A_257, %min3A_258 : i32
      %mul3A_260 = arith.constant 80 : i32
      %mul3A_261 = arith.muli %min3A_259, %mul3A_260 : i32
      %add3A_262 = arith.addi %mul3A_8, %mul3A_261 : i32
      %dma_start3A_263 = tpu.memref_slice %arg3[%add3A_262] : memref<320000xi32, #tpu.memory_space<hbm>> -> memref<80xi32, #tpu.memory_space<hbm>>
      %dma_start3A_264 = tpu.memref_slice %arg3[%add3A_262] : memref<320000xi32, #tpu.memory_space<hbm>> -> memref<80xi32, #tpu.memory_space<hbm>>
      tpu.enqueue_dma source(%dma_start3A_264 : memref<80xi32, #tpu.memory_space<hbm>>) target(%arg10 : memref<80xi32, #tpu.memory_space<vmem>>) target_semaphore(%arg31 : memref<!tpu.dma_semaphore, #tpu.memory_space<semaphore_mem>>)
      %dma_start3A_265 = tpu.memref_slice %arg4[%add3A_262] : memref<320000xi32, #tpu.memory_space<hbm>> -> memref<80xi32, #tpu.memory_space<hbm>>
      %dma_start3A_266 = tpu.memref_slice %arg4[%add3A_262] : memref<320000xi32, #tpu.memory_space<hbm>> -> memref<80xi32, #tpu.memory_space<hbm>>
      tpu.enqueue_dma source(%dma_start3A_266 : memref<80xi32, #tpu.memory_space<hbm>>) target(%arg16 : memref<80xi32, #tpu.memory_space<vmem>>) target_semaphore(%arg31 : memref<!tpu.dma_semaphore, #tpu.memory_space<semaphore_mem>>)
      %add3A_267 = arith.constant 4 : i32
      %add3A_268 = arith.addi %add3A_146, %add3A_267 : i32
      %dma_wait3A_269 = arith.constant 0 : i32
      %dma_wait3A_270 = tpu.memref_slice %arg3[%dma_wait3A_269] : memref<320000xi32, #tpu.memory_space<hbm>> -> memref<80xi32, #tpu.memory_space<hbm>>
      %dma_wait3A_271 = arith.constant 0 : i32
      %dma_wait3A_272 = tpu.memref_slice %arg3[%dma_wait3A_271] : memref<320000xi32, #tpu.memory_space<hbm>> -> memref<80xi32, #tpu.memory_space<hbm>>
      tpu.wait_dma2 semaphore(%arg30 : memref<!tpu.dma_semaphore, #tpu.memory_space<semaphore_mem>>) src(%dma_wait3A_272 : memref<80xi32, #tpu.memory_space<hbm>>) dst(%arg9 : memref<80xi32, #tpu.memory_space<vmem>>)
      %dma_wait3A_273 = arith.constant 0 : i32
      %dma_wait3A_274 = tpu.memref_slice %arg4[%dma_wait3A_273] : memref<320000xi32, #tpu.memory_space<hbm>> -> memref<80xi32, #tpu.memory_space<hbm>>
      %dma_wait3A_275 = arith.constant 0 : i32
      %dma_wait3A_276 = tpu.memref_slice %arg4[%dma_wait3A_275] : memref<320000xi32, #tpu.memory_space<hbm>> -> memref<80xi32, #tpu.memory_space<hbm>>
      tpu.wait_dma2 semaphore(%arg30 : memref<!tpu.dma_semaphore, #tpu.memory_space<semaphore_mem>>) src(%dma_wait3A_276 : memref<80xi32, #tpu.memory_space<hbm>>) dst(%arg15 : memref<80xi32, #tpu.memory_space<vmem>>)
      %dma_start3A_277 = arith.constant 0 : i32
      %dma_start3A_278 = arith.constant 0 : i32
      %dma_start3A_279 = tpu.memref_slice %arg2[%dma_start3A_277, %dma_start3A_278] : memref<10000x128xf32, #tpu.memory_space<hbm>> -> memref<10000x128xf32, #tpu.memory_space<hbm>>
      tpu.enqueue_indirect_dma source(%dma_start3A_279 : memref<10000x128xf32, #tpu.memory_space<hbm>>) target(%arg19 : memref<80x128xf32, #tpu.memory_space<vmem>>) offsets(%arg9 : memref<80xi32, #tpu.memory_space<vmem>>) semaphore(%arg24 : memref<!tpu.dma_semaphore, #tpu.memory_space<semaphore_mem>>)
      %dma_wait3A_280 = arith.constant 0 : i32
      %dma_wait3A_281 = arith.constant 0 : i32
      %dma_wait3A_282 = tpu.memref_slice %arg2[%dma_wait3A_280, %dma_wait3A_281] : memref<10000x128xf32, #tpu.memory_space<hbm>> -> memref<80x128xf32, #tpu.memory_space<hbm>>
      %dma_wait3A_283 = arith.constant 0 : i32
      %dma_wait3A_284 = arith.constant 0 : i32
      %dma_wait3A_285 = tpu.memref_slice %arg2[%dma_wait3A_283, %dma_wait3A_284] : memref<10000x128xf32, #tpu.memory_space<hbm>> -> memref<80x128xf32, #tpu.memory_space<hbm>>
      tpu.wait_dma2 semaphore(%arg26 : memref<!tpu.dma_semaphore, #tpu.memory_space<semaphore_mem>>) src(%dma_wait3A_285 : memref<80x128xf32, #tpu.memory_space<hbm>>) dst(%arg21 : memref<80x128xf32, #tpu.memory_space<vmem>>)
      "tpu.region"() ({
        %run_scoped3A = tpu.sem_alloc : memref<!tpu.dma_semaphore, #tpu.memory_space<semaphore_mem>>
        %dma_start3A_507 = arith.constant 0 : i32
        %dma_start3A_508 = arith.constant 0 : i32
        %dma_start3A_509 = tpu.memref_slice %arg23[%dma_start3A_507, %dma_start3A_508] : memref<10000x128xf32, #tpu.memory_space<vmem_shared>> -> memref<10000x128xf32, #tpu.memory_space<vmem_shared>>
        tpu.enqueue_indirect_dma source(%arg21 : memref<80x128xf32, #tpu.memory_space<vmem>>) target(%dma_start3A_509 : memref<10000x128xf32, #tpu.memory_space<vmem_shared>>) offsets(%arg13 : memref<80xi32, #tpu.memory_space<vmem>>) semaphore(%run_scoped3A : memref<!tpu.dma_semaphore, #tpu.memory_space<semaphore_mem>>) {add = true}
        %dma_wait3A_510 = arith.constant 0 : i32
        %dma_wait3A_511 = arith.constant 0 : i32
        %dma_wait3A_512 = tpu.memref_slice %arg23[%dma_wait3A_510, %dma_wait3A_511] : memref<10000x128xf32, #tpu.memory_space<vmem_shared>> -> memref<10000x128xf32, #tpu.memory_space<vmem_shared>>
        tpu.wait_indirect_dma semaphore(%run_scoped3A : memref<!tpu.dma_semaphore, #tpu.memory_space<semaphore_mem>>) src(%arg21 : memref<80x128xf32, #tpu.memory_space<vmem>>) dst(%dma_wait3A_512 : memref<10000x128xf32, #tpu.memory_space<vmem_shared>>)
        tpu.yield
      }) : () -> ()
      %add3A_286 = arith.constant 4 : i32
      %add3A_287 = arith.addi %add3A_268, %add3A_286 : i32
      %min3A_288 = arith.constant 124 : i32
      %min3A_289 = arith.minsi %add3A_287, %min3A_288 : i32
      %mul3A_290 = arith.constant 80 : i32
      %mul3A_291 = arith.muli %min3A_289, %mul3A_290 : i32
      %add3A_292 = arith.addi %mul3A_8, %mul3A_291 : i32
      %dma_start3A_293 = tpu.memref_slice %arg3[%add3A_292] : memref<320000xi32, #tpu.memory_space<hbm>> -> memref<80xi32, #tpu.memory_space<hbm>>
      %dma_start3A_294 = tpu.memref_slice %arg3[%add3A_292] : memref<320000xi32, #tpu.memory_space<hbm>> -> memref<80xi32, #tpu.memory_space<hbm>>
      tpu.enqueue_dma source(%dma_start3A_294 : memref<80xi32, #tpu.memory_space<hbm>>) target(%arg11 : memref<80xi32, #tpu.memory_space<vmem>>) target_semaphore(%arg32 : memref<!tpu.dma_semaphore, #tpu.memory_space<semaphore_mem>>)
      %dma_start3A_295 = tpu.memref_slice %arg4[%add3A_292] : memref<320000xi32, #tpu.memory_space<hbm>> -> memref<80xi32, #tpu.memory_space<hbm>>
      %dma_start3A_296 = tpu.memref_slice %arg4[%add3A_292] : memref<320000xi32, #tpu.memory_space<hbm>> -> memref<80xi32, #tpu.memory_space<hbm>>
      tpu.enqueue_dma source(%dma_start3A_296 : memref<80xi32, #tpu.memory_space<hbm>>) target(%arg17 : memref<80xi32, #tpu.memory_space<vmem>>) target_semaphore(%arg32 : memref<!tpu.dma_semaphore, #tpu.memory_space<semaphore_mem>>)
      %add3A_297 = arith.constant 5 : i32
      %add3A_298 = arith.addi %add3A_146, %add3A_297 : i32
      %dma_wait3A_299 = arith.constant 0 : i32
      %dma_wait3A_300 = tpu.memref_slice %arg3[%dma_wait3A_299] : memref<320000xi32, #tpu.memory_space<hbm>> -> memref<80xi32, #tpu.memory_space<hbm>>
      %dma_wait3A_301 = arith.constant 0 : i32
      %dma_wait3A_302 = tpu.memref_slice %arg3[%dma_wait3A_301] : memref<320000xi32, #tpu.memory_space<hbm>> -> memref<80xi32, #tpu.memory_space<hbm>>
      tpu.wait_dma2 semaphore(%arg31 : memref<!tpu.dma_semaphore, #tpu.memory_space<semaphore_mem>>) src(%dma_wait3A_302 : memref<80xi32, #tpu.memory_space<hbm>>) dst(%arg10 : memref<80xi32, #tpu.memory_space<vmem>>)
      %dma_wait3A_303 = arith.constant 0 : i32
      %dma_wait3A_304 = tpu.memref_slice %arg4[%dma_wait3A_303] : memref<320000xi32, #tpu.memory_space<hbm>> -> memref<80xi32, #tpu.memory_space<hbm>>
      %dma_wait3A_305 = arith.constant 0 : i32
      %dma_wait3A_306 = tpu.memref_slice %arg4[%dma_wait3A_305] : memref<320000xi32, #tpu.memory_space<hbm>> -> memref<80xi32, #tpu.memory_space<hbm>>
      tpu.wait_dma2 semaphore(%arg31 : memref<!tpu.dma_semaphore, #tpu.memory_space<semaphore_mem>>) src(%dma_wait3A_306 : memref<80xi32, #tpu.memory_space<hbm>>) dst(%arg16 : memref<80xi32, #tpu.memory_space<vmem>>)
      %dma_start3A_307 = arith.constant 0 : i32
      %dma_start3A_308 = arith.constant 0 : i32
      %dma_start3A_309 = tpu.memref_slice %arg2[%dma_start3A_307, %dma_start3A_308] : memref<10000x128xf32, #tpu.memory_space<hbm>> -> memref<10000x128xf32, #tpu.memory_space<hbm>>
      tpu.enqueue_indirect_dma source(%dma_start3A_309 : memref<10000x128xf32, #tpu.memory_space<hbm>>) target(%arg20 : memref<80x128xf32, #tpu.memory_space<vmem>>) offsets(%arg10 : memref<80xi32, #tpu.memory_space<vmem>>) semaphore(%arg25 : memref<!tpu.dma_semaphore, #tpu.memory_space<semaphore_mem>>)
      %dma_wait3A_310 = arith.constant 0 : i32
      %dma_wait3A_311 = arith.constant 0 : i32
      %dma_wait3A_312 = tpu.memref_slice %arg2[%dma_wait3A_310, %dma_wait3A_311] : memref<10000x128xf32, #tpu.memory_space<hbm>> -> memref<80x128xf32, #tpu.memory_space<hbm>>
      %dma_wait3A_313 = arith.constant 0 : i32
      %dma_wait3A_314 = arith.constant 0 : i32
      %dma_wait3A_315 = tpu.memref_slice %arg2[%dma_wait3A_313, %dma_wait3A_314] : memref<10000x128xf32, #tpu.memory_space<hbm>> -> memref<80x128xf32, #tpu.memory_space<hbm>>
      tpu.wait_dma2 semaphore(%arg27 : memref<!tpu.dma_semaphore, #tpu.memory_space<semaphore_mem>>) src(%dma_wait3A_315 : memref<80x128xf32, #tpu.memory_space<hbm>>) dst(%arg22 : memref<80x128xf32, #tpu.memory_space<vmem>>)
      "tpu.region"() ({
        %run_scoped3A = tpu.sem_alloc : memref<!tpu.dma_semaphore, #tpu.memory_space<semaphore_mem>>
        %dma_start3A_507 = arith.constant 0 : i32
        %dma_start3A_508 = arith.constant 0 : i32
        %dma_start3A_509 = tpu.memref_slice %arg23[%dma_start3A_507, %dma_start3A_508] : memref<10000x128xf32, #tpu.memory_space<vmem_shared>> -> memref<10000x128xf32, #tpu.memory_space<vmem_shared>>
        tpu.enqueue_indirect_dma source(%arg22 : memref<80x128xf32, #tpu.memory_space<vmem>>) target(%dma_start3A_509 : memref<10000x128xf32, #tpu.memory_space<vmem_shared>>) offsets(%arg14 : memref<80xi32, #tpu.memory_space<vmem>>) semaphore(%run_scoped3A : memref<!tpu.dma_semaphore, #tpu.memory_space<semaphore_mem>>) {add = true}
        %dma_wait3A_510 = arith.constant 0 : i32
        %dma_wait3A_511 = arith.constant 0 : i32
        %dma_wait3A_512 = tpu.memref_slice %arg23[%dma_wait3A_510, %dma_wait3A_511] : memref<10000x128xf32, #tpu.memory_space<vmem_shared>> -> memref<10000x128xf32, #tpu.memory_space<vmem_shared>>
        tpu.wait_indirect_dma semaphore(%run_scoped3A : memref<!tpu.dma_semaphore, #tpu.memory_space<semaphore_mem>>) src(%arg22 : memref<80x128xf32, #tpu.memory_space<vmem>>) dst(%dma_wait3A_512 : memref<10000x128xf32, #tpu.memory_space<vmem_shared>>)
        tpu.yield
      }) : () -> ()
      %add3A_316 = arith.constant 4 : i32
      %add3A_317 = arith.addi %add3A_298, %add3A_316 : i32
      %min3A_318 = arith.constant 124 : i32
      %min3A_319 = arith.minsi %add3A_317, %min3A_318 : i32
      %mul3A_320 = arith.constant 80 : i32
      %mul3A_321 = arith.muli %min3A_319, %mul3A_320 : i32
      %add3A_322 = arith.addi %mul3A_8, %mul3A_321 : i32
      %dma_start3A_323 = tpu.memref_slice %arg3[%add3A_322] : memref<320000xi32, #tpu.memory_space<hbm>> -> memref<80xi32, #tpu.memory_space<hbm>>
      %dma_start3A_324 = tpu.memref_slice %arg3[%add3A_322] : memref<320000xi32, #tpu.memory_space<hbm>> -> memref<80xi32, #tpu.memory_space<hbm>>
      tpu.enqueue_dma source(%dma_start3A_324 : memref<80xi32, #tpu.memory_space<hbm>>) target(%arg12 : memref<80xi32, #tpu.memory_space<vmem>>) target_semaphore(%arg33 : memref<!tpu.dma_semaphore, #tpu.memory_space<semaphore_mem>>)
      %dma_start3A_325 = tpu.memref_slice %arg4[%add3A_322] : memref<320000xi32, #tpu.memory_space<hbm>> -> memref<80xi32, #tpu.memory_space<hbm>>
      %dma_start3A_326 = tpu.memref_slice %arg4[%add3A_322] : memref<320000xi32, #tpu.memory_space<hbm>> -> memref<80xi32, #tpu.memory_space<hbm>>
      tpu.enqueue_dma source(%dma_start3A_326 : memref<80xi32, #tpu.memory_space<hbm>>) target(%arg18 : memref<80xi32, #tpu.memory_space<vmem>>) target_semaphore(%arg33 : memref<!tpu.dma_semaphore, #tpu.memory_space<semaphore_mem>>)
      %add3A_327 = arith.constant 6 : i32
      %add3A_328 = arith.addi %add3A_146, %add3A_327 : i32
      %dma_wait3A_329 = arith.constant 0 : i32
      %dma_wait3A_330 = tpu.memref_slice %arg3[%dma_wait3A_329] : memref<320000xi32, #tpu.memory_space<hbm>> -> memref<80xi32, #tpu.memory_space<hbm>>
      %dma_wait3A_331 = arith.constant 0 : i32
      %dma_wait3A_332 = tpu.memref_slice %arg3[%dma_wait3A_331] : memref<320000xi32, #tpu.memory_space<hbm>> -> memref<80xi32, #tpu.memory_space<hbm>>
      tpu.wait_dma2 semaphore(%arg32 : memref<!tpu.dma_semaphore, #tpu.memory_space<semaphore_mem>>) src(%dma_wait3A_332 : memref<80xi32, #tpu.memory_space<hbm>>) dst(%arg11 : memref<80xi32, #tpu.memory_space<vmem>>)
      %dma_wait3A_333 = arith.constant 0 : i32
      %dma_wait3A_334 = tpu.memref_slice %arg4[%dma_wait3A_333] : memref<320000xi32, #tpu.memory_space<hbm>> -> memref<80xi32, #tpu.memory_space<hbm>>
      %dma_wait3A_335 = arith.constant 0 : i32
      %dma_wait3A_336 = tpu.memref_slice %arg4[%dma_wait3A_335] : memref<320000xi32, #tpu.memory_space<hbm>> -> memref<80xi32, #tpu.memory_space<hbm>>
      tpu.wait_dma2 semaphore(%arg32 : memref<!tpu.dma_semaphore, #tpu.memory_space<semaphore_mem>>) src(%dma_wait3A_336 : memref<80xi32, #tpu.memory_space<hbm>>) dst(%arg17 : memref<80xi32, #tpu.memory_space<vmem>>)
      %dma_start3A_337 = arith.constant 0 : i32
      %dma_start3A_338 = arith.constant 0 : i32
      %dma_start3A_339 = tpu.memref_slice %arg2[%dma_start3A_337, %dma_start3A_338] : memref<10000x128xf32, #tpu.memory_space<hbm>> -> memref<10000x128xf32, #tpu.memory_space<hbm>>
      tpu.enqueue_indirect_dma source(%dma_start3A_339 : memref<10000x128xf32, #tpu.memory_space<hbm>>) target(%arg21 : memref<80x128xf32, #tpu.memory_space<vmem>>) offsets(%arg11 : memref<80xi32, #tpu.memory_space<vmem>>) semaphore(%arg26 : memref<!tpu.dma_semaphore, #tpu.memory_space<semaphore_mem>>)
      %dma_wait3A_340 = arith.constant 0 : i32
      %dma_wait3A_341 = arith.constant 0 : i32
      %dma_wait3A_342 = tpu.memref_slice %arg2[%dma_wait3A_340, %dma_wait3A_341] : memref<10000x128xf32, #tpu.memory_space<hbm>> -> memref<80x128xf32, #tpu.memory_space<hbm>>
      %dma_wait3A_343 = arith.constant 0 : i32
      %dma_wait3A_344 = arith.constant 0 : i32
      %dma_wait3A_345 = tpu.memref_slice %arg2[%dma_wait3A_343, %dma_wait3A_344] : memref<10000x128xf32, #tpu.memory_space<hbm>> -> memref<80x128xf32, #tpu.memory_space<hbm>>
      tpu.wait_dma2 semaphore(%arg24 : memref<!tpu.dma_semaphore, #tpu.memory_space<semaphore_mem>>) src(%dma_wait3A_345 : memref<80x128xf32, #tpu.memory_space<hbm>>) dst(%arg19 : memref<80x128xf32, #tpu.memory_space<vmem>>)
      "tpu.region"() ({
        %run_scoped3A = tpu.sem_alloc : memref<!tpu.dma_semaphore, #tpu.memory_space<semaphore_mem>>
        %dma_start3A_507 = arith.constant 0 : i32
        %dma_start3A_508 = arith.constant 0 : i32
        %dma_start3A_509 = tpu.memref_slice %arg23[%dma_start3A_507, %dma_start3A_508] : memref<10000x128xf32, #tpu.memory_space<vmem_shared>> -> memref<10000x128xf32, #tpu.memory_space<vmem_shared>>
        tpu.enqueue_indirect_dma source(%arg19 : memref<80x128xf32, #tpu.memory_space<vmem>>) target(%dma_start3A_509 : memref<10000x128xf32, #tpu.memory_space<vmem_shared>>) offsets(%arg15 : memref<80xi32, #tpu.memory_space<vmem>>) semaphore(%run_scoped3A : memref<!tpu.dma_semaphore, #tpu.memory_space<semaphore_mem>>) {add = true}
        %dma_wait3A_510 = arith.constant 0 : i32
        %dma_wait3A_511 = arith.constant 0 : i32
        %dma_wait3A_512 = tpu.memref_slice %arg23[%dma_wait3A_510, %dma_wait3A_511] : memref<10000x128xf32, #tpu.memory_space<vmem_shared>> -> memref<10000x128xf32, #tpu.memory_space<vmem_shared>>
        tpu.wait_indirect_dma semaphore(%run_scoped3A : memref<!tpu.dma_semaphore, #tpu.memory_space<semaphore_mem>>) src(%arg19 : memref<80x128xf32, #tpu.memory_space<vmem>>) dst(%dma_wait3A_512 : memref<10000x128xf32, #tpu.memory_space<vmem_shared>>)
        tpu.yield
      }) : () -> ()
      %add3A_346 = arith.constant 4 : i32
      %add3A_347 = arith.addi %add3A_328, %add3A_346 : i32
      %min3A_348 = arith.constant 124 : i32
      %min3A_349 = arith.minsi %add3A_347, %min3A_348 : i32
      %mul3A_350 = arith.constant 80 : i32
      %mul3A_351 = arith.muli %min3A_349, %mul3A_350 : i32
      %add3A_352 = arith.addi %mul3A_8, %mul3A_351 : i32
      %dma_start3A_353 = tpu.memref_slice %arg3[%add3A_352] : memref<320000xi32, #tpu.memory_space<hbm>> -> memref<80xi32, #tpu.memory_space<hbm>>
      %dma_start3A_354 = tpu.memref_slice %arg3[%add3A_352] : memref<320000xi32, #tpu.memory_space<hbm>> -> memref<80xi32, #tpu.memory_space<hbm>>
      tpu.enqueue_dma source(%dma_start3A_354 : memref<80xi32, #tpu.memory_space<hbm>>) target(%arg7 : memref<80xi32, #tpu.memory_space<vmem>>) target_semaphore(%arg28 : memref<!tpu.dma_semaphore, #tpu.memory_space<semaphore_mem>>)
      %dma_start3A_355 = tpu.memref_slice %arg4[%add3A_352] : memref<320000xi32, #tpu.memory_space<hbm>> -> memref<80xi32, #tpu.memory_space<hbm>>
      %dma_start3A_356 = tpu.memref_slice %arg4[%add3A_352] : memref<320000xi32, #tpu.memory_space<hbm>> -> memref<80xi32, #tpu.memory_space<hbm>>
      tpu.enqueue_dma source(%dma_start3A_356 : memref<80xi32, #tpu.memory_space<hbm>>) target(%arg13 : memref<80xi32, #tpu.memory_space<vmem>>) target_semaphore(%arg28 : memref<!tpu.dma_semaphore, #tpu.memory_space<semaphore_mem>>)
      %add3A_357 = arith.constant 7 : i32
      %add3A_358 = arith.addi %add3A_146, %add3A_357 : i32
      %dma_wait3A_359 = arith.constant 0 : i32
      %dma_wait3A_360 = tpu.memref_slice %arg3[%dma_wait3A_359] : memref<320000xi32, #tpu.memory_space<hbm>> -> memref<80xi32, #tpu.memory_space<hbm>>
      %dma_wait3A_361 = arith.constant 0 : i32
      %dma_wait3A_362 = tpu.memref_slice %arg3[%dma_wait3A_361] : memref<320000xi32, #tpu.memory_space<hbm>> -> memref<80xi32, #tpu.memory_space<hbm>>
      tpu.wait_dma2 semaphore(%arg33 : memref<!tpu.dma_semaphore, #tpu.memory_space<semaphore_mem>>) src(%dma_wait3A_362 : memref<80xi32, #tpu.memory_space<hbm>>) dst(%arg12 : memref<80xi32, #tpu.memory_space<vmem>>)
      %dma_wait3A_363 = arith.constant 0 : i32
      %dma_wait3A_364 = tpu.memref_slice %arg4[%dma_wait3A_363] : memref<320000xi32, #tpu.memory_space<hbm>> -> memref<80xi32, #tpu.memory_space<hbm>>
      %dma_wait3A_365 = arith.constant 0 : i32
      %dma_wait3A_366 = tpu.memref_slice %arg4[%dma_wait3A_365] : memref<320000xi32, #tpu.memory_space<hbm>> -> memref<80xi32, #tpu.memory_space<hbm>>
      tpu.wait_dma2 semaphore(%arg33 : memref<!tpu.dma_semaphore, #tpu.memory_space<semaphore_mem>>) src(%dma_wait3A_366 : memref<80xi32, #tpu.memory_space<hbm>>) dst(%arg18 : memref<80xi32, #tpu.memory_space<vmem>>)
      %dma_start3A_367 = arith.constant 0 : i32
      %dma_start3A_368 = arith.constant 0 : i32
      %dma_start3A_369 = tpu.memref_slice %arg2[%dma_start3A_367, %dma_start3A_368] : memref<10000x128xf32, #tpu.memory_space<hbm>> -> memref<10000x128xf32, #tpu.memory_space<hbm>>
      tpu.enqueue_indirect_dma source(%dma_start3A_369 : memref<10000x128xf32, #tpu.memory_space<hbm>>) target(%arg22 : memref<80x128xf32, #tpu.memory_space<vmem>>) offsets(%arg12 : memref<80xi32, #tpu.memory_space<vmem>>) semaphore(%arg27 : memref<!tpu.dma_semaphore, #tpu.memory_space<semaphore_mem>>)
      %dma_wait3A_370 = arith.constant 0 : i32
      %dma_wait3A_371 = arith.constant 0 : i32
      %dma_wait3A_372 = tpu.memref_slice %arg2[%dma_wait3A_370, %dma_wait3A_371] : memref<10000x128xf32, #tpu.memory_space<hbm>> -> memref<80x128xf32, #tpu.memory_space<hbm>>
      %dma_wait3A_373 = arith.constant 0 : i32
      %dma_wait3A_374 = arith.constant 0 : i32
      %dma_wait3A_375 = tpu.memref_slice %arg2[%dma_wait3A_373, %dma_wait3A_374] : memref<10000x128xf32, #tpu.memory_space<hbm>> -> memref<80x128xf32, #tpu.memory_space<hbm>>
      tpu.wait_dma2 semaphore(%arg25 : memref<!tpu.dma_semaphore, #tpu.memory_space<semaphore_mem>>) src(%dma_wait3A_375 : memref<80x128xf32, #tpu.memory_space<hbm>>) dst(%arg20 : memref<80x128xf32, #tpu.memory_space<vmem>>)
      "tpu.region"() ({
        %run_scoped3A = tpu.sem_alloc : memref<!tpu.dma_semaphore, #tpu.memory_space<semaphore_mem>>
        %dma_start3A_507 = arith.constant 0 : i32
        %dma_start3A_508 = arith.constant 0 : i32
        %dma_start3A_509 = tpu.memref_slice %arg23[%dma_start3A_507, %dma_start3A_508] : memref<10000x128xf32, #tpu.memory_space<vmem_shared>> -> memref<10000x128xf32, #tpu.memory_space<vmem_shared>>
        tpu.enqueue_indirect_dma source(%arg20 : memref<80x128xf32, #tpu.memory_space<vmem>>) target(%dma_start3A_509 : memref<10000x128xf32, #tpu.memory_space<vmem_shared>>) offsets(%arg16 : memref<80xi32, #tpu.memory_space<vmem>>) semaphore(%run_scoped3A : memref<!tpu.dma_semaphore, #tpu.memory_space<semaphore_mem>>) {add = true}
        %dma_wait3A_510 = arith.constant 0 : i32
        %dma_wait3A_511 = arith.constant 0 : i32
        %dma_wait3A_512 = tpu.memref_slice %arg23[%dma_wait3A_510, %dma_wait3A_511] : memref<10000x128xf32, #tpu.memory_space<vmem_shared>> -> memref<10000x128xf32, #tpu.memory_space<vmem_shared>>
        tpu.wait_indirect_dma semaphore(%run_scoped3A : memref<!tpu.dma_semaphore, #tpu.memory_space<semaphore_mem>>) src(%arg20 : memref<80x128xf32, #tpu.memory_space<vmem>>) dst(%dma_wait3A_512 : memref<10000x128xf32, #tpu.memory_space<vmem_shared>>)
        tpu.yield
      }) : () -> ()
      %add3A_376 = arith.constant 4 : i32
      %add3A_377 = arith.addi %add3A_358, %add3A_376 : i32
      %min3A_378 = arith.constant 124 : i32
      %min3A_379 = arith.minsi %add3A_377, %min3A_378 : i32
      %mul3A_380 = arith.constant 80 : i32
      %mul3A_381 = arith.muli %min3A_379, %mul3A_380 : i32
      %add3A_382 = arith.addi %mul3A_8, %mul3A_381 : i32
      %dma_start3A_383 = tpu.memref_slice %arg3[%add3A_382] : memref<320000xi32, #tpu.memory_space<hbm>> -> memref<80xi32, #tpu.memory_space<hbm>>
      %dma_start3A_384 = tpu.memref_slice %arg3[%add3A_382] : memref<320000xi32, #tpu.memory_space<hbm>> -> memref<80xi32, #tpu.memory_space<hbm>>
      tpu.enqueue_dma source(%dma_start3A_384 : memref<80xi32, #tpu.memory_space<hbm>>) target(%arg8 : memref<80xi32, #tpu.memory_space<vmem>>) target_semaphore(%arg29 : memref<!tpu.dma_semaphore, #tpu.memory_space<semaphore_mem>>)
      %dma_start3A_385 = tpu.memref_slice %arg4[%add3A_382] : memref<320000xi32, #tpu.memory_space<hbm>> -> memref<80xi32, #tpu.memory_space<hbm>>
      %dma_start3A_386 = tpu.memref_slice %arg4[%add3A_382] : memref<320000xi32, #tpu.memory_space<hbm>> -> memref<80xi32, #tpu.memory_space<hbm>>
      tpu.enqueue_dma source(%dma_start3A_386 : memref<80xi32, #tpu.memory_space<hbm>>) target(%arg14 : memref<80xi32, #tpu.memory_space<vmem>>) target_semaphore(%arg29 : memref<!tpu.dma_semaphore, #tpu.memory_space<semaphore_mem>>)
      %add3A_387 = arith.constant 8 : i32
      %add3A_388 = arith.addi %add3A_146, %add3A_387 : i32
      %dma_wait3A_389 = arith.constant 0 : i32
      %dma_wait3A_390 = tpu.memref_slice %arg3[%dma_wait3A_389] : memref<320000xi32, #tpu.memory_space<hbm>> -> memref<80xi32, #tpu.memory_space<hbm>>
      %dma_wait3A_391 = arith.constant 0 : i32
      %dma_wait3A_392 = tpu.memref_slice %arg3[%dma_wait3A_391] : memref<320000xi32, #tpu.memory_space<hbm>> -> memref<80xi32, #tpu.memory_space<hbm>>
      tpu.wait_dma2 semaphore(%arg28 : memref<!tpu.dma_semaphore, #tpu.memory_space<semaphore_mem>>) src(%dma_wait3A_392 : memref<80xi32, #tpu.memory_space<hbm>>) dst(%arg7 : memref<80xi32, #tpu.memory_space<vmem>>)
      %dma_wait3A_393 = arith.constant 0 : i32
      %dma_wait3A_394 = tpu.memref_slice %arg4[%dma_wait3A_393] : memref<320000xi32, #tpu.memory_space<hbm>> -> memref<80xi32, #tpu.memory_space<hbm>>
      %dma_wait3A_395 = arith.constant 0 : i32
      %dma_wait3A_396 = tpu.memref_slice %arg4[%dma_wait3A_395] : memref<320000xi32, #tpu.memory_space<hbm>> -> memref<80xi32, #tpu.memory_space<hbm>>
      tpu.wait_dma2 semaphore(%arg28 : memref<!tpu.dma_semaphore, #tpu.memory_space<semaphore_mem>>) src(%dma_wait3A_396 : memref<80xi32, #tpu.memory_space<hbm>>) dst(%arg13 : memref<80xi32, #tpu.memory_space<vmem>>)
      %dma_start3A_397 = arith.constant 0 : i32
      %dma_start3A_398 = arith.constant 0 : i32
      %dma_start3A_399 = tpu.memref_slice %arg2[%dma_start3A_397, %dma_start3A_398] : memref<10000x128xf32, #tpu.memory_space<hbm>> -> memref<10000x128xf32, #tpu.memory_space<hbm>>
      tpu.enqueue_indirect_dma source(%dma_start3A_399 : memref<10000x128xf32, #tpu.memory_space<hbm>>) target(%arg19 : memref<80x128xf32, #tpu.memory_space<vmem>>) offsets(%arg7 : memref<80xi32, #tpu.memory_space<vmem>>) semaphore(%arg24 : memref<!tpu.dma_semaphore, #tpu.memory_space<semaphore_mem>>)
      %dma_wait3A_400 = arith.constant 0 : i32
      %dma_wait3A_401 = arith.constant 0 : i32
      %dma_wait3A_402 = tpu.memref_slice %arg2[%dma_wait3A_400, %dma_wait3A_401] : memref<10000x128xf32, #tpu.memory_space<hbm>> -> memref<80x128xf32, #tpu.memory_space<hbm>>
      %dma_wait3A_403 = arith.constant 0 : i32
      %dma_wait3A_404 = arith.constant 0 : i32
      %dma_wait3A_405 = tpu.memref_slice %arg2[%dma_wait3A_403, %dma_wait3A_404] : memref<10000x128xf32, #tpu.memory_space<hbm>> -> memref<80x128xf32, #tpu.memory_space<hbm>>
      tpu.wait_dma2 semaphore(%arg26 : memref<!tpu.dma_semaphore, #tpu.memory_space<semaphore_mem>>) src(%dma_wait3A_405 : memref<80x128xf32, #tpu.memory_space<hbm>>) dst(%arg21 : memref<80x128xf32, #tpu.memory_space<vmem>>)
      "tpu.region"() ({
        %run_scoped3A = tpu.sem_alloc : memref<!tpu.dma_semaphore, #tpu.memory_space<semaphore_mem>>
        %dma_start3A_507 = arith.constant 0 : i32
        %dma_start3A_508 = arith.constant 0 : i32
        %dma_start3A_509 = tpu.memref_slice %arg23[%dma_start3A_507, %dma_start3A_508] : memref<10000x128xf32, #tpu.memory_space<vmem_shared>> -> memref<10000x128xf32, #tpu.memory_space<vmem_shared>>
        tpu.enqueue_indirect_dma source(%arg21 : memref<80x128xf32, #tpu.memory_space<vmem>>) target(%dma_start3A_509 : memref<10000x128xf32, #tpu.memory_space<vmem_shared>>) offsets(%arg17 : memref<80xi32, #tpu.memory_space<vmem>>) semaphore(%run_scoped3A : memref<!tpu.dma_semaphore, #tpu.memory_space<semaphore_mem>>) {add = true}
        %dma_wait3A_510 = arith.constant 0 : i32
        %dma_wait3A_511 = arith.constant 0 : i32
        %dma_wait3A_512 = tpu.memref_slice %arg23[%dma_wait3A_510, %dma_wait3A_511] : memref<10000x128xf32, #tpu.memory_space<vmem_shared>> -> memref<10000x128xf32, #tpu.memory_space<vmem_shared>>
        tpu.wait_indirect_dma semaphore(%run_scoped3A : memref<!tpu.dma_semaphore, #tpu.memory_space<semaphore_mem>>) src(%arg21 : memref<80x128xf32, #tpu.memory_space<vmem>>) dst(%dma_wait3A_512 : memref<10000x128xf32, #tpu.memory_space<vmem_shared>>)
        tpu.yield
      }) : () -> ()
      %add3A_406 = arith.constant 4 : i32
      %add3A_407 = arith.addi %add3A_388, %add3A_406 : i32
      %min3A_408 = arith.constant 124 : i32
      %min3A_409 = arith.minsi %add3A_407, %min3A_408 : i32
      %mul3A_410 = arith.constant 80 : i32
      %mul3A_411 = arith.muli %min3A_409, %mul3A_410 : i32
      %add3A_412 = arith.addi %mul3A_8, %mul3A_411 : i32
      %dma_start3A_413 = tpu.memref_slice %arg3[%add3A_412] : memref<320000xi32, #tpu.memory_space<hbm>> -> memref<80xi32, #tpu.memory_space<hbm>>
      %dma_start3A_414 = tpu.memref_slice %arg3[%add3A_412] : memref<320000xi32, #tpu.memory_space<hbm>> -> memref<80xi32, #tpu.memory_space<hbm>>
      tpu.enqueue_dma source(%dma_start3A_414 : memref<80xi32, #tpu.memory_space<hbm>>) target(%arg9 : memref<80xi32, #tpu.memory_space<vmem>>) target_semaphore(%arg30 : memref<!tpu.dma_semaphore, #tpu.memory_space<semaphore_mem>>)
      %dma_start3A_415 = tpu.memref_slice %arg4[%add3A_412] : memref<320000xi32, #tpu.memory_space<hbm>> -> memref<80xi32, #tpu.memory_space<hbm>>
      %dma_start3A_416 = tpu.memref_slice %arg4[%add3A_412] : memref<320000xi32, #tpu.memory_space<hbm>> -> memref<80xi32, #tpu.memory_space<hbm>>
      tpu.enqueue_dma source(%dma_start3A_416 : memref<80xi32, #tpu.memory_space<hbm>>) target(%arg15 : memref<80xi32, #tpu.memory_space<vmem>>) target_semaphore(%arg30 : memref<!tpu.dma_semaphore, #tpu.memory_space<semaphore_mem>>)
      %add3A_417 = arith.constant 9 : i32
      %add3A_418 = arith.addi %add3A_146, %add3A_417 : i32
      %dma_wait3A_419 = arith.constant 0 : i32
      %dma_wait3A_420 = tpu.memref_slice %arg3[%dma_wait3A_419] : memref<320000xi32, #tpu.memory_space<hbm>> -> memref<80xi32, #tpu.memory_space<hbm>>
      %dma_wait3A_421 = arith.constant 0 : i32
      %dma_wait3A_422 = tpu.memref_slice %arg3[%dma_wait3A_421] : memref<320000xi32, #tpu.memory_space<hbm>> -> memref<80xi32, #tpu.memory_space<hbm>>
      tpu.wait_dma2 semaphore(%arg29 : memref<!tpu.dma_semaphore, #tpu.memory_space<semaphore_mem>>) src(%dma_wait3A_422 : memref<80xi32, #tpu.memory_space<hbm>>) dst(%arg8 : memref<80xi32, #tpu.memory_space<vmem>>)
      %dma_wait3A_423 = arith.constant 0 : i32
      %dma_wait3A_424 = tpu.memref_slice %arg4[%dma_wait3A_423] : memref<320000xi32, #tpu.memory_space<hbm>> -> memref<80xi32, #tpu.memory_space<hbm>>
      %dma_wait3A_425 = arith.constant 0 : i32
      %dma_wait3A_426 = tpu.memref_slice %arg4[%dma_wait3A_425] : memref<320000xi32, #tpu.memory_space<hbm>> -> memref<80xi32, #tpu.memory_space<hbm>>
      tpu.wait_dma2 semaphore(%arg29 : memref<!tpu.dma_semaphore, #tpu.memory_space<semaphore_mem>>) src(%dma_wait3A_426 : memref<80xi32, #tpu.memory_space<hbm>>) dst(%arg14 : memref<80xi32, #tpu.memory_space<vmem>>)
      %dma_start3A_427 = arith.constant 0 : i32
      %dma_start3A_428 = arith.constant 0 : i32
      %dma_start3A_429 = tpu.memref_slice %arg2[%dma_start3A_427, %dma_start3A_428] : memref<10000x128xf32, #tpu.memory_space<hbm>> -> memref<10000x128xf32, #tpu.memory_space<hbm>>
      tpu.enqueue_indirect_dma source(%dma_start3A_429 : memref<10000x128xf32, #tpu.memory_space<hbm>>) target(%arg20 : memref<80x128xf32, #tpu.memory_space<vmem>>) offsets(%arg8 : memref<80xi32, #tpu.memory_space<vmem>>) semaphore(%arg25 : memref<!tpu.dma_semaphore, #tpu.memory_space<semaphore_mem>>)
      %dma_wait3A_430 = arith.constant 0 : i32
      %dma_wait3A_431 = arith.constant 0 : i32
      %dma_wait3A_432 = tpu.memref_slice %arg2[%dma_wait3A_430, %dma_wait3A_431] : memref<10000x128xf32, #tpu.memory_space<hbm>> -> memref<80x128xf32, #tpu.memory_space<hbm>>
      %dma_wait3A_433 = arith.constant 0 : i32
      %dma_wait3A_434 = arith.constant 0 : i32
      %dma_wait3A_435 = tpu.memref_slice %arg2[%dma_wait3A_433, %dma_wait3A_434] : memref<10000x128xf32, #tpu.memory_space<hbm>> -> memref<80x128xf32, #tpu.memory_space<hbm>>
      tpu.wait_dma2 semaphore(%arg27 : memref<!tpu.dma_semaphore, #tpu.memory_space<semaphore_mem>>) src(%dma_wait3A_435 : memref<80x128xf32, #tpu.memory_space<hbm>>) dst(%arg22 : memref<80x128xf32, #tpu.memory_space<vmem>>)
      "tpu.region"() ({
        %run_scoped3A = tpu.sem_alloc : memref<!tpu.dma_semaphore, #tpu.memory_space<semaphore_mem>>
        %dma_start3A_507 = arith.constant 0 : i32
        %dma_start3A_508 = arith.constant 0 : i32
        %dma_start3A_509 = tpu.memref_slice %arg23[%dma_start3A_507, %dma_start3A_508] : memref<10000x128xf32, #tpu.memory_space<vmem_shared>> -> memref<10000x128xf32, #tpu.memory_space<vmem_shared>>
        tpu.enqueue_indirect_dma source(%arg22 : memref<80x128xf32, #tpu.memory_space<vmem>>) target(%dma_start3A_509 : memref<10000x128xf32, #tpu.memory_space<vmem_shared>>) offsets(%arg18 : memref<80xi32, #tpu.memory_space<vmem>>) semaphore(%run_scoped3A : memref<!tpu.dma_semaphore, #tpu.memory_space<semaphore_mem>>) {add = true}
        %dma_wait3A_510 = arith.constant 0 : i32
        %dma_wait3A_511 = arith.constant 0 : i32
        %dma_wait3A_512 = tpu.memref_slice %arg23[%dma_wait3A_510, %dma_wait3A_511] : memref<10000x128xf32, #tpu.memory_space<vmem_shared>> -> memref<10000x128xf32, #tpu.memory_space<vmem_shared>>
        tpu.wait_indirect_dma semaphore(%run_scoped3A : memref<!tpu.dma_semaphore, #tpu.memory_space<semaphore_mem>>) src(%arg22 : memref<80x128xf32, #tpu.memory_space<vmem>>) dst(%dma_wait3A_512 : memref<10000x128xf32, #tpu.memory_space<vmem_shared>>)
        tpu.yield
      }) : () -> ()
      %add3A_436 = arith.constant 4 : i32
      %add3A_437 = arith.addi %add3A_418, %add3A_436 : i32
      %min3A_438 = arith.constant 124 : i32
      %min3A_439 = arith.minsi %add3A_437, %min3A_438 : i32
      %mul3A_440 = arith.constant 80 : i32
      %mul3A_441 = arith.muli %min3A_439, %mul3A_440 : i32
      %add3A_442 = arith.addi %mul3A_8, %mul3A_441 : i32
      %dma_start3A_443 = tpu.memref_slice %arg3[%add3A_442] : memref<320000xi32, #tpu.memory_space<hbm>> -> memref<80xi32, #tpu.memory_space<hbm>>
      %dma_start3A_444 = tpu.memref_slice %arg3[%add3A_442] : memref<320000xi32, #tpu.memory_space<hbm>> -> memref<80xi32, #tpu.memory_space<hbm>>
      tpu.enqueue_dma source(%dma_start3A_444 : memref<80xi32, #tpu.memory_space<hbm>>) target(%arg10 : memref<80xi32, #tpu.memory_space<vmem>>) target_semaphore(%arg31 : memref<!tpu.dma_semaphore, #tpu.memory_space<semaphore_mem>>)
      %dma_start3A_445 = tpu.memref_slice %arg4[%add3A_442] : memref<320000xi32, #tpu.memory_space<hbm>> -> memref<80xi32, #tpu.memory_space<hbm>>
      %dma_start3A_446 = tpu.memref_slice %arg4[%add3A_442] : memref<320000xi32, #tpu.memory_space<hbm>> -> memref<80xi32, #tpu.memory_space<hbm>>
      tpu.enqueue_dma source(%dma_start3A_446 : memref<80xi32, #tpu.memory_space<hbm>>) target(%arg16 : memref<80xi32, #tpu.memory_space<vmem>>) target_semaphore(%arg31 : memref<!tpu.dma_semaphore, #tpu.memory_space<semaphore_mem>>)
      %add3A_447 = arith.constant 10 : i32
      %add3A_448 = arith.addi %add3A_146, %add3A_447 : i32
      %dma_wait3A_449 = arith.constant 0 : i32
      %dma_wait3A_450 = tpu.memref_slice %arg3[%dma_wait3A_449] : memref<320000xi32, #tpu.memory_space<hbm>> -> memref<80xi32, #tpu.memory_space<hbm>>
      %dma_wait3A_451 = arith.constant 0 : i32
      %dma_wait3A_452 = tpu.memref_slice %arg3[%dma_wait3A_451] : memref<320000xi32, #tpu.memory_space<hbm>> -> memref<80xi32, #tpu.memory_space<hbm>>
      tpu.wait_dma2 semaphore(%arg30 : memref<!tpu.dma_semaphore, #tpu.memory_space<semaphore_mem>>) src(%dma_wait3A_452 : memref<80xi32, #tpu.memory_space<hbm>>) dst(%arg9 : memref<80xi32, #tpu.memory_space<vmem>>)
      %dma_wait3A_453 = arith.constant 0 : i32
      %dma_wait3A_454 = tpu.memref_slice %arg4[%dma_wait3A_453] : memref<320000xi32, #tpu.memory_space<hbm>> -> memref<80xi32, #tpu.memory_space<hbm>>
      %dma_wait3A_455 = arith.constant 0 : i32
      %dma_wait3A_456 = tpu.memref_slice %arg4[%dma_wait3A_455] : memref<320000xi32, #tpu.memory_space<hbm>> -> memref<80xi32, #tpu.memory_space<hbm>>
      tpu.wait_dma2 semaphore(%arg30 : memref<!tpu.dma_semaphore, #tpu.memory_space<semaphore_mem>>) src(%dma_wait3A_456 : memref<80xi32, #tpu.memory_space<hbm>>) dst(%arg15 : memref<80xi32, #tpu.memory_space<vmem>>)
      %dma_start3A_457 = arith.constant 0 : i32
      %dma_start3A_458 = arith.constant 0 : i32
      %dma_start3A_459 = tpu.memref_slice %arg2[%dma_start3A_457, %dma_start3A_458] : memref<10000x128xf32, #tpu.memory_space<hbm>> -> memref<10000x128xf32, #tpu.memory_space<hbm>>
      tpu.enqueue_indirect_dma source(%dma_start3A_459 : memref<10000x128xf32, #tpu.memory_space<hbm>>) target(%arg21 : memref<80x128xf32, #tpu.memory_space<vmem>>) offsets(%arg9 : memref<80xi32, #tpu.memory_space<vmem>>) semaphore(%arg26 : memref<!tpu.dma_semaphore, #tpu.memory_space<semaphore_mem>>)
      %dma_wait3A_460 = arith.constant 0 : i32
      %dma_wait3A_461 = arith.constant 0 : i32
      %dma_wait3A_462 = tpu.memref_slice %arg2[%dma_wait3A_460, %dma_wait3A_461] : memref<10000x128xf32, #tpu.memory_space<hbm>> -> memref<80x128xf32, #tpu.memory_space<hbm>>
      %dma_wait3A_463 = arith.constant 0 : i32
      %dma_wait3A_464 = arith.constant 0 : i32
      %dma_wait3A_465 = tpu.memref_slice %arg2[%dma_wait3A_463, %dma_wait3A_464] : memref<10000x128xf32, #tpu.memory_space<hbm>> -> memref<80x128xf32, #tpu.memory_space<hbm>>
      tpu.wait_dma2 semaphore(%arg24 : memref<!tpu.dma_semaphore, #tpu.memory_space<semaphore_mem>>) src(%dma_wait3A_465 : memref<80x128xf32, #tpu.memory_space<hbm>>) dst(%arg19 : memref<80x128xf32, #tpu.memory_space<vmem>>)
      "tpu.region"() ({
        %run_scoped3A = tpu.sem_alloc : memref<!tpu.dma_semaphore, #tpu.memory_space<semaphore_mem>>
        %dma_start3A_507 = arith.constant 0 : i32
        %dma_start3A_508 = arith.constant 0 : i32
        %dma_start3A_509 = tpu.memref_slice %arg23[%dma_start3A_507, %dma_start3A_508] : memref<10000x128xf32, #tpu.memory_space<vmem_shared>> -> memref<10000x128xf32, #tpu.memory_space<vmem_shared>>
        tpu.enqueue_indirect_dma source(%arg19 : memref<80x128xf32, #tpu.memory_space<vmem>>) target(%dma_start3A_509 : memref<10000x128xf32, #tpu.memory_space<vmem_shared>>) offsets(%arg13 : memref<80xi32, #tpu.memory_space<vmem>>) semaphore(%run_scoped3A : memref<!tpu.dma_semaphore, #tpu.memory_space<semaphore_mem>>) {add = true}
        %dma_wait3A_510 = arith.constant 0 : i32
        %dma_wait3A_511 = arith.constant 0 : i32
        %dma_wait3A_512 = tpu.memref_slice %arg23[%dma_wait3A_510, %dma_wait3A_511] : memref<10000x128xf32, #tpu.memory_space<vmem_shared>> -> memref<10000x128xf32, #tpu.memory_space<vmem_shared>>
        tpu.wait_indirect_dma semaphore(%run_scoped3A : memref<!tpu.dma_semaphore, #tpu.memory_space<semaphore_mem>>) src(%arg19 : memref<80x128xf32, #tpu.memory_space<vmem>>) dst(%dma_wait3A_512 : memref<10000x128xf32, #tpu.memory_space<vmem_shared>>)
        tpu.yield
      }) : () -> ()
      %add3A_466 = arith.constant 4 : i32
      %add3A_467 = arith.addi %add3A_448, %add3A_466 : i32
      %min3A_468 = arith.constant 124 : i32
      %min3A_469 = arith.minsi %add3A_467, %min3A_468 : i32
      %mul3A_470 = arith.constant 80 : i32
      %mul3A_471 = arith.muli %min3A_469, %mul3A_470 : i32
      %add3A_472 = arith.addi %mul3A_8, %mul3A_471 : i32
      %dma_start3A_473 = tpu.memref_slice %arg3[%add3A_472] : memref<320000xi32, #tpu.memory_space<hbm>> -> memref<80xi32, #tpu.memory_space<hbm>>
      %dma_start3A_474 = tpu.memref_slice %arg3[%add3A_472] : memref<320000xi32, #tpu.memory_space<hbm>> -> memref<80xi32, #tpu.memory_space<hbm>>
      tpu.enqueue_dma source(%dma_start3A_474 : memref<80xi32, #tpu.memory_space<hbm>>) target(%arg11 : memref<80xi32, #tpu.memory_space<vmem>>) target_semaphore(%arg32 : memref<!tpu.dma_semaphore, #tpu.memory_space<semaphore_mem>>)
      %dma_start3A_475 = tpu.memref_slice %arg4[%add3A_472] : memref<320000xi32, #tpu.memory_space<hbm>> -> memref<80xi32, #tpu.memory_space<hbm>>
      %dma_start3A_476 = tpu.memref_slice %arg4[%add3A_472] : memref<320000xi32, #tpu.memory_space<hbm>> -> memref<80xi32, #tpu.memory_space<hbm>>
      tpu.enqueue_dma source(%dma_start3A_476 : memref<80xi32, #tpu.memory_space<hbm>>) target(%arg17 : memref<80xi32, #tpu.memory_space<vmem>>) target_semaphore(%arg32 : memref<!tpu.dma_semaphore, #tpu.memory_space<semaphore_mem>>)
      %add3A_477 = arith.constant 11 : i32
      %add3A_478 = arith.addi %add3A_146, %add3A_477 : i32
      %dma_wait3A_479 = arith.constant 0 : i32
      %dma_wait3A_480 = tpu.memref_slice %arg3[%dma_wait3A_479] : memref<320000xi32, #tpu.memory_space<hbm>> -> memref<80xi32, #tpu.memory_space<hbm>>
      %dma_wait3A_481 = arith.constant 0 : i32
      %dma_wait3A_482 = tpu.memref_slice %arg3[%dma_wait3A_481] : memref<320000xi32, #tpu.memory_space<hbm>> -> memref<80xi32, #tpu.memory_space<hbm>>
      tpu.wait_dma2 semaphore(%arg31 : memref<!tpu.dma_semaphore, #tpu.memory_space<semaphore_mem>>) src(%dma_wait3A_482 : memref<80xi32, #tpu.memory_space<hbm>>) dst(%arg10 : memref<80xi32, #tpu.memory_space<vmem>>)
      %dma_wait3A_483 = arith.constant 0 : i32
      %dma_wait3A_484 = tpu.memref_slice %arg4[%dma_wait3A_483] : memref<320000xi32, #tpu.memory_space<hbm>> -> memref<80xi32, #tpu.memory_space<hbm>>
      %dma_wait3A_485 = arith.constant 0 : i32
      %dma_wait3A_486 = tpu.memref_slice %arg4[%dma_wait3A_485] : memref<320000xi32, #tpu.memory_space<hbm>> -> memref<80xi32, #tpu.memory_space<hbm>>
      tpu.wait_dma2 semaphore(%arg31 : memref<!tpu.dma_semaphore, #tpu.memory_space<semaphore_mem>>) src(%dma_wait3A_486 : memref<80xi32, #tpu.memory_space<hbm>>) dst(%arg16 : memref<80xi32, #tpu.memory_space<vmem>>)
      %dma_start3A_487 = arith.constant 0 : i32
      %dma_start3A_488 = arith.constant 0 : i32
      %dma_start3A_489 = tpu.memref_slice %arg2[%dma_start3A_487, %dma_start3A_488] : memref<10000x128xf32, #tpu.memory_space<hbm>> -> memref<10000x128xf32, #tpu.memory_space<hbm>>
      tpu.enqueue_indirect_dma source(%dma_start3A_489 : memref<10000x128xf32, #tpu.memory_space<hbm>>) target(%arg22 : memref<80x128xf32, #tpu.memory_space<vmem>>) offsets(%arg10 : memref<80xi32, #tpu.memory_space<vmem>>) semaphore(%arg27 : memref<!tpu.dma_semaphore, #tpu.memory_space<semaphore_mem>>)
      %dma_wait3A_490 = arith.constant 0 : i32
      %dma_wait3A_491 = arith.constant 0 : i32
      %dma_wait3A_492 = tpu.memref_slice %arg2[%dma_wait3A_490, %dma_wait3A_491] : memref<10000x128xf32, #tpu.memory_space<hbm>> -> memref<80x128xf32, #tpu.memory_space<hbm>>
      %dma_wait3A_493 = arith.constant 0 : i32
      %dma_wait3A_494 = arith.constant 0 : i32
      %dma_wait3A_495 = tpu.memref_slice %arg2[%dma_wait3A_493, %dma_wait3A_494] : memref<10000x128xf32, #tpu.memory_space<hbm>> -> memref<80x128xf32, #tpu.memory_space<hbm>>
      tpu.wait_dma2 semaphore(%arg25 : memref<!tpu.dma_semaphore, #tpu.memory_space<semaphore_mem>>) src(%dma_wait3A_495 : memref<80x128xf32, #tpu.memory_space<hbm>>) dst(%arg20 : memref<80x128xf32, #tpu.memory_space<vmem>>)
      "tpu.region"() ({
        %run_scoped3A = tpu.sem_alloc : memref<!tpu.dma_semaphore, #tpu.memory_space<semaphore_mem>>
        %dma_start3A_507 = arith.constant 0 : i32
        %dma_start3A_508 = arith.constant 0 : i32
        %dma_start3A_509 = tpu.memref_slice %arg23[%dma_start3A_507, %dma_start3A_508] : memref<10000x128xf32, #tpu.memory_space<vmem_shared>> -> memref<10000x128xf32, #tpu.memory_space<vmem_shared>>
        tpu.enqueue_indirect_dma source(%arg20 : memref<80x128xf32, #tpu.memory_space<vmem>>) target(%dma_start3A_509 : memref<10000x128xf32, #tpu.memory_space<vmem_shared>>) offsets(%arg14 : memref<80xi32, #tpu.memory_space<vmem>>) semaphore(%run_scoped3A : memref<!tpu.dma_semaphore, #tpu.memory_space<semaphore_mem>>) {add = true}
        %dma_wait3A_510 = arith.constant 0 : i32
        %dma_wait3A_511 = arith.constant 0 : i32
        %dma_wait3A_512 = tpu.memref_slice %arg23[%dma_wait3A_510, %dma_wait3A_511] : memref<10000x128xf32, #tpu.memory_space<vmem_shared>> -> memref<10000x128xf32, #tpu.memory_space<vmem_shared>>
        tpu.wait_indirect_dma semaphore(%run_scoped3A : memref<!tpu.dma_semaphore, #tpu.memory_space<semaphore_mem>>) src(%arg20 : memref<80x128xf32, #tpu.memory_space<vmem>>) dst(%dma_wait3A_512 : memref<10000x128xf32, #tpu.memory_space<vmem_shared>>)
        tpu.yield
      }) : () -> ()
      %add3A_496 = arith.constant 4 : i32
      %add3A_497 = arith.addi %add3A_478, %add3A_496 : i32
      %min3A_498 = arith.constant 124 : i32
      %min3A_499 = arith.minsi %add3A_497, %min3A_498 : i32
      %mul3A_500 = arith.constant 80 : i32
      %mul3A_501 = arith.muli %min3A_499, %mul3A_500 : i32
      %add3A_502 = arith.addi %mul3A_8, %mul3A_501 : i32
      %dma_start3A_503 = tpu.memref_slice %arg3[%add3A_502] : memref<320000xi32, #tpu.memory_space<hbm>> -> memref<80xi32, #tpu.memory_space<hbm>>
      %dma_start3A_504 = tpu.memref_slice %arg3[%add3A_502] : memref<320000xi32, #tpu.memory_space<hbm>> -> memref<80xi32, #tpu.memory_space<hbm>>
      tpu.enqueue_dma source(%dma_start3A_504 : memref<80xi32, #tpu.memory_space<hbm>>) target(%arg12 : memref<80xi32, #tpu.memory_space<vmem>>) target_semaphore(%arg33 : memref<!tpu.dma_semaphore, #tpu.memory_space<semaphore_mem>>)
      %dma_start3A_505 = tpu.memref_slice %arg4[%add3A_502] : memref<320000xi32, #tpu.memory_space<hbm>> -> memref<80xi32, #tpu.memory_space<hbm>>
      %dma_start3A_506 = tpu.memref_slice %arg4[%add3A_502] : memref<320000xi32, #tpu.memory_space<hbm>> -> memref<80xi32, #tpu.memory_space<hbm>>
      tpu.enqueue_dma source(%dma_start3A_506 : memref<80xi32, #tpu.memory_space<hbm>>) target(%arg18 : memref<80xi32, #tpu.memory_space<vmem>>) target_semaphore(%arg33 : memref<!tpu.dma_semaphore, #tpu.memory_space<semaphore_mem>>)
    }
    %scan3A_93 = arith.constant 10 : i32
    %dma_wait3A_94 = arith.constant 0 : i32
    %dma_wait3A_95 = tpu.memref_slice %arg3[%dma_wait3A_94] : memref<320000xi32, #tpu.memory_space<hbm>> -> memref<80xi32, #tpu.memory_space<hbm>>
    %dma_wait3A_96 = arith.constant 0 : i32
    %dma_wait3A_97 = tpu.memref_slice %arg3[%dma_wait3A_96] : memref<320000xi32, #tpu.memory_space<hbm>> -> memref<80xi32, #tpu.memory_space<hbm>>
    tpu.wait_dma2 semaphore(%arg32 : memref<!tpu.dma_semaphore, #tpu.memory_space<semaphore_mem>>) src(%dma_wait3A_97 : memref<80xi32, #tpu.memory_space<hbm>>) dst(%arg11 : memref<80xi32, #tpu.memory_space<vmem>>)
    %dma_wait3A_98 = arith.constant 0 : i32
    %dma_wait3A_99 = tpu.memref_slice %arg4[%dma_wait3A_98] : memref<320000xi32, #tpu.memory_space<hbm>> -> memref<80xi32, #tpu.memory_space<hbm>>
    %dma_wait3A_100 = arith.constant 0 : i32
    %dma_wait3A_101 = tpu.memref_slice %arg4[%dma_wait3A_100] : memref<320000xi32, #tpu.memory_space<hbm>> -> memref<80xi32, #tpu.memory_space<hbm>>
    tpu.wait_dma2 semaphore(%arg32 : memref<!tpu.dma_semaphore, #tpu.memory_space<semaphore_mem>>) src(%dma_wait3A_101 : memref<80xi32, #tpu.memory_space<hbm>>) dst(%arg17 : memref<80xi32, #tpu.memory_space<vmem>>)
    %dma_start3A_102 = arith.constant 0 : i32
    %dma_start3A_103 = arith.constant 0 : i32
    %dma_start3A_104 = tpu.memref_slice %arg2[%dma_start3A_102, %dma_start3A_103] : memref<10000x128xf32, #tpu.memory_space<hbm>> -> memref<10000x128xf32, #tpu.memory_space<hbm>>
    tpu.enqueue_indirect_dma source(%dma_start3A_104 : memref<10000x128xf32, #tpu.memory_space<hbm>>) target(%arg19 : memref<80x128xf32, #tpu.memory_space<vmem>>) offsets(%arg11 : memref<80xi32, #tpu.memory_space<vmem>>) semaphore(%arg24 : memref<!tpu.dma_semaphore, #tpu.memory_space<semaphore_mem>>)
    %dma_wait3A_105 = arith.constant 0 : i32
    %dma_wait3A_106 = arith.constant 0 : i32
    %dma_wait3A_107 = tpu.memref_slice %arg2[%dma_wait3A_105, %dma_wait3A_106] : memref<10000x128xf32, #tpu.memory_space<hbm>> -> memref<80x128xf32, #tpu.memory_space<hbm>>
    %dma_wait3A_108 = arith.constant 0 : i32
    %dma_wait3A_109 = arith.constant 0 : i32
    %dma_wait3A_110 = tpu.memref_slice %arg2[%dma_wait3A_108, %dma_wait3A_109] : memref<10000x128xf32, #tpu.memory_space<hbm>> -> memref<80x128xf32, #tpu.memory_space<hbm>>
    tpu.wait_dma2 semaphore(%arg26 : memref<!tpu.dma_semaphore, #tpu.memory_space<semaphore_mem>>) src(%dma_wait3A_110 : memref<80x128xf32, #tpu.memory_space<hbm>>) dst(%arg21 : memref<80x128xf32, #tpu.memory_space<vmem>>)
    "tpu.region"() ({
      %run_scoped3A = tpu.sem_alloc : memref<!tpu.dma_semaphore, #tpu.memory_space<semaphore_mem>>
      %dma_start3A_142 = arith.constant 0 : i32
      %dma_start3A_143 = arith.constant 0 : i32
      %dma_start3A_144 = tpu.memref_slice %arg23[%dma_start3A_142, %dma_start3A_143] : memref<10000x128xf32, #tpu.memory_space<vmem_shared>> -> memref<10000x128xf32, #tpu.memory_space<vmem_shared>>
      tpu.enqueue_indirect_dma source(%arg21 : memref<80x128xf32, #tpu.memory_space<vmem>>) target(%dma_start3A_144 : memref<10000x128xf32, #tpu.memory_space<vmem_shared>>) offsets(%arg15 : memref<80xi32, #tpu.memory_space<vmem>>) semaphore(%run_scoped3A : memref<!tpu.dma_semaphore, #tpu.memory_space<semaphore_mem>>) {add = true}
      %dma_wait3A_145 = arith.constant 0 : i32
      %dma_wait3A_146 = arith.constant 0 : i32
      %dma_wait3A_147 = tpu.memref_slice %arg23[%dma_wait3A_145, %dma_wait3A_146] : memref<10000x128xf32, #tpu.memory_space<vmem_shared>> -> memref<10000x128xf32, #tpu.memory_space<vmem_shared>>
      tpu.wait_indirect_dma semaphore(%run_scoped3A : memref<!tpu.dma_semaphore, #tpu.memory_space<semaphore_mem>>) src(%arg21 : memref<80x128xf32, #tpu.memory_space<vmem>>) dst(%dma_wait3A_147 : memref<10000x128xf32, #tpu.memory_space<vmem_shared>>)
      tpu.yield
    }) : () -> ()
    %dma_wait3A_111 = arith.constant 0 : i32
    %dma_wait3A_112 = arith.constant 0 : i32
    %dma_wait3A_113 = tpu.memref_slice %arg2[%dma_wait3A_111, %dma_wait3A_112] : memref<10000x128xf32, #tpu.memory_space<hbm>> -> memref<80x128xf32, #tpu.memory_space<hbm>>
    %dma_wait3A_114 = arith.constant 0 : i32
    %dma_wait3A_115 = arith.constant 0 : i32
    %dma_wait3A_116 = tpu.memref_slice %arg2[%dma_wait3A_114, %dma_wait3A_115] : memref<10000x128xf32, #tpu.memory_space<hbm>> -> memref<80x128xf32, #tpu.memory_space<hbm>>
    tpu.wait_dma2 semaphore(%arg27 : memref<!tpu.dma_semaphore, #tpu.memory_space<semaphore_mem>>) src(%dma_wait3A_116 : memref<80x128xf32, #tpu.memory_space<hbm>>) dst(%arg22 : memref<80x128xf32, #tpu.memory_space<vmem>>)
    "tpu.region"() ({
      %run_scoped3A = tpu.sem_alloc : memref<!tpu.dma_semaphore, #tpu.memory_space<semaphore_mem>>
      %dma_start3A_142 = arith.constant 0 : i32
      %dma_start3A_143 = arith.constant 0 : i32
      %dma_start3A_144 = tpu.memref_slice %arg23[%dma_start3A_142, %dma_start3A_143] : memref<10000x128xf32, #tpu.memory_space<vmem_shared>> -> memref<10000x128xf32, #tpu.memory_space<vmem_shared>>
      tpu.enqueue_indirect_dma source(%arg22 : memref<80x128xf32, #tpu.memory_space<vmem>>) target(%dma_start3A_144 : memref<10000x128xf32, #tpu.memory_space<vmem_shared>>) offsets(%arg16 : memref<80xi32, #tpu.memory_space<vmem>>) semaphore(%run_scoped3A : memref<!tpu.dma_semaphore, #tpu.memory_space<semaphore_mem>>) {add = true}
      %dma_wait3A_145 = arith.constant 0 : i32
      %dma_wait3A_146 = arith.constant 0 : i32
      %dma_wait3A_147 = tpu.memref_slice %arg23[%dma_wait3A_145, %dma_wait3A_146] : memref<10000x128xf32, #tpu.memory_space<vmem_shared>> -> memref<10000x128xf32, #tpu.memory_space<vmem_shared>>
      tpu.wait_indirect_dma semaphore(%run_scoped3A : memref<!tpu.dma_semaphore, #tpu.memory_space<semaphore_mem>>) src(%arg22 : memref<80x128xf32, #tpu.memory_space<vmem>>) dst(%dma_wait3A_147 : memref<10000x128xf32, #tpu.memory_space<vmem_shared>>)
      tpu.yield
    }) : () -> ()
    %dma_wait3A_117 = arith.constant 0 : i32
    %dma_wait3A_118 = arith.constant 0 : i32
    %dma_wait3A_119 = tpu.memref_slice %arg2[%dma_wait3A_117, %dma_wait3A_118] : memref<10000x128xf32, #tpu.memory_space<hbm>> -> memref<80x128xf32, #tpu.memory_space<hbm>>
    %dma_wait3A_120 = arith.constant 0 : i32
    %dma_wait3A_121 = arith.constant 0 : i32
    %dma_wait3A_122 = tpu.memref_slice %arg2[%dma_wait3A_120, %dma_wait3A_121] : memref<10000x128xf32, #tpu.memory_space<hbm>> -> memref<80x128xf32, #tpu.memory_space<hbm>>
    tpu.wait_dma2 semaphore(%arg24 : memref<!tpu.dma_semaphore, #tpu.memory_space<semaphore_mem>>) src(%dma_wait3A_122 : memref<80x128xf32, #tpu.memory_space<hbm>>) dst(%arg19 : memref<80x128xf32, #tpu.memory_space<vmem>>)
    "tpu.region"() ({
      %run_scoped3A = tpu.sem_alloc : memref<!tpu.dma_semaphore, #tpu.memory_space<semaphore_mem>>
      %dma_start3A_142 = arith.constant 0 : i32
      %dma_start3A_143 = arith.constant 0 : i32
      %dma_start3A_144 = tpu.memref_slice %arg23[%dma_start3A_142, %dma_start3A_143] : memref<10000x128xf32, #tpu.memory_space<vmem_shared>> -> memref<10000x128xf32, #tpu.memory_space<vmem_shared>>
      tpu.enqueue_indirect_dma source(%arg19 : memref<80x128xf32, #tpu.memory_space<vmem>>) target(%dma_start3A_144 : memref<10000x128xf32, #tpu.memory_space<vmem_shared>>) offsets(%arg17 : memref<80xi32, #tpu.memory_space<vmem>>) semaphore(%run_scoped3A : memref<!tpu.dma_semaphore, #tpu.memory_space<semaphore_mem>>) {add = true}
      %dma_wait3A_145 = arith.constant 0 : i32
      %dma_wait3A_146 = arith.constant 0 : i32
      %dma_wait3A_147 = tpu.memref_slice %arg23[%dma_wait3A_145, %dma_wait3A_146] : memref<10000x128xf32, #tpu.memory_space<vmem_shared>> -> memref<10000x128xf32, #tpu.memory_space<vmem_shared>>
      tpu.wait_indirect_dma semaphore(%run_scoped3A : memref<!tpu.dma_semaphore, #tpu.memory_space<semaphore_mem>>) src(%arg19 : memref<80x128xf32, #tpu.memory_space<vmem>>) dst(%dma_wait3A_147 : memref<10000x128xf32, #tpu.memory_space<vmem_shared>>)
      tpu.yield
    }) : () -> ()
    %dma_wait3A_123 = arith.constant 0 : i32
    %dma_wait3A_124 = tpu.memref_slice %arg3[%dma_wait3A_123] : memref<320000xi32, #tpu.memory_space<hbm>> -> memref<80xi32, #tpu.memory_space<hbm>>
    %dma_wait3A_125 = arith.constant 0 : i32
    %dma_wait3A_126 = tpu.memref_slice %arg3[%dma_wait3A_125] : memref<320000xi32, #tpu.memory_space<hbm>> -> memref<80xi32, #tpu.memory_space<hbm>>
    tpu.wait_dma2 semaphore(%arg33 : memref<!tpu.dma_semaphore, #tpu.memory_space<semaphore_mem>>) src(%dma_wait3A_126 : memref<80xi32, #tpu.memory_space<hbm>>) dst(%arg12 : memref<80xi32, #tpu.memory_space<vmem>>)
    %dma_wait3A_127 = arith.constant 0 : i32
    %dma_wait3A_128 = tpu.memref_slice %arg4[%dma_wait3A_127] : memref<320000xi32, #tpu.memory_space<hbm>> -> memref<80xi32, #tpu.memory_space<hbm>>
    %dma_wait3A_129 = arith.constant 0 : i32
    %dma_wait3A_130 = tpu.memref_slice %arg4[%dma_wait3A_129] : memref<320000xi32, #tpu.memory_space<hbm>> -> memref<80xi32, #tpu.memory_space<hbm>>
    tpu.wait_dma2 semaphore(%arg33 : memref<!tpu.dma_semaphore, #tpu.memory_space<semaphore_mem>>) src(%dma_wait3A_130 : memref<80xi32, #tpu.memory_space<hbm>>) dst(%arg18 : memref<80xi32, #tpu.memory_space<vmem>>)
    %barrier3A_131 = arith.constant 0 : index
    tpu.barrier barrier_id(%barrier3A_131)
    %lt3A_132 = arith.constant 15 : i32
    %lt3A_133 = arith.cmpi slt, %arg1, %lt3A_132 : i32
    %convert_element_type3A_134 = arith.extui %lt3A_133 : i1 to i32
    %cond3A_135 = arith.constant 0 : i32
    %cond3A_136 = arith.cmpi ne, %convert_element_type3A_134, %cond3A_135 : i32
    scf.if %cond3A_136 {
      %mul3A_142 = arith.constant 640 : i32
      %mul3A_143 = arith.muli %arg1, %mul3A_142 : i32
      %mul3A_144 = arith.constant 640 : i32
      %mul3A_145 = arith.muli %arg1, %mul3A_144 : i32
      "tpu.region"() ({
        %run_scoped3A = tpu.sem_alloc : memref<!tpu.dma_semaphore, #tpu.memory_space<semaphore_mem>>
        %dma_start3A_146 = arith.constant 0 : i32
        %dma_start3A_147 = arith.constant 0 : i32
        %dma_start3A_148 = tpu.memref_slice %arg6[%arg0, %dma_start3A_146, %dma_start3A_147] : memref<2x10000x128xf32, #tpu.memory_space<hbm>> -> memref<1x10000x128xf32, #tpu.memory_space<hbm>>
        %dma_start3A_149 = tpu.memref_squeeze %dma_start3A_148 : memref<1x10000x128xf32, #tpu.memory_space<hbm>> -> memref<10000x128xf32, #tpu.memory_space<hbm>>
        %dma_start3A_150 = arith.constant 0 : i32
        %dma_start3A_151 = tpu.memref_slice %dma_start3A_149[%mul3A_145, %dma_start3A_150] : memref<10000x128xf32, #tpu.memory_space<hbm>> -> memref<640x128xf32, #tpu.memory_space<hbm>>
        %dma_start3A_152 = arith.constant 0 : i32
        %dma_start3A_153 = tpu.memref_slice %arg23[%mul3A_143, %dma_start3A_152] : memref<10000x128xf32, #tpu.memory_space<vmem_shared>> -> memref<640x128xf32, #tpu.memory_space<vmem_shared>>
        tpu.enqueue_dma source(%dma_start3A_153 : memref<640x128xf32, #tpu.memory_space<vmem_shared>>) target(%dma_start3A_151 : memref<640x128xf32, #tpu.memory_space<hbm>>) target_semaphore(%run_scoped3A : memref<!tpu.dma_semaphore, #tpu.memory_space<semaphore_mem>>)
        %dma_wait3A_154 = arith.constant 0 : i32
        %dma_wait3A_155 = arith.constant 0 : i32
        %dma_wait3A_156 = tpu.memref_slice %arg6[%arg0, %dma_wait3A_154, %dma_wait3A_155] : memref<2x10000x128xf32, #tpu.memory_space<hbm>> -> memref<1x10000x128xf32, #tpu.memory_space<hbm>>
        %dma_wait3A_157 = tpu.memref_squeeze %dma_wait3A_156 : memref<1x10000x128xf32, #tpu.memory_space<hbm>> -> memref<10000x128xf32, #tpu.memory_space<hbm>>
        %dma_wait3A_158 = arith.constant 0 : i32
        %dma_wait3A_159 = tpu.memref_slice %dma_wait3A_157[%mul3A_145, %dma_wait3A_158] : memref<10000x128xf32, #tpu.memory_space<hbm>> -> memref<640x128xf32, #tpu.memory_space<hbm>>
        %dma_wait3A_160 = arith.constant 0 : i32
        %dma_wait3A_161 = tpu.memref_slice %arg23[%mul3A_143, %dma_wait3A_160] : memref<10000x128xf32, #tpu.memory_space<vmem_shared>> -> memref<640x128xf32, #tpu.memory_space<vmem_shared>>
        tpu.wait_dma2 semaphore(%run_scoped3A : memref<!tpu.dma_semaphore, #tpu.memory_space<semaphore_mem>>) src(%dma_wait3A_161 : memref<640x128xf32, #tpu.memory_space<vmem_shared>>) dst(%dma_wait3A_159 : memref<640x128xf32, #tpu.memory_space<hbm>>)
        tpu.yield
      }) : () -> ()
    } else {
    }
    %eq3A_137 = arith.constant 15 : i32
    %eq3A_138 = arith.cmpi eq, %arg1, %eq3A_137 : i32
    %convert_element_type3A_139 = arith.extui %eq3A_138 : i1 to i32
    %cond3A_140 = arith.constant 0 : i32
    %cond3A_141 = arith.cmpi ne, %convert_element_type3A_139, %cond3A_140 : i32
    scf.if %cond3A_141 {
      "tpu.region"() ({
        %run_scoped3A = tpu.sem_alloc : memref<!tpu.dma_semaphore, #tpu.memory_space<semaphore_mem>>
        %dma_start3A_142 = arith.constant 0 : i32
        %dma_start3A_143 = arith.constant 0 : i32
        %dma_start3A_144 = tpu.memref_slice %arg6[%arg0, %dma_start3A_142, %dma_start3A_143] : memref<2x10000x128xf32, #tpu.memory_space<hbm>> -> memref<1x10000x128xf32, #tpu.memory_space<hbm>>
        %dma_start3A_145 = tpu.memref_squeeze %dma_start3A_144 : memref<1x10000x128xf32, #tpu.memory_space<hbm>> -> memref<10000x128xf32, #tpu.memory_space<hbm>>
        %dma_start3A_146 = arith.constant 9600 : i32
        %dma_start3A_147 = arith.constant 0 : i32
        %dma_start3A_148 = tpu.memref_slice %dma_start3A_145[%dma_start3A_146, %dma_start3A_147] : memref<10000x128xf32, #tpu.memory_space<hbm>> -> memref<400x128xf32, #tpu.memory_space<hbm>>
        %dma_start3A_149 = arith.constant 9600 : i32
        %dma_start3A_150 = arith.constant 0 : i32
        %dma_start3A_151 = tpu.memref_slice %arg23[%dma_start3A_149, %dma_start3A_150] : memref<10000x128xf32, #tpu.memory_space<vmem_shared>> -> memref<400x128xf32, #tpu.memory_space<vmem_shared>>
        tpu.enqueue_dma source(%dma_start3A_151 : memref<400x128xf32, #tpu.memory_space<vmem_shared>>) target(%dma_start3A_148 : memref<400x128xf32, #tpu.memory_space<hbm>>) target_semaphore(%run_scoped3A : memref<!tpu.dma_semaphore, #tpu.memory_space<semaphore_mem>>)
        %dma_wait3A_152 = arith.constant 0 : i32
        %dma_wait3A_153 = arith.constant 0 : i32
        %dma_wait3A_154 = tpu.memref_slice %arg6[%arg0, %dma_wait3A_152, %dma_wait3A_153] : memref<2x10000x128xf32, #tpu.memory_space<hbm>> -> memref<1x10000x128xf32, #tpu.memory_space<hbm>>
        %dma_wait3A_155 = tpu.memref_squeeze %dma_wait3A_154 : memref<1x10000x128xf32, #tpu.memory_space<hbm>> -> memref<10000x128xf32, #tpu.memory_space<hbm>>
        %dma_wait3A_156 = arith.constant 9600 : i32
        %dma_wait3A_157 = arith.constant 0 : i32
        %dma_wait3A_158 = tpu.memref_slice %dma_wait3A_155[%dma_wait3A_156, %dma_wait3A_157] : memref<10000x128xf32, #tpu.memory_space<hbm>> -> memref<400x128xf32, #tpu.memory_space<hbm>>
        %dma_wait3A_159 = arith.constant 9600 : i32
        %dma_wait3A_160 = arith.constant 0 : i32
        %dma_wait3A_161 = tpu.memref_slice %arg23[%dma_wait3A_159, %dma_wait3A_160] : memref<10000x128xf32, #tpu.memory_space<vmem_shared>> -> memref<400x128xf32, #tpu.memory_space<vmem_shared>>
        tpu.wait_dma2 semaphore(%run_scoped3A : memref<!tpu.dma_semaphore, #tpu.memory_space<semaphore_mem>>) src(%dma_wait3A_161 : memref<400x128xf32, #tpu.memory_space<vmem_shared>>) dst(%dma_wait3A_158 : memref<400x128xf32, #tpu.memory_space<hbm>>)
        tpu.yield
      }) : () -> ()
    } else {
    }
    return
  }
}

module attributes {stable_mosaic.version = 14 : i64} {
  func.func @body(%arg0: memref<2x10000x128xf32, #tpu.memory_space<vmem>>, %arg1: memref<1x128xf32, #tpu.memory_space<vmem>>, %arg2: memref<128x128xf32, #tpu.memory_space<vmem>>, %arg3: memref<10000x128xf32, #tpu.memory_space<vmem>>) attributes {dimension_semantics = [], scalar_prefetch = 0 : i64, scratch_operands = 0 : i64, tpu.core_type = #tpu.core_type<tc>} {
    %get3A = arith.constant 0 : index
    %get3A_0 = arith.constant 0 : index
    %get3A_1 = arith.constant 0 : index
    %get3A_2 = vector.load %arg0[%get3A, %get3A_0, %get3A_1] : memref<2x10000x128xf32, #tpu.memory_space<vmem>>, vector<1x10000x128xf32>
    %get3A_3 = vector.shape_cast %get3A_2 : vector<1x10000x128xf32> to vector<10000x128xf32>
    %get3A_4 = arith.constant 1 : index
    %get3A_5 = arith.constant 0 : index
    %get3A_6 = arith.constant 0 : index
    %get3A_7 = vector.load %arg0[%get3A_4, %get3A_5, %get3A_6] : memref<2x10000x128xf32, #tpu.memory_space<vmem>>, vector<1x10000x128xf32>
    %get3A_8 = vector.shape_cast %get3A_7 : vector<1x10000x128xf32> to vector<10000x128xf32>
    %add3A = arith.addf %get3A_3, %get3A_8 : vector<10000x128xf32>
    %get3A_9 = arith.constant 0 : index
    %get3A_10 = arith.constant 0 : index
    %get3A_11 = vector.load %arg1[%get3A_9, %get3A_10] : memref<1x128xf32, #tpu.memory_space<vmem>>, vector<1x128xf32>
    %add3A_12 = vector.broadcast %get3A_11 : vector<1x128xf32> to vector<10000x128xf32>
    %add3A_13 = arith.addf %add3A, %add3A_12 : vector<10000x128xf32>
    %max3A = arith.constant 0.000000e+00 : f32
    %max3A_14 = vector.broadcast %max3A : f32 to vector<10000x128xf32>
    %max3A_15 = arith.maximumf %add3A_13, %max3A_14 : vector<10000x128xf32>
    %get3A_16 = arith.constant 0 : index
    %get3A_17 = arith.constant 0 : index
    %get3A_18 = vector.load %arg2[%get3A_16, %get3A_17] : memref<128x128xf32, #tpu.memory_space<vmem>>, vector<128x128xf32>
    %dot_general3A = arith.constant dense<0.000000e+00> : vector<10000x128xf32>
    %dot_general3A_19 = tpu.matmul %max3A_15, %get3A_18, %dot_general3A {dimension_numbers = #tpu.dot_dimension_numbers<[1], [0], [0], [1], [0, 0, 1, 1], [], []>, transpose_lhs_hint = false} : vector<10000x128xf32>, vector<128x128xf32>, vector<10000x128xf32> -> vector<10000x128xf32>
    %swap3A = arith.constant 0 : index
    %swap3A_20 = arith.constant 0 : index
    %swap3A_21 = vector.load %arg3[%swap3A, %swap3A_20] : memref<10000x128xf32, #tpu.memory_space<vmem>>, vector<10000x128xf32>
    tpu.vector_store %arg3[%swap3A, %swap3A_20], %dot_general3A_19 {strides = array<i32>} : memref<10000x128xf32, #tpu.memory_space<vmem>>, vector<10000x128xf32>,
    return
  }
}

module attributes {stable_mosaic.version = 14 : i64} {
  func.func @body(%arg0: memref<10000x128xf32, #tpu.memory_space<vmem>>, %arg1: memref<128x128xf32, #tpu.memory_space<vmem>>, %arg2: memref<10000x128xf32, #tpu.memory_space<vmem>>) attributes {dimension_semantics = [], scalar_prefetch = 0 : i64, scratch_operands = 0 : i64, tpu.core_type = #tpu.core_type<tc>} {
    %get3A = arith.constant 0 : index
    %get3A_0 = arith.constant 0 : index
    %get3A_1 = vector.load %arg0[%get3A, %get3A_0] : memref<10000x128xf32, #tpu.memory_space<vmem>>, vector<10000x128xf32>
    %get3A_2 = arith.constant 0 : index
    %get3A_3 = arith.constant 0 : index
    %get3A_4 = vector.load %arg1[%get3A_2, %get3A_3] : memref<128x128xf32, #tpu.memory_space<vmem>>, vector<128x128xf32>
    %dot_general3A = arith.constant dense<0.000000e+00> : vector<10000x128xf32>
    %dot_general3A_5 = tpu.matmul %get3A_1, %get3A_4, %dot_general3A {dimension_numbers = #tpu.dot_dimension_numbers<[1], [0], [0], [1], [0, 0, 1, 1], [], []>, transpose_lhs_hint = false} : vector<10000x128xf32>, vector<128x128xf32>, vector<10000x128xf32> -> vector<10000x128xf32>
    %swap3A = arith.constant 0 : index
    %swap3A_6 = arith.constant 0 : index
    %swap3A_7 = vector.load %arg2[%swap3A, %swap3A_6] : memref<10000x128xf32, #tpu.memory_space<vmem>>, vector<10000x128xf32>
    tpu.vector_store %arg2[%swap3A, %swap3A_6], %dot_general3A_5 {strides = array<i32>} : memref<10000x128xf32, #tpu.memory_space<vmem>>, vector<10000x128xf32>,
    return
  }
}

module attributes {stable_mosaic.version = 14 : i64} {
  func.func @body(%arg0: memref<2x10000x128xf32, #tpu.memory_space<vmem>>, %arg1: memref<1x128xf32, #tpu.memory_space<vmem>>, %arg2: memref<10000x128xf32, #tpu.memory_space<vmem>>) attributes {dimension_semantics = [], scalar_prefetch = 0 : i64, scratch_operands = 0 : i64, tpu.core_type = #tpu.core_type<tc>} {
    %get3A = arith.constant 0 : index
    %get3A_0 = arith.constant 0 : index
    %get3A_1 = arith.constant 0 : index
    %get3A_2 = vector.load %arg0[%get3A, %get3A_0, %get3A_1] : memref<2x10000x128xf32, #tpu.memory_space<vmem>>, vector<1x10000x128xf32>
    %get3A_3 = vector.shape_cast %get3A_2 : vector<1x10000x128xf32> to vector<10000x128xf32>
    %get3A_4 = arith.constant 1 : index
    %get3A_5 = arith.constant 0 : index
    %get3A_6 = arith.constant 0 : index
    %get3A_7 = vector.load %arg0[%get3A_4, %get3A_5, %get3A_6] : memref<2x10000x128xf32, #tpu.memory_space<vmem>>, vector<1x10000x128xf32>
    %get3A_8 = vector.shape_cast %get3A_7 : vector<1x10000x128xf32> to vector<10000x128xf32>
    %add3A = arith.addf %get3A_3, %get3A_8 : vector<10000x128xf32>
    %get3A_9 = arith.constant 0 : index
    %get3A_10 = arith.constant 0 : index
    %get3A_11 = vector.load %arg1[%get3A_9, %get3A_10] : memref<1x128xf32, #tpu.memory_space<vmem>>, vector<1x128xf32>
    %add3A_12 = vector.broadcast %get3A_11 : vector<1x128xf32> to vector<10000x128xf32>
    %add3A_13 = arith.addf %add3A, %add3A_12 : vector<10000x128xf32>
    %reduce_max3A = arith.constant dense<0xFF800000> : vector<10000xf32>
    %reduce_max3A_14 = vector.multi_reduction <maximumf>, %add3A_13, %reduce_max3A [1] : vector<10000x128xf32> to vector<10000xf32>
    %broadcast_in_dim3A = vector.shape_cast %reduce_max3A_14 : vector<10000xf32> to vector<10000x1xf32>
    %sub3A = vector.broadcast %broadcast_in_dim3A : vector<10000x1xf32> to vector<10000x128xf32>
    %sub3A_15 = arith.subf %add3A_13, %sub3A : vector<10000x128xf32>
    %exp3A = math.exp %sub3A_15 : vector<10000x128xf32>
    %reduce_sum3A = arith.constant dense<0.000000e+00> : vector<10000xf32>
    %reduce_sum3A_16 = vector.multi_reduction <add>, %exp3A, %reduce_sum3A [1] : vector<10000x128xf32> to vector<10000xf32>
    %broadcast_in_dim3A_17 = vector.shape_cast %reduce_sum3A_16 : vector<10000xf32> to vector<10000x1xf32>
    %log3A = math.log %broadcast_in_dim3A_17 : vector<10000x1xf32>
    %sub3A_18 = vector.broadcast %broadcast_in_dim3A : vector<10000x1xf32> to vector<10000x128xf32>
    %sub3A_19 = arith.subf %add3A_13, %sub3A_18 : vector<10000x128xf32>
    %sub3A_20 = vector.broadcast %log3A : vector<10000x1xf32> to vector<10000x128xf32>
    %sub3A_21 = arith.subf %sub3A_19, %sub3A_20 : vector<10000x128xf32>
    %swap3A = arith.constant 0 : index
    %swap3A_22 = arith.constant 0 : index
    %swap3A_23 = vector.load %arg2[%swap3A, %swap3A_22] : memref<10000x128xf32, #tpu.memory_space<vmem>>, vector<10000x128xf32>
    tpu.vector_store %arg2[%swap3A, %swap3A_22], %sub3A_21 {strides = array<i32>} : memref<10000x128xf32, #tpu.memory_space<vmem>>, vector<10000x128xf32>,
    return
  }
}

</mosaic_0001>

<sc_bundles>
// kernel: kernel.12.cloned.1.call-start
scs
__scs_entry_jumppad:
0x0: {  	(pc) =	sbr.rel $0x88, $3  }
0x1: {  	(tag) =	ssettag $0x0;
	lr =	simm.s32 $0x1  }
0x2: {  	[smem:$0x3F99] =	sst lr;
	_ =	strace $0xD0000000  }
0x3: {  	_ = 	snop  }
0x4: {  	_ = 	snop  }
0x5: {  	_ = 	snop  }
0x6: {  	_ = 	snop  }
0x7: {  	_ = 	snop  }
__scs_overlays_trampoline_lowered:
0x8: {  	[smem:$0x3FA8] =	sst s0  }
0x9: {  	[smem:$0x3FA9] =	sst s1  }
0xa: {  	[smem:$0x3FAA] =	sst s2  }
0xb: {  	[smem:$0x3FAB] =	sst s3  }
0xc: {  	[smem:$0x3FAC] =	sst s4  }
0xd: {  	[smem:$0x3FAD] =	sst s5  }
0xe: {  	[smem:$0x3FAE] =	sst s6  }
0xf: {  	[smem:$0x3FAF] =	sst s7  }
0x10: {  	[smem:$0x3FB0] =	sst s8  }
0x11: {  	[smem:$0x3FB1] =	sst s9;
	s0 =	simm.s32 @!p0 $0x0  }
0x12: {  	s1 =	sld [smem:$0x3F97];
	s0 =	simm.s32 @p0 $0x1  }
0x13: {  	[smem:$0x3FB2] =	sst s0;
	s0 =	simm.s32 @!p1 $0x0  }
0x14: {  	s2 =	sld [smem:$0x3F96];
	s0 =	simm.s32 @p1 $0x1  }
0x15: {  	[smem:$0x3FB3] =	sst s0;
	s0 =	simm.s32 @!p2 $0x0  }
0x16: {  	s3 =	sld [smem:$0x3FDB];
	s0 =	simm.s32 @p2 $0x1  }
0x17: {  	s4 =	simm.s32 $0x1BF5;
	[smem:$0x3FB5] =	sst s0  }
0x18: {  	s0 =	sld [smem:$0x3F98];
	_ =	swait.ge [sflag:s4], $0x0  }
0x19: {  	s7 =	sld [smem:$0x3F99]  }
0x1a: {  	s8 =	sadd.s32 $0xFFFFE003, lr  }
0x1b: {  	s9 =	sadd.s32 $0xFFFFFEF7, lr;
	s5 =	simm.s32 $0xFFFFFFFF;
	p2 =	slt.u32 s8, $0xFFFFF086  }
0x1c: {  	p1 =	slt.u32 s9, $0xF7A;
	s5 =	simm.s32 @!p2 $0x0  }
0x1d: {  	s5 =	simm.s32 @p1 $0x1;
	p0 =	seq.s32 s7, s2  }
0x1e: {  	s7 =	smul.u32 @!p0 $0xF7A, s2;
	p2 =	seq.s32 @!p0 s5, $0x0  }
0x1f: {  	s9 =	smul.u32 $0xF7A, s1;
	s8 =	simm.s32 @!p0 $0x1BF5;
	p2 =	por !p2, p0  }
0x20: {  	[sflag:s8] =	ssyncset.s32 @!p0 $0xFFFFF086;
	s6 =	sadd.s32 @!p0 s3, s7;
	s7 =	simm.s32 @!p0 $0x108  }
0x21: {  	s3 =	sadd.s32 s3, s9;
	s6 =	sadd.s32 @!p0 $0x88, s6;
	s7 =	simm.s32 @p2 $0x1082  }
0x22: {  	[simem:s7], [sflag:s8] =	dma.local @!p0 [hbm:s6], $0xF7A  }
0x23: {  	s9 =	sor.u32 $0xD0000000, s2;
	s6 =	simm.s32 $0x108;
	_ =	swait.ge @!p0 [sflag:s8], $0x0  }
0x24: {  	s3 =	sadd.s32 $0x88, s3;
	s6 =	simm.s32 @!p1 $0x1082;
	[sflag:s4] =	ssyncset.s32 $0xFFFFF086  }
0x25: {  	[simem:s6], [sflag:s4] =	dma.local [hbm:s3], $0xF7A  }
0x26: {  	[smem:$0x3F99] =	sst s1;
	(tag) =	ssettag s2;
	_ =	strace s9  }
0x27: {  	s1 =	sld [smem:$0x3FA9]  }
0x28: {  	s2 =	sld [smem:$0x3FAA]  }
0x29: {  	s4 =	sld [smem:$0x3FAC]  }
0x2a: {  	p0 =	seq.s32 s5, $0x0;
	s5 =	sld [smem:$0x3FAD]  }
0x2b: {  	s6 =	sld [smem:$0x3FAE]  }
0x2c: {  	s7 =	sld [smem:$0x3FAF]  }
0x2d: {  	s3 =	simm.s32 $0x108;
	s8 =	sld [smem:$0x3FB0]  }
0x2e: {  	s3 =	simm.s32 @!p0 $0x1082;
	s9 =	sld [smem:$0x3FB1]  }
0x2f: {  	lr =	sadd.s32 s0, s3;
	s0 =	sld [smem:$0x3FA8]  }
0x30: {  	s3 =	sld [smem:$0x3FAB]  }
0x31: {  	[smem:$0x3FB4] =	sst s10  }
0x32: {  	s10 =	sld [smem:$0x3FB2];
	_ =	sdelay $0x3  }
0x33: {  	p0 =	seq.s32 s10, $0x1;
	s10 =	sld [smem:$0x3FB4];
	_ =	sdelay $0x3  }
0x34: {  	[smem:$0x3FB4] =	sst s10  }
0x35: {  	s10 =	sld [smem:$0x3FB3];
	_ =	sdelay $0x3  }
0x36: {  	p1 =	seq.s32 s10, $0x1;
	s10 =	sld [smem:$0x3FB4];
	_ =	sdelay $0x3  }
0x37: {  	[smem:$0x3FB4] =	sst s10  }
0x38: {  	s10 =	sld [smem:$0x3FB5]  }
0x39: {  	_ = 	snop;
	(pc) =	sbr.ind lr, $3  }
0x3a: {  	_ = 	snop  }
0x3b: {  	_ = 	snop  }
0x3c: {  	p2 =	seq.s32 s10, $0x1;
	s10 =	sld [smem:$0x3FB4]  }
0x3d: {  	_ =	shalt  }
0x3e: {  	_ =	shalt  }
0x3f: {  	_ =	shalt  }
0x40: {  	_ =	shalt  }
0x41: {  	_ =	shalt  }
0x42: {  	_ =	shalt  }
0x43: {  	_ =	shalt  }
0x44: {  	_ =	shalt  }
0x45: {  	_ =	shalt  }
0x46: {  	_ =	shalt  }
0x47: {  	_ =	shalt  }
0x48: {  	_ =	shalt  }
0x49: {  	_ =	shalt  }
0x4a: {  	_ =	shalt  }
0x4b: {  	_ =	shalt  }
0x4c: {  	_ =	shalt  }
0x4d: {  	_ =	shalt  }
0x4e: {  	_ =	shalt  }
0x4f: {  	_ =	shalt  }
0x50: {  	_ =	shalt  }
0x51: {  	_ =	shalt  }
0x52: {  	_ =	shalt  }
0x53: {  	_ =	shalt  }
0x54: {  	_ =	shalt  }
0x55: {  	_ =	shalt  }
0x56: {  	_ =	shalt  }
0x57: {  	_ =	shalt  }
0x58: {  	_ =	shalt  }
0x59: {  	_ =	shalt  }
0x5a: {  	_ =	shalt  }
0x5b: {  	_ =	shalt  }
0x5c: {  	_ =	shalt  }
0x5d: {  	_ =	shalt  }
0x5e: {  	_ =	shalt  }
0x5f: {  	_ =	shalt  }
0x60: {  	_ =	shalt  }
0x61: {  	_ =	shalt  }
0x62: {  	_ =	shalt  }
0x63: {  	_ =	shalt  }
0x64: {  	_ =	shalt  }
0x65: {  	_ =	shalt  }
0x66: {  	_ =	shalt  }
0x67: {  	_ =	shalt  }
0x68: {  	_ =	shalt  }
0x69: {  	_ =	shalt  }
0x6a: {  	_ =	shalt  }
0x6b: {  	_ =	shalt  }
0x6c: {  	_ =	shalt  }
0x6d: {  	_ =	shalt  }
0x6e: {  	_ =	shalt  }
0x6f: {  	_ =	shalt  }
0x70: {  	_ =	shalt  }
0x71: {  	_ =	shalt  }
0x72: {  	_ =	shalt  }
0x73: {  	_ =	shalt  }
0x74: {  	_ =	shalt  }
0x75: {  	_ =	shalt  }
0x76: {  	_ =	shalt  }
0x77: {  	_ =	shalt  }
0x78: {  	_ =	shalt  }
0x79: {  	_ =	shalt  }
0x7a: {  	_ =	shalt  }
0x7b: {  	_ =	shalt  }
0x7c: {  	_ =	shalt  }
0x7d: {  	_ =	shalt  }
0x7e: {  	_ =	shalt  }
0x7f: {  	_ =	shalt  }
0x80: {  	_ =	shalt  }
0x81: {  	_ =	shalt  }
0x82: {  	_ =	shalt  }
0x83: {  	_ =	shalt  }
0x84: {  	_ =	shalt  }
0x85: {  	_ =	shalt  }
0x86: {  	_ =	shalt  }
0x87: {  	_ =	shalt  }
.Lfunc_end0:
.L_simem_size_0:
called_computation.1_lowered:
.L_overlay_start_0:
0x88: {  	s2 =	sld [smem:$0x3FD9]  }
0x89: {  	s3 =	sld [smem:$0x3FFE];
	_ =	sdelay $0x1  }
0x8a: {  	s1 =	srdreg.scid  }
0x8b: {  	s0 =	sand.u32 $0x1, s1  }
0x8c: {  	s17 =	sshll.u32 s0, $0xA;
	s2 =	sadd.s32 s3, s2  }
0x8d: {  	s2 =	sadd.s32 s2, s17  }
0x8e: {  	[smem:$0x3FC0] =	sst s2  }
0x8f: {  	_ = 	snop  }
0x90: {  	s2 =	sld [smem:$0x3FD0];
	(tm) =	ssettm $0x1  }
0x91: {  	s18 =	sld [smem:$0x3FFB];
	_ =	sdelay $0x3  }
0x92: {  	_ =	strace s18  }
0x93: {  	s3 =	sld [smem:$0x3FFC];
	_ =	sdelay $0x3  }
0x94: {  	_ =	strace s3  }
0x95: {  	s3 =	sld [smem:$0x3FFD];
	_ =	sdelay $0x3  }
0x96: {  	_ =	strace s3  }
0x97: {  	_ =	strace $0x8FFFFFFF  }
0x98: {  	s19 =	sld [smem:$0x3FDB];
	_ =	sdelay $0x1  }
0x99: {  	s4 =	simm.s32 $_scs_section_size  }
0x9a: {  	s5 =	simm.s32 $_size__tile_overlayer_lowered;
	s6 =	simm.s32 $_tile_overlayer_lowered  }
0x9b: {  	s22 =	simm.s32 $0x1BFF;
	s21 =	sshll.u32 s6, $0x1;
	s3 =	sadd.s32 s4, s19  }
0x9c: {  	s7 =	simm.s32 $0x0;
	s20 =	sshll.u32 s5, $0x1;
	s5 =	sadd.s32 s21, s3  }
0x9d: {  	[timem:s7], [sflag:s22] =	dma.local [hbm:s5], s20  }
0x9e: {  	_ =	swait.ge [sflag:s22], s20  }
0x9f: {  	s4 =	ssub.s32 $0x0, s20;
	[sflag:s22] =	ssyncset.done $0x0  }
0xa0: {  	[sflag:s22] =	ssyncadd.s32 s4;
	_ =	sdelay $0x1  }
0xa1: {  	s23 =	simm.s32 $0x1B8B  }
0xa2: {  	_ =	swait.ge [sflag:s23], $0x1  }
0xa3: {  	[sflag:s23] =	ssyncset.done $0x0  }
0xa4: {  	s25 =	simm.s32 $0x1B8E;
	s24 =	sld [smem:$0x3FFE];
	[sflag:s23] =	ssyncadd.s32 $0xFFFFFFFF  }
0xa5: {  	s26 =	simm.s32 $execute0_lowered;
	[smem:$0x3FD2] =	sst s25  }
0xa6: {  	s5 =	sshll.u32 s26, $0x1;
	_ =	strace $0x80000049;
	[dreg:$0x1] =	wrdreg $0xFFFFFFFF  }
0xa7: {  	s28 =	simm.s32 $_size_execute0_lowered;
	s3 =	sadd.s32 s3, s5;
	[dreg:$0x0] =	wrdreg $0x0  }
0xa8: {  	s5 =	sshll.u32 s28, $0x1;
	[dreg:$0x2] =	wrdreg s3  }
0xa9: {  	[dreg:$0x3] =	wrdreg s5  }
0xaa: {  	[dreg:$0x4] =	wrdreg $0xC0  }
0xab: {  	_ =	task [dreg:s7], $0x5FFFF  }
0xac: {  	[dreg:$0x1] =	wrdreg $0xFFFFFFFF  }
0xad: {  	[dreg:$0x0] =	wrdreg $0x60  }
0xae: {  	[dreg:$0x2] =	wrdreg s24  }
0xaf: {  	[dreg:$0x3] =	wrdreg s2  }
0xb0: {  	[dreg:$0x4] =	wrdreg $0xA6000  }
0xb1: {  	[dreg:$0x5] =	wrdreg $0x9  }
0xb2: {  	_ =	task.clear_ibuf [dreg:s7], $0x6FFFF;
	_ =	strace $0x90000049  }
0xb3: {  	s29 =	simm.s32 $0x9;
	_ =	strace $0x8000004B  }
0xb4: {  	_ =	swait.ge [sflag:s29], $0x1  }
0xb5: {  	[sflag:s29] =	ssyncadd.s32 $0xFFFFFFFF  }
0xb6: {  	_ =	strace $0x9000004B  }
0xb7: {  	_ =	sfence  }
0xb8: {  	s30 =	sld [smem:$0x0];
	_ =	sdelay $0x2  }
0xb9: {  	s31 =	sshll.u32 s1, $0xD;
	s1 =	sshrl.u32 s1, $0x2  }
0xba: {  	s3 =	sand.u32 $0x4000, s31;
	s1 =	sadd.s32 s1, s30  }
0xbb: {  	s0 =	sor.u32 s3, s0;
	s1 =	sshll.u32 s1, $0x11  }
0xbc: {  	s0 =	sor.u32 s1, s0  }
0xbd: {  	s0 =	sadd.s32 $0x8F2B, s0  }
0xbe: {  	[sflag:s0] =	ssyncadd.remote.s32 $0x1  }
0xbf: {  	_ =	sfence.sel $0xFFFF  }
0xc0: {  	[dreg:$0x0] =	wrdreg $0xFFFFFFFF;
	(pc) =	sbr.abs _section_cstart, $3  }
0xc1: {  	[dreg:$0x1] =	wrdreg $0xFFFFFFFF  }
0xc2: {  	_ =	task.clear_ibuf [dreg:s7], $0x2FFFF;
	_ =	strace $0x9FFFFFFF  }
0xc3: {  	(tm) =	ssettm $0x7FFFFFFF  }
tec
execute0_lowered:
.L_overlay_start_1:
0x0: {  	(tag) =	ssettag $0x1  }
0x1: {  	s2 =	rddreg [dreg:$0x0]  }
0x2: {  	s6 =	rddreg [dreg:$0x1]  }
0x3: {  	s3 =	rddreg [dreg:$0x2];
	s4 =	simm.s32 $0x0;
	s12 =	stileid.u32  }
0x4: {  	s0 =	srdreg.scid;
	s28 =	simm.s32 $0xB;
	[smem:$0x7FF] =	sst s4  }
0x5: {  	s1 =	smul.u32 $0x2800, s12;
	s5 =	sand.u32 $0x1, s0;
	s26 =	sadd.s32 $0xBC00, s2  }
0x6: {  	s31 =	sadd.s32 $0x1E00, s2;
	s23 =	sshll.u32 s12, $0x1;
	s8 =	smul.u32 $0x50000, s12  }
0x7: {  	s24 =	smul.u32 $0x4E20, s12;
	p0 =	seq.s32 s12, $0xF;
	s12 =	simm.s32 $0x8  }
0x8: {  	_ =	strace $0x8000004A;
	s0 =	smul.u32 $0x27100, s5;
	[dreg:$0x19] =	wrdreg s31  }
0x9: {  	s9 =	ssub.s32 $0x2, s5;
	[dreg:$0x1a] =	wrdreg s1;
	s7 =	sadd.s32 s1, s2  }
0xa: {  	s1 =	sor.u32 s5, s23;
	s10 =	sshrl.u32 s9, $0x1;
	s8 =	sshrl.u32 s8, $0x2  }
0xb: {  	s5 =	smul.u32 $0x2710, s5;
	s0 =	sadd.s32 s0, s2;
	s8 =	sadd.s32 s8, s3  }
0xc: {  	s11 =	smul.u32 $0x2710, s1;
	s7 =	sadd.s32 $0x32E00, s7;
	[dreg:$0x1b] =	wrdreg s8  }
0xd: {  	s1 =	ssub.s32 s9, s10;
	s2 =	sadd.s32 $0x58600, s2;
	[dreg:$0x1c] =	wrdreg s7  }
0xe: {  	[dreg:$0x1d] =	wrdreg s2;
	s5 =	sadd.s32 s5, s24;
	s0 =	sadd.s32 $0x5A000, s0  }
0xf: {  	s2 =	sshrl.u32 s11, $0x3;
	s18 =	sadd.s32 $0x550, s11;
	[smem:$0x7FA] =	sst s0  }
0x10: {  	s16 =	sadd.s32 $0x500, s5;
	s25 =	sadd.s32 s31, s2;
	[dreg:$0x4] =	wrdreg s18  }
0x11: {  	s29 =	sadd.s32 $0xA, s2;
	s30 =	sadd.s32 s6, s2;
	[dreg:$0x1e] =	wrdreg s25  }
0x12: {  	s20 =	sadd.s32 $0x4B0, s5;
	[dreg:$0x1f] =	wrdreg s30;
	s10 =	sadd.s32 s31, s29  }
0x13: {  	s13 =	sadd.s32 $0x14, s2;
	s8 =	sadd.s32 s6, s29;
	[smem:$0x7F0] =	sst s10  }
0x14: {  	s23 =	sadd.s32 $0x460, s5;
	s14 =	sadd.s32 s31, s13;
	[smem:$0x7F1] =	sst s8  }
0x15: {  	s7 =	sadd.s32 $0x1E, s2;
	s15 =	sadd.s32 s6, s13;
	[smem:$0x7F2] =	sst s14  }
0x16: {  	s21 =	sshrl.u32 s20, $0x3;
	s17 =	sadd.s32 s31, s7;
	[smem:$0x7F3] =	sst s15  }
0x17: {  	s0 =	simm.s32 $0x50;
	s22 =	sadd.s32 s21, s6;
	[smem:$0x7F4] =	sst s17  }
0x18: {  	s24 =	sadd.s32 s21, s31;
	s25 =	sshrl.u32 s23, $0x3;
	[dreg:$0x7] =	wrdreg s22  }
0x19: {  	s30 =	sadd.s32 $0x410, s5;
	s7 =	sadd.s32 s6, s7;
	[dreg:$0x8] =	wrdreg s24  }
0x1a: {  	s13 =	sadd.s32 $0x370, s5;
	s29 =	sadd.s32 s25, s6;
	[smem:$0x7F5] =	sst s7  }
0x1b: {  	s8 =	sshrl.u32 s16, $0x3;
	s9 =	sadd.s32 s25, s31;
	[dreg:$0x9] =	wrdreg s29  }
0x1c: {  	s21 =	sadd.s32 $0x2D0, s5;
	s19 =	sadd.s32 s8, s6;
	[dreg:$0xa] =	wrdreg s9  }
0x1d: {  	s10 =	sshrl.u32 s30, $0x3;
	s8 =	sadd.s32 s8, s31;
	[dreg:$0x5] =	wrdreg s19  }
0x1e: {  	s15 =	sshrl.u32 s13, $0x3;
	s11 =	sadd.s32 s10, s6;
	[dreg:$0x6] =	wrdreg s8  }
0x1f: {  	s17 =	sadd.s32 $0x320, s5;
	s14 =	sadd.s32 s10, s31;
	[dreg:$0xb] =	wrdreg s11  }
0x20: {  	s23 =	sshrl.u32 s21, $0x3;
	s16 =	sadd.s32 s15, s6;
	[dreg:$0xc] =	wrdreg s14  }
0x21: {  	s25 =	sadd.s32 $0x280, s5;
	s18 =	sadd.s32 s15, s31;
	[dreg:$0xd] =	wrdreg s16  }
0x22: {  	s24 =	sadd.s32 s23, s6;
	s29 =	sadd.s32 s23, s31;
	[dreg:$0xe] =	wrdreg s18  }
0x23: {  	s30 =	sshrl.u32 s25, $0x3;
	s25 =	smax.u32 s1, $0x1;
	[dreg:$0x11] =	wrdreg s24  }
0x24: {  	s1 =	simm.s32 $0x6;
	s19 =	sshrl.u32 s17, $0x3;
	[dreg:$0x12] =	wrdreg s29  }
0x25: {  	s10 =	sadd.s32 s30, s6;
	s11 =	sadd.s32 $0x230, s5;
	[smem:$0x7FB] =	sst s25  }
0x26: {  	s13 =	sadd.s32 s30, s31;
	s16 =	sadd.s32 $0x1E0, s5;
	[dreg:$0x13] =	wrdreg s10  }
0x27: {  	s29 =	sadd.s32 $0x3C0, s5;
	s30 =	sadd.s32 $0x12C000, s3;
	[dreg:$0x14] =	wrdreg s13  }
0x28: {  	s5 =	simm.s32 $0x80;
	s3 =	simm.s32 $0x7;
	[smem:$0x7FC] =	sst s29  }
0x29: {  	s25 =	simm.s32 $0x5;
	s20 =	sadd.s32 s19, s6;
	[smem:$0x7FD] =	sst s30  }
0x2a: {  	s22 =	sadd.s32 s19, s31;
	s14 =	sshrl.u32 s11, $0x3;
	[dreg:$0xf] =	wrdreg s20  }
0x2b: {  	s18 =	sshrl.u32 s16, $0x3;
	[dreg:$0x10] =	wrdreg s22;
	s15 =	sadd.s32 s14, s6  }
0x2c: {  	s19 =	sadd.s32 $0x28, s2;
	s17 =	sadd.s32 s14, s31;
	[dreg:$0x15] =	wrdreg s15  }
0x2d: {  	s2 =	sadd.s32 $0x32, s2;
	s20 =	sadd.s32 s18, s6;
	[dreg:$0x16] =	wrdreg s17  }
0x2e: {  	s10 =	simm.s32 $0x300;
	s21 =	sadd.s32 s31, s19;
	[dreg:$0x17] =	wrdreg s20  }
0x2f: {  	s11 =	simm.s32 $0x380;
	s22 =	sadd.s32 s6, s19;
	[smem:$0x7F6] =	sst s21  }
0x30: {  	s13 =	simm.s32 $0x100;
	s23 =	sadd.s32 s18, s31;
	[smem:$0x7F7] =	sst s22  }
0x31: {  	s16 =	simm.s32 $0x180;
	s24 =	sadd.s32 s31, s2;
	[dreg:$0x18] =	wrdreg s23  }
0x32: {  	s2 =	sadd.s32 s6, s2;
	s14 =	simm.s32 $0x2E00;
	[smem:$0x7F8] =	sst s24  }
0x33: {  	s18 =	simm.s32 $0x2;
	[smem:$0x7F9] =	sst s2;
	s2 =	simm.s32 $0x0  }
.LBB2_1:
0x34: {  	s7 =	sld [smem:$0x7FD];
	_ =	sdelay $0x1  }
0x35: {  	[smem:$0x7EC] =	sst s2  }
0x36: {  	s9 =	rddreg [dreg:$0x1d];
	s2 =	sshrl.u32 @p0 s7, $0x3  }
0x37: {  	s7 =	simm.s32 @p0 $0x1FCB;
	[smem:$0x7ED] =	sst s2  }
0x38: {  	[spmem:s2], [sflag:s7] =	dma.local @p0 [hbm:s9], $0x1900  }
0x39: {  	s7 =	simm.s32 @p0 $0xB  }
0x3a: {  	s9 =	stileid.u32;
	_ =	swait.ge @p0 [sflag:s7], $0x1900  }
0x3b: {  	s29 =	sshll.u32 @!p0 s9, $0x6;
	[sflag:s7] =	ssyncset.done @p0 $0x0  }
0x3c: {  	s2 =	sor.u32 @!p0 $0x1C0B, s29;
	[sflag:s7] =	ssyncadd.s32 @p0 $0xFFFFE700;
	s7 =	rddreg [dreg:$0x1b]  }
0x3d: {  	[smem:$0x7EE] =	sst s2  }
0x3e: {  	s8 =	sshrl.u32 @!p0 s7, $0x3;
	s7 =	rddreg [dreg:$0x1c]  }
0x3f: {  	[smem:$0x7EF] =	sst s8  }
0x40: {  	[spmem:s8], [sflag:s2] =	dma.local @!p0 [hbm:s7], $0x2800  }
0x41: {  	s7 =	simm.s32 @!p0 $0xB  }
0x42: {  	_ =	swait.ge @!p0 [sflag:s7], $0x2800  }
0x43: {  	[sflag:s7] =	ssyncset.done @!p0 $0x0  }
0x44: {  	[sflag:s7] =	ssyncadd.s32 @!p0 $0xFFFFD800  }
0x45: {  	[bflag:$0x0] =	sbarrier.arrive $0xFFFF  }
0x46: {  	s20 =	rddreg [dreg:$0x1e]  }
0x47: {  	[tilespmem:s4], [sflag:$0xB] =	stream.linear.gather [hbm4b:s20+s4], $0x50, $0x38;
	[tilespmem:$0x1DE80] =	vst v63  }
0x48: {  	_ =	swait.ge [sflag:s28], $0x50  }
0x49: {  	[sflag:s28] =	ssyncset.done $0x0  }
0x4a: {  	s21 =	rddreg [dreg:$0x1f];
	[sflag:s28] =	ssyncadd.s32 $0xFFFFFFB0  }
0x4b: {  	[tilespmem:s10], [sflag:$0xB] =	stream.linear.gather [hbm4b:s21+s4], $0x50, $0x38;
	[tilespmem:$0x1DE80] =	vst v63  }
0x4c: {  	_ =	swait.ge [sflag:s28], $0x50  }
0x4d: {  	s22 =	sld [smem:$0x7F0]  }
0x4e: {  	[sflag:s28] =	ssyncset.done $0x0  }
0x4f: {  	[sflag:s28] =	ssyncadd.s32 $0xFFFFFFB0  }
0x50: {  	[tilespmem:s5], [sflag:$0xB] =	stream.linear.gather [hbm4b:s22+s4], $0x50, $0x38;
	[tilespmem:$0x1DE80] =	vst v63  }
0x51: {  	_ =	swait.ge [sflag:s28], $0x50  }
0x52: {  	s23 =	sld [smem:$0x7F1]  }
0x53: {  	[sflag:s28] =	ssyncset.done $0x0  }
0x54: {  	[sflag:s28] =	ssyncadd.s32 $0xFFFFFFB0  }
0x55: {  	[tilespmem:s11], [sflag:$0xB] =	stream.linear.gather [hbm4b:s23+s4], $0x50, $0x38;
	[tilespmem:$0x1DE80] =	vst v63  }
0x56: {  	_ =	swait.ge [sflag:s28], $0x50  }
0x57: {  	[sflag:s28] =	ssyncset.done $0x0  }
0x58: {  	s8 =	simm.s32 $0x600;
	[sflag:s28] =	ssyncadd.s32 $0xFFFFFFB0  }
0x59: {  	[tilespmem:s8], [sflag:$0x1] =	stream.indirect.gather [hbm4b:s26+s0], $0x80, s4, s0, $0xb8;
	[tilespmem:$0x1DE80] =	vst v63  }
0x5a: {  	s24 =	sld [smem:$0x7F2]  }
0x5b: {  	[tilespmem:s14], [sflag:$0x2] =	stream.indirect.gather [hbm4b:s26+s0], $0x80, s5, s0, $0xb8;
	[tilespmem:$0x1DE80] =	vst v63  }
0x5c: {  	s2 =	sld [smem:$0x7F3]  }
0x5d: {  	[tilespmem:s13], [sflag:$0x7] =	stream.linear.gather [hbm4b:s24+s4], $0x50, $0x38;
	[tilespmem:$0x1DE80] =	vst v63  }
0x5e: {  	s6 =	simm.s32 $0x400;
	s9 =	sld [smem:$0x7F4]  }
0x5f: {  	[tilespmem:s6], [sflag:$0x7] =	stream.linear.gather [hbm4b:s2+s4], $0x50, $0x38;
	[tilespmem:$0x1DE80] =	vst v63  }
0x60: {  	s15 =	sld [smem:$0x7F5]  }
0x61: {  	[tilespmem:s16], [sflag:$0x8] =	stream.linear.gather [hbm4b:s9+s4], $0x50, $0x38;
	[tilespmem:$0x1DE80] =	vst v63  }
0x62: {  	s17 =	simm.s32 $0x480  }
0x63: {  	[tilespmem:s17], [sflag:$0x8] =	stream.linear.gather [hbm4b:s15+s4], $0x50, $0x38;
	[tilespmem:$0x1DE80] =	vst v63  }
0x64: {  	_ =	swait.ge [sflag:s3], $0x50  }
0x65: {  	[sflag:s3] =	ssyncset.done $0x0  }
0x66: {  	[sflag:s3] =	ssyncadd.s32 $0xFFFFFFB0  }
0x67: {  	_ =	swait.ge [sflag:s3], $0x50  }
0x68: {  	[sflag:s3] =	ssyncset.done $0x0  }
0x69: {  	s20 =	simm.s32 $0x5600;
	s15 =	simm.s32 $0x1;
	[sflag:s3] =	ssyncadd.s32 $0xFFFFFFB0  }
0x6a: {  	[tilespmem:s20], [sflag:$0x3] =	stream.indirect.gather [hbm4b:s26+s0], $0x80, s13, s0, $0xb8;
	[tilespmem:$0x1DE80] =	vst v63  }
0x6b: {  	_ =	swait.ge [sflag:s15], $0x2800  }
0x6c: {  	[sflag:s15] =	ssyncset.done $0x0  }
0x6d: {  	[sflag:s15] =	ssyncadd.s32 $0xFFFFD800  }
0x6e: {  	s23 =	rddreg [dreg:$0x2]  }
0x6f: {  	[spmem:s23] =	stream.indirect.scatter.add.f32 [tilespmem:s8], [sflag:$0xB], $0x80, s10, s0, $0xb8;
	[tilespmem:$0x1DE80] =	vst v63  }
0x70: {  	_ =	swait.ge [sflag:s28], $0x2800  }
0x71: {  	s19 =	sld [smem:$0x7F6]  }
0x72: {  	[sflag:s28] =	ssyncset.done $0x0  }
0x73: {  	s22 =	simm.s32 $0x200;
	s2 =	sld [smem:$0x7F7];
	[sflag:s28] =	ssyncadd.s32 $0xFFFFD800  }
0x74: {  	[tilespmem:s22], [sflag:$0x9] =	stream.linear.gather [hbm4b:s19+s4], $0x50, $0x38;
	[tilespmem:$0x1DE80] =	vst v63  }
0x75: {  	s6 =	simm.s32 $0x500  }
0x76: {  	[tilespmem:s6], [sflag:$0x9] =	stream.linear.gather [hbm4b:s2+s4], $0x50, $0x38;
	[tilespmem:$0x1DE80] =	vst v63  }
0x77: {  	_ =	swait.ge [sflag:s12], $0x50  }
0x78: {  	[sflag:s12] =	ssyncset.done $0x0  }
0x79: {  	[sflag:s12] =	ssyncadd.s32 $0xFFFFFFB0  }
0x7a: {  	_ =	swait.ge [sflag:s12], $0x50  }
0x7b: {  	[sflag:s12] =	ssyncset.done $0x0  }
0x7c: {  	s2 =	simm.s32 $0x7E00;
	[sflag:s12] =	ssyncadd.s32 $0xFFFFFFB0  }
0x7d: {  	[tilespmem:s2], [sflag:$0x4] =	stream.indirect.gather [hbm4b:s26+s0], $0x80, s16, s0, $0xb8;
	[tilespmem:$0x1DE80] =	vst v63  }
0x7e: {  	_ =	swait.ge [sflag:s18], $0x2800  }
0x7f: {  	[sflag:s18] =	ssyncset.done $0x0  }
0x80: {  	[sflag:s18] =	ssyncadd.s32 $0xFFFFD800  }
0x81: {  	[spmem:s23] =	stream.indirect.scatter.add.f32 [tilespmem:s14], [sflag:$0xB], $0x80, s11, s0, $0xb8;
	[tilespmem:$0x1DE80] =	vst v63  }
0x82: {  	_ =	swait.ge [sflag:s28], $0x2800  }
0x83: {  	s9 =	sld [smem:$0x7F8]  }
0x84: {  	[sflag:s28] =	ssyncset.done $0x0  }
0x85: {  	s18 =	simm.s32 $0x280;
	s19 =	sld [smem:$0x7F9];
	[sflag:s28] =	ssyncadd.s32 $0xFFFFD800  }
0x86: {  	[tilespmem:s18], [sflag:$0xA] =	stream.linear.gather [hbm4b:s9+s4], $0x50, $0x38;
	[tilespmem:$0x1DE80] =	vst v63  }
0x87: {  	s22 =	simm.s32 $0x580;
	s9 =	simm.s32 $0x9  }
0x88: {  	[tilespmem:s22], [sflag:$0xA] =	stream.linear.gather [hbm4b:s19+s4], $0x50, $0x38;
	[tilespmem:$0x1DE80] =	vst v63  }
0x89: {  	_ =	swait.ge [sflag:s9], $0x50  }
0x8a: {  	[sflag:s9] =	ssyncset.done $0x0  }
0x8b: {  	[sflag:s9] =	ssyncadd.s32 $0xFFFFFFB0  }
0x8c: {  	_ =	swait.ge [sflag:s9], $0x50  }
0x8d: {  	[sflag:s9] =	ssyncset.done $0x0  }
0x8e: {  	s3 =	simm.s32 $0x200;
	s19 =	simm.s32 $0x3;
	[sflag:s9] =	ssyncadd.s32 $0xFFFFFFB0  }
0x8f: {  	[tilespmem:s8], [sflag:$0x1] =	stream.indirect.gather [hbm4b:s26+s0], $0x80, s3, s0, $0xb8;
	[tilespmem:$0x1DE80] =	vst v63  }
0x90: {  	_ =	swait.ge [sflag:s19], $0x2800  }
0x91: {  	[sflag:s19] =	ssyncset.done $0x0  }
0x92: {  	s21 =	simm.s32 $0x400;
	[sflag:s19] =	ssyncadd.s32 $0xFFFFD800  }
0x93: {  	[spmem:s23] =	stream.indirect.scatter.add.f32 [tilespmem:s20], [sflag:$0xB], $0x80, s21, s0, $0xb8;
	[tilespmem:$0x1DE80] =	vst v63  }
0x94: {  	_ =	swait.ge [sflag:s28], $0x2800  }
0x95: {  	s3 =	rddreg [dreg:$0x18];
	[sflag:s28] =	ssyncset.done $0x0  }
0x96: {  	s29 =	rddreg [dreg:$0x17];
	[sflag:s28] =	ssyncadd.s32 $0xFFFFD800;
	s7 =	sadd.s32 $0x0, s3  }
0x97: {  	[tilespmem:s4], [sflag:$0x5] =	stream.linear.gather [hbm4b:s7+s4], $0x50, $0x38;
	[tilespmem:$0x1DE80] =	vst v63  }
0x98: {  	s22 =	sadd.s32 $0x0, s29  }
0x99: {  	[tilespmem:s10], [sflag:$0x5] =	stream.linear.gather [hbm4b:s22+s4], $0x50, $0x38;
	[tilespmem:$0x1DE80] =	vst v63  }
0x9a: {  	s22 =	simm.s32 $0xA  }
0x9b: {  	_ =	swait.ge [sflag:s22], $0x50  }
0x9c: {  	[sflag:s22] =	ssyncset.done $0x0  }
0x9d: {  	[sflag:s22] =	ssyncadd.s32 $0xFFFFFFB0  }
0x9e: {  	_ =	swait.ge [sflag:s22], $0x50  }
0x9f: {  	[sflag:s22] =	ssyncset.done $0x0  }
0xa0: {  	s3 =	simm.s32 $0x4;
	[sflag:s22] =	ssyncadd.s32 $0xFFFFFFB0  }
0xa1: {  	[tilespmem:s14], [sflag:$0x2] =	stream.indirect.gather [hbm4b:s26+s0], $0x80, s18, s0, $0xb8;
	[tilespmem:$0x1DE80] =	vst v63  }
0xa2: {  	_ =	swait.ge [sflag:s3], $0x2800  }
0xa3: {  	[sflag:s3] =	ssyncset.done $0x0  }
0xa4: {  	s24 =	simm.s32 $0x480;
	[sflag:s3] =	ssyncadd.s32 $0xFFFFD800  }
0xa5: {  	[spmem:s23] =	stream.indirect.scatter.add.f32 [tilespmem:s2], [sflag:$0xB], $0x80, s24, s0, $0xb8;
	[tilespmem:$0x1DE80] =	vst v63  }
0xa6: {  	_ =	swait.ge [sflag:s28], $0x2800  }
0xa7: {  	s24 =	rddreg [dreg:$0x16];
	[sflag:s28] =	ssyncset.done $0x0  }
0xa8: {  	s29 =	rddreg [dreg:$0x15];
	[sflag:s28] =	ssyncadd.s32 $0xFFFFD800;
	s7 =	sadd.s32 $0x0, s24  }
0xa9: {  	[tilespmem:s5], [sflag:$0x6] =	stream.linear.gather [hbm4b:s7+s4], $0x50, $0x38;
	[tilespmem:$0x1DE80] =	vst v63  }
0xaa: {  	s24 =	sadd.s32 $0x0, s29  }
0xab: {  	[tilespmem:s11], [sflag:$0x6] =	stream.linear.gather [hbm4b:s24+s4], $0x50, $0x38;
	[tilespmem:$0x1DE80] =	vst v63  }
0xac: {  	_ =	swait.ge [sflag:s25], $0x50  }
0xad: {  	[sflag:s25] =	ssyncset.done $0x0  }
0xae: {  	[sflag:s25] =	ssyncadd.s32 $0xFFFFFFB0  }
0xaf: {  	_ =	swait.ge [sflag:s25], $0x50  }
0xb0: {  	[sflag:s25] =	ssyncset.done $0x0  }
0xb1: {  	[sflag:s25] =	ssyncadd.s32 $0xFFFFFFB0  }
0xb2: {  	[tilespmem:s20], [sflag:$0x3] =	stream.indirect.gather [hbm4b:s26+s0], $0x80, s4, s0, $0xb8;
	[tilespmem:$0x1DE80] =	vst v63  }
0xb3: {  	_ =	swait.ge [sflag:s15], $0x2800  }
0xb4: {  	[sflag:s15] =	ssyncset.done $0x0  }
0xb5: {  	s24 =	simm.s32 $0x500;
	[sflag:s15] =	ssyncadd.s32 $0xFFFFD800  }
0xb6: {  	[spmem:s23] =	stream.indirect.scatter.add.f32 [tilespmem:s8], [sflag:$0xB], $0x80, s24, s0, $0xb8;
	[tilespmem:$0x1DE80] =	vst v63  }
0xb7: {  	_ =	swait.ge [sflag:s28], $0x2800  }
0xb8: {  	s7 =	rddreg [dreg:$0x14];
	[sflag:s28] =	ssyncset.done $0x0  }
0xb9: {  	s29 =	rddreg [dreg:$0x13];
	[sflag:s28] =	ssyncadd.s32 $0xFFFFD800;
	s7 =	sadd.s32 $0x0, s7  }
0xba: {  	[tilespmem:s13], [sflag:$0x7] =	stream.linear.gather [hbm4b:s7+s4], $0x50, $0x38;
	[tilespmem:$0x1DE80] =	vst v63  }
0xbb: {  	s21 =	simm.s32 $0x400;
	s7 =	sadd.s32 $0x0, s29  }
0xbc: {  	[tilespmem:s21], [sflag:$0x7] =	stream.linear.gather [hbm4b:s7+s4], $0x50, $0x38;
	[tilespmem:$0x1DE80] =	vst v63  }
0xbd: {  	_ =	swait.ge [sflag:s1], $0x50  }
0xbe: {  	[sflag:s1] =	ssyncset.done $0x0  }
0xbf: {  	[sflag:s1] =	ssyncadd.s32 $0xFFFFFFB0  }
0xc0: {  	_ =	swait.ge [sflag:s1], $0x50  }
0xc1: {  	[sflag:s1] =	ssyncset.done $0x0  }
0xc2: {  	s6 =	simm.s32 $0x2;
	[sflag:s1] =	ssyncadd.s32 $0xFFFFFFB0  }
0xc3: {  	[tilespmem:s2], [sflag:$0x4] =	stream.indirect.gather [hbm4b:s26+s0], $0x80, s5, s0, $0xb8;
	[tilespmem:$0x1DE80] =	vst v63  }
0xc4: {  	_ =	swait.ge [sflag:s6], $0x2800  }
0xc5: {  	[sflag:s6] =	ssyncset.done $0x0  }
0xc6: {  	s21 =	simm.s32 $0x580;
	[sflag:s6] =	ssyncadd.s32 $0xFFFFD800  }
0xc7: {  	[spmem:s23] =	stream.indirect.scatter.add.f32 [tilespmem:s14], [sflag:$0xB], $0x80, s21, s0, $0xb8;
	[tilespmem:$0x1DE80] =	vst v63  }
0xc8: {  	_ =	swait.ge [sflag:s28], $0x2800  }
0xc9: {  	s7 =	rddreg [dreg:$0x12];
	[sflag:s28] =	ssyncset.done $0x0  }
0xca: {  	s29 =	rddreg [dreg:$0x11];
	[sflag:s28] =	ssyncadd.s32 $0xFFFFD800;
	s7 =	sadd.s32 $0x0, s7  }
0xcb: {  	[tilespmem:s16], [sflag:$0x8] =	stream.linear.gather [hbm4b:s7+s4], $0x50, $0x38;
	[tilespmem:$0x1DE80] =	vst v63  }
0xcc: {  	s30 =	simm.s32 $0x480;
	s17 =	simm.s32 $0x7;
	s7 =	sadd.s32 $0x0, s29  }
0xcd: {  	[tilespmem:s30], [sflag:$0x8] =	stream.linear.gather [hbm4b:s7+s4], $0x50, $0x38;
	[tilespmem:$0x1DE80] =	vst v63  }
0xce: {  	_ =	swait.ge [sflag:s17], $0x50  }
0xcf: {  	[sflag:s17] =	ssyncset.done $0x0  }
0xd0: {  	[sflag:s17] =	ssyncadd.s32 $0xFFFFFFB0  }
0xd1: {  	_ =	swait.ge [sflag:s17], $0x50  }
0xd2: {  	[sflag:s17] =	ssyncset.done $0x0  }
0xd3: {  	[sflag:s17] =	ssyncadd.s32 $0xFFFFFFB0  }
0xd4: {  	[tilespmem:s8], [sflag:$0x1] =	stream.indirect.gather [hbm4b:s26+s0], $0x80, s13, s0, $0xb8;
	[tilespmem:$0x1DE80] =	vst v63  }
0xd5: {  	_ =	swait.ge [sflag:s19], $0x2800  }
0xd6: {  	[sflag:s19] =	ssyncset.done $0x0  }
0xd7: {  	[sflag:s19] =	ssyncadd.s32 $0xFFFFD800  }
0xd8: {  	[spmem:s23] =	stream.indirect.scatter.add.f32 [tilespmem:s20], [sflag:$0xB], $0x80, s10, s0, $0xb8;
	[tilespmem:$0x1DE80] =	vst v63  }
0xd9: {  	_ =	swait.ge [sflag:s28], $0x2800  }
0xda: {  	s30 =	simm.s32 $0x200;
	s7 =	rddreg [dreg:$0x10];
	[sflag:s28] =	ssyncset.done $0x0  }
0xdb: {  	s29 =	rddreg [dreg:$0xf];
	[sflag:s28] =	ssyncadd.s32 $0xFFFFD800;
	s7 =	sadd.s32 $0x0, s7  }
0xdc: {  	[tilespmem:s30], [sflag:$0x9] =	stream.linear.gather [hbm4b:s7+s4], $0x50, $0x38;
	[tilespmem:$0x1DE80] =	vst v63  }
0xdd: {  	s7 =	sadd.s32 $0x0, s29  }
0xde: {  	[tilespmem:s24], [sflag:$0x9] =	stream.linear.gather [hbm4b:s7+s4], $0x50, $0x38;
	[tilespmem:$0x1DE80] =	vst v63  }
0xdf: {  	_ =	swait.ge [sflag:s12], $0x50  }
0xe0: {  	[sflag:s12] =	ssyncset.done $0x0  }
0xe1: {  	[sflag:s12] =	ssyncadd.s32 $0xFFFFFFB0  }
0xe2: {  	_ =	swait.ge [sflag:s12], $0x50  }
0xe3: {  	[sflag:s12] =	ssyncset.done $0x0  }
0xe4: {  	[sflag:s12] =	ssyncadd.s32 $0xFFFFFFB0  }
0xe5: {  	[tilespmem:s14], [sflag:$0x2] =	stream.indirect.gather [hbm4b:s26+s0], $0x80, s16, s0, $0xb8;
	[tilespmem:$0x1DE80] =	vst v63  }
0xe6: {  	_ =	swait.ge [sflag:s3], $0x2800  }
0xe7: {  	[sflag:s3] =	ssyncset.done $0x0  }
0xe8: {  	[sflag:s3] =	ssyncadd.s32 $0xFFFFD800  }
0xe9: {  	[spmem:s23] =	stream.indirect.scatter.add.f32 [tilespmem:s2], [sflag:$0xB], $0x80, s11, s0, $0xb8;
	[tilespmem:$0x1DE80] =	vst v63  }
0xea: {  	_ =	swait.ge [sflag:s28], $0x2800  }
0xeb: {  	s24 =	rddreg [dreg:$0xe];
	[sflag:s28] =	ssyncset.done $0x0  }
0xec: {  	s29 =	rddreg [dreg:$0xd];
	[sflag:s28] =	ssyncadd.s32 $0xFFFFD800;
	s7 =	sadd.s32 $0x0, s24  }
0xed: {  	[tilespmem:s18], [sflag:$0xA] =	stream.linear.gather [hbm4b:s7+s4], $0x50, $0x38;
	[tilespmem:$0x1DE80] =	vst v63  }
0xee: {  	s21 =	simm.s32 $0x580;
	s24 =	sadd.s32 $0x0, s29  }
0xef: {  	[tilespmem:s21], [sflag:$0xA] =	stream.linear.gather [hbm4b:s24+s4], $0x50, $0x38;
	[tilespmem:$0x1DE80] =	vst v63  }
0xf0: {  	_ =	swait.ge [sflag:s9], $0x50  }
0xf1: {  	[sflag:s9] =	ssyncset.done $0x0  }
0xf2: {  	[sflag:s9] =	ssyncadd.s32 $0xFFFFFFB0  }
0xf3: {  	_ =	swait.ge [sflag:s9], $0x50  }
0xf4: {  	[sflag:s9] =	ssyncset.done $0x0  }
0xf5: {  	[sflag:s9] =	ssyncadd.s32 $0xFFFFFFB0  }
0xf6: {  	[tilespmem:s20], [sflag:$0x3] =	stream.indirect.gather [hbm4b:s26+s0], $0x80, s30, s0, $0xb8;
	[tilespmem:$0x1DE80] =	vst v63  }
0xf7: {  	_ =	swait.ge [sflag:s15], $0x2800  }
0xf8: {  	[sflag:s15] =	ssyncset.done $0x0  }
0xf9: {  	s21 =	simm.s32 $0x400;
	[sflag:s15] =	ssyncadd.s32 $0xFFFFD800  }
0xfa: {  	[spmem:s23] =	stream.indirect.scatter.add.f32 [tilespmem:s8], [sflag:$0xB], $0x80, s21, s0, $0xb8;
	[tilespmem:$0x1DE80] =	vst v63  }
0xfb: {  	_ =	swait.ge [sflag:s28], $0x2800  }
0xfc: {  	s9 =	sld [smem:$0x7FC];
	_ =	sdelay $0x1  }
0xfd: {  	[sflag:s28] =	ssyncset.done $0x0  }
0xfe: {  	[sflag:s28] =	ssyncadd.s32 $0xFFFFD800;
	s7 =	sshrl.u32 s9, $0x3  }
0xff: {  	s24 =	rddreg [dreg:$0x1];
	s29 =	sadd.s32 s31, s7  }
0x100: {  	[tilespmem:s4], [sflag:$0x5] =	stream.linear.gather [hbm4b:s29+s4], $0x50, $0x38;
	[tilespmem:$0x1DE80] =	vst v63  }
0x101: {  	s7 =	sadd.s32 s24, s7  }
0x102: {  	[tilespmem:s10], [sflag:$0x5] =	stream.linear.gather [hbm4b:s7+s4], $0x50, $0x38;
	[tilespmem:$0x1DE80] =	vst v63  }
0x103: {  	_ =	swait.ge [sflag:s22], $0x50  }
0x104: {  	[sflag:s22] =	ssyncset.done $0x0  }
0x105: {  	[sflag:s22] =	ssyncadd.s32 $0xFFFFFFB0  }
0x106: {  	_ =	swait.ge [sflag:s22], $0x50  }
0x107: {  	[sflag:s22] =	ssyncset.done $0x0  }
0x108: {  	[sflag:s22] =	ssyncadd.s32 $0xFFFFFFB0  }
0x109: {  	[tilespmem:s2], [sflag:$0x4] =	stream.indirect.gather [hbm4b:s26+s0], $0x80, s18, s0, $0xb8;
	[tilespmem:$0x1DE80] =	vst v63  }
0x10a: {  	_ =	swait.ge [sflag:s6], $0x2800  }
0x10b: {  	[sflag:s6] =	ssyncset.done $0x0  }
0x10c: {  	s18 =	simm.s32 $0x480;
	[sflag:s6] =	ssyncadd.s32 $0xFFFFD800  }
0x10d: {  	[spmem:s23] =	stream.indirect.scatter.add.f32 [tilespmem:s14], [sflag:$0xB], $0x80, s18, s0, $0xb8;
	[tilespmem:$0x1DE80] =	vst v63  }
0x10e: {  	_ =	swait.ge [sflag:s28], $0x2800  }
0x10f: {  	s22 =	rddreg [dreg:$0xc];
	[sflag:s28] =	ssyncset.done $0x0  }
0x110: {  	s29 =	rddreg [dreg:$0xb];
	[sflag:s28] =	ssyncadd.s32 $0xFFFFD800;
	s7 =	sadd.s32 $0x0, s22  }
0x111: {  	[tilespmem:s5], [sflag:$0x6] =	stream.linear.gather [hbm4b:s7+s4], $0x50, $0x38;
	[tilespmem:$0x1DE80] =	vst v63  }
0x112: {  	s22 =	sadd.s32 $0x0, s29  }
0x113: {  	[tilespmem:s11], [sflag:$0x6] =	stream.linear.gather [hbm4b:s22+s4], $0x50, $0x38;
	[tilespmem:$0x1DE80] =	vst v63  }
0x114: {  	_ =	swait.ge [sflag:s25], $0x50  }
0x115: {  	[sflag:s25] =	ssyncset.done $0x0  }
0x116: {  	[sflag:s25] =	ssyncadd.s32 $0xFFFFFFB0  }
0x117: {  	_ =	swait.ge [sflag:s25], $0x50  }
0x118: {  	[sflag:s25] =	ssyncset.done $0x0  }
0x119: {  	[sflag:s25] =	ssyncadd.s32 $0xFFFFFFB0  }
0x11a: {  	[tilespmem:s8], [sflag:$0x1] =	stream.indirect.gather [hbm4b:s26+s0], $0x80, s4, s0, $0xb8;
	[tilespmem:$0x1DE80] =	vst v63  }
0x11b: {  	_ =	swait.ge [sflag:s19], $0x2800  }
0x11c: {  	[sflag:s19] =	ssyncset.done $0x0  }
0x11d: {  	[sflag:s19] =	ssyncadd.s32 $0xFFFFD800;
	s19 =	simm.s32 $0x500  }
0x11e: {  	[spmem:s23] =	stream.indirect.scatter.add.f32 [tilespmem:s20], [sflag:$0xB], $0x80, s19, s0, $0xb8;
	[tilespmem:$0x1DE80] =	vst v63  }
0x11f: {  	_ =	swait.ge [sflag:s28], $0x2800  }
0x120: {  	s25 =	rddreg [dreg:$0xa];
	[sflag:s28] =	ssyncset.done $0x0  }
0x121: {  	s29 =	rddreg [dreg:$0x9];
	[sflag:s28] =	ssyncadd.s32 $0xFFFFD800;
	s7 =	sadd.s32 $0x0, s25  }
0x122: {  	[tilespmem:s13], [sflag:$0x7] =	stream.linear.gather [hbm4b:s7+s4], $0x50, $0x38;
	[tilespmem:$0x1DE80] =	vst v63  }
0x123: {  	s22 =	sadd.s32 $0x0, s29  }
0x124: {  	[tilespmem:s21], [sflag:$0x7] =	stream.linear.gather [hbm4b:s22+s4], $0x50, $0x38;
	[tilespmem:$0x1DE80] =	vst v63  }
0x125: {  	_ =	swait.ge [sflag:s1], $0x50  }
0x126: {  	[sflag:s1] =	ssyncset.done $0x0  }
0x127: {  	[sflag:s1] =	ssyncadd.s32 $0xFFFFFFB0  }
0x128: {  	_ =	swait.ge [sflag:s1], $0x50  }
0x129: {  	[sflag:s1] =	ssyncset.done $0x0  }
0x12a: {  	[sflag:s1] =	ssyncadd.s32 $0xFFFFFFB0  }
0x12b: {  	[tilespmem:s14], [sflag:$0x2] =	stream.indirect.gather [hbm4b:s26+s0], $0x80, s5, s0, $0xb8;
	[tilespmem:$0x1DE80] =	vst v63  }
0x12c: {  	_ =	swait.ge [sflag:s3], $0x2800  }
0x12d: {  	[sflag:s3] =	ssyncset.done $0x0  }
0x12e: {  	s25 =	simm.s32 $0x580;
	[sflag:s3] =	ssyncadd.s32 $0xFFFFD800  }
0x12f: {  	[spmem:s23] =	stream.indirect.scatter.add.f32 [tilespmem:s2], [sflag:$0xB], $0x80, s25, s0, $0xb8;
	[tilespmem:$0x1DE80] =	vst v63  }
0x130: {  	_ =	swait.ge [sflag:s28], $0x2800  }
0x131: {  	s3 =	rddreg [dreg:$0x8];
	[sflag:s28] =	ssyncset.done $0x0  }
0x132: {  	s29 =	rddreg [dreg:$0x7];
	[sflag:s28] =	ssyncadd.s32 $0xFFFFD800;
	s7 =	sadd.s32 $0x0, s3  }
0x133: {  	[tilespmem:s16], [sflag:$0x8] =	stream.linear.gather [hbm4b:s7+s4], $0x50, $0x38;
	[tilespmem:$0x1DE80] =	vst v63  }
0x134: {  	s5 =	sadd.s32 $0x0, s29  }
0x135: {  	[tilespmem:s18], [sflag:$0x8] =	stream.linear.gather [hbm4b:s5+s4], $0x50, $0x38;
	[tilespmem:$0x1DE80] =	vst v63  }
0x136: {  	_ =	swait.ge [sflag:s17], $0x50  }
0x137: {  	[sflag:s17] =	ssyncset.done $0x0  }
0x138: {  	[sflag:s17] =	ssyncadd.s32 $0xFFFFFFB0  }
0x139: {  	_ =	swait.ge [sflag:s17], $0x50  }
0x13a: {  	[sflag:s17] =	ssyncset.done $0x0  }
0x13b: {  	[sflag:s17] =	ssyncadd.s32 $0xFFFFFFB0  }
0x13c: {  	[tilespmem:s20], [sflag:$0x3] =	stream.indirect.gather [hbm4b:s26+s0], $0x80, s13, s0, $0xb8;
	[tilespmem:$0x1DE80] =	vst v63  }
0x13d: {  	_ =	swait.ge [sflag:s15], $0x2800  }
0x13e: {  	[sflag:s15] =	ssyncset.done $0x0  }
0x13f: {  	[sflag:s15] =	ssyncadd.s32 $0xFFFFD800  }
0x140: {  	[spmem:s23] =	stream.indirect.scatter.add.f32 [tilespmem:s8], [sflag:$0xB], $0x80, s10, s0, $0xb8;
	[tilespmem:$0x1DE80] =	vst v63  }
0x141: {  	_ =	swait.ge [sflag:s28], $0x2800  }
0x142: {  	s30 =	simm.s32 $0x200;
	s21 =	rddreg [dreg:$0x6];
	[sflag:s28] =	ssyncset.done $0x0  }
0x143: {  	s29 =	rddreg [dreg:$0x5];
	[sflag:s28] =	ssyncadd.s32 $0xFFFFD800;
	s7 =	sadd.s32 $0x0, s21  }
0x144: {  	[tilespmem:s30], [sflag:$0x9] =	stream.linear.gather [hbm4b:s7+s4], $0x50, $0x38;
	[tilespmem:$0x1DE80] =	vst v63  }
0x145: {  	s22 =	sadd.s32 $0x0, s29  }
0x146: {  	[tilespmem:s19], [sflag:$0x9] =	stream.linear.gather [hbm4b:s22+s4], $0x50, $0x38;
	[tilespmem:$0x1DE80] =	vst v63  }
0x147: {  	_ =	swait.ge [sflag:s12], $0x50  }
0x148: {  	[sflag:s12] =	ssyncset.done $0x0  }
0x149: {  	[sflag:s12] =	ssyncadd.s32 $0xFFFFFFB0  }
0x14a: {  	_ =	swait.ge [sflag:s12], $0x50  }
0x14b: {  	[sflag:s12] =	ssyncset.done $0x0  }
0x14c: {  	[sflag:s12] =	ssyncadd.s32 $0xFFFFFFB0  }
0x14d: {  	[tilespmem:s2], [sflag:$0x4] =	stream.indirect.gather [hbm4b:s26+s0], $0x80, s16, s0, $0xb8;
	[tilespmem:$0x1DE80] =	vst v63  }
0x14e: {  	_ =	swait.ge [sflag:s6], $0x2800  }
0x14f: {  	[sflag:s6] =	ssyncset.done $0x0  }
0x150: {  	s25 =	smin.u32 s4, $0x6B;
	[sflag:s6] =	ssyncadd.s32 $0xFFFFD800  }
0x151: {  	[spmem:s23] =	stream.indirect.scatter.add.f32 [tilespmem:s14], [sflag:$0xB], $0x80, s11, s0, $0xb8;
	[tilespmem:$0x1DE80] =	vst v63  }
0x152: {  	s7 =	smul.u32 $0x50, s25;
	_ =	swait.ge [sflag:s28], $0x2800  }
0x153: {  	s29 =	rddreg [dreg:$0x4]  }
0x154: {  	s7 =	sadd.s32 s7, s29  }
0x155: {  	s30 =	sadd.s32 $0x3C0, s9;
	[sflag:s28] =	ssyncset.done $0x0;
	s29 =	sshrl.u32 s7, $0x3  }
0x156: {  	s16 =	simm.s32 $0x280;
	[sflag:s28] =	ssyncadd.s32 $0xFFFFD800;
	s7 =	sadd.s32 s31, s29  }
0x157: {  	[tilespmem:s16], [sflag:$0xA] =	stream.linear.gather [hbm4b:s7+s4], $0x50, $0x38;
	[tilespmem:$0x1DE80] =	vst v63  }
0x158: {  	s31 =	sadd.s32 s24, s29;
	s29 =	simm.s32 $0xC;
	s7 =	simm.s32 $0x78  }
.LBB2_2:
0x159: {  	s2 =	simm.s32 $0x580;
	s23 =	simm.s32 $0x9  }
0x15a: {  	[tilespmem:s2], [sflag:$0xA] =	stream.linear.gather [hbm4b:s31+s4], $0x50, $0x38;
	[tilespmem:$0x1DE80] =	vst v63  }
0x15b: {  	_ =	swait.ge [sflag:s23], $0x50  }
0x15c: {  	[sflag:s23] =	ssyncset.done $0x0  }
0x15d: {  	[sflag:s23] =	ssyncadd.s32 $0xFFFFFFB0  }
0x15e: {  	_ =	swait.ge [sflag:s23], $0x50  }
0x15f: {  	s14 =	simm.s32 $0x600;
	[sflag:s23] =	ssyncset.done $0x0  }
0x160: {  	s12 =	simm.s32 $0x200;
	s15 =	simm.s32 $0x3;
	[sflag:s23] =	ssyncadd.s32 $0xFFFFFFB0  }
0x161: {  	[tilespmem:s14], [sflag:$0x1] =	stream.indirect.gather [hbm4b:s26+s0], $0x80, s12, s0, $0xb8;
	[tilespmem:$0x1DE80] =	vst v63  }
0x162: {  	_ =	swait.ge [sflag:s15], $0x2800  }
0x163: {  	[sflag:s15] =	ssyncset.done $0x0  }
0x164: {  	[sflag:s15] =	ssyncadd.s32 $0xFFFFD800  }
0x165: {  	s13 =	simm.s32 $0x400;
	s21 =	simm.s32 $0x5600;
	s18 =	rddreg [dreg:$0x2]  }
0x166: {  	[spmem:s18] =	stream.indirect.scatter.add.f32 [tilespmem:s21], [sflag:$0xB], $0x80, s13, s0, $0xb8;
	[tilespmem:$0x1DE80] =	vst v63  }
0x167: {  	_ =	swait.ge [sflag:s28], $0x2800  }
0x168: {  	s31 =	smov.u32 s7;
	s9 =	rddreg [dreg:$0x18];
	[sflag:s28] =	ssyncset.done $0x0  }
0x169: {  	s10 =	rddreg [dreg:$0x17];
	[sflag:s28] =	ssyncadd.s32 $0xFFFFD800;
	s9 =	sadd.s32 s31, s9  }
0x16a: {  	[tilespmem:s4], [sflag:$0x5] =	stream.linear.gather [hbm4b:s9+s4], $0x50, $0x38;
	[tilespmem:$0x1DE80] =	vst v63  }
0x16b: {  	s19 =	simm.s32 $0x300;
	s25 =	simm.s32 $0xA;
	s17 =	sadd.s32 s31, s10  }
0x16c: {  	[tilespmem:s19], [sflag:$0x5] =	stream.linear.gather [hbm4b:s17+s4], $0x50, $0x38;
	[tilespmem:$0x1DE80] =	vst v63  }
0x16d: {  	_ =	swait.ge [sflag:s25], $0x50  }
0x16e: {  	[sflag:s25] =	ssyncset.done $0x0  }
0x16f: {  	[sflag:s25] =	ssyncadd.s32 $0xFFFFFFB0  }
0x170: {  	_ =	swait.ge [sflag:s25], $0x50  }
0x171: {  	[sflag:s25] =	ssyncset.done $0x0  }
0x172: {  	s22 =	simm.s32 $0x2E00;
	s3 =	simm.s32 $0x4;
	[sflag:s25] =	ssyncadd.s32 $0xFFFFFFB0  }
0x173: {  	[tilespmem:s22], [sflag:$0x2] =	stream.indirect.gather [hbm4b:s26+s0], $0x80, s16, s0, $0xb8;
	[tilespmem:$0x1DE80] =	vst v63  }
0x174: {  	_ =	swait.ge [sflag:s3], $0x2800  }
0x175: {  	[sflag:s3] =	ssyncset.done $0x0  }
0x176: {  	s11 =	simm.s32 $0x480;
	s16 =	simm.s32 $0x7E00;
	[sflag:s3] =	ssyncadd.s32 $0xFFFFD800  }
0x177: {  	[spmem:s18] =	stream.indirect.scatter.add.f32 [tilespmem:s16], [sflag:$0xB], $0x80, s11, s0, $0xb8;
	[tilespmem:$0x1DE80] =	vst v63  }
0x178: {  	_ =	swait.ge [sflag:s28], $0x2800  }
0x179: {  	s12 =	simm.s32 $0x80;
	s20 =	rddreg [dreg:$0x16];
	[sflag:s28] =	ssyncset.done $0x0  }
0x17a: {  	s24 =	rddreg [dreg:$0x15];
	[sflag:s28] =	ssyncadd.s32 $0xFFFFD800;
	s9 =	sadd.s32 s31, s20  }
0x17b: {  	[tilespmem:s12], [sflag:$0x6] =	stream.linear.gather [hbm4b:s9+s4], $0x50, $0x38;
	[tilespmem:$0x1DE80] =	vst v63  }
0x17c: {  	s8 =	simm.s32 $0x380;
	s13 =	simm.s32 $0x5;
	s2 =	sadd.s32 s31, s24  }
0x17d: {  	[tilespmem:s8], [sflag:$0x6] =	stream.linear.gather [hbm4b:s2+s4], $0x50, $0x38;
	[tilespmem:$0x1DE80] =	vst v63  }
0x17e: {  	_ =	swait.ge [sflag:s13], $0x50  }
0x17f: {  	[sflag:s13] =	ssyncset.done $0x0  }
0x180: {  	[sflag:s13] =	ssyncadd.s32 $0xFFFFFFB0  }
0x181: {  	_ =	swait.ge [sflag:s13], $0x50  }
0x182: {  	[sflag:s13] =	ssyncset.done $0x0  }
0x183: {  	s19 =	simm.s32 $0x1;
	[sflag:s13] =	ssyncadd.s32 $0xFFFFFFB0  }
0x184: {  	[tilespmem:s21], [sflag:$0x3] =	stream.indirect.gather [hbm4b:s26+s0], $0x80, s4, s0, $0xb8;
	[tilespmem:$0x1DE80] =	vst v63  }
0x185: {  	_ =	swait.ge [sflag:s19], $0x2800  }
0x186: {  	[sflag:s19] =	ssyncset.done $0x0  }
0x187: {  	s9 =	simm.s32 $0x500;
	[sflag:s19] =	ssyncadd.s32 $0xFFFFD800  }
0x188: {  	[spmem:s18] =	stream.indirect.scatter.add.f32 [tilespmem:s14], [sflag:$0xB], $0x80, s9, s0, $0xb8;
	[tilespmem:$0x1DE80] =	vst v63  }
0x189: {  	_ =	swait.ge [sflag:s28], $0x2800  }
0x18a: {  	s20 =	simm.s32 $0x100;
	s10 =	rddreg [dreg:$0x14];
	[sflag:s28] =	ssyncset.done $0x0  }
0x18b: {  	s13 =	rddreg [dreg:$0x13];
	[sflag:s28] =	ssyncadd.s32 $0xFFFFD800;
	s9 =	sadd.s32 s31, s10  }
0x18c: {  	[tilespmem:s20], [sflag:$0x7] =	stream.linear.gather [hbm4b:s9+s4], $0x50, $0x38;
	[tilespmem:$0x1DE80] =	vst v63  }
0x18d: {  	s6 =	simm.s32 $0x400;
	s24 =	sadd.s32 s31, s13  }
0x18e: {  	[tilespmem:s6], [sflag:$0x7] =	stream.linear.gather [hbm4b:s24+s4], $0x50, $0x38;
	[tilespmem:$0x1DE80] =	vst v63  }
0x18f: {  	_ =	swait.ge [sflag:s1], $0x50  }
0x190: {  	[sflag:s1] =	ssyncset.done $0x0  }
0x191: {  	[sflag:s1] =	ssyncadd.s32 $0xFFFFFFB0  }
0x192: {  	_ =	swait.ge [sflag:s1], $0x50  }
0x193: {  	[sflag:s1] =	ssyncset.done $0x0  }
0x194: {  	s13 =	simm.s32 $0x2;
	[sflag:s1] =	ssyncadd.s32 $0xFFFFFFB0  }
0x195: {  	[tilespmem:s16], [sflag:$0x4] =	stream.indirect.gather [hbm4b:s26+s0], $0x80, s12, s0, $0xb8;
	[tilespmem:$0x1DE80] =	vst v63  }
0x196: {  	_ =	swait.ge [sflag:s13], $0x2800  }
0x197: {  	[sflag:s13] =	ssyncset.done $0x0  }
0x198: {  	s2 =	simm.s32 $0x580;
	[sflag:s13] =	ssyncadd.s32 $0xFFFFD800  }
0x199: {  	[spmem:s18] =	stream.indirect.scatter.add.f32 [tilespmem:s22], [sflag:$0xB], $0x80, s2, s0, $0xb8;
	[tilespmem:$0x1DE80] =	vst v63  }
0x19a: {  	_ =	swait.ge [sflag:s28], $0x2800  }
0x19b: {  	s8 =	simm.s32 $0x180;
	s1 =	rddreg [dreg:$0x12];
	[sflag:s28] =	ssyncset.done $0x0  }
0x19c: {  	s6 =	rddreg [dreg:$0x11];
	[sflag:s28] =	ssyncadd.s32 $0xFFFFD800;
	s9 =	sadd.s32 s31, s1  }
0x19d: {  	[tilespmem:s8], [sflag:$0x8] =	stream.linear.gather [hbm4b:s9+s4], $0x50, $0x38;
	[tilespmem:$0x1DE80] =	vst v63  }
0x19e: {  	s24 =	sadd.s32 s31, s6;
	s6 =	simm.s32 $0x7  }
0x19f: {  	[tilespmem:s11], [sflag:$0x8] =	stream.linear.gather [hbm4b:s24+s4], $0x50, $0x38;
	[tilespmem:$0x1DE80] =	vst v63  }
0x1a0: {  	_ =	swait.ge [sflag:s6], $0x50  }
0x1a1: {  	[sflag:s6] =	ssyncset.done $0x0  }
0x1a2: {  	[sflag:s6] =	ssyncadd.s32 $0xFFFFFFB0  }
0x1a3: {  	_ =	swait.ge [sflag:s6], $0x50  }
0x1a4: {  	[sflag:s6] =	ssyncset.done $0x0  }
0x1a5: {  	[sflag:s6] =	ssyncadd.s32 $0xFFFFFFB0  }
0x1a6: {  	[tilespmem:s14], [sflag:$0x1] =	stream.indirect.gather [hbm4b:s26+s0], $0x80, s20, s0, $0xb8;
	[tilespmem:$0x1DE80] =	vst v63  }
0x1a7: {  	_ =	swait.ge [sflag:s15], $0x2800  }
0x1a8: {  	[sflag:s15] =	ssyncset.done $0x0  }
0x1a9: {  	s24 =	simm.s32 $0x300;
	[sflag:s15] =	ssyncadd.s32 $0xFFFFD800  }
0x1aa: {  	[spmem:s18] =	stream.indirect.scatter.add.f32 [tilespmem:s21], [sflag:$0xB], $0x80, s24, s0, $0xb8;
	[tilespmem:$0x1DE80] =	vst v63  }
0x1ab: {  	_ =	swait.ge [sflag:s28], $0x2800  }
0x1ac: {  	s1 =	rddreg [dreg:$0x10]  }
0x1ad: {  	[sflag:s28] =	ssyncset.done $0x0;
	s10 =	rddreg [dreg:$0xf]  }
0x1ae: {  	[sflag:s28] =	ssyncadd.s32 $0xFFFFD800;
	s9 =	sadd.s32 s31, s1;
	s1 =	simm.s32 $0x200  }
0x1af: {  	[tilespmem:s1], [sflag:$0x9] =	stream.linear.gather [hbm4b:s9+s4], $0x50, $0x38;
	[tilespmem:$0x1DE80] =	vst v63  }
0x1b0: {  	s5 =	simm.s32 $0x8;
	s17 =	simm.s32 $0x500;
	s10 =	sadd.s32 s31, s10  }
0x1b1: {  	[tilespmem:s17], [sflag:$0x9] =	stream.linear.gather [hbm4b:s10+s4], $0x50, $0x38;
	[tilespmem:$0x1DE80] =	vst v63  }
0x1b2: {  	_ =	swait.ge [sflag:s5], $0x50  }
0x1b3: {  	[sflag:s5] =	ssyncset.done $0x0  }
0x1b4: {  	[sflag:s5] =	ssyncadd.s32 $0xFFFFFFB0  }
0x1b5: {  	_ =	swait.ge [sflag:s5], $0x50  }
0x1b6: {  	[sflag:s5] =	ssyncset.done $0x0  }
0x1b7: {  	s8 =	simm.s32 $0x180;
	[sflag:s5] =	ssyncadd.s32 $0xFFFFFFB0  }
0x1b8: {  	[tilespmem:s22], [sflag:$0x2] =	stream.indirect.gather [hbm4b:s26+s0], $0x80, s8, s0, $0xb8;
	[tilespmem:$0x1DE80] =	vst v63  }
0x1b9: {  	_ =	swait.ge [sflag:s3], $0x2800  }
0x1ba: {  	[sflag:s3] =	ssyncset.done $0x0  }
0x1bb: {  	s17 =	simm.s32 $0x380;
	[sflag:s3] =	ssyncadd.s32 $0xFFFFD800  }
0x1bc: {  	[spmem:s18] =	stream.indirect.scatter.add.f32 [tilespmem:s16], [sflag:$0xB], $0x80, s17, s0, $0xb8;
	[tilespmem:$0x1DE80] =	vst v63  }
0x1bd: {  	_ =	swait.ge [sflag:s28], $0x2800  }
0x1be: {  	s8 =	simm.s32 $0x280;
	s5 =	rddreg [dreg:$0xe];
	[sflag:s28] =	ssyncset.done $0x0  }
0x1bf: {  	s10 =	rddreg [dreg:$0xd];
	[sflag:s28] =	ssyncadd.s32 $0xFFFFD800;
	s9 =	sadd.s32 s31, s5  }
0x1c0: {  	[tilespmem:s8], [sflag:$0xA] =	stream.linear.gather [hbm4b:s9+s4], $0x50, $0x38;
	[tilespmem:$0x1DE80] =	vst v63  }
0x1c1: {  	s10 =	sadd.s32 s31, s10  }
0x1c2: {  	[tilespmem:s2], [sflag:$0xA] =	stream.linear.gather [hbm4b:s10+s4], $0x50, $0x38;
	[tilespmem:$0x1DE80] =	vst v63  }
0x1c3: {  	_ =	swait.ge [sflag:s23], $0x50  }
0x1c4: {  	[sflag:s23] =	ssyncset.done $0x0  }
0x1c5: {  	[sflag:s23] =	ssyncadd.s32 $0xFFFFFFB0  }
0x1c6: {  	_ =	swait.ge [sflag:s23], $0x50  }
0x1c7: {  	[sflag:s23] =	ssyncset.done $0x0  }
0x1c8: {  	[sflag:s23] =	ssyncadd.s32 $0xFFFFFFB0  }
0x1c9: {  	[tilespmem:s21], [sflag:$0x3] =	stream.indirect.gather [hbm4b:s26+s0], $0x80, s1, s0, $0xb8;
	[tilespmem:$0x1DE80] =	vst v63  }
0x1ca: {  	_ =	swait.ge [sflag:s19], $0x2800  }
0x1cb: {  	[sflag:s19] =	ssyncset.done $0x0  }
0x1cc: {  	s8 =	simm.s32 $0x400;
	[sflag:s19] =	ssyncadd.s32 $0xFFFFD800  }
0x1cd: {  	[spmem:s18] =	stream.indirect.scatter.add.f32 [tilespmem:s14], [sflag:$0xB], $0x80, s8, s0, $0xb8;
	[tilespmem:$0x1DE80] =	vst v63  }
0x1ce: {  	_ =	swait.ge [sflag:s28], $0x2800  }
0x1cf: {  	s2 =	sshrl.u32 s30, $0x3;
	[sflag:s28] =	ssyncset.done $0x0;
	s23 =	rddreg [dreg:$0x19]  }
0x1d0: {  	[sflag:s28] =	ssyncadd.s32 $0xFFFFD800;
	s5 =	sadd.s32 s23, s2  }
0x1d1: {  	[tilespmem:s4], [sflag:$0x5] =	stream.linear.gather [hbm4b:s5+s4], $0x50, $0x38;
	[tilespmem:$0x1DE80] =	vst v63  }
0x1d2: {  	s5 =	rddreg [dreg:$0x1]  }
0x1d3: {  	s9 =	sadd.s32 s5, s2  }
0x1d4: {  	[tilespmem:s24], [sflag:$0x5] =	stream.linear.gather [hbm4b:s9+s4], $0x50, $0x38;
	[tilespmem:$0x1DE80] =	vst v63  }
0x1d5: {  	_ =	swait.ge [sflag:s25], $0x50  }
0x1d6: {  	[sflag:s25] =	ssyncset.done $0x0  }
0x1d7: {  	[sflag:s25] =	ssyncadd.s32 $0xFFFFFFB0  }
0x1d8: {  	_ =	swait.ge [sflag:s25], $0x50  }
0x1d9: {  	[sflag:s25] =	ssyncset.done $0x0  }
0x1da: {  	s10 =	simm.s32 $0x280;
	[sflag:s25] =	ssyncadd.s32 $0xFFFFFFB0  }
0x1db: {  	[tilespmem:s16], [sflag:$0x4] =	stream.indirect.gather [hbm4b:s26+s0], $0x80, s10, s0, $0xb8;
	[tilespmem:$0x1DE80] =	vst v63  }
0x1dc: {  	_ =	swait.ge [sflag:s13], $0x2800  }
0x1dd: {  	[sflag:s13] =	ssyncset.done $0x0  }
0x1de: {  	[sflag:s13] =	ssyncadd.s32 $0xFFFFD800  }
0x1df: {  	[spmem:s18] =	stream.indirect.scatter.add.f32 [tilespmem:s22], [sflag:$0xB], $0x80, s11, s0, $0xb8;
	[tilespmem:$0x1DE80] =	vst v63  }
0x1e0: {  	_ =	swait.ge [sflag:s28], $0x2800  }
0x1e1: {  	s24 =	rddreg [dreg:$0xc];
	[sflag:s28] =	ssyncset.done $0x0  }
0x1e2: {  	s2 =	rddreg [dreg:$0xb];
	[sflag:s28] =	ssyncadd.s32 $0xFFFFD800;
	s9 =	sadd.s32 s31, s24  }
0x1e3: {  	[tilespmem:s12], [sflag:$0x6] =	stream.linear.gather [hbm4b:s9+s4], $0x50, $0x38;
	[tilespmem:$0x1DE80] =	vst v63  }
0x1e4: {  	s25 =	simm.s32 $0x5;
	s10 =	sadd.s32 s31, s2  }
0x1e5: {  	[tilespmem:s17], [sflag:$0x6] =	stream.linear.gather [hbm4b:s10+s4], $0x50, $0x38;
	[tilespmem:$0x1DE80] =	vst v63  }
0x1e6: {  	_ =	swait.ge [sflag:s25], $0x50  }
0x1e7: {  	[sflag:s25] =	ssyncset.done $0x0  }
0x1e8: {  	[sflag:s25] =	ssyncadd.s32 $0xFFFFFFB0  }
0x1e9: {  	_ =	swait.ge [sflag:s25], $0x50  }
0x1ea: {  	[sflag:s25] =	ssyncset.done $0x0  }
0x1eb: {  	[sflag:s25] =	ssyncadd.s32 $0xFFFFFFB0  }
0x1ec: {  	[tilespmem:s14], [sflag:$0x1] =	stream.indirect.gather [hbm4b:s26+s0], $0x80, s4, s0, $0xb8;
	[tilespmem:$0x1DE80] =	vst v63  }
0x1ed: {  	_ =	swait.ge [sflag:s15], $0x2800  }
0x1ee: {  	[sflag:s15] =	ssyncset.done $0x0  }
0x1ef: {  	s17 =	simm.s32 $0x500;
	[sflag:s15] =	ssyncadd.s32 $0xFFFFD800  }
0x1f0: {  	[spmem:s18] =	stream.indirect.scatter.add.f32 [tilespmem:s21], [sflag:$0xB], $0x80, s17, s0, $0xb8;
	[tilespmem:$0x1DE80] =	vst v63  }
0x1f1: {  	_ =	swait.ge [sflag:s28], $0x2800  }
0x1f2: {  	s15 =	rddreg [dreg:$0xa];
	[sflag:s28] =	ssyncset.done $0x0  }
0x1f3: {  	s24 =	rddreg [dreg:$0x9];
	[sflag:s28] =	ssyncadd.s32 $0xFFFFD800;
	s9 =	sadd.s32 s31, s15  }
0x1f4: {  	[tilespmem:s20], [sflag:$0x7] =	stream.linear.gather [hbm4b:s9+s4], $0x50, $0x38;
	[tilespmem:$0x1DE80] =	vst v63  }
0x1f5: {  	s1 =	simm.s32 $0x6;
	s2 =	sadd.s32 s31, s24  }
0x1f6: {  	[tilespmem:s8], [sflag:$0x7] =	stream.linear.gather [hbm4b:s2+s4], $0x50, $0x38;
	[tilespmem:$0x1DE80] =	vst v63  }
0x1f7: {  	_ =	swait.ge [sflag:s1], $0x50  }
0x1f8: {  	[sflag:s1] =	ssyncset.done $0x0  }
0x1f9: {  	[sflag:s1] =	ssyncadd.s32 $0xFFFFFFB0  }
0x1fa: {  	_ =	swait.ge [sflag:s1], $0x50  }
0x1fb: {  	[sflag:s1] =	ssyncset.done $0x0  }
0x1fc: {  	[sflag:s1] =	ssyncadd.s32 $0xFFFFFFB0  }
0x1fd: {  	[tilespmem:s22], [sflag:$0x2] =	stream.indirect.gather [hbm4b:s26+s0], $0x80, s12, s0, $0xb8;
	[tilespmem:$0x1DE80] =	vst v63  }
0x1fe: {  	_ =	swait.ge [sflag:s3], $0x2800  }
0x1ff: {  	[sflag:s3] =	ssyncset.done $0x0  }
0x200: {  	s10 =	simm.s32 $0x580;
	[sflag:s3] =	ssyncadd.s32 $0xFFFFD800  }
0x201: {  	[spmem:s18] =	stream.indirect.scatter.add.f32 [tilespmem:s16], [sflag:$0xB], $0x80, s10, s0, $0xb8;
	[tilespmem:$0x1DE80] =	vst v63  }
0x202: {  	_ =	swait.ge [sflag:s28], $0x2800  }
0x203: {  	s3 =	rddreg [dreg:$0x8]  }
0x204: {  	[sflag:s28] =	ssyncset.done $0x0;
	s8 =	rddreg [dreg:$0x7]  }
0x205: {  	[sflag:s28] =	ssyncadd.s32 $0xFFFFD800;
	s9 =	sadd.s32 s31, s3;
	s3 =	simm.s32 $0x180  }
0x206: {  	[tilespmem:s3], [sflag:$0x8] =	stream.linear.gather [hbm4b:s9+s4], $0x50, $0x38;
	[tilespmem:$0x1DE80] =	vst v63  }
0x207: {  	s10 =	sadd.s32 s31, s8  }
0x208: {  	[tilespmem:s11], [sflag:$0x8] =	stream.linear.gather [hbm4b:s10+s4], $0x50, $0x38;
	[tilespmem:$0x1DE80] =	vst v63  }
0x209: {  	_ =	swait.ge [sflag:s6], $0x50  }
0x20a: {  	[sflag:s6] =	ssyncset.done $0x0  }
0x20b: {  	[sflag:s6] =	ssyncadd.s32 $0xFFFFFFB0  }
0x20c: {  	_ =	swait.ge [sflag:s6], $0x50  }
0x20d: {  	[sflag:s6] =	ssyncset.done $0x0  }
0x20e: {  	[sflag:s6] =	ssyncadd.s32 $0xFFFFFFB0  }
0x20f: {  	[tilespmem:s21], [sflag:$0x3] =	stream.indirect.gather [hbm4b:s26+s0], $0x80, s20, s0, $0xb8;
	[tilespmem:$0x1DE80] =	vst v63  }
0x210: {  	_ =	swait.ge [sflag:s19], $0x2800  }
0x211: {  	[sflag:s19] =	ssyncset.done $0x0  }
0x212: {  	[sflag:s19] =	ssyncadd.s32 $0xFFFFD800;
	s19 =	simm.s32 $0x300  }
0x213: {  	[spmem:s18] =	stream.indirect.scatter.add.f32 [tilespmem:s14], [sflag:$0xB], $0x80, s19, s0, $0xb8;
	[tilespmem:$0x1DE80] =	vst v63  }
0x214: {  	_ =	swait.ge [sflag:s28], $0x2800  }
0x215: {  	s8 =	simm.s32 $0x200;
	s20 =	rddreg [dreg:$0x6];
	[sflag:s28] =	ssyncset.done $0x0  }
0x216: {  	s21 =	rddreg [dreg:$0x5];
	[sflag:s28] =	ssyncadd.s32 $0xFFFFD800;
	s9 =	sadd.s32 s31, s20  }
0x217: {  	[tilespmem:s8], [sflag:$0x9] =	stream.linear.gather [hbm4b:s9+s4], $0x50, $0x38;
	[tilespmem:$0x1DE80] =	vst v63  }
0x218: {  	s12 =	simm.s32 $0x8;
	s10 =	sadd.s32 s31, s21  }
0x219: {  	[tilespmem:s17], [sflag:$0x9] =	stream.linear.gather [hbm4b:s10+s4], $0x50, $0x38;
	[tilespmem:$0x1DE80] =	vst v63  }
0x21a: {  	_ =	swait.ge [sflag:s12], $0x50  }
0x21b: {  	[sflag:s12] =	ssyncset.done $0x0  }
0x21c: {  	[sflag:s12] =	ssyncadd.s32 $0xFFFFFFB0  }
0x21d: {  	_ =	swait.ge [sflag:s12], $0x50  }
0x21e: {  	p1 =	sne.s32 s7, $0x438;
	[sflag:s12] =	ssyncset.done $0x0  }
0x21f: {  	s7 =	sadd.s32 $0x78, s7;
	s30 =	sadd.s32 $0x3C0, s30;
	[sflag:s12] =	ssyncadd.s32 $0xFFFFFFB0  }
0x220: {  	[tilespmem:s16], [sflag:$0x4] =	stream.indirect.gather [hbm4b:s26+s0], $0x80, s3, s0, $0xb8;
	[tilespmem:$0x1DE80] =	vst v63  }
0x221: {  	s24 =	simm.s32 $0x400;
	s15 =	simm.s32 $0x580;
	_ =	swait.ge [sflag:s13], $0x2800  }
0x222: {  	s2 =	simm.s32 $0x480;
	s11 =	simm.s32 $0x5600;
	[sflag:s13] =	ssyncset.done $0x0  }
0x223: {  	s19 =	smin.u32 s29, $0x6B;
	s17 =	simm.s32 $0x380;
	[sflag:s13] =	ssyncadd.s32 $0xFFFFD800  }
0x224: {  	[spmem:s18] =	stream.indirect.scatter.add.f32 [tilespmem:s22], [sflag:$0xB], $0x80, s17, s0, $0xb8;
	[tilespmem:$0x1DE80] =	vst v63  }
0x225: {  	s14 =	simm.s32 $0x200;
	s9 =	smul.u32 $0x50, s19;
	_ =	swait.ge [sflag:s28], $0x2800  }
.Ltmp0:
0x226: {  	s29 =	sadd.s32 $0xC, s29;
	s22 =	rddreg [dreg:$0x4];
	(pc) =	sbr.rel @p1 .LBB2_2-.Ltmp0, $4  }
0x227: {  	s21 =	simm.s32 $0x500;
	s20 =	simm.s32 $0x7E00;
	s9 =	sadd.s32 s9, s22  }
0x228: {  	s16 =	simm.s32 $0x280;
	[sflag:s28] =	ssyncset.done $0x0;
	s9 =	sshrl.u32 s9, $0x3  }
0x229: {  	[sflag:s28] =	ssyncadd.s32 $0xFFFFD800;
	s23 =	sadd.s32 s23, s9;
	s31 =	sadd.s32 s5, s9  }
0x22a: {  	[tilespmem:s16], [sflag:$0xA] =	stream.linear.gather [hbm4b:s23+s4], $0x50, $0x38;
	[tilespmem:$0x1DE80] =	vst v63  }
0x22b: {  	[tilespmem:s15], [sflag:$0xA] =	stream.linear.gather [hbm4b:s31+s4], $0x50, $0x38;
	[tilespmem:$0x1DE80] =	vst v63  }
0x22c: {  	s3 =	simm.s32 $0x9  }
0x22d: {  	_ =	swait.ge [sflag:s3], $0x50  }
0x22e: {  	[sflag:s3] =	ssyncset.done $0x0  }
0x22f: {  	[sflag:s3] =	ssyncadd.s32 $0xFFFFFFB0  }
0x230: {  	_ =	swait.ge [sflag:s3], $0x50  }
0x231: {  	[sflag:s3] =	ssyncset.done $0x0  }
0x232: {  	s5 =	simm.s32 $0x600;
	s7 =	simm.s32 $0x3;
	[sflag:s3] =	ssyncadd.s32 $0xFFFFFFB0  }
0x233: {  	[tilespmem:s5], [sflag:$0x1] =	stream.indirect.gather [hbm4b:s26+s0], $0x80, s14, s0, $0xb8;
	[tilespmem:$0x1DE80] =	vst v63  }
0x234: {  	_ =	swait.ge [sflag:s7], $0x2800  }
0x235: {  	[sflag:s7] =	ssyncset.done $0x0  }
0x236: {  	[sflag:s7] =	ssyncadd.s32 $0xFFFFD800  }
0x237: {  	s7 =	rddreg [dreg:$0x2]  }
0x238: {  	[spmem:s7] =	stream.indirect.scatter.add.f32 [tilespmem:s11], [sflag:$0xB], $0x80, s24, s0, $0xb8;
	[tilespmem:$0x1DE80] =	vst v63  }
0x239: {  	_ =	swait.ge [sflag:s28], $0x2800  }
0x23a: {  	[sflag:s28] =	ssyncset.done $0x0  }
0x23b: {  	s22 =	simm.s32 $0x4;
	[sflag:s28] =	ssyncadd.s32 $0xFFFFD800  }
0x23c: {  	_ =	swait.ge [sflag:s22], $0x2800  }
0x23d: {  	[sflag:s22] =	ssyncset.done $0x0  }
0x23e: {  	[sflag:s22] =	ssyncadd.s32 $0xFFFFD800  }
0x23f: {  	[spmem:s7] =	stream.indirect.scatter.add.f32 [tilespmem:s20], [sflag:$0xB], $0x80, s2, s0, $0xb8;
	[tilespmem:$0x1DE80] =	vst v63  }
0x240: {  	_ =	swait.ge [sflag:s28], $0x2800  }
0x241: {  	[sflag:s28] =	ssyncset.done $0x0  }
0x242: {  	s23 =	simm.s32 $0x1;
	[sflag:s28] =	ssyncadd.s32 $0xFFFFD800  }
0x243: {  	_ =	swait.ge [sflag:s23], $0x2800  }
0x244: {  	[sflag:s23] =	ssyncset.done $0x0  }
0x245: {  	[sflag:s23] =	ssyncadd.s32 $0xFFFFD800  }
0x246: {  	[spmem:s7] =	stream.indirect.scatter.add.f32 [tilespmem:s5], [sflag:$0xB], $0x80, s21, s0, $0xb8;
	[tilespmem:$0x1DE80] =	vst v63  }
0x247: {  	_ =	swait.ge [sflag:s28], $0x2800  }
0x248: {  	[sflag:s28] =	ssyncset.done $0x0  }
0x249: {  	s24 =	simm.s32 $0xA;
	[sflag:s28] =	ssyncadd.s32 $0xFFFFD800  }
0x24a: {  	_ =	swait.ge [sflag:s24], $0x50  }
0x24b: {  	[sflag:s24] =	ssyncset.done $0x0  }
0x24c: {  	[sflag:s24] =	ssyncadd.s32 $0xFFFFFFB0  }
0x24d: {  	_ =	swait.ge [sflag:s24], $0x50  }
0x24e: {  	[sflag:s24] =	ssyncset.done $0x0  }
0x24f: {  	[sflag:s24] =	ssyncadd.s32 $0xFFFFFFB0  }
0x250: {  	[bflag:$0x0] =	sbarrier.arrive $0xFFFF  }
0x251: {  	s10 =	sld [smem:$0x7FA]  }
0x252: {  	s2 =	sld [smem:$0x7ED];
	_ =	sdelay $0x1  }
0x253: {  	s9 =	simm.s32 @p0 $0x1FCB;
	s7 =	sadd.s32 @p0 $0x25800, s10  }
0x254: {  	[hbm:s7], [sflag:s9] =	dma.local @p0 [spmem:s2], $0x1900  }
0x255: {  	s7 =	simm.s32 @p0 $0xB  }
0x256: {  	_ =	swait.ge @p0 [sflag:s7], $0x1900  }
0x257: {  	s2 =	sld [smem:$0x7EE]  }
0x258: {  	[sflag:s7] =	ssyncset.done @p0 $0x0;
	s5 =	sld [smem:$0x7EF]  }
0x259: {  	[sflag:s7] =	ssyncadd.s32 @p0 $0xFFFFE700;
	s7 =	rddreg [dreg:$0x1a]  }
0x25a: {  	s7 =	sadd.s32 @!p0 s7, s10  }
0x25b: {  	[hbm:s7], [sflag:s2] =	dma.local @!p0 [spmem:s5], $0x2800  }
0x25c: {  	s7 =	simm.s32 @!p0 $0xB  }
0x25d: {  	_ =	swait.ge @!p0 [sflag:s7], $0x2800  }
0x25e: {  	s29 =	sld [smem:$0x7EC]  }
0x25f: {  	s30 =	sld [smem:$0x7FB];
	_ =	sdelay $0x1  }
0x260: {  	s2 =	sadd.s32 $0x1, s29  }
0x261: {  	p1 =	sne.s32 s2, s30  }
.Ltmp1:
0x262: {  	_ = 	snop;
	(pc) =	sbr.rel @p1 .LBB2_1-.Ltmp1, $4  }
0x263: {  	s13 =	simm.s32 $0x100;
	s16 =	simm.s32 $0x180  }
0x264: {  	s18 =	simm.s32 $0x2;
	s3 =	simm.s32 $0x7;
	s14 =	simm.s32 $0x2E00  }
0x265: {  	s11 =	simm.s32 $0x380;
	s10 =	simm.s32 $0x300;
	[sflag:s7] =	ssyncset.done @!p0 $0x0  }
0x266: {  	s5 =	simm.s32 $0x80;
	s31 =	rddreg [dreg:$0x19];
	[sflag:s7] =	ssyncadd.s32 @!p0 $0xFFFFD800  }
0x267: {  	_ =	sfence.sel $0x180000  }
0x268: {  	[bflag:$0x0] =	sbarrier.arrive $0xFFFF  }
0x269: {  	_ =	strace $0x9000004A  }
0x26a: {  	s0 =	stileid.u32;
	[bflag:$0x2] =	sbarrier.arrive $0xFFFF  }
0x26b: {  	p0 =	sne.s32 s0, $0x0;
	s0 =	rddreg [dreg:$0x3]  }
0x26c: {  	s0 =	sadd.s32 @!p0 $0x100000, s0  }
0x26d: {  	[sflag:s0] =	ssyncadd.tile.s32 @!p0 $0x1;
	_ =	shalt  }
.Lfunc_end2:
_tile_overlayer_lowered:
.L_overlay_start_2:
0x26e: {  	(tag) =	ssettag $0x2  }
0x26f: {  	s0 =	rddreg [dreg:$0x0];
	s2 =	stileid.u32  }
0x270: {  	s1 =	rddreg [dreg:$0x1];
	p0 =	sne.s32 s2, $0x0  }
0x271: {  	s3 =	rddreg [dreg:$0x2];
	[bflag:$0x3] =	sbarrier.arrive $0xFFFF;
	s2 =	simm.s32 @!p0 $0x1C0B  }
0x272: {  	[timem:s3], [sflag:s2] =	dma.local @!p0 [hbm:s0], s1  }
0x273: {  	s0 =	simm.s32 @!p0 $0xB  }
0x274: {  	_ =	swait.ge @!p0 [sflag:s0], s1  }
0x275: {  	s1 =	ssub.s32 @!p0 $0x0, s1;
	[sflag:s0] =	ssyncset.done @!p0 $0x0  }
0x276: {  	[sflag:s0] =	ssyncadd.s32 @!p0 s1  }
0x277: {  	[bflag:$0x3] =	sbarrier.arrive $0xFFFF  }
0x278: {  	_ =	shalt  }

// kernel: kernel.15.cloned.1.call-start
scs
__scs_entry_jumppad:
0x0: {  	(pc) =	sbr.rel $0x88, $3  }
0x1: {  	(tag) =	ssettag $0x0;
	lr =	simm.s32 $0x1  }
0x2: {  	[smem:$0x3F99] =	sst lr;
	_ =	strace $0xD0000000  }
0x3: {  	_ = 	snop  }
0x4: {  	_ = 	snop  }
0x5: {  	_ = 	snop  }
0x6: {  	_ = 	snop  }
0x7: {  	_ = 	snop  }
__scs_overlays_trampoline_lowered:
0x8: {  	[smem:$0x3FA8] =	sst s0  }
0x9: {  	[smem:$0x3FA9] =	sst s1  }
0xa: {  	[smem:$0x3FAA] =	sst s2  }
0xb: {  	[smem:$0x3FAB] =	sst s3  }
0xc: {  	[smem:$0x3FAC] =	sst s4  }
0xd: {  	[smem:$0x3FAD] =	sst s5  }
0xe: {  	[smem:$0x3FAE] =	sst s6  }
0xf: {  	[smem:$0x3FAF] =	sst s7  }
0x10: {  	[smem:$0x3FB0] =	sst s8  }
0x11: {  	[smem:$0x3FB1] =	sst s9;
	s0 =	simm.s32 @!p0 $0x0  }
0x12: {  	s1 =	sld [smem:$0x3F97];
	s0 =	simm.s32 @p0 $0x1  }
0x13: {  	[smem:$0x3FB2] =	sst s0;
	s0 =	simm.s32 @!p1 $0x0  }
0x14: {  	s2 =	sld [smem:$0x3F96];
	s0 =	simm.s32 @p1 $0x1  }
0x15: {  	[smem:$0x3FB3] =	sst s0;
	s0 =	simm.s32 @!p2 $0x0  }
0x16: {  	s3 =	sld [smem:$0x3FDB];
	s0 =	simm.s32 @p2 $0x1  }
0x17: {  	s4 =	simm.s32 $0x1BF5;
	[smem:$0x3FB5] =	sst s0  }
0x18: {  	s0 =	sld [smem:$0x3F98];
	_ =	swait.ge [sflag:s4], $0x0  }
0x19: {  	s7 =	sld [smem:$0x3F99]  }
0x1a: {  	s8 =	sadd.s32 $0xFFFFE003, lr  }
0x1b: {  	s9 =	sadd.s32 $0xFFFFFEF7, lr;
	s5 =	simm.s32 $0xFFFFFFFF;
	p2 =	slt.u32 s8, $0xFFFFF086  }
0x1c: {  	p1 =	slt.u32 s9, $0xF7A;
	s5 =	simm.s32 @!p2 $0x0  }
0x1d: {  	s5 =	simm.s32 @p1 $0x1;
	p0 =	seq.s32 s7, s2  }
0x1e: {  	s7 =	smul.u32 @!p0 $0xF7A, s2;
	p2 =	seq.s32 @!p0 s5, $0x0  }
0x1f: {  	s9 =	smul.u32 $0xF7A, s1;
	s8 =	simm.s32 @!p0 $0x1BF5;
	p2 =	por !p2, p0  }
0x20: {  	[sflag:s8] =	ssyncset.s32 @!p0 $0xFFFFF086;
	s6 =	sadd.s32 @!p0 s3, s7;
	s7 =	simm.s32 @!p0 $0x108  }
0x21: {  	s3 =	sadd.s32 s3, s9;
	s6 =	sadd.s32 @!p0 $0x88, s6;
	s7 =	simm.s32 @p2 $0x1082  }
0x22: {  	[simem:s7], [sflag:s8] =	dma.local @!p0 [hbm:s6], $0xF7A  }
0x23: {  	s9 =	sor.u32 $0xD0000000, s2;
	s6 =	simm.s32 $0x108;
	_ =	swait.ge @!p0 [sflag:s8], $0x0  }
0x24: {  	s3 =	sadd.s32 $0x88, s3;
	s6 =	simm.s32 @!p1 $0x1082;
	[sflag:s4] =	ssyncset.s32 $0xFFFFF086  }
0x25: {  	[simem:s6], [sflag:s4] =	dma.local [hbm:s3], $0xF7A  }
0x26: {  	[smem:$0x3F99] =	sst s1;
	(tag) =	ssettag s2;
	_ =	strace s9  }
0x27: {  	s1 =	sld [smem:$0x3FA9]  }
0x28: {  	s2 =	sld [smem:$0x3FAA]  }
0x29: {  	s4 =	sld [smem:$0x3FAC]  }
0x2a: {  	p0 =	seq.s32 s5, $0x0;
	s5 =	sld [smem:$0x3FAD]  }
0x2b: {  	s6 =	sld [smem:$0x3FAE]  }
0x2c: {  	s7 =	sld [smem:$0x3FAF]  }
0x2d: {  	s3 =	simm.s32 $0x108;
	s8 =	sld [smem:$0x3FB0]  }
0x2e: {  	s3 =	simm.s32 @!p0 $0x1082;
	s9 =	sld [smem:$0x3FB1]  }
0x2f: {  	lr =	sadd.s32 s0, s3;
	s0 =	sld [smem:$0x3FA8]  }
0x30: {  	s3 =	sld [smem:$0x3FAB]  }
0x31: {  	[smem:$0x3FB4] =	sst s10  }
0x32: {  	s10 =	sld [smem:$0x3FB2];
	_ =	sdelay $0x3  }
0x33: {  	p0 =	seq.s32 s10, $0x1;
	s10 =	sld [smem:$0x3FB4];
	_ =	sdelay $0x3  }
0x34: {  	[smem:$0x3FB4] =	sst s10  }
0x35: {  	s10 =	sld [smem:$0x3FB3];
	_ =	sdelay $0x3  }
0x36: {  	p1 =	seq.s32 s10, $0x1;
	s10 =	sld [smem:$0x3FB4];
	_ =	sdelay $0x3  }
0x37: {  	[smem:$0x3FB4] =	sst s10  }
0x38: {  	s10 =	sld [smem:$0x3FB5]  }
0x39: {  	_ = 	snop;
	(pc) =	sbr.ind lr, $3  }
0x3a: {  	_ = 	snop  }
0x3b: {  	_ = 	snop  }
0x3c: {  	p2 =	seq.s32 s10, $0x1;
	s10 =	sld [smem:$0x3FB4]  }
0x3d: {  	_ =	shalt  }
0x3e: {  	_ =	shalt  }
0x3f: {  	_ =	shalt  }
0x40: {  	_ =	shalt  }
0x41: {  	_ =	shalt  }
0x42: {  	_ =	shalt  }
0x43: {  	_ =	shalt  }
0x44: {  	_ =	shalt  }
0x45: {  	_ =	shalt  }
0x46: {  	_ =	shalt  }
0x47: {  	_ =	shalt  }
0x48: {  	_ =	shalt  }
0x49: {  	_ =	shalt  }
0x4a: {  	_ =	shalt  }
0x4b: {  	_ =	shalt  }
0x4c: {  	_ =	shalt  }
0x4d: {  	_ =	shalt  }
0x4e: {  	_ =	shalt  }
0x4f: {  	_ =	shalt  }
0x50: {  	_ =	shalt  }
0x51: {  	_ =	shalt  }
0x52: {  	_ =	shalt  }
0x53: {  	_ =	shalt  }
0x54: {  	_ =	shalt  }
0x55: {  	_ =	shalt  }
0x56: {  	_ =	shalt  }
0x57: {  	_ =	shalt  }
0x58: {  	_ =	shalt  }
0x59: {  	_ =	shalt  }
0x5a: {  	_ =	shalt  }
0x5b: {  	_ =	shalt  }
0x5c: {  	_ =	shalt  }
0x5d: {  	_ =	shalt  }
0x5e: {  	_ =	shalt  }
0x5f: {  	_ =	shalt  }
0x60: {  	_ =	shalt  }
0x61: {  	_ =	shalt  }
0x62: {  	_ =	shalt  }
0x63: {  	_ =	shalt  }
0x64: {  	_ =	shalt  }
0x65: {  	_ =	shalt  }
0x66: {  	_ =	shalt  }
0x67: {  	_ =	shalt  }
0x68: {  	_ =	shalt  }
0x69: {  	_ =	shalt  }
0x6a: {  	_ =	shalt  }
0x6b: {  	_ =	shalt  }
0x6c: {  	_ =	shalt  }
0x6d: {  	_ =	shalt  }
0x6e: {  	_ =	shalt  }
0x6f: {  	_ =	shalt  }
0x70: {  	_ =	shalt  }
0x71: {  	_ =	shalt  }
0x72: {  	_ =	shalt  }
0x73: {  	_ =	shalt  }
0x74: {  	_ =	shalt  }
0x75: {  	_ =	shalt  }
0x76: {  	_ =	shalt  }
0x77: {  	_ =	shalt  }
0x78: {  	_ =	shalt  }
0x79: {  	_ =	shalt  }
0x7a: {  	_ =	shalt  }
0x7b: {  	_ =	shalt  }
0x7c: {  	_ =	shalt  }
0x7d: {  	_ =	shalt  }
0x7e: {  	_ =	shalt  }
0x7f: {  	_ =	shalt  }
0x80: {  	_ =	shalt  }
0x81: {  	_ =	shalt  }
0x82: {  	_ =	shalt  }
0x83: {  	_ =	shalt  }
0x84: {  	_ =	shalt  }
0x85: {  	_ =	shalt  }
0x86: {  	_ =	shalt  }
0x87: {  	_ =	shalt  }
.Lfunc_end0:
.L_simem_size_0:
called_computation.2_lowered:
.L_overlay_start_0:
0x88: {  	s2 =	sld [smem:$0x3FD9]  }
0x89: {  	s3 =	sld [smem:$0x3FFE];
	_ =	sdelay $0x1  }
0x8a: {  	s1 =	srdreg.scid  }
0x8b: {  	s0 =	sand.u32 $0x1, s1  }
0x8c: {  	s17 =	sshll.u32 s0, $0xA;
	s2 =	sadd.s32 s3, s2  }
0x8d: {  	s2 =	sadd.s32 s2, s17  }
0x8e: {  	[smem:$0x3FC0] =	sst s2  }
0x8f: {  	_ = 	snop  }
0x90: {  	s2 =	sld [smem:$0x3FD0];
	(tm) =	ssettm $0x1  }
0x91: {  	s18 =	sld [smem:$0x3FFB];
	_ =	sdelay $0x3  }
0x92: {  	_ =	strace s18  }
0x93: {  	s3 =	sld [smem:$0x3FFC];
	_ =	sdelay $0x3  }
0x94: {  	_ =	strace s3  }
0x95: {  	s3 =	sld [smem:$0x3FFD];
	_ =	sdelay $0x3  }
0x96: {  	_ =	strace s3  }
0x97: {  	_ =	strace $0x8FFFFFFF  }
0x98: {  	s19 =	sld [smem:$0x3FDB];
	_ =	sdelay $0x1  }
0x99: {  	s4 =	simm.s32 $_scs_section_size  }
0x9a: {  	s5 =	simm.s32 $_size__tile_overlayer_lowered;
	s6 =	simm.s32 $_tile_overlayer_lowered  }
0x9b: {  	s22 =	simm.s32 $0x1BFF;
	s21 =	sshll.u32 s6, $0x1;
	s3 =	sadd.s32 s4, s19  }
0x9c: {  	s7 =	simm.s32 $0x0;
	s20 =	sshll.u32 s5, $0x1;
	s5 =	sadd.s32 s21, s3  }
0x9d: {  	[timem:s7], [sflag:s22] =	dma.local [hbm:s5], s20  }
0x9e: {  	_ =	swait.ge [sflag:s22], s20  }
0x9f: {  	s4 =	ssub.s32 $0x0, s20;
	[sflag:s22] =	ssyncset.done $0x0  }
0xa0: {  	[sflag:s22] =	ssyncadd.s32 s4;
	_ =	sdelay $0x1  }
0xa1: {  	s23 =	simm.s32 $0x1B8B  }
0xa2: {  	_ =	swait.ge [sflag:s23], $0x1  }
0xa3: {  	[sflag:s23] =	ssyncset.done $0x0  }
0xa4: {  	s25 =	simm.s32 $0x1B8E;
	s24 =	sld [smem:$0x3FFE];
	[sflag:s23] =	ssyncadd.s32 $0xFFFFFFFF  }
0xa5: {  	s26 =	simm.s32 $execute0_lowered;
	[smem:$0x3FD2] =	sst s25  }
0xa6: {  	s5 =	sshll.u32 s26, $0x1;
	_ =	strace $0x8000004C;
	[dreg:$0x1] =	wrdreg $0xFFFFFFFF  }
0xa7: {  	s28 =	simm.s32 $_size_execute0_lowered;
	s3 =	sadd.s32 s3, s5;
	[dreg:$0x0] =	wrdreg $0x0  }
0xa8: {  	s5 =	sshll.u32 s28, $0x1;
	[dreg:$0x2] =	wrdreg s3  }
0xa9: {  	[dreg:$0x3] =	wrdreg s5  }
0xaa: {  	[dreg:$0x4] =	wrdreg $0xC0  }
0xab: {  	_ =	task [dreg:s7], $0x5FFFF  }
0xac: {  	[dreg:$0x1] =	wrdreg $0xFFFFFFFF  }
0xad: {  	[dreg:$0x0] =	wrdreg $0x60  }
0xae: {  	[dreg:$0x2] =	wrdreg s24  }
0xaf: {  	[dreg:$0x3] =	wrdreg s2  }
0xb0: {  	[dreg:$0x4] =	wrdreg $0xA6000  }
0xb1: {  	[dreg:$0x5] =	wrdreg $0x9  }
0xb2: {  	_ =	task.clear_ibuf [dreg:s7], $0x6FFFF;
	_ =	strace $0x9000004C  }
0xb3: {  	s29 =	simm.s32 $0x9;
	_ =	strace $0x8000004E  }
0xb4: {  	_ =	swait.ge [sflag:s29], $0x1  }
0xb5: {  	[sflag:s29] =	ssyncadd.s32 $0xFFFFFFFF  }
0xb6: {  	_ =	strace $0x9000004E  }
0xb7: {  	_ =	sfence  }
0xb8: {  	s30 =	sld [smem:$0x0];
	_ =	sdelay $0x2  }
0xb9: {  	s31 =	sshll.u32 s1, $0xD;
	s1 =	sshrl.u32 s1, $0x2  }
0xba: {  	s3 =	sand.u32 $0x4000, s31;
	s1 =	sadd.s32 s1, s30  }
0xbb: {  	s0 =	sor.u32 s3, s0;
	s1 =	sshll.u32 s1, $0x11  }
0xbc: {  	s0 =	sor.u32 s1, s0  }
0xbd: {  	s0 =	sadd.s32 $0x8F2B, s0  }
0xbe: {  	[sflag:s0] =	ssyncadd.remote.s32 $0x1  }
0xbf: {  	_ =	sfence.sel $0xFFFF  }
0xc0: {  	[dreg:$0x0] =	wrdreg $0xFFFFFFFF;
	(pc) =	sbr.abs _section_cstart, $3  }
0xc1: {  	[dreg:$0x1] =	wrdreg $0xFFFFFFFF  }
0xc2: {  	_ =	task.clear_ibuf [dreg:s7], $0x2FFFF;
	_ =	strace $0x9FFFFFFF  }
0xc3: {  	(tm) =	ssettm $0x7FFFFFFF  }
tec
execute0_lowered:
.L_overlay_start_1:
0x0: {  	(tag) =	ssettag $0x1  }
0x1: {  	s2 =	rddreg [dreg:$0x0]  }
0x2: {  	s6 =	rddreg [dreg:$0x1]  }
0x3: {  	s3 =	rddreg [dreg:$0x2];
	s4 =	simm.s32 $0x0;
	s12 =	stileid.u32  }
0x4: {  	s0 =	srdreg.scid;
	s28 =	simm.s32 $0xB;
	[smem:$0x7FF] =	sst s4  }
0x5: {  	s1 =	smul.u32 $0x2800, s12;
	s5 =	sand.u32 $0x1, s0;
	s26 =	sadd.s32 $0xBC00, s2  }
0x6: {  	s31 =	sadd.s32 $0x1E00, s2;
	s23 =	sshll.u32 s12, $0x1;
	s8 =	smul.u32 $0x50000, s12  }
0x7: {  	s24 =	smul.u32 $0x4E20, s12;
	p0 =	seq.s32 s12, $0xF;
	s12 =	simm.s32 $0x8  }
0x8: {  	_ =	strace $0x8000004D;
	s0 =	smul.u32 $0x27100, s5;
	[dreg:$0x19] =	wrdreg s31  }
0x9: {  	s9 =	ssub.s32 $0x2, s5;
	[dreg:$0x1a] =	wrdreg s1;
	s7 =	sadd.s32 s1, s2  }
0xa: {  	s1 =	sor.u32 s5, s23;
	s10 =	sshrl.u32 s9, $0x1;
	s8 =	sshrl.u32 s8, $0x2  }
0xb: {  	s5 =	smul.u32 $0x2710, s5;
	s0 =	sadd.s32 s0, s2;
	s8 =	sadd.s32 s8, s3  }
0xc: {  	s11 =	smul.u32 $0x2710, s1;
	s7 =	sadd.s32 $0x32E00, s7;
	[dreg:$0x1b] =	wrdreg s8  }
0xd: {  	s1 =	ssub.s32 s9, s10;
	s2 =	sadd.s32 $0x58600, s2;
	[dreg:$0x1c] =	wrdreg s7  }
0xe: {  	[dreg:$0x1d] =	wrdreg s2;
	s5 =	sadd.s32 s5, s24;
	s0 =	sadd.s32 $0x5A000, s0  }
0xf: {  	s2 =	sshrl.u32 s11, $0x3;
	s18 =	sadd.s32 $0x550, s11;
	[smem:$0x7FA] =	sst s0  }
0x10: {  	s16 =	sadd.s32 $0x500, s5;
	s25 =	sadd.s32 s31, s2;
	[dreg:$0x4] =	wrdreg s18  }
0x11: {  	s29 =	sadd.s32 $0xA, s2;
	s30 =	sadd.s32 s6, s2;
	[dreg:$0x1e] =	wrdreg s25  }
0x12: {  	s20 =	sadd.s32 $0x4B0, s5;
	[dreg:$0x1f] =	wrdreg s30;
	s10 =	sadd.s32 s31, s29  }
0x13: {  	s13 =	sadd.s32 $0x14, s2;
	s8 =	sadd.s32 s6, s29;
	[smem:$0x7F0] =	sst s10  }
0x14: {  	s23 =	sadd.s32 $0x460, s5;
	s14 =	sadd.s32 s31, s13;
	[smem:$0x7F1] =	sst s8  }
0x15: {  	s7 =	sadd.s32 $0x1E, s2;
	s15 =	sadd.s32 s6, s13;
	[smem:$0x7F2] =	sst s14  }
0x16: {  	s21 =	sshrl.u32 s20, $0x3;
	s17 =	sadd.s32 s31, s7;
	[smem:$0x7F3] =	sst s15  }
0x17: {  	s0 =	simm.s32 $0x50;
	s22 =	sadd.s32 s21, s6;
	[smem:$0x7F4] =	sst s17  }
0x18: {  	s24 =	sadd.s32 s21, s31;
	s25 =	sshrl.u32 s23, $0x3;
	[dreg:$0x7] =	wrdreg s22  }
0x19: {  	s30 =	sadd.s32 $0x410, s5;
	s7 =	sadd.s32 s6, s7;
	[dreg:$0x8] =	wrdreg s24  }
0x1a: {  	s13 =	sadd.s32 $0x370, s5;
	s29 =	sadd.s32 s25, s6;
	[smem:$0x7F5] =	sst s7  }
0x1b: {  	s8 =	sshrl.u32 s16, $0x3;
	s9 =	sadd.s32 s25, s31;
	[dreg:$0x9] =	wrdreg s29  }
0x1c: {  	s21 =	sadd.s32 $0x2D0, s5;
	s19 =	sadd.s32 s8, s6;
	[dreg:$0xa] =	wrdreg s9  }
0x1d: {  	s10 =	sshrl.u32 s30, $0x3;
	s8 =	sadd.s32 s8, s31;
	[dreg:$0x5] =	wrdreg s19  }
0x1e: {  	s15 =	sshrl.u32 s13, $0x3;
	s11 =	sadd.s32 s10, s6;
	[dreg:$0x6] =	wrdreg s8  }
0x1f: {  	s17 =	sadd.s32 $0x320, s5;
	s14 =	sadd.s32 s10, s31;
	[dreg:$0xb] =	wrdreg s11  }
0x20: {  	s23 =	sshrl.u32 s21, $0x3;
	s16 =	sadd.s32 s15, s6;
	[dreg:$0xc] =	wrdreg s14  }
0x21: {  	s25 =	sadd.s32 $0x280, s5;
	s18 =	sadd.s32 s15, s31;
	[dreg:$0xd] =	wrdreg s16  }
0x22: {  	s24 =	sadd.s32 s23, s6;
	s29 =	sadd.s32 s23, s31;
	[dreg:$0xe] =	wrdreg s18  }
0x23: {  	s30 =	sshrl.u32 s25, $0x3;
	s25 =	smax.u32 s1, $0x1;
	[dreg:$0x11] =	wrdreg s24  }
0x24: {  	s1 =	simm.s32 $0x6;
	s19 =	sshrl.u32 s17, $0x3;
	[dreg:$0x12] =	wrdreg s29  }
0x25: {  	s10 =	sadd.s32 s30, s6;
	s11 =	sadd.s32 $0x230, s5;
	[smem:$0x7FB] =	sst s25  }
0x26: {  	s13 =	sadd.s32 s30, s31;
	s16 =	sadd.s32 $0x1E0, s5;
	[dreg:$0x13] =	wrdreg s10  }
0x27: {  	s29 =	sadd.s32 $0x3C0, s5;
	s30 =	sadd.s32 $0x12C000, s3;
	[dreg:$0x14] =	wrdreg s13  }
0x28: {  	s5 =	simm.s32 $0x80;
	s3 =	simm.s32 $0x7;
	[smem:$0x7FC] =	sst s29  }
0x29: {  	s25 =	simm.s32 $0x5;
	s20 =	sadd.s32 s19, s6;
	[smem:$0x7FD] =	sst s30  }
0x2a: {  	s22 =	sadd.s32 s19, s31;
	s14 =	sshrl.u32 s11, $0x3;
	[dreg:$0xf] =	wrdreg s20  }
0x2b: {  	s18 =	sshrl.u32 s16, $0x3;
	[dreg:$0x10] =	wrdreg s22;
	s15 =	sadd.s32 s14, s6  }
0x2c: {  	s19 =	sadd.s32 $0x28, s2;
	s17 =	sadd.s32 s14, s31;
	[dreg:$0x15] =	wrdreg s15  }
0x2d: {  	s2 =	sadd.s32 $0x32, s2;
	s20 =	sadd.s32 s18, s6;
	[dreg:$0x16] =	wrdreg s17  }
0x2e: {  	s10 =	simm.s32 $0x300;
	s21 =	sadd.s32 s31, s19;
	[dreg:$0x17] =	wrdreg s20  }
0x2f: {  	s11 =	simm.s32 $0x380;
	s22 =	sadd.s32 s6, s19;
	[smem:$0x7F6] =	sst s21  }
0x30: {  	s13 =	simm.s32 $0x100;
	s23 =	sadd.s32 s18, s31;
	[smem:$0x7F7] =	sst s22  }
0x31: {  	s16 =	simm.s32 $0x180;
	s24 =	sadd.s32 s31, s2;
	[dreg:$0x18] =	wrdreg s23  }
0x32: {  	s2 =	sadd.s32 s6, s2;
	s14 =	simm.s32 $0x2E00;
	[smem:$0x7F8] =	sst s24  }
0x33: {  	s18 =	simm.s32 $0x2;
	[smem:$0x7F9] =	sst s2;
	s2 =	simm.s32 $0x0  }
.LBB2_1:
0x34: {  	s7 =	sld [smem:$0x7FD];
	_ =	sdelay $0x1  }
0x35: {  	[smem:$0x7EC] =	sst s2  }
0x36: {  	s9 =	rddreg [dreg:$0x1d];
	s2 =	sshrl.u32 @p0 s7, $0x3  }
0x37: {  	s7 =	simm.s32 @p0 $0x1FCB;
	[smem:$0x7ED] =	sst s2  }
0x38: {  	[spmem:s2], [sflag:s7] =	dma.local @p0 [hbm:s9], $0x1900  }
0x39: {  	s7 =	simm.s32 @p0 $0xB  }
0x3a: {  	s9 =	stileid.u32;
	_ =	swait.ge @p0 [sflag:s7], $0x1900  }
0x3b: {  	s29 =	sshll.u32 @!p0 s9, $0x6;
	[sflag:s7] =	ssyncset.done @p0 $0x0  }
0x3c: {  	s2 =	sor.u32 @!p0 $0x1C0B, s29;
	[sflag:s7] =	ssyncadd.s32 @p0 $0xFFFFE700;
	s7 =	rddreg [dreg:$0x1b]  }
0x3d: {  	[smem:$0x7EE] =	sst s2  }
0x3e: {  	s8 =	sshrl.u32 @!p0 s7, $0x3;
	s7 =	rddreg [dreg:$0x1c]  }
0x3f: {  	[smem:$0x7EF] =	sst s8  }
0x40: {  	[spmem:s8], [sflag:s2] =	dma.local @!p0 [hbm:s7], $0x2800  }
0x41: {  	s7 =	simm.s32 @!p0 $0xB  }
0x42: {  	_ =	swait.ge @!p0 [sflag:s7], $0x2800  }
0x43: {  	[sflag:s7] =	ssyncset.done @!p0 $0x0  }
0x44: {  	[sflag:s7] =	ssyncadd.s32 @!p0 $0xFFFFD800  }
0x45: {  	[bflag:$0x0] =	sbarrier.arrive $0xFFFF  }
0x46: {  	s20 =	rddreg [dreg:$0x1e]  }
0x47: {  	[tilespmem:s4], [sflag:$0xB] =	stream.linear.gather [hbm4b:s20+s4], $0x50, $0x38;
	[tilespmem:$0x1DE80] =	vst v63  }
0x48: {  	_ =	swait.ge [sflag:s28], $0x50  }
0x49: {  	[sflag:s28] =	ssyncset.done $0x0  }
0x4a: {  	s21 =	rddreg [dreg:$0x1f];
	[sflag:s28] =	ssyncadd.s32 $0xFFFFFFB0  }
0x4b: {  	[tilespmem:s10], [sflag:$0xB] =	stream.linear.gather [hbm4b:s21+s4], $0x50, $0x38;
	[tilespmem:$0x1DE80] =	vst v63  }
0x4c: {  	_ =	swait.ge [sflag:s28], $0x50  }
0x4d: {  	s22 =	sld [smem:$0x7F0]  }
0x4e: {  	[sflag:s28] =	ssyncset.done $0x0  }
0x4f: {  	[sflag:s28] =	ssyncadd.s32 $0xFFFFFFB0  }
0x50: {  	[tilespmem:s5], [sflag:$0xB] =	stream.linear.gather [hbm4b:s22+s4], $0x50, $0x38;
	[tilespmem:$0x1DE80] =	vst v63  }
0x51: {  	_ =	swait.ge [sflag:s28], $0x50  }
0x52: {  	s23 =	sld [smem:$0x7F1]  }
0x53: {  	[sflag:s28] =	ssyncset.done $0x0  }
0x54: {  	[sflag:s28] =	ssyncadd.s32 $0xFFFFFFB0  }
0x55: {  	[tilespmem:s11], [sflag:$0xB] =	stream.linear.gather [hbm4b:s23+s4], $0x50, $0x38;
	[tilespmem:$0x1DE80] =	vst v63  }
0x56: {  	_ =	swait.ge [sflag:s28], $0x50  }
0x57: {  	[sflag:s28] =	ssyncset.done $0x0  }
0x58: {  	s8 =	simm.s32 $0x600;
	[sflag:s28] =	ssyncadd.s32 $0xFFFFFFB0  }
0x59: {  	[tilespmem:s8], [sflag:$0x1] =	stream.indirect.gather [hbm4b:s26+s0], $0x80, s4, s0, $0xb8;
	[tilespmem:$0x1DE80] =	vst v63  }
0x5a: {  	s24 =	sld [smem:$0x7F2]  }
0x5b: {  	[tilespmem:s14], [sflag:$0x2] =	stream.indirect.gather [hbm4b:s26+s0], $0x80, s5, s0, $0xb8;
	[tilespmem:$0x1DE80] =	vst v63  }
0x5c: {  	s2 =	sld [smem:$0x7F3]  }
0x5d: {  	[tilespmem:s13], [sflag:$0x7] =	stream.linear.gather [hbm4b:s24+s4], $0x50, $0x38;
	[tilespmem:$0x1DE80] =	vst v63  }
0x5e: {  	s6 =	simm.s32 $0x400;
	s9 =	sld [smem:$0x7F4]  }
0x5f: {  	[tilespmem:s6], [sflag:$0x7] =	stream.linear.gather [hbm4b:s2+s4], $0x50, $0x38;
	[tilespmem:$0x1DE80] =	vst v63  }
0x60: {  	s15 =	sld [smem:$0x7F5]  }
0x61: {  	[tilespmem:s16], [sflag:$0x8] =	stream.linear.gather [hbm4b:s9+s4], $0x50, $0x38;
	[tilespmem:$0x1DE80] =	vst v63  }
0x62: {  	s17 =	simm.s32 $0x480  }
0x63: {  	[tilespmem:s17], [sflag:$0x8] =	stream.linear.gather [hbm4b:s15+s4], $0x50, $0x38;
	[tilespmem:$0x1DE80] =	vst v63  }
0x64: {  	_ =	swait.ge [sflag:s3], $0x50  }
0x65: {  	[sflag:s3] =	ssyncset.done $0x0  }
0x66: {  	[sflag:s3] =	ssyncadd.s32 $0xFFFFFFB0  }
0x67: {  	_ =	swait.ge [sflag:s3], $0x50  }
0x68: {  	[sflag:s3] =	ssyncset.done $0x0  }
0x69: {  	s20 =	simm.s32 $0x5600;
	s15 =	simm.s32 $0x1;
	[sflag:s3] =	ssyncadd.s32 $0xFFFFFFB0  }
0x6a: {  	[tilespmem:s20], [sflag:$0x3] =	stream.indirect.gather [hbm4b:s26+s0], $0x80, s13, s0, $0xb8;
	[tilespmem:$0x1DE80] =	vst v63  }
0x6b: {  	_ =	swait.ge [sflag:s15], $0x2800  }
0x6c: {  	[sflag:s15] =	ssyncset.done $0x0  }
0x6d: {  	[sflag:s15] =	ssyncadd.s32 $0xFFFFD800  }
0x6e: {  	s23 =	rddreg [dreg:$0x2]  }
0x6f: {  	[spmem:s23] =	stream.indirect.scatter.add.f32 [tilespmem:s8], [sflag:$0xB], $0x80, s10, s0, $0xb8;
	[tilespmem:$0x1DE80] =	vst v63  }
0x70: {  	_ =	swait.ge [sflag:s28], $0x2800  }
0x71: {  	s19 =	sld [smem:$0x7F6]  }
0x72: {  	[sflag:s28] =	ssyncset.done $0x0  }
0x73: {  	s22 =	simm.s32 $0x200;
	s2 =	sld [smem:$0x7F7];
	[sflag:s28] =	ssyncadd.s32 $0xFFFFD800  }
0x74: {  	[tilespmem:s22], [sflag:$0x9] =	stream.linear.gather [hbm4b:s19+s4], $0x50, $0x38;
	[tilespmem:$0x1DE80] =	vst v63  }
0x75: {  	s6 =	simm.s32 $0x500  }
0x76: {  	[tilespmem:s6], [sflag:$0x9] =	stream.linear.gather [hbm4b:s2+s4], $0x50, $0x38;
	[tilespmem:$0x1DE80] =	vst v63  }
0x77: {  	_ =	swait.ge [sflag:s12], $0x50  }
0x78: {  	[sflag:s12] =	ssyncset.done $0x0  }
0x79: {  	[sflag:s12] =	ssyncadd.s32 $0xFFFFFFB0  }
0x7a: {  	_ =	swait.ge [sflag:s12], $0x50  }
0x7b: {  	[sflag:s12] =	ssyncset.done $0x0  }
0x7c: {  	s2 =	simm.s32 $0x7E00;
	[sflag:s12] =	ssyncadd.s32 $0xFFFFFFB0  }
0x7d: {  	[tilespmem:s2], [sflag:$0x4] =	stream.indirect.gather [hbm4b:s26+s0], $0x80, s16, s0, $0xb8;
	[tilespmem:$0x1DE80] =	vst v63  }
0x7e: {  	_ =	swait.ge [sflag:s18], $0x2800  }
0x7f: {  	[sflag:s18] =	ssyncset.done $0x0  }
0x80: {  	[sflag:s18] =	ssyncadd.s32 $0xFFFFD800  }
0x81: {  	[spmem:s23] =	stream.indirect.scatter.add.f32 [tilespmem:s14], [sflag:$0xB], $0x80, s11, s0, $0xb8;
	[tilespmem:$0x1DE80] =	vst v63  }
0x82: {  	_ =	swait.ge [sflag:s28], $0x2800  }
0x83: {  	s9 =	sld [smem:$0x7F8]  }
0x84: {  	[sflag:s28] =	ssyncset.done $0x0  }
0x85: {  	s18 =	simm.s32 $0x280;
	s19 =	sld [smem:$0x7F9];
	[sflag:s28] =	ssyncadd.s32 $0xFFFFD800  }
0x86: {  	[tilespmem:s18], [sflag:$0xA] =	stream.linear.gather [hbm4b:s9+s4], $0x50, $0x38;
	[tilespmem:$0x1DE80] =	vst v63  }
0x87: {  	s22 =	simm.s32 $0x580;
	s9 =	simm.s32 $0x9  }
0x88: {  	[tilespmem:s22], [sflag:$0xA] =	stream.linear.gather [hbm4b:s19+s4], $0x50, $0x38;
	[tilespmem:$0x1DE80] =	vst v63  }
0x89: {  	_ =	swait.ge [sflag:s9], $0x50  }
0x8a: {  	[sflag:s9] =	ssyncset.done $0x0  }
0x8b: {  	[sflag:s9] =	ssyncadd.s32 $0xFFFFFFB0  }
0x8c: {  	_ =	swait.ge [sflag:s9], $0x50  }
0x8d: {  	[sflag:s9] =	ssyncset.done $0x0  }
0x8e: {  	s3 =	simm.s32 $0x200;
	s19 =	simm.s32 $0x3;
	[sflag:s9] =	ssyncadd.s32 $0xFFFFFFB0  }
0x8f: {  	[tilespmem:s8], [sflag:$0x1] =	stream.indirect.gather [hbm4b:s26+s0], $0x80, s3, s0, $0xb8;
	[tilespmem:$0x1DE80] =	vst v63  }
0x90: {  	_ =	swait.ge [sflag:s19], $0x2800  }
0x91: {  	[sflag:s19] =	ssyncset.done $0x0  }
0x92: {  	s21 =	simm.s32 $0x400;
	[sflag:s19] =	ssyncadd.s32 $0xFFFFD800  }
0x93: {  	[spmem:s23] =	stream.indirect.scatter.add.f32 [tilespmem:s20], [sflag:$0xB], $0x80, s21, s0, $0xb8;
	[tilespmem:$0x1DE80] =	vst v63  }
0x94: {  	_ =	swait.ge [sflag:s28], $0x2800  }
0x95: {  	s3 =	rddreg [dreg:$0x18];
	[sflag:s28] =	ssyncset.done $0x0  }
0x96: {  	s29 =	rddreg [dreg:$0x17];
	[sflag:s28] =	ssyncadd.s32 $0xFFFFD800;
	s7 =	sadd.s32 $0x0, s3  }
0x97: {  	[tilespmem:s4], [sflag:$0x5] =	stream.linear.gather [hbm4b:s7+s4], $0x50, $0x38;
	[tilespmem:$0x1DE80] =	vst v63  }
0x98: {  	s22 =	sadd.s32 $0x0, s29  }
0x99: {  	[tilespmem:s10], [sflag:$0x5] =	stream.linear.gather [hbm4b:s22+s4], $0x50, $0x38;
	[tilespmem:$0x1DE80] =	vst v63  }
0x9a: {  	s22 =	simm.s32 $0xA  }
0x9b: {  	_ =	swait.ge [sflag:s22], $0x50  }
0x9c: {  	[sflag:s22] =	ssyncset.done $0x0  }
0x9d: {  	[sflag:s22] =	ssyncadd.s32 $0xFFFFFFB0  }
0x9e: {  	_ =	swait.ge [sflag:s22], $0x50  }
0x9f: {  	[sflag:s22] =	ssyncset.done $0x0  }
0xa0: {  	s3 =	simm.s32 $0x4;
	[sflag:s22] =	ssyncadd.s32 $0xFFFFFFB0  }
0xa1: {  	[tilespmem:s14], [sflag:$0x2] =	stream.indirect.gather [hbm4b:s26+s0], $0x80, s18, s0, $0xb8;
	[tilespmem:$0x1DE80] =	vst v63  }
0xa2: {  	_ =	swait.ge [sflag:s3], $0x2800  }
0xa3: {  	[sflag:s3] =	ssyncset.done $0x0  }
0xa4: {  	s24 =	simm.s32 $0x480;
	[sflag:s3] =	ssyncadd.s32 $0xFFFFD800  }
0xa5: {  	[spmem:s23] =	stream.indirect.scatter.add.f32 [tilespmem:s2], [sflag:$0xB], $0x80, s24, s0, $0xb8;
	[tilespmem:$0x1DE80] =	vst v63  }
0xa6: {  	_ =	swait.ge [sflag:s28], $0x2800  }
0xa7: {  	s24 =	rddreg [dreg:$0x16];
	[sflag:s28] =	ssyncset.done $0x0  }
0xa8: {  	s29 =	rddreg [dreg:$0x15];
	[sflag:s28] =	ssyncadd.s32 $0xFFFFD800;
	s7 =	sadd.s32 $0x0, s24  }
0xa9: {  	[tilespmem:s5], [sflag:$0x6] =	stream.linear.gather [hbm4b:s7+s4], $0x50, $0x38;
	[tilespmem:$0x1DE80] =	vst v63  }
0xaa: {  	s24 =	sadd.s32 $0x0, s29  }
0xab: {  	[tilespmem:s11], [sflag:$0x6] =	stream.linear.gather [hbm4b:s24+s4], $0x50, $0x38;
	[tilespmem:$0x1DE80] =	vst v63  }
0xac: {  	_ =	swait.ge [sflag:s25], $0x50  }
0xad: {  	[sflag:s25] =	ssyncset.done $0x0  }
0xae: {  	[sflag:s25] =	ssyncadd.s32 $0xFFFFFFB0  }
0xaf: {  	_ =	swait.ge [sflag:s25], $0x50  }
0xb0: {  	[sflag:s25] =	ssyncset.done $0x0  }
0xb1: {  	[sflag:s25] =	ssyncadd.s32 $0xFFFFFFB0  }
0xb2: {  	[tilespmem:s20], [sflag:$0x3] =	stream.indirect.gather [hbm4b:s26+s0], $0x80, s4, s0, $0xb8;
	[tilespmem:$0x1DE80] =	vst v63  }
0xb3: {  	_ =	swait.ge [sflag:s15], $0x2800  }
0xb4: {  	[sflag:s15] =	ssyncset.done $0x0  }
0xb5: {  	s24 =	simm.s32 $0x500;
	[sflag:s15] =	ssyncadd.s32 $0xFFFFD800  }
0xb6: {  	[spmem:s23] =	stream.indirect.scatter.add.f32 [tilespmem:s8], [sflag:$0xB], $0x80, s24, s0, $0xb8;
	[tilespmem:$0x1DE80] =	vst v63  }
0xb7: {  	_ =	swait.ge [sflag:s28], $0x2800  }
0xb8: {  	s7 =	rddreg [dreg:$0x14];
	[sflag:s28] =	ssyncset.done $0x0  }
0xb9: {  	s29 =	rddreg [dreg:$0x13];
	[sflag:s28] =	ssyncadd.s32 $0xFFFFD800;
	s7 =	sadd.s32 $0x0, s7  }
0xba: {  	[tilespmem:s13], [sflag:$0x7] =	stream.linear.gather [hbm4b:s7+s4], $0x50, $0x38;
	[tilespmem:$0x1DE80] =	vst v63  }
0xbb: {  	s21 =	simm.s32 $0x400;
	s7 =	sadd.s32 $0x0, s29  }
0xbc: {  	[tilespmem:s21], [sflag:$0x7] =	stream.linear.gather [hbm4b:s7+s4], $0x50, $0x38;
	[tilespmem:$0x1DE80] =	vst v63  }
0xbd: {  	_ =	swait.ge [sflag:s1], $0x50  }
0xbe: {  	[sflag:s1] =	ssyncset.done $0x0  }
0xbf: {  	[sflag:s1] =	ssyncadd.s32 $0xFFFFFFB0  }
0xc0: {  	_ =	swait.ge [sflag:s1], $0x50  }
0xc1: {  	[sflag:s1] =	ssyncset.done $0x0  }
0xc2: {  	s6 =	simm.s32 $0x2;
	[sflag:s1] =	ssyncadd.s32 $0xFFFFFFB0  }
0xc3: {  	[tilespmem:s2], [sflag:$0x4] =	stream.indirect.gather [hbm4b:s26+s0], $0x80, s5, s0, $0xb8;
	[tilespmem:$0x1DE80] =	vst v63  }
0xc4: {  	_ =	swait.ge [sflag:s6], $0x2800  }
0xc5: {  	[sflag:s6] =	ssyncset.done $0x0  }
0xc6: {  	s21 =	simm.s32 $0x580;
	[sflag:s6] =	ssyncadd.s32 $0xFFFFD800  }
0xc7: {  	[spmem:s23] =	stream.indirect.scatter.add.f32 [tilespmem:s14], [sflag:$0xB], $0x80, s21, s0, $0xb8;
	[tilespmem:$0x1DE80] =	vst v63  }
0xc8: {  	_ =	swait.ge [sflag:s28], $0x2800  }
0xc9: {  	s7 =	rddreg [dreg:$0x12];
	[sflag:s28] =	ssyncset.done $0x0  }
0xca: {  	s29 =	rddreg [dreg:$0x11];
	[sflag:s28] =	ssyncadd.s32 $0xFFFFD800;
	s7 =	sadd.s32 $0x0, s7  }
0xcb: {  	[tilespmem:s16], [sflag:$0x8] =	stream.linear.gather [hbm4b:s7+s4], $0x50, $0x38;
	[tilespmem:$0x1DE80] =	vst v63  }
0xcc: {  	s30 =	simm.s32 $0x480;
	s17 =	simm.s32 $0x7;
	s7 =	sadd.s32 $0x0, s29  }
0xcd: {  	[tilespmem:s30], [sflag:$0x8] =	stream.linear.gather [hbm4b:s7+s4], $0x50, $0x38;
	[tilespmem:$0x1DE80] =	vst v63  }
0xce: {  	_ =	swait.ge [sflag:s17], $0x50  }
0xcf: {  	[sflag:s17] =	ssyncset.done $0x0  }
0xd0: {  	[sflag:s17] =	ssyncadd.s32 $0xFFFFFFB0  }
0xd1: {  	_ =	swait.ge [sflag:s17], $0x50  }
0xd2: {  	[sflag:s17] =	ssyncset.done $0x0  }
0xd3: {  	[sflag:s17] =	ssyncadd.s32 $0xFFFFFFB0  }
0xd4: {  	[tilespmem:s8], [sflag:$0x1] =	stream.indirect.gather [hbm4b:s26+s0], $0x80, s13, s0, $0xb8;
	[tilespmem:$0x1DE80] =	vst v63  }
0xd5: {  	_ =	swait.ge [sflag:s19], $0x2800  }
0xd6: {  	[sflag:s19] =	ssyncset.done $0x0  }
0xd7: {  	[sflag:s19] =	ssyncadd.s32 $0xFFFFD800  }
0xd8: {  	[spmem:s23] =	stream.indirect.scatter.add.f32 [tilespmem:s20], [sflag:$0xB], $0x80, s10, s0, $0xb8;
	[tilespmem:$0x1DE80] =	vst v63  }
0xd9: {  	_ =	swait.ge [sflag:s28], $0x2800  }
0xda: {  	s30 =	simm.s32 $0x200;
	s7 =	rddreg [dreg:$0x10];
	[sflag:s28] =	ssyncset.done $0x0  }
0xdb: {  	s29 =	rddreg [dreg:$0xf];
	[sflag:s28] =	ssyncadd.s32 $0xFFFFD800;
	s7 =	sadd.s32 $0x0, s7  }
0xdc: {  	[tilespmem:s30], [sflag:$0x9] =	stream.linear.gather [hbm4b:s7+s4], $0x50, $0x38;
	[tilespmem:$0x1DE80] =	vst v63  }
0xdd: {  	s7 =	sadd.s32 $0x0, s29  }
0xde: {  	[tilespmem:s24], [sflag:$0x9] =	stream.linear.gather [hbm4b:s7+s4], $0x50, $0x38;
	[tilespmem:$0x1DE80] =	vst v63  }
0xdf: {  	_ =	swait.ge [sflag:s12], $0x50  }
0xe0: {  	[sflag:s12] =	ssyncset.done $0x0  }
0xe1: {  	[sflag:s12] =	ssyncadd.s32 $0xFFFFFFB0  }
0xe2: {  	_ =	swait.ge [sflag:s12], $0x50  }
0xe3: {  	[sflag:s12] =	ssyncset.done $0x0  }
0xe4: {  	[sflag:s12] =	ssyncadd.s32 $0xFFFFFFB0  }
0xe5: {  	[tilespmem:s14], [sflag:$0x2] =	stream.indirect.gather [hbm4b:s26+s0], $0x80, s16, s0, $0xb8;
	[tilespmem:$0x1DE80] =	vst v63  }
0xe6: {  	_ =	swait.ge [sflag:s3], $0x2800  }
0xe7: {  	[sflag:s3] =	ssyncset.done $0x0  }
0xe8: {  	[sflag:s3] =	ssyncadd.s32 $0xFFFFD800  }
0xe9: {  	[spmem:s23] =	stream.indirect.scatter.add.f32 [tilespmem:s2], [sflag:$0xB], $0x80, s11, s0, $0xb8;
	[tilespmem:$0x1DE80] =	vst v63  }
0xea: {  	_ =	swait.ge [sflag:s28], $0x2800  }
0xeb: {  	s24 =	rddreg [dreg:$0xe];
	[sflag:s28] =	ssyncset.done $0x0  }
0xec: {  	s29 =	rddreg [dreg:$0xd];
	[sflag:s28] =	ssyncadd.s32 $0xFFFFD800;
	s7 =	sadd.s32 $0x0, s24  }
0xed: {  	[tilespmem:s18], [sflag:$0xA] =	stream.linear.gather [hbm4b:s7+s4], $0x50, $0x38;
	[tilespmem:$0x1DE80] =	vst v63  }
0xee: {  	s21 =	simm.s32 $0x580;
	s24 =	sadd.s32 $0x0, s29  }
0xef: {  	[tilespmem:s21], [sflag:$0xA] =	stream.linear.gather [hbm4b:s24+s4], $0x50, $0x38;
	[tilespmem:$0x1DE80] =	vst v63  }
0xf0: {  	_ =	swait.ge [sflag:s9], $0x50  }
0xf1: {  	[sflag:s9] =	ssyncset.done $0x0  }
0xf2: {  	[sflag:s9] =	ssyncadd.s32 $0xFFFFFFB0  }
0xf3: {  	_ =	swait.ge [sflag:s9], $0x50  }
0xf4: {  	[sflag:s9] =	ssyncset.done $0x0  }
0xf5: {  	[sflag:s9] =	ssyncadd.s32 $0xFFFFFFB0  }
0xf6: {  	[tilespmem:s20], [sflag:$0x3] =	stream.indirect.gather [hbm4b:s26+s0], $0x80, s30, s0, $0xb8;
	[tilespmem:$0x1DE80] =	vst v63  }
0xf7: {  	_ =	swait.ge [sflag:s15], $0x2800  }
0xf8: {  	[sflag:s15] =	ssyncset.done $0x0  }
0xf9: {  	s21 =	simm.s32 $0x400;
	[sflag:s15] =	ssyncadd.s32 $0xFFFFD800  }
0xfa: {  	[spmem:s23] =	stream.indirect.scatter.add.f32 [tilespmem:s8], [sflag:$0xB], $0x80, s21, s0, $0xb8;
	[tilespmem:$0x1DE80] =	vst v63  }
0xfb: {  	_ =	swait.ge [sflag:s28], $0x2800  }
0xfc: {  	s9 =	sld [smem:$0x7FC];
	_ =	sdelay $0x1  }
0xfd: {  	[sflag:s28] =	ssyncset.done $0x0  }
0xfe: {  	[sflag:s28] =	ssyncadd.s32 $0xFFFFD800;
	s7 =	sshrl.u32 s9, $0x3  }
0xff: {  	s24 =	rddreg [dreg:$0x1];
	s29 =	sadd.s32 s31, s7  }
0x100: {  	[tilespmem:s4], [sflag:$0x5] =	stream.linear.gather [hbm4b:s29+s4], $0x50, $0x38;
	[tilespmem:$0x1DE80] =	vst v63  }
0x101: {  	s7 =	sadd.s32 s24, s7  }
0x102: {  	[tilespmem:s10], [sflag:$0x5] =	stream.linear.gather [hbm4b:s7+s4], $0x50, $0x38;
	[tilespmem:$0x1DE80] =	vst v63  }
0x103: {  	_ =	swait.ge [sflag:s22], $0x50  }
0x104: {  	[sflag:s22] =	ssyncset.done $0x0  }
0x105: {  	[sflag:s22] =	ssyncadd.s32 $0xFFFFFFB0  }
0x106: {  	_ =	swait.ge [sflag:s22], $0x50  }
0x107: {  	[sflag:s22] =	ssyncset.done $0x0  }
0x108: {  	[sflag:s22] =	ssyncadd.s32 $0xFFFFFFB0  }
0x109: {  	[tilespmem:s2], [sflag:$0x4] =	stream.indirect.gather [hbm4b:s26+s0], $0x80, s18, s0, $0xb8;
	[tilespmem:$0x1DE80] =	vst v63  }
0x10a: {  	_ =	swait.ge [sflag:s6], $0x2800  }
0x10b: {  	[sflag:s6] =	ssyncset.done $0x0  }
0x10c: {  	s18 =	simm.s32 $0x480;
	[sflag:s6] =	ssyncadd.s32 $0xFFFFD800  }
0x10d: {  	[spmem:s23] =	stream.indirect.scatter.add.f32 [tilespmem:s14], [sflag:$0xB], $0x80, s18, s0, $0xb8;
	[tilespmem:$0x1DE80] =	vst v63  }
0x10e: {  	_ =	swait.ge [sflag:s28], $0x2800  }
0x10f: {  	s22 =	rddreg [dreg:$0xc];
	[sflag:s28] =	ssyncset.done $0x0  }
0x110: {  	s29 =	rddreg [dreg:$0xb];
	[sflag:s28] =	ssyncadd.s32 $0xFFFFD800;
	s7 =	sadd.s32 $0x0, s22  }
0x111: {  	[tilespmem:s5], [sflag:$0x6] =	stream.linear.gather [hbm4b:s7+s4], $0x50, $0x38;
	[tilespmem:$0x1DE80] =	vst v63  }
0x112: {  	s22 =	sadd.s32 $0x0, s29  }
0x113: {  	[tilespmem:s11], [sflag:$0x6] =	stream.linear.gather [hbm4b:s22+s4], $0x50, $0x38;
	[tilespmem:$0x1DE80] =	vst v63  }
0x114: {  	_ =	swait.ge [sflag:s25], $0x50  }
0x115: {  	[sflag:s25] =	ssyncset.done $0x0  }
0x116: {  	[sflag:s25] =	ssyncadd.s32 $0xFFFFFFB0  }
0x117: {  	_ =	swait.ge [sflag:s25], $0x50  }
0x118: {  	[sflag:s25] =	ssyncset.done $0x0  }
0x119: {  	[sflag:s25] =	ssyncadd.s32 $0xFFFFFFB0  }
0x11a: {  	[tilespmem:s8], [sflag:$0x1] =	stream.indirect.gather [hbm4b:s26+s0], $0x80, s4, s0, $0xb8;
	[tilespmem:$0x1DE80] =	vst v63  }
0x11b: {  	_ =	swait.ge [sflag:s19], $0x2800  }
0x11c: {  	[sflag:s19] =	ssyncset.done $0x0  }
0x11d: {  	[sflag:s19] =	ssyncadd.s32 $0xFFFFD800;
	s19 =	simm.s32 $0x500  }
0x11e: {  	[spmem:s23] =	stream.indirect.scatter.add.f32 [tilespmem:s20], [sflag:$0xB], $0x80, s19, s0, $0xb8;
	[tilespmem:$0x1DE80] =	vst v63  }
0x11f: {  	_ =	swait.ge [sflag:s28], $0x2800  }
0x120: {  	s25 =	rddreg [dreg:$0xa];
	[sflag:s28] =	ssyncset.done $0x0  }
0x121: {  	s29 =	rddreg [dreg:$0x9];
	[sflag:s28] =	ssyncadd.s32 $0xFFFFD800;
	s7 =	sadd.s32 $0x0, s25  }
0x122: {  	[tilespmem:s13], [sflag:$0x7] =	stream.linear.gather [hbm4b:s7+s4], $0x50, $0x38;
	[tilespmem:$0x1DE80] =	vst v63  }
0x123: {  	s22 =	sadd.s32 $0x0, s29  }
0x124: {  	[tilespmem:s21], [sflag:$0x7] =	stream.linear.gather [hbm4b:s22+s4], $0x50, $0x38;
	[tilespmem:$0x1DE80] =	vst v63  }
0x125: {  	_ =	swait.ge [sflag:s1], $0x50  }
0x126: {  	[sflag:s1] =	ssyncset.done $0x0  }
0x127: {  	[sflag:s1] =	ssyncadd.s32 $0xFFFFFFB0  }
0x128: {  	_ =	swait.ge [sflag:s1], $0x50  }
0x129: {  	[sflag:s1] =	ssyncset.done $0x0  }
0x12a: {  	[sflag:s1] =	ssyncadd.s32 $0xFFFFFFB0  }
0x12b: {  	[tilespmem:s14], [sflag:$0x2] =	stream.indirect.gather [hbm4b:s26+s0], $0x80, s5, s0, $0xb8;
	[tilespmem:$0x1DE80] =	vst v63  }
0x12c: {  	_ =	swait.ge [sflag:s3], $0x2800  }
0x12d: {  	[sflag:s3] =	ssyncset.done $0x0  }
0x12e: {  	s25 =	simm.s32 $0x580;
	[sflag:s3] =	ssyncadd.s32 $0xFFFFD800  }
0x12f: {  	[spmem:s23] =	stream.indirect.scatter.add.f32 [tilespmem:s2], [sflag:$0xB], $0x80, s25, s0, $0xb8;
	[tilespmem:$0x1DE80] =	vst v63  }
0x130: {  	_ =	swait.ge [sflag:s28], $0x2800  }
0x131: {  	s3 =	rddreg [dreg:$0x8];
	[sflag:s28] =	ssyncset.done $0x0  }
0x132: {  	s29 =	rddreg [dreg:$0x7];
	[sflag:s28] =	ssyncadd.s32 $0xFFFFD800;
	s7 =	sadd.s32 $0x0, s3  }
0x133: {  	[tilespmem:s16], [sflag:$0x8] =	stream.linear.gather [hbm4b:s7+s4], $0x50, $0x38;
	[tilespmem:$0x1DE80] =	vst v63  }
0x134: {  	s5 =	sadd.s32 $0x0, s29  }
0x135: {  	[tilespmem:s18], [sflag:$0x8] =	stream.linear.gather [hbm4b:s5+s4], $0x50, $0x38;
	[tilespmem:$0x1DE80] =	vst v63  }
0x136: {  	_ =	swait.ge [sflag:s17], $0x50  }
0x137: {  	[sflag:s17] =	ssyncset.done $0x0  }
0x138: {  	[sflag:s17] =	ssyncadd.s32 $0xFFFFFFB0  }
0x139: {  	_ =	swait.ge [sflag:s17], $0x50  }
0x13a: {  	[sflag:s17] =	ssyncset.done $0x0  }
0x13b: {  	[sflag:s17] =	ssyncadd.s32 $0xFFFFFFB0  }
0x13c: {  	[tilespmem:s20], [sflag:$0x3] =	stream.indirect.gather [hbm4b:s26+s0], $0x80, s13, s0, $0xb8;
	[tilespmem:$0x1DE80] =	vst v63  }
0x13d: {  	_ =	swait.ge [sflag:s15], $0x2800  }
0x13e: {  	[sflag:s15] =	ssyncset.done $0x0  }
0x13f: {  	[sflag:s15] =	ssyncadd.s32 $0xFFFFD800  }
0x140: {  	[spmem:s23] =	stream.indirect.scatter.add.f32 [tilespmem:s8], [sflag:$0xB], $0x80, s10, s0, $0xb8;
	[tilespmem:$0x1DE80] =	vst v63  }
0x141: {  	_ =	swait.ge [sflag:s28], $0x2800  }
0x142: {  	s30 =	simm.s32 $0x200;
	s21 =	rddreg [dreg:$0x6];
	[sflag:s28] =	ssyncset.done $0x0  }
0x143: {  	s29 =	rddreg [dreg:$0x5];
	[sflag:s28] =	ssyncadd.s32 $0xFFFFD800;
	s7 =	sadd.s32 $0x0, s21  }
0x144: {  	[tilespmem:s30], [sflag:$0x9] =	stream.linear.gather [hbm4b:s7+s4], $0x50, $0x38;
	[tilespmem:$0x1DE80] =	vst v63  }
0x145: {  	s22 =	sadd.s32 $0x0, s29  }
0x146: {  	[tilespmem:s19], [sflag:$0x9] =	stream.linear.gather [hbm4b:s22+s4], $0x50, $0x38;
	[tilespmem:$0x1DE80] =	vst v63  }
0x147: {  	_ =	swait.ge [sflag:s12], $0x50  }
0x148: {  	[sflag:s12] =	ssyncset.done $0x0  }
0x149: {  	[sflag:s12] =	ssyncadd.s32 $0xFFFFFFB0  }
0x14a: {  	_ =	swait.ge [sflag:s12], $0x50  }
0x14b: {  	[sflag:s12] =	ssyncset.done $0x0  }
0x14c: {  	[sflag:s12] =	ssyncadd.s32 $0xFFFFFFB0  }
0x14d: {  	[tilespmem:s2], [sflag:$0x4] =	stream.indirect.gather [hbm4b:s26+s0], $0x80, s16, s0, $0xb8;
	[tilespmem:$0x1DE80] =	vst v63  }
0x14e: {  	_ =	swait.ge [sflag:s6], $0x2800  }
0x14f: {  	[sflag:s6] =	ssyncset.done $0x0  }
0x150: {  	s25 =	smin.u32 s4, $0x6B;
	[sflag:s6] =	ssyncadd.s32 $0xFFFFD800  }
0x151: {  	[spmem:s23] =	stream.indirect.scatter.add.f32 [tilespmem:s14], [sflag:$0xB], $0x80, s11, s0, $0xb8;
	[tilespmem:$0x1DE80] =	vst v63  }
0x152: {  	s7 =	smul.u32 $0x50, s25;
	_ =	swait.ge [sflag:s28], $0x2800  }
0x153: {  	s29 =	rddreg [dreg:$0x4]  }
0x154: {  	s7 =	sadd.s32 s7, s29  }
0x155: {  	s30 =	sadd.s32 $0x3C0, s9;
	[sflag:s28] =	ssyncset.done $0x0;
	s29 =	sshrl.u32 s7, $0x3  }
0x156: {  	s16 =	simm.s32 $0x280;
	[sflag:s28] =	ssyncadd.s32 $0xFFFFD800;
	s7 =	sadd.s32 s31, s29  }
0x157: {  	[tilespmem:s16], [sflag:$0xA] =	stream.linear.gather [hbm4b:s7+s4], $0x50, $0x38;
	[tilespmem:$0x1DE80] =	vst v63  }
0x158: {  	s31 =	sadd.s32 s24, s29;
	s29 =	simm.s32 $0xC;
	s7 =	simm.s32 $0x78  }
.LBB2_2:
0x159: {  	s2 =	simm.s32 $0x580;
	s23 =	simm.s32 $0x9  }
0x15a: {  	[tilespmem:s2], [sflag:$0xA] =	stream.linear.gather [hbm4b:s31+s4], $0x50, $0x38;
	[tilespmem:$0x1DE80] =	vst v63  }
0x15b: {  	_ =	swait.ge [sflag:s23], $0x50  }
0x15c: {  	[sflag:s23] =	ssyncset.done $0x0  }
0x15d: {  	[sflag:s23] =	ssyncadd.s32 $0xFFFFFFB0  }
0x15e: {  	_ =	swait.ge [sflag:s23], $0x50  }
0x15f: {  	s14 =	simm.s32 $0x600;
	[sflag:s23] =	ssyncset.done $0x0  }
0x160: {  	s12 =	simm.s32 $0x200;
	s15 =	simm.s32 $0x3;
	[sflag:s23] =	ssyncadd.s32 $0xFFFFFFB0  }
0x161: {  	[tilespmem:s14], [sflag:$0x1] =	stream.indirect.gather [hbm4b:s26+s0], $0x80, s12, s0, $0xb8;
	[tilespmem:$0x1DE80] =	vst v63  }
0x162: {  	_ =	swait.ge [sflag:s15], $0x2800  }
0x163: {  	[sflag:s15] =	ssyncset.done $0x0  }
0x164: {  	[sflag:s15] =	ssyncadd.s32 $0xFFFFD800  }
0x165: {  	s13 =	simm.s32 $0x400;
	s21 =	simm.s32 $0x5600;
	s18 =	rddreg [dreg:$0x2]  }
0x166: {  	[spmem:s18] =	stream.indirect.scatter.add.f32 [tilespmem:s21], [sflag:$0xB], $0x80, s13, s0, $0xb8;
	[tilespmem:$0x1DE80] =	vst v63  }
0x167: {  	_ =	swait.ge [sflag:s28], $0x2800  }
0x168: {  	s31 =	smov.u32 s7;
	s9 =	rddreg [dreg:$0x18];
	[sflag:s28] =	ssyncset.done $0x0  }
0x169: {  	s10 =	rddreg [dreg:$0x17];
	[sflag:s28] =	ssyncadd.s32 $0xFFFFD800;
	s9 =	sadd.s32 s31, s9  }
0x16a: {  	[tilespmem:s4], [sflag:$0x5] =	stream.linear.gather [hbm4b:s9+s4], $0x50, $0x38;
	[tilespmem:$0x1DE80] =	vst v63  }
0x16b: {  	s19 =	simm.s32 $0x300;
	s25 =	simm.s32 $0xA;
	s17 =	sadd.s32 s31, s10  }
0x16c: {  	[tilespmem:s19], [sflag:$0x5] =	stream.linear.gather [hbm4b:s17+s4], $0x50, $0x38;
	[tilespmem:$0x1DE80] =	vst v63  }
0x16d: {  	_ =	swait.ge [sflag:s25], $0x50  }
0x16e: {  	[sflag:s25] =	ssyncset.done $0x0  }
0x16f: {  	[sflag:s25] =	ssyncadd.s32 $0xFFFFFFB0  }
0x170: {  	_ =	swait.ge [sflag:s25], $0x50  }
0x171: {  	[sflag:s25] =	ssyncset.done $0x0  }
0x172: {  	s22 =	simm.s32 $0x2E00;
	s3 =	simm.s32 $0x4;
	[sflag:s25] =	ssyncadd.s32 $0xFFFFFFB0  }
0x173: {  	[tilespmem:s22], [sflag:$0x2] =	stream.indirect.gather [hbm4b:s26+s0], $0x80, s16, s0, $0xb8;
	[tilespmem:$0x1DE80] =	vst v63  }
0x174: {  	_ =	swait.ge [sflag:s3], $0x2800  }
0x175: {  	[sflag:s3] =	ssyncset.done $0x0  }
0x176: {  	s11 =	simm.s32 $0x480;
	s16 =	simm.s32 $0x7E00;
	[sflag:s3] =	ssyncadd.s32 $0xFFFFD800  }
0x177: {  	[spmem:s18] =	stream.indirect.scatter.add.f32 [tilespmem:s16], [sflag:$0xB], $0x80, s11, s0, $0xb8;
	[tilespmem:$0x1DE80] =	vst v63  }
0x178: {  	_ =	swait.ge [sflag:s28], $0x2800  }
0x179: {  	s12 =	simm.s32 $0x80;
	s20 =	rddreg [dreg:$0x16];
	[sflag:s28] =	ssyncset.done $0x0  }
0x17a: {  	s24 =	rddreg [dreg:$0x15];
	[sflag:s28] =	ssyncadd.s32 $0xFFFFD800;
	s9 =	sadd.s32 s31, s20  }
0x17b: {  	[tilespmem:s12], [sflag:$0x6] =	stream.linear.gather [hbm4b:s9+s4], $0x50, $0x38;
	[tilespmem:$0x1DE80] =	vst v63  }
0x17c: {  	s8 =	simm.s32 $0x380;
	s13 =	simm.s32 $0x5;
	s2 =	sadd.s32 s31, s24  }
0x17d: {  	[tilespmem:s8], [sflag:$0x6] =	stream.linear.gather [hbm4b:s2+s4], $0x50, $0x38;
	[tilespmem:$0x1DE80] =	vst v63  }
0x17e: {  	_ =	swait.ge [sflag:s13], $0x50  }
0x17f: {  	[sflag:s13] =	ssyncset.done $0x0  }
0x180: {  	[sflag:s13] =	ssyncadd.s32 $0xFFFFFFB0  }
0x181: {  	_ =	swait.ge [sflag:s13], $0x50  }
0x182: {  	[sflag:s13] =	ssyncset.done $0x0  }
0x183: {  	s19 =	simm.s32 $0x1;
	[sflag:s13] =	ssyncadd.s32 $0xFFFFFFB0  }
0x184: {  	[tilespmem:s21], [sflag:$0x3] =	stream.indirect.gather [hbm4b:s26+s0], $0x80, s4, s0, $0xb8;
	[tilespmem:$0x1DE80] =	vst v63  }
0x185: {  	_ =	swait.ge [sflag:s19], $0x2800  }
0x186: {  	[sflag:s19] =	ssyncset.done $0x0  }
0x187: {  	s9 =	simm.s32 $0x500;
	[sflag:s19] =	ssyncadd.s32 $0xFFFFD800  }
0x188: {  	[spmem:s18] =	stream.indirect.scatter.add.f32 [tilespmem:s14], [sflag:$0xB], $0x80, s9, s0, $0xb8;
	[tilespmem:$0x1DE80] =	vst v63  }
0x189: {  	_ =	swait.ge [sflag:s28], $0x2800  }
0x18a: {  	s20 =	simm.s32 $0x100;
	s10 =	rddreg [dreg:$0x14];
	[sflag:s28] =	ssyncset.done $0x0  }
0x18b: {  	s13 =	rddreg [dreg:$0x13];
	[sflag:s28] =	ssyncadd.s32 $0xFFFFD800;
	s9 =	sadd.s32 s31, s10  }
0x18c: {  	[tilespmem:s20], [sflag:$0x7] =	stream.linear.gather [hbm4b:s9+s4], $0x50, $0x38;
	[tilespmem:$0x1DE80] =	vst v63  }
0x18d: {  	s6 =	simm.s32 $0x400;
	s24 =	sadd.s32 s31, s13  }
0x18e: {  	[tilespmem:s6], [sflag:$0x7] =	stream.linear.gather [hbm4b:s24+s4], $0x50, $0x38;
	[tilespmem:$0x1DE80] =	vst v63  }
0x18f: {  	_ =	swait.ge [sflag:s1], $0x50  }
0x190: {  	[sflag:s1] =	ssyncset.done $0x0  }
0x191: {  	[sflag:s1] =	ssyncadd.s32 $0xFFFFFFB0  }
0x192: {  	_ =	swait.ge [sflag:s1], $0x50  }
0x193: {  	[sflag:s1] =	ssyncset.done $0x0  }
0x194: {  	s13 =	simm.s32 $0x2;
	[sflag:s1] =	ssyncadd.s32 $0xFFFFFFB0  }
0x195: {  	[tilespmem:s16], [sflag:$0x4] =	stream.indirect.gather [hbm4b:s26+s0], $0x80, s12, s0, $0xb8;
	[tilespmem:$0x1DE80] =	vst v63  }
0x196: {  	_ =	swait.ge [sflag:s13], $0x2800  }
0x197: {  	[sflag:s13] =	ssyncset.done $0x0  }
0x198: {  	s2 =	simm.s32 $0x580;
	[sflag:s13] =	ssyncadd.s32 $0xFFFFD800  }
0x199: {  	[spmem:s18] =	stream.indirect.scatter.add.f32 [tilespmem:s22], [sflag:$0xB], $0x80, s2, s0, $0xb8;
	[tilespmem:$0x1DE80] =	vst v63  }
0x19a: {  	_ =	swait.ge [sflag:s28], $0x2800  }
0x19b: {  	s8 =	simm.s32 $0x180;
	s1 =	rddreg [dreg:$0x12];
	[sflag:s28] =	ssyncset.done $0x0  }
0x19c: {  	s6 =	rddreg [dreg:$0x11];
	[sflag:s28] =	ssyncadd.s32 $0xFFFFD800;
	s9 =	sadd.s32 s31, s1  }
0x19d: {  	[tilespmem:s8], [sflag:$0x8] =	stream.linear.gather [hbm4b:s9+s4], $0x50, $0x38;
	[tilespmem:$0x1DE80] =	vst v63  }
0x19e: {  	s24 =	sadd.s32 s31, s6;
	s6 =	simm.s32 $0x7  }
0x19f: {  	[tilespmem:s11], [sflag:$0x8] =	stream.linear.gather [hbm4b:s24+s4], $0x50, $0x38;
	[tilespmem:$0x1DE80] =	vst v63  }
0x1a0: {  	_ =	swait.ge [sflag:s6], $0x50  }
0x1a1: {  	[sflag:s6] =	ssyncset.done $0x0  }
0x1a2: {  	[sflag:s6] =	ssyncadd.s32 $0xFFFFFFB0  }
0x1a3: {  	_ =	swait.ge [sflag:s6], $0x50  }
0x1a4: {  	[sflag:s6] =	ssyncset.done $0x0  }
0x1a5: {  	[sflag:s6] =	ssyncadd.s32 $0xFFFFFFB0  }
0x1a6: {  	[tilespmem:s14], [sflag:$0x1] =	stream.indirect.gather [hbm4b:s26+s0], $0x80, s20, s0, $0xb8;
	[tilespmem:$0x1DE80] =	vst v63  }
0x1a7: {  	_ =	swait.ge [sflag:s15], $0x2800  }
0x1a8: {  	[sflag:s15] =	ssyncset.done $0x0  }
0x1a9: {  	s24 =	simm.s32 $0x300;
	[sflag:s15] =	ssyncadd.s32 $0xFFFFD800  }
0x1aa: {  	[spmem:s18] =	stream.indirect.scatter.add.f32 [tilespmem:s21], [sflag:$0xB], $0x80, s24, s0, $0xb8;
	[tilespmem:$0x1DE80] =	vst v63  }
0x1ab: {  	_ =	swait.ge [sflag:s28], $0x2800  }
0x1ac: {  	s1 =	rddreg [dreg:$0x10]  }
0x1ad: {  	[sflag:s28] =	ssyncset.done $0x0;
	s10 =	rddreg [dreg:$0xf]  }
0x1ae: {  	[sflag:s28] =	ssyncadd.s32 $0xFFFFD800;
	s9 =	sadd.s32 s31, s1;
	s1 =	simm.s32 $0x200  }
0x1af: {  	[tilespmem:s1], [sflag:$0x9] =	stream.linear.gather [hbm4b:s9+s4], $0x50, $0x38;
	[tilespmem:$0x1DE80] =	vst v63  }
0x1b0: {  	s5 =	simm.s32 $0x8;
	s17 =	simm.s32 $0x500;
	s10 =	sadd.s32 s31, s10  }
0x1b1: {  	[tilespmem:s17], [sflag:$0x9] =	stream.linear.gather [hbm4b:s10+s4], $0x50, $0x38;
	[tilespmem:$0x1DE80] =	vst v63  }
0x1b2: {  	_ =	swait.ge [sflag:s5], $0x50  }
0x1b3: {  	[sflag:s5] =	ssyncset.done $0x0  }
0x1b4: {  	[sflag:s5] =	ssyncadd.s32 $0xFFFFFFB0  }
0x1b5: {  	_ =	swait.ge [sflag:s5], $0x50  }
0x1b6: {  	[sflag:s5] =	ssyncset.done $0x0  }
0x1b7: {  	s8 =	simm.s32 $0x180;
	[sflag:s5] =	ssyncadd.s32 $0xFFFFFFB0  }
0x1b8: {  	[tilespmem:s22], [sflag:$0x2] =	stream.indirect.gather [hbm4b:s26+s0], $0x80, s8, s0, $0xb8;
	[tilespmem:$0x1DE80] =	vst v63  }
0x1b9: {  	_ =	swait.ge [sflag:s3], $0x2800  }
0x1ba: {  	[sflag:s3] =	ssyncset.done $0x0  }
0x1bb: {  	s17 =	simm.s32 $0x380;
	[sflag:s3] =	ssyncadd.s32 $0xFFFFD800  }
0x1bc: {  	[spmem:s18] =	stream.indirect.scatter.add.f32 [tilespmem:s16], [sflag:$0xB], $0x80, s17, s0, $0xb8;
	[tilespmem:$0x1DE80] =	vst v63  }
0x1bd: {  	_ =	swait.ge [sflag:s28], $0x2800  }
0x1be: {  	s8 =	simm.s32 $0x280;
	s5 =	rddreg [dreg:$0xe];
	[sflag:s28] =	ssyncset.done $0x0  }
0x1bf: {  	s10 =	rddreg [dreg:$0xd];
	[sflag:s28] =	ssyncadd.s32 $0xFFFFD800;
	s9 =	sadd.s32 s31, s5  }
0x1c0: {  	[tilespmem:s8], [sflag:$0xA] =	stream.linear.gather [hbm4b:s9+s4], $0x50, $0x38;
	[tilespmem:$0x1DE80] =	vst v63  }
0x1c1: {  	s10 =	sadd.s32 s31, s10  }
0x1c2: {  	[tilespmem:s2], [sflag:$0xA] =	stream.linear.gather [hbm4b:s10+s4], $0x50, $0x38;
	[tilespmem:$0x1DE80] =	vst v63  }
0x1c3: {  	_ =	swait.ge [sflag:s23], $0x50  }
0x1c4: {  	[sflag:s23] =	ssyncset.done $0x0  }
0x1c5: {  	[sflag:s23] =	ssyncadd.s32 $0xFFFFFFB0  }
0x1c6: {  	_ =	swait.ge [sflag:s23], $0x50  }
0x1c7: {  	[sflag:s23] =	ssyncset.done $0x0  }
0x1c8: {  	[sflag:s23] =	ssyncadd.s32 $0xFFFFFFB0  }
0x1c9: {  	[tilespmem:s21], [sflag:$0x3] =	stream.indirect.gather [hbm4b:s26+s0], $0x80, s1, s0, $0xb8;
	[tilespmem:$0x1DE80] =	vst v63  }
0x1ca: {  	_ =	swait.ge [sflag:s19], $0x2800  }
0x1cb: {  	[sflag:s19] =	ssyncset.done $0x0  }
0x1cc: {  	s8 =	simm.s32 $0x400;
	[sflag:s19] =	ssyncadd.s32 $0xFFFFD800  }
0x1cd: {  	[spmem:s18] =	stream.indirect.scatter.add.f32 [tilespmem:s14], [sflag:$0xB], $0x80, s8, s0, $0xb8;
	[tilespmem:$0x1DE80] =	vst v63  }
0x1ce: {  	_ =	swait.ge [sflag:s28], $0x2800  }
0x1cf: {  	s2 =	sshrl.u32 s30, $0x3;
	[sflag:s28] =	ssyncset.done $0x0;
	s23 =	rddreg [dreg:$0x19]  }
0x1d0: {  	[sflag:s28] =	ssyncadd.s32 $0xFFFFD800;
	s5 =	sadd.s32 s23, s2  }
0x1d1: {  	[tilespmem:s4], [sflag:$0x5] =	stream.linear.gather [hbm4b:s5+s4], $0x50, $0x38;
	[tilespmem:$0x1DE80] =	vst v63  }
0x1d2: {  	s5 =	rddreg [dreg:$0x1]  }
0x1d3: {  	s9 =	sadd.s32 s5, s2  }
0x1d4: {  	[tilespmem:s24], [sflag:$0x5] =	stream.linear.gather [hbm4b:s9+s4], $0x50, $0x38;
	[tilespmem:$0x1DE80] =	vst v63  }
0x1d5: {  	_ =	swait.ge [sflag:s25], $0x50  }
0x1d6: {  	[sflag:s25] =	ssyncset.done $0x0  }
0x1d7: {  	[sflag:s25] =	ssyncadd.s32 $0xFFFFFFB0  }
0x1d8: {  	_ =	swait.ge [sflag:s25], $0x50  }
0x1d9: {  	[sflag:s25] =	ssyncset.done $0x0  }
0x1da: {  	s10 =	simm.s32 $0x280;
	[sflag:s25] =	ssyncadd.s32 $0xFFFFFFB0  }
0x1db: {  	[tilespmem:s16], [sflag:$0x4] =	stream.indirect.gather [hbm4b:s26+s0], $0x80, s10, s0, $0xb8;
	[tilespmem:$0x1DE80] =	vst v63  }
0x1dc: {  	_ =	swait.ge [sflag:s13], $0x2800  }
0x1dd: {  	[sflag:s13] =	ssyncset.done $0x0  }
0x1de: {  	[sflag:s13] =	ssyncadd.s32 $0xFFFFD800  }
0x1df: {  	[spmem:s18] =	stream.indirect.scatter.add.f32 [tilespmem:s22], [sflag:$0xB], $0x80, s11, s0, $0xb8;
	[tilespmem:$0x1DE80] =	vst v63  }
0x1e0: {  	_ =	swait.ge [sflag:s28], $0x2800  }
0x1e1: {  	s24 =	rddreg [dreg:$0xc];
	[sflag:s28] =	ssyncset.done $0x0  }
0x1e2: {  	s2 =	rddreg [dreg:$0xb];
	[sflag:s28] =	ssyncadd.s32 $0xFFFFD800;
	s9 =	sadd.s32 s31, s24  }
0x1e3: {  	[tilespmem:s12], [sflag:$0x6] =	stream.linear.gather [hbm4b:s9+s4], $0x50, $0x38;
	[tilespmem:$0x1DE80] =	vst v63  }
0x1e4: {  	s25 =	simm.s32 $0x5;
	s10 =	sadd.s32 s31, s2  }
0x1e5: {  	[tilespmem:s17], [sflag:$0x6] =	stream.linear.gather [hbm4b:s10+s4], $0x50, $0x38;
	[tilespmem:$0x1DE80] =	vst v63  }
0x1e6: {  	_ =	swait.ge [sflag:s25], $0x50  }
0x1e7: {  	[sflag:s25] =	ssyncset.done $0x0  }
0x1e8: {  	[sflag:s25] =	ssyncadd.s32 $0xFFFFFFB0  }
0x1e9: {  	_ =	swait.ge [sflag:s25], $0x50  }
0x1ea: {  	[sflag:s25] =	ssyncset.done $0x0  }
0x1eb: {  	[sflag:s25] =	ssyncadd.s32 $0xFFFFFFB0  }
0x1ec: {  	[tilespmem:s14], [sflag:$0x1] =	stream.indirect.gather [hbm4b:s26+s0], $0x80, s4, s0, $0xb8;
	[tilespmem:$0x1DE80] =	vst v63  }
0x1ed: {  	_ =	swait.ge [sflag:s15], $0x2800  }
0x1ee: {  	[sflag:s15] =	ssyncset.done $0x0  }
0x1ef: {  	s17 =	simm.s32 $0x500;
	[sflag:s15] =	ssyncadd.s32 $0xFFFFD800  }
0x1f0: {  	[spmem:s18] =	stream.indirect.scatter.add.f32 [tilespmem:s21], [sflag:$0xB], $0x80, s17, s0, $0xb8;
	[tilespmem:$0x1DE80] =	vst v63  }
0x1f1: {  	_ =	swait.ge [sflag:s28], $0x2800  }
0x1f2: {  	s15 =	rddreg [dreg:$0xa];
	[sflag:s28] =	ssyncset.done $0x0  }
0x1f3: {  	s24 =	rddreg [dreg:$0x9];
	[sflag:s28] =	ssyncadd.s32 $0xFFFFD800;
	s9 =	sadd.s32 s31, s15  }
0x1f4: {  	[tilespmem:s20], [sflag:$0x7] =	stream.linear.gather [hbm4b:s9+s4], $0x50, $0x38;
	[tilespmem:$0x1DE80] =	vst v63  }
0x1f5: {  	s1 =	simm.s32 $0x6;
	s2 =	sadd.s32 s31, s24  }
0x1f6: {  	[tilespmem:s8], [sflag:$0x7] =	stream.linear.gather [hbm4b:s2+s4], $0x50, $0x38;
	[tilespmem:$0x1DE80] =	vst v63  }
0x1f7: {  	_ =	swait.ge [sflag:s1], $0x50  }
0x1f8: {  	[sflag:s1] =	ssyncset.done $0x0  }
0x1f9: {  	[sflag:s1] =	ssyncadd.s32 $0xFFFFFFB0  }
0x1fa: {  	_ =	swait.ge [sflag:s1], $0x50  }
0x1fb: {  	[sflag:s1] =	ssyncset.done $0x0  }
0x1fc: {  	[sflag:s1] =	ssyncadd.s32 $0xFFFFFFB0  }
0x1fd: {  	[tilespmem:s22], [sflag:$0x2] =	stream.indirect.gather [hbm4b:s26+s0], $0x80, s12, s0, $0xb8;
	[tilespmem:$0x1DE80] =	vst v63  }
0x1fe: {  	_ =	swait.ge [sflag:s3], $0x2800  }
0x1ff: {  	[sflag:s3] =	ssyncset.done $0x0  }
0x200: {  	s10 =	simm.s32 $0x580;
	[sflag:s3] =	ssyncadd.s32 $0xFFFFD800  }
0x201: {  	[spmem:s18] =	stream.indirect.scatter.add.f32 [tilespmem:s16], [sflag:$0xB], $0x80, s10, s0, $0xb8;
	[tilespmem:$0x1DE80] =	vst v63  }
0x202: {  	_ =	swait.ge [sflag:s28], $0x2800  }
0x203: {  	s3 =	rddreg [dreg:$0x8]  }
0x204: {  	[sflag:s28] =	ssyncset.done $0x0;
	s8 =	rddreg [dreg:$0x7]  }
0x205: {  	[sflag:s28] =	ssyncadd.s32 $0xFFFFD800;
	s9 =	sadd.s32 s31, s3;
	s3 =	simm.s32 $0x180  }
0x206: {  	[tilespmem:s3], [sflag:$0x8] =	stream.linear.gather [hbm4b:s9+s4], $0x50, $0x38;
	[tilespmem:$0x1DE80] =	vst v63  }
0x207: {  	s10 =	sadd.s32 s31, s8  }
0x208: {  	[tilespmem:s11], [sflag:$0x8] =	stream.linear.gather [hbm4b:s10+s4], $0x50, $0x38;
	[tilespmem:$0x1DE80] =	vst v63  }
0x209: {  	_ =	swait.ge [sflag:s6], $0x50  }
0x20a: {  	[sflag:s6] =	ssyncset.done $0x0  }
0x20b: {  	[sflag:s6] =	ssyncadd.s32 $0xFFFFFFB0  }
0x20c: {  	_ =	swait.ge [sflag:s6], $0x50  }
0x20d: {  	[sflag:s6] =	ssyncset.done $0x0  }
0x20e: {  	[sflag:s6] =	ssyncadd.s32 $0xFFFFFFB0  }
0x20f: {  	[tilespmem:s21], [sflag:$0x3] =	stream.indirect.gather [hbm4b:s26+s0], $0x80, s20, s0, $0xb8;
	[tilespmem:$0x1DE80] =	vst v63  }
0x210: {  	_ =	swait.ge [sflag:s19], $0x2800  }
0x211: {  	[sflag:s19] =	ssyncset.done $0x0  }
0x212: {  	[sflag:s19] =	ssyncadd.s32 $0xFFFFD800;
	s19 =	simm.s32 $0x300  }
0x213: {  	[spmem:s18] =	stream.indirect.scatter.add.f32 [tilespmem:s14], [sflag:$0xB], $0x80, s19, s0, $0xb8;
	[tilespmem:$0x1DE80] =	vst v63  }
0x214: {  	_ =	swait.ge [sflag:s28], $0x2800  }
0x215: {  	s8 =	simm.s32 $0x200;
	s20 =	rddreg [dreg:$0x6];
	[sflag:s28] =	ssyncset.done $0x0  }
0x216: {  	s21 =	rddreg [dreg:$0x5];
	[sflag:s28] =	ssyncadd.s32 $0xFFFFD800;
	s9 =	sadd.s32 s31, s20  }
0x217: {  	[tilespmem:s8], [sflag:$0x9] =	stream.linear.gather [hbm4b:s9+s4], $0x50, $0x38;
	[tilespmem:$0x1DE80] =	vst v63  }
0x218: {  	s12 =	simm.s32 $0x8;
	s10 =	sadd.s32 s31, s21  }
0x219: {  	[tilespmem:s17], [sflag:$0x9] =	stream.linear.gather [hbm4b:s10+s4], $0x50, $0x38;
	[tilespmem:$0x1DE80] =	vst v63  }
0x21a: {  	_ =	swait.ge [sflag:s12], $0x50  }
0x21b: {  	[sflag:s12] =	ssyncset.done $0x0  }
0x21c: {  	[sflag:s12] =	ssyncadd.s32 $0xFFFFFFB0  }
0x21d: {  	_ =	swait.ge [sflag:s12], $0x50  }
0x21e: {  	p1 =	sne.s32 s7, $0x438;
	[sflag:s12] =	ssyncset.done $0x0  }
0x21f: {  	s7 =	sadd.s32 $0x78, s7;
	s30 =	sadd.s32 $0x3C0, s30;
	[sflag:s12] =	ssyncadd.s32 $0xFFFFFFB0  }
0x220: {  	[tilespmem:s16], [sflag:$0x4] =	stream.indirect.gather [hbm4b:s26+s0], $0x80, s3, s0, $0xb8;
	[tilespmem:$0x1DE80] =	vst v63  }
0x221: {  	s24 =	simm.s32 $0x400;
	s15 =	simm.s32 $0x580;
	_ =	swait.ge [sflag:s13], $0x2800  }
0x222: {  	s2 =	simm.s32 $0x480;
	s11 =	simm.s32 $0x5600;
	[sflag:s13] =	ssyncset.done $0x0  }
0x223: {  	s19 =	smin.u32 s29, $0x6B;
	s17 =	simm.s32 $0x380;
	[sflag:s13] =	ssyncadd.s32 $0xFFFFD800  }
0x224: {  	[spmem:s18] =	stream.indirect.scatter.add.f32 [tilespmem:s22], [sflag:$0xB], $0x80, s17, s0, $0xb8;
	[tilespmem:$0x1DE80] =	vst v63  }
0x225: {  	s14 =	simm.s32 $0x200;
	s9 =	smul.u32 $0x50, s19;
	_ =	swait.ge [sflag:s28], $0x2800  }
.Ltmp0:
0x226: {  	s29 =	sadd.s32 $0xC, s29;
	s22 =	rddreg [dreg:$0x4];
	(pc) =	sbr.rel @p1 .LBB2_2-.Ltmp0, $4  }
0x227: {  	s21 =	simm.s32 $0x500;
	s20 =	simm.s32 $0x7E00;
	s9 =	sadd.s32 s9, s22  }
0x228: {  	s16 =	simm.s32 $0x280;
	[sflag:s28] =	ssyncset.done $0x0;
	s9 =	sshrl.u32 s9, $0x3  }
0x229: {  	[sflag:s28] =	ssyncadd.s32 $0xFFFFD800;
	s23 =	sadd.s32 s23, s9;
	s31 =	sadd.s32 s5, s9  }
0x22a: {  	[tilespmem:s16], [sflag:$0xA] =	stream.linear.gather [hbm4b:s23+s4], $0x50, $0x38;
	[tilespmem:$0x1DE80] =	vst v63  }
0x22b: {  	[tilespmem:s15], [sflag:$0xA] =	stream.linear.gather [hbm4b:s31+s4], $0x50, $0x38;
	[tilespmem:$0x1DE80] =	vst v63  }
0x22c: {  	s3 =	simm.s32 $0x9  }
0x22d: {  	_ =	swait.ge [sflag:s3], $0x50  }
0x22e: {  	[sflag:s3] =	ssyncset.done $0x0  }
0x22f: {  	[sflag:s3] =	ssyncadd.s32 $0xFFFFFFB0  }
0x230: {  	_ =	swait.ge [sflag:s3], $0x50  }
0x231: {  	[sflag:s3] =	ssyncset.done $0x0  }
0x232: {  	s5 =	simm.s32 $0x600;
	s7 =	simm.s32 $0x3;
	[sflag:s3] =	ssyncadd.s32 $0xFFFFFFB0  }
0x233: {  	[tilespmem:s5], [sflag:$0x1] =	stream.indirect.gather [hbm4b:s26+s0], $0x80, s14, s0, $0xb8;
	[tilespmem:$0x1DE80] =	vst v63  }
0x234: {  	_ =	swait.ge [sflag:s7], $0x2800  }
0x235: {  	[sflag:s7] =	ssyncset.done $0x0  }
0x236: {  	[sflag:s7] =	ssyncadd.s32 $0xFFFFD800  }
0x237: {  	s7 =	rddreg [dreg:$0x2]  }
0x238: {  	[spmem:s7] =	stream.indirect.scatter.add.f32 [tilespmem:s11], [sflag:$0xB], $0x80, s24, s0, $0xb8;
	[tilespmem:$0x1DE80] =	vst v63  }
0x239: {  	_ =	swait.ge [sflag:s28], $0x2800  }
0x23a: {  	[sflag:s28] =	ssyncset.done $0x0  }
0x23b: {  	s22 =	simm.s32 $0x4;
	[sflag:s28] =	ssyncadd.s32 $0xFFFFD800  }
0x23c: {  	_ =	swait.ge [sflag:s22], $0x2800  }
0x23d: {  	[sflag:s22] =	ssyncset.done $0x0  }
0x23e: {  	[sflag:s22] =	ssyncadd.s32 $0xFFFFD800  }
0x23f: {  	[spmem:s7] =	stream.indirect.scatter.add.f32 [tilespmem:s20], [sflag:$0xB], $0x80, s2, s0, $0xb8;
	[tilespmem:$0x1DE80] =	vst v63  }
0x240: {  	_ =	swait.ge [sflag:s28], $0x2800  }
0x241: {  	[sflag:s28] =	ssyncset.done $0x0  }
0x242: {  	s23 =	simm.s32 $0x1;
	[sflag:s28] =	ssyncadd.s32 $0xFFFFD800  }
0x243: {  	_ =	swait.ge [sflag:s23], $0x2800  }
0x244: {  	[sflag:s23] =	ssyncset.done $0x0  }
0x245: {  	[sflag:s23] =	ssyncadd.s32 $0xFFFFD800  }
0x246: {  	[spmem:s7] =	stream.indirect.scatter.add.f32 [tilespmem:s5], [sflag:$0xB], $0x80, s21, s0, $0xb8;
	[tilespmem:$0x1DE80] =	vst v63  }
0x247: {  	_ =	swait.ge [sflag:s28], $0x2800  }
0x248: {  	[sflag:s28] =	ssyncset.done $0x0  }
0x249: {  	s24 =	simm.s32 $0xA;
	[sflag:s28] =	ssyncadd.s32 $0xFFFFD800  }
0x24a: {  	_ =	swait.ge [sflag:s24], $0x50  }
0x24b: {  	[sflag:s24] =	ssyncset.done $0x0  }
0x24c: {  	[sflag:s24] =	ssyncadd.s32 $0xFFFFFFB0  }
0x24d: {  	_ =	swait.ge [sflag:s24], $0x50  }
0x24e: {  	[sflag:s24] =	ssyncset.done $0x0  }
0x24f: {  	[sflag:s24] =	ssyncadd.s32 $0xFFFFFFB0  }
0x250: {  	[bflag:$0x0] =	sbarrier.arrive $0xFFFF  }
0x251: {  	s10 =	sld [smem:$0x7FA]  }
0x252: {  	s2 =	sld [smem:$0x7ED];
	_ =	sdelay $0x1  }
0x253: {  	s9 =	simm.s32 @p0 $0x1FCB;
	s7 =	sadd.s32 @p0 $0x25800, s10  }
0x254: {  	[hbm:s7], [sflag:s9] =	dma.local @p0 [spmem:s2], $0x1900  }
0x255: {  	s7 =	simm.s32 @p0 $0xB  }
0x256: {  	_ =	swait.ge @p0 [sflag:s7], $0x1900  }
0x257: {  	s2 =	sld [smem:$0x7EE]  }
0x258: {  	[sflag:s7] =	ssyncset.done @p0 $0x0;
	s5 =	sld [smem:$0x7EF]  }
0x259: {  	[sflag:s7] =	ssyncadd.s32 @p0 $0xFFFFE700;
	s7 =	rddreg [dreg:$0x1a]  }
0x25a: {  	s7 =	sadd.s32 @!p0 s7, s10  }
0x25b: {  	[hbm:s7], [sflag:s2] =	dma.local @!p0 [spmem:s5], $0x2800  }
0x25c: {  	s7 =	simm.s32 @!p0 $0xB  }
0x25d: {  	_ =	swait.ge @!p0 [sflag:s7], $0x2800  }
0x25e: {  	s29 =	sld [smem:$0x7EC]  }
0x25f: {  	s30 =	sld [smem:$0x7FB];
	_ =	sdelay $0x1  }
0x260: {  	s2 =	sadd.s32 $0x1, s29  }
0x261: {  	p1 =	sne.s32 s2, s30  }
.Ltmp1:
0x262: {  	_ = 	snop;
	(pc) =	sbr.rel @p1 .LBB2_1-.Ltmp1, $4  }
0x263: {  	s13 =	simm.s32 $0x100;
	s16 =	simm.s32 $0x180  }
0x264: {  	s18 =	simm.s32 $0x2;
	s3 =	simm.s32 $0x7;
	s14 =	simm.s32 $0x2E00  }
0x265: {  	s11 =	simm.s32 $0x380;
	s10 =	simm.s32 $0x300;
	[sflag:s7] =	ssyncset.done @!p0 $0x0  }
0x266: {  	s5 =	simm.s32 $0x80;
	s31 =	rddreg [dreg:$0x19];
	[sflag:s7] =	ssyncadd.s32 @!p0 $0xFFFFD800  }
0x267: {  	_ =	sfence.sel $0x180000  }
0x268: {  	[bflag:$0x0] =	sbarrier.arrive $0xFFFF  }
0x269: {  	_ =	strace $0x9000004D  }
0x26a: {  	s0 =	stileid.u32;
	[bflag:$0x2] =	sbarrier.arrive $0xFFFF  }
0x26b: {  	p0 =	sne.s32 s0, $0x0;
	s0 =	rddreg [dreg:$0x3]  }
0x26c: {  	s0 =	sadd.s32 @!p0 $0x100000, s0  }
0x26d: {  	[sflag:s0] =	ssyncadd.tile.s32 @!p0 $0x1;
	_ =	shalt  }
.Lfunc_end2:
_tile_overlayer_lowered:
.L_overlay_start_2:
0x26e: {  	(tag) =	ssettag $0x2  }
0x26f: {  	s0 =	rddreg [dreg:$0x0];
	s2 =	stileid.u32  }
0x270: {  	s1 =	rddreg [dreg:$0x1];
	p0 =	sne.s32 s2, $0x0  }
0x271: {  	s3 =	rddreg [dreg:$0x2];
	[bflag:$0x3] =	sbarrier.arrive $0xFFFF;
	s2 =	simm.s32 @!p0 $0x1C0B  }
0x272: {  	[timem:s3], [sflag:s2] =	dma.local @!p0 [hbm:s0], s1  }
0x273: {  	s0 =	simm.s32 @!p0 $0xB  }
0x274: {  	_ =	swait.ge @!p0 [sflag:s0], s1  }
0x275: {  	s1 =	ssub.s32 @!p0 $0x0, s1;
	[sflag:s0] =	ssyncset.done @!p0 $0x0  }
0x276: {  	[sflag:s0] =	ssyncadd.s32 @!p0 s1  }
0x277: {  	[bflag:$0x3] =	sbarrier.arrive $0xFFFF  }
0x278: {  	_ =	shalt  }

// kernel: kernel.9.cloned.1.call-start
scs
__scs_entry_jumppad:
0x0: {  	(pc) =	sbr.rel $0x88, $3  }
0x1: {  	(tag) =	ssettag $0x0;
	lr =	simm.s32 $0x1  }
0x2: {  	[smem:$0x3F99] =	sst lr;
	_ =	strace $0xD0000000  }
0x3: {  	_ = 	snop  }
0x4: {  	_ = 	snop  }
0x5: {  	_ = 	snop  }
0x6: {  	_ = 	snop  }
0x7: {  	_ = 	snop  }
__scs_overlays_trampoline_lowered:
0x8: {  	[smem:$0x3FA8] =	sst s0  }
0x9: {  	[smem:$0x3FA9] =	sst s1  }
0xa: {  	[smem:$0x3FAA] =	sst s2  }
0xb: {  	[smem:$0x3FAB] =	sst s3  }
0xc: {  	[smem:$0x3FAC] =	sst s4  }
0xd: {  	[smem:$0x3FAD] =	sst s5  }
0xe: {  	[smem:$0x3FAE] =	sst s6  }
0xf: {  	[smem:$0x3FAF] =	sst s7  }
0x10: {  	[smem:$0x3FB0] =	sst s8  }
0x11: {  	[smem:$0x3FB1] =	sst s9;
	s0 =	simm.s32 @!p0 $0x0  }
0x12: {  	s1 =	sld [smem:$0x3F97];
	s0 =	simm.s32 @p0 $0x1  }
0x13: {  	[smem:$0x3FB2] =	sst s0;
	s0 =	simm.s32 @!p1 $0x0  }
0x14: {  	s2 =	sld [smem:$0x3F96];
	s0 =	simm.s32 @p1 $0x1  }
0x15: {  	[smem:$0x3FB3] =	sst s0;
	s0 =	simm.s32 @!p2 $0x0  }
0x16: {  	s3 =	sld [smem:$0x3FDB];
	s0 =	simm.s32 @p2 $0x1  }
0x17: {  	s4 =	simm.s32 $0x1BF5;
	[smem:$0x3FB5] =	sst s0  }
0x18: {  	s0 =	sld [smem:$0x3F98];
	_ =	swait.ge [sflag:s4], $0x0  }
0x19: {  	s7 =	sld [smem:$0x3F99]  }
0x1a: {  	s8 =	sadd.s32 $0xFFFFE003, lr  }
0x1b: {  	s9 =	sadd.s32 $0xFFFFFEF7, lr;
	s5 =	simm.s32 $0xFFFFFFFF;
	p2 =	slt.u32 s8, $0xFFFFF086  }
0x1c: {  	p1 =	slt.u32 s9, $0xF7A;
	s5 =	simm.s32 @!p2 $0x0  }
0x1d: {  	s5 =	simm.s32 @p1 $0x1;
	p0 =	seq.s32 s7, s2  }
0x1e: {  	s7 =	smul.u32 @!p0 $0xF7A, s2;
	p2 =	seq.s32 @!p0 s5, $0x0  }
0x1f: {  	s9 =	smul.u32 $0xF7A, s1;
	s8 =	simm.s32 @!p0 $0x1BF5;
	p2 =	por !p2, p0  }
0x20: {  	[sflag:s8] =	ssyncset.s32 @!p0 $0xFFFFF086;
	s6 =	sadd.s32 @!p0 s3, s7;
	s7 =	simm.s32 @!p0 $0x108  }
0x21: {  	s3 =	sadd.s32 s3, s9;
	s6 =	sadd.s32 @!p0 $0x88, s6;
	s7 =	simm.s32 @p2 $0x1082  }
0x22: {  	[simem:s7], [sflag:s8] =	dma.local @!p0 [hbm:s6], $0xF7A  }
0x23: {  	s9 =	sor.u32 $0xD0000000, s2;
	s6 =	simm.s32 $0x108;
	_ =	swait.ge @!p0 [sflag:s8], $0x0  }
0x24: {  	s3 =	sadd.s32 $0x88, s3;
	s6 =	simm.s32 @!p1 $0x1082;
	[sflag:s4] =	ssyncset.s32 $0xFFFFF086  }
0x25: {  	[simem:s6], [sflag:s4] =	dma.local [hbm:s3], $0xF7A  }
0x26: {  	[smem:$0x3F99] =	sst s1;
	(tag) =	ssettag s2;
	_ =	strace s9  }
0x27: {  	s1 =	sld [smem:$0x3FA9]  }
0x28: {  	s2 =	sld [smem:$0x3FAA]  }
0x29: {  	s4 =	sld [smem:$0x3FAC]  }
0x2a: {  	p0 =	seq.s32 s5, $0x0;
	s5 =	sld [smem:$0x3FAD]  }
0x2b: {  	s6 =	sld [smem:$0x3FAE]  }
0x2c: {  	s7 =	sld [smem:$0x3FAF]  }
0x2d: {  	s3 =	simm.s32 $0x108;
	s8 =	sld [smem:$0x3FB0]  }
0x2e: {  	s3 =	simm.s32 @!p0 $0x1082;
	s9 =	sld [smem:$0x3FB1]  }
0x2f: {  	lr =	sadd.s32 s0, s3;
	s0 =	sld [smem:$0x3FA8]  }
0x30: {  	s3 =	sld [smem:$0x3FAB]  }
0x31: {  	[smem:$0x3FB4] =	sst s10  }
0x32: {  	s10 =	sld [smem:$0x3FB2];
	_ =	sdelay $0x3  }
0x33: {  	p0 =	seq.s32 s10, $0x1;
	s10 =	sld [smem:$0x3FB4];
	_ =	sdelay $0x3  }
0x34: {  	[smem:$0x3FB4] =	sst s10  }
0x35: {  	s10 =	sld [smem:$0x3FB3];
	_ =	sdelay $0x3  }
0x36: {  	p1 =	seq.s32 s10, $0x1;
	s10 =	sld [smem:$0x3FB4];
	_ =	sdelay $0x3  }
0x37: {  	[smem:$0x3FB4] =	sst s10  }
0x38: {  	s10 =	sld [smem:$0x3FB5]  }
0x39: {  	_ = 	snop;
	(pc) =	sbr.ind lr, $3  }
0x3a: {  	_ = 	snop  }
0x3b: {  	_ = 	snop  }
0x3c: {  	p2 =	seq.s32 s10, $0x1;
	s10 =	sld [smem:$0x3FB4]  }
0x3d: {  	_ =	shalt  }
0x3e: {  	_ =	shalt  }
0x3f: {  	_ =	shalt  }
0x40: {  	_ =	shalt  }
0x41: {  	_ =	shalt  }
0x42: {  	_ =	shalt  }
0x43: {  	_ =	shalt  }
0x44: {  	_ =	shalt  }
0x45: {  	_ =	shalt  }
0x46: {  	_ =	shalt  }
0x47: {  	_ =	shalt  }
0x48: {  	_ =	shalt  }
0x49: {  	_ =	shalt  }
0x4a: {  	_ =	shalt  }
0x4b: {  	_ =	shalt  }
0x4c: {  	_ =	shalt  }
0x4d: {  	_ =	shalt  }
0x4e: {  	_ =	shalt  }
0x4f: {  	_ =	shalt  }
0x50: {  	_ =	shalt  }
0x51: {  	_ =	shalt  }
0x52: {  	_ =	shalt  }
0x53: {  	_ =	shalt  }
0x54: {  	_ =	shalt  }
0x55: {  	_ =	shalt  }
0x56: {  	_ =	shalt  }
0x57: {  	_ =	shalt  }
0x58: {  	_ =	shalt  }
0x59: {  	_ =	shalt  }
0x5a: {  	_ =	shalt  }
0x5b: {  	_ =	shalt  }
0x5c: {  	_ =	shalt  }
0x5d: {  	_ =	shalt  }
0x5e: {  	_ =	shalt  }
0x5f: {  	_ =	shalt  }
0x60: {  	_ =	shalt  }
0x61: {  	_ =	shalt  }
0x62: {  	_ =	shalt  }
0x63: {  	_ =	shalt  }
0x64: {  	_ =	shalt  }
0x65: {  	_ =	shalt  }
0x66: {  	_ =	shalt  }
0x67: {  	_ =	shalt  }
0x68: {  	_ =	shalt  }
0x69: {  	_ =	shalt  }
0x6a: {  	_ =	shalt  }
0x6b: {  	_ =	shalt  }
0x6c: {  	_ =	shalt  }
0x6d: {  	_ =	shalt  }
0x6e: {  	_ =	shalt  }
0x6f: {  	_ =	shalt  }
0x70: {  	_ =	shalt  }
0x71: {  	_ =	shalt  }
0x72: {  	_ =	shalt  }
0x73: {  	_ =	shalt  }
0x74: {  	_ =	shalt  }
0x75: {  	_ =	shalt  }
0x76: {  	_ =	shalt  }
0x77: {  	_ =	shalt  }
0x78: {  	_ =	shalt  }
0x79: {  	_ =	shalt  }
0x7a: {  	_ =	shalt  }
0x7b: {  	_ =	shalt  }
0x7c: {  	_ =	shalt  }
0x7d: {  	_ =	shalt  }
0x7e: {  	_ =	shalt  }
0x7f: {  	_ =	shalt  }
0x80: {  	_ =	shalt  }
0x81: {  	_ =	shalt  }
0x82: {  	_ =	shalt  }
0x83: {  	_ =	shalt  }
0x84: {  	_ =	shalt  }
0x85: {  	_ =	shalt  }
0x86: {  	_ =	shalt  }
0x87: {  	_ =	shalt  }
.Lfunc_end0:
.L_simem_size_0:
called_computation_lowered:
.L_overlay_start_0:
0x88: {  	s2 =	sld [smem:$0x3FD9]  }
0x89: {  	s3 =	sld [smem:$0x3FFE];
	_ =	sdelay $0x1  }
0x8a: {  	s1 =	srdreg.scid  }
0x8b: {  	s0 =	sand.u32 $0x1, s1  }
0x8c: {  	s17 =	sshll.u32 s0, $0xA;
	s2 =	sadd.s32 s3, s2  }
0x8d: {  	s2 =	sadd.s32 s2, s17  }
0x8e: {  	[smem:$0x3FC0] =	sst s2  }
0x8f: {  	_ = 	snop  }
0x90: {  	s2 =	sld [smem:$0x3FD0];
	(tm) =	ssettm $0x1  }
0x91: {  	s18 =	sld [smem:$0x3FFB];
	_ =	sdelay $0x3  }
0x92: {  	_ =	strace s18  }
0x93: {  	s3 =	sld [smem:$0x3FFC];
	_ =	sdelay $0x3  }
0x94: {  	_ =	strace s3  }
0x95: {  	s3 =	sld [smem:$0x3FFD];
	_ =	sdelay $0x3  }
0x96: {  	_ =	strace s3  }
0x97: {  	_ =	strace $0x8FFFFFFF  }
0x98: {  	s19 =	sld [smem:$0x3FDB];
	_ =	sdelay $0x1  }
0x99: {  	s4 =	simm.s32 $_scs_section_size  }
0x9a: {  	s5 =	simm.s32 $_size__tile_overlayer_lowered;
	s6 =	simm.s32 $_tile_overlayer_lowered  }
0x9b: {  	s22 =	simm.s32 $0x1BFF;
	s21 =	sshll.u32 s6, $0x1;
	s3 =	sadd.s32 s4, s19  }
0x9c: {  	s7 =	simm.s32 $0x0;
	s20 =	sshll.u32 s5, $0x1;
	s5 =	sadd.s32 s21, s3  }
0x9d: {  	[timem:s7], [sflag:s22] =	dma.local [hbm:s5], s20  }
0x9e: {  	_ =	swait.ge [sflag:s22], s20  }
0x9f: {  	s4 =	ssub.s32 $0x0, s20;
	[sflag:s22] =	ssyncset.done $0x0  }
0xa0: {  	[sflag:s22] =	ssyncadd.s32 s4;
	_ =	sdelay $0x1  }
0xa1: {  	s23 =	simm.s32 $0x1B8B  }
0xa2: {  	_ =	swait.ge [sflag:s23], $0x1  }
0xa3: {  	[sflag:s23] =	ssyncset.done $0x0  }
0xa4: {  	s25 =	simm.s32 $0x1B8E;
	s24 =	sld [smem:$0x3FFE];
	[sflag:s23] =	ssyncadd.s32 $0xFFFFFFFF  }
0xa5: {  	s26 =	simm.s32 $execute0_lowered;
	[smem:$0x3FD2] =	sst s25  }
0xa6: {  	s5 =	sshll.u32 s26, $0x1;
	_ =	strace $0x80000046;
	[dreg:$0x1] =	wrdreg $0xFFFFFFFF  }
0xa7: {  	s28 =	simm.s32 $_size_execute0_lowered;
	s3 =	sadd.s32 s3, s5;
	[dreg:$0x0] =	wrdreg $0x0  }
0xa8: {  	s5 =	sshll.u32 s28, $0x1;
	[dreg:$0x2] =	wrdreg s3  }
0xa9: {  	[dreg:$0x3] =	wrdreg s5  }
0xaa: {  	[dreg:$0x4] =	wrdreg $0xC0  }
0xab: {  	_ =	task [dreg:s7], $0x5FFFF  }
0xac: {  	[dreg:$0x1] =	wrdreg $0xFFFFFFFF  }
0xad: {  	[dreg:$0x0] =	wrdreg $0x60  }
0xae: {  	[dreg:$0x2] =	wrdreg s24  }
0xaf: {  	[dreg:$0x3] =	wrdreg s2  }
0xb0: {  	[dreg:$0x4] =	wrdreg $0xA6000  }
0xb1: {  	[dreg:$0x5] =	wrdreg $0x9  }
0xb2: {  	_ =	task.clear_ibuf [dreg:s7], $0x6FFFF;
	_ =	strace $0x90000046  }
0xb3: {  	s29 =	simm.s32 $0x9;
	_ =	strace $0x80000048  }
0xb4: {  	_ =	swait.ge [sflag:s29], $0x1  }
0xb5: {  	[sflag:s29] =	ssyncadd.s32 $0xFFFFFFFF  }
0xb6: {  	_ =	strace $0x90000048  }
0xb7: {  	_ =	sfence  }
0xb8: {  	s30 =	sld [smem:$0x0];
	_ =	sdelay $0x2  }
0xb9: {  	s31 =	sshll.u32 s1, $0xD;
	s1 =	sshrl.u32 s1, $0x2  }
0xba: {  	s3 =	sand.u32 $0x4000, s31;
	s1 =	sadd.s32 s1, s30  }
0xbb: {  	s0 =	sor.u32 s3, s0;
	s1 =	sshll.u32 s1, $0x11  }
0xbc: {  	s0 =	sor.u32 s1, s0  }
0xbd: {  	s0 =	sadd.s32 $0x8F2B, s0  }
0xbe: {  	[sflag:s0] =	ssyncadd.remote.s32 $0x1  }
0xbf: {  	_ =	sfence.sel $0xFFFF  }
0xc0: {  	[dreg:$0x0] =	wrdreg $0xFFFFFFFF;
	(pc) =	sbr.abs _section_cstart, $3  }
0xc1: {  	[dreg:$0x1] =	wrdreg $0xFFFFFFFF  }
0xc2: {  	_ =	task.clear_ibuf [dreg:s7], $0x2FFFF;
	_ =	strace $0x9FFFFFFF  }
0xc3: {  	(tm) =	ssettm $0x7FFFFFFF  }
tec
execute0_lowered:
.L_overlay_start_1:
0x0: {  	(tag) =	ssettag $0x1  }
0x1: {  	s2 =	rddreg [dreg:$0x0]  }
0x2: {  	s6 =	rddreg [dreg:$0x1]  }
0x3: {  	s3 =	rddreg [dreg:$0x2];
	s4 =	simm.s32 $0x0;
	s12 =	stileid.u32  }
0x4: {  	s0 =	srdreg.scid;
	s28 =	simm.s32 $0xB;
	[smem:$0x7FF] =	sst s4  }
0x5: {  	s1 =	smul.u32 $0x2800, s12;
	s5 =	sand.u32 $0x1, s0;
	s26 =	sadd.s32 $0xBC00, s2  }
0x6: {  	s31 =	sadd.s32 $0x1E00, s2;
	s23 =	sshll.u32 s12, $0x1;
	s8 =	smul.u32 $0x50000, s12  }
0x7: {  	s24 =	smul.u32 $0x4E20, s12;
	p0 =	seq.s32 s12, $0xF;
	s12 =	simm.s32 $0x8  }
0x8: {  	_ =	strace $0x80000047;
	s0 =	smul.u32 $0x27100, s5;
	[dreg:$0x19] =	wrdreg s31  }
0x9: {  	s9 =	ssub.s32 $0x2, s5;
	[dreg:$0x1a] =	wrdreg s1;
	s7 =	sadd.s32 s1, s2  }
0xa: {  	s1 =	sor.u32 s5, s23;
	s10 =	sshrl.u32 s9, $0x1;
	s8 =	sshrl.u32 s8, $0x2  }
0xb: {  	s5 =	smul.u32 $0x2710, s5;
	s0 =	sadd.s32 s0, s2;
	s8 =	sadd.s32 s8, s3  }
0xc: {  	s11 =	smul.u32 $0x2710, s1;
	s7 =	sadd.s32 $0x32E00, s7;
	[dreg:$0x1b] =	wrdreg s8  }
0xd: {  	s1 =	ssub.s32 s9, s10;
	s2 =	sadd.s32 $0x58600, s2;
	[dreg:$0x1c] =	wrdreg s7  }
0xe: {  	[dreg:$0x1d] =	wrdreg s2;
	s5 =	sadd.s32 s5, s24;
	s0 =	sadd.s32 $0x5A000, s0  }
0xf: {  	s2 =	sshrl.u32 s11, $0x3;
	s18 =	sadd.s32 $0x550, s11;
	[smem:$0x7FA] =	sst s0  }
0x10: {  	s16 =	sadd.s32 $0x500, s5;
	s25 =	sadd.s32 s31, s2;
	[dreg:$0x4] =	wrdreg s18  }
0x11: {  	s29 =	sadd.s32 $0xA, s2;
	s30 =	sadd.s32 s6, s2;
	[dreg:$0x1e] =	wrdreg s25  }
0x12: {  	s20 =	sadd.s32 $0x4B0, s5;
	[dreg:$0x1f] =	wrdreg s30;
	s10 =	sadd.s32 s31, s29  }
0x13: {  	s13 =	sadd.s32 $0x14, s2;
	s8 =	sadd.s32 s6, s29;
	[smem:$0x7F0] =	sst s10  }
0x14: {  	s23 =	sadd.s32 $0x460, s5;
	s14 =	sadd.s32 s31, s13;
	[smem:$0x7F1] =	sst s8  }
0x15: {  	s7 =	sadd.s32 $0x1E, s2;
	s15 =	sadd.s32 s6, s13;
	[smem:$0x7F2] =	sst s14  }
0x16: {  	s21 =	sshrl.u32 s20, $0x3;
	s17 =	sadd.s32 s31, s7;
	[smem:$0x7F3] =	sst s15  }
0x17: {  	s0 =	simm.s32 $0x50;
	s22 =	sadd.s32 s21, s6;
	[smem:$0x7F4] =	sst s17  }
0x18: {  	s24 =	sadd.s32 s21, s31;
	s25 =	sshrl.u32 s23, $0x3;
	[dreg:$0x7] =	wrdreg s22  }
0x19: {  	s30 =	sadd.s32 $0x410, s5;
	s7 =	sadd.s32 s6, s7;
	[dreg:$0x8] =	wrdreg s24  }
0x1a: {  	s13 =	sadd.s32 $0x370, s5;
	s29 =	sadd.s32 s25, s6;
	[smem:$0x7F5] =	sst s7  }
0x1b: {  	s8 =	sshrl.u32 s16, $0x3;
	s9 =	sadd.s32 s25, s31;
	[dreg:$0x9] =	wrdreg s29  }
0x1c: {  	s21 =	sadd.s32 $0x2D0, s5;
	s19 =	sadd.s32 s8, s6;
	[dreg:$0xa] =	wrdreg s9  }
0x1d: {  	s10 =	sshrl.u32 s30, $0x3;
	s8 =	sadd.s32 s8, s31;
	[dreg:$0x5] =	wrdreg s19  }
0x1e: {  	s15 =	sshrl.u32 s13, $0x3;
	s11 =	sadd.s32 s10, s6;
	[dreg:$0x6] =	wrdreg s8  }
0x1f: {  	s17 =	sadd.s32 $0x320, s5;
	s14 =	sadd.s32 s10, s31;
	[dreg:$0xb] =	wrdreg s11  }
0x20: {  	s23 =	sshrl.u32 s21, $0x3;
	s16 =	sadd.s32 s15, s6;
	[dreg:$0xc] =	wrdreg s14  }
0x21: {  	s25 =	sadd.s32 $0x280, s5;
	s18 =	sadd.s32 s15, s31;
	[dreg:$0xd] =	wrdreg s16  }
0x22: {  	s24 =	sadd.s32 s23, s6;
	s29 =	sadd.s32 s23, s31;
	[dreg:$0xe] =	wrdreg s18  }
0x23: {  	s30 =	sshrl.u32 s25, $0x3;
	s25 =	smax.u32 s1, $0x1;
	[dreg:$0x11] =	wrdreg s24  }
0x24: {  	s1 =	simm.s32 $0x6;
	s19 =	sshrl.u32 s17, $0x3;
	[dreg:$0x12] =	wrdreg s29  }
0x25: {  	s10 =	sadd.s32 s30, s6;
	s11 =	sadd.s32 $0x230, s5;
	[smem:$0x7FB] =	sst s25  }
0x26: {  	s13 =	sadd.s32 s30, s31;
	s16 =	sadd.s32 $0x1E0, s5;
	[dreg:$0x13] =	wrdreg s10  }
0x27: {  	s29 =	sadd.s32 $0x3C0, s5;
	s30 =	sadd.s32 $0x12C000, s3;
	[dreg:$0x14] =	wrdreg s13  }
0x28: {  	s5 =	simm.s32 $0x80;
	s3 =	simm.s32 $0x7;
	[smem:$0x7FC] =	sst s29  }
0x29: {  	s25 =	simm.s32 $0x5;
	s20 =	sadd.s32 s19, s6;
	[smem:$0x7FD] =	sst s30  }
0x2a: {  	s22 =	sadd.s32 s19, s31;
	s14 =	sshrl.u32 s11, $0x3;
	[dreg:$0xf] =	wrdreg s20  }
0x2b: {  	s18 =	sshrl.u32 s16, $0x3;
	[dreg:$0x10] =	wrdreg s22;
	s15 =	sadd.s32 s14, s6  }
0x2c: {  	s19 =	sadd.s32 $0x28, s2;
	s17 =	sadd.s32 s14, s31;
	[dreg:$0x15] =	wrdreg s15  }
0x2d: {  	s2 =	sadd.s32 $0x32, s2;
	s20 =	sadd.s32 s18, s6;
	[dreg:$0x16] =	wrdreg s17  }
0x2e: {  	s10 =	simm.s32 $0x300;
	s21 =	sadd.s32 s31, s19;
	[dreg:$0x17] =	wrdreg s20  }
0x2f: {  	s11 =	simm.s32 $0x380;
	s22 =	sadd.s32 s6, s19;
	[smem:$0x7F6] =	sst s21  }
0x30: {  	s13 =	simm.s32 $0x100;
	s23 =	sadd.s32 s18, s31;
	[smem:$0x7F7] =	sst s22  }
0x31: {  	s16 =	simm.s32 $0x180;
	s24 =	sadd.s32 s31, s2;
	[dreg:$0x18] =	wrdreg s23  }
0x32: {  	s2 =	sadd.s32 s6, s2;
	s14 =	simm.s32 $0x2E00;
	[smem:$0x7F8] =	sst s24  }
0x33: {  	s18 =	simm.s32 $0x2;
	[smem:$0x7F9] =	sst s2;
	s2 =	simm.s32 $0x0  }
.LBB2_1:
0x34: {  	s7 =	sld [smem:$0x7FD];
	_ =	sdelay $0x1  }
0x35: {  	[smem:$0x7EC] =	sst s2  }
0x36: {  	s9 =	rddreg [dreg:$0x1d];
	s2 =	sshrl.u32 @p0 s7, $0x3  }
0x37: {  	s7 =	simm.s32 @p0 $0x1FCB;
	[smem:$0x7ED] =	sst s2  }
0x38: {  	[spmem:s2], [sflag:s7] =	dma.local @p0 [hbm:s9], $0x1900  }
0x39: {  	s7 =	simm.s32 @p0 $0xB  }
0x3a: {  	s9 =	stileid.u32;
	_ =	swait.ge @p0 [sflag:s7], $0x1900  }
0x3b: {  	s29 =	sshll.u32 @!p0 s9, $0x6;
	[sflag:s7] =	ssyncset.done @p0 $0x0  }
0x3c: {  	s2 =	sor.u32 @!p0 $0x1C0B, s29;
	[sflag:s7] =	ssyncadd.s32 @p0 $0xFFFFE700;
	s7 =	rddreg [dreg:$0x1b]  }
0x3d: {  	[smem:$0x7EE] =	sst s2  }
0x3e: {  	s8 =	sshrl.u32 @!p0 s7, $0x3;
	s7 =	rddreg [dreg:$0x1c]  }
0x3f: {  	[smem:$0x7EF] =	sst s8  }
0x40: {  	[spmem:s8], [sflag:s2] =	dma.local @!p0 [hbm:s7], $0x2800  }
0x41: {  	s7 =	simm.s32 @!p0 $0xB  }
0x42: {  	_ =	swait.ge @!p0 [sflag:s7], $0x2800  }
0x43: {  	[sflag:s7] =	ssyncset.done @!p0 $0x0  }
0x44: {  	[sflag:s7] =	ssyncadd.s32 @!p0 $0xFFFFD800  }
0x45: {  	[bflag:$0x0] =	sbarrier.arrive $0xFFFF  }
0x46: {  	s20 =	rddreg [dreg:$0x1e]  }
0x47: {  	[tilespmem:s4], [sflag:$0xB] =	stream.linear.gather [hbm4b:s20+s4], $0x50, $0x38;
	[tilespmem:$0x1DE80] =	vst v63  }
0x48: {  	_ =	swait.ge [sflag:s28], $0x50  }
0x49: {  	[sflag:s28] =	ssyncset.done $0x0  }
0x4a: {  	s21 =	rddreg [dreg:$0x1f];
	[sflag:s28] =	ssyncadd.s32 $0xFFFFFFB0  }
0x4b: {  	[tilespmem:s10], [sflag:$0xB] =	stream.linear.gather [hbm4b:s21+s4], $0x50, $0x38;
	[tilespmem:$0x1DE80] =	vst v63  }
0x4c: {  	_ =	swait.ge [sflag:s28], $0x50  }
0x4d: {  	s22 =	sld [smem:$0x7F0]  }
0x4e: {  	[sflag:s28] =	ssyncset.done $0x0  }
0x4f: {  	[sflag:s28] =	ssyncadd.s32 $0xFFFFFFB0  }
0x50: {  	[tilespmem:s5], [sflag:$0xB] =	stream.linear.gather [hbm4b:s22+s4], $0x50, $0x38;
	[tilespmem:$0x1DE80] =	vst v63  }
0x51: {  	_ =	swait.ge [sflag:s28], $0x50  }
0x52: {  	s23 =	sld [smem:$0x7F1]  }
0x53: {  	[sflag:s28] =	ssyncset.done $0x0  }
0x54: {  	[sflag:s28] =	ssyncadd.s32 $0xFFFFFFB0  }
0x55: {  	[tilespmem:s11], [sflag:$0xB] =	stream.linear.gather [hbm4b:s23+s4], $0x50, $0x38;
	[tilespmem:$0x1DE80] =	vst v63  }
0x56: {  	_ =	swait.ge [sflag:s28], $0x50  }
0x57: {  	[sflag:s28] =	ssyncset.done $0x0  }
0x58: {  	s8 =	simm.s32 $0x600;
	[sflag:s28] =	ssyncadd.s32 $0xFFFFFFB0  }
0x59: {  	[tilespmem:s8], [sflag:$0x1] =	stream.indirect.gather [hbm4b:s26+s0], $0x80, s4, s0, $0xb8;
	[tilespmem:$0x1DE80] =	vst v63  }
0x5a: {  	s24 =	sld [smem:$0x7F2]  }
0x5b: {  	[tilespmem:s14], [sflag:$0x2] =	stream.indirect.gather [hbm4b:s26+s0], $0x80, s5, s0, $0xb8;
	[tilespmem:$0x1DE80] =	vst v63  }
0x5c: {  	s2 =	sld [smem:$0x7F3]  }
0x5d: {  	[tilespmem:s13], [sflag:$0x7] =	stream.linear.gather [hbm4b:s24+s4], $0x50, $0x38;
	[tilespmem:$0x1DE80] =	vst v63  }
0x5e: {  	s6 =	simm.s32 $0x400;
	s9 =	sld [smem:$0x7F4]  }
0x5f: {  	[tilespmem:s6], [sflag:$0x7] =	stream.linear.gather [hbm4b:s2+s4], $0x50, $0x38;
	[tilespmem:$0x1DE80] =	vst v63  }
0x60: {  	s15 =	sld [smem:$0x7F5]  }
0x61: {  	[tilespmem:s16], [sflag:$0x8] =	stream.linear.gather [hbm4b:s9+s4], $0x50, $0x38;
	[tilespmem:$0x1DE80] =	vst v63  }
0x62: {  	s17 =	simm.s32 $0x480  }
0x63: {  	[tilespmem:s17], [sflag:$0x8] =	stream.linear.gather [hbm4b:s15+s4], $0x50, $0x38;
	[tilespmem:$0x1DE80] =	vst v63  }
0x64: {  	_ =	swait.ge [sflag:s3], $0x50  }
0x65: {  	[sflag:s3] =	ssyncset.done $0x0  }
0x66: {  	[sflag:s3] =	ssyncadd.s32 $0xFFFFFFB0  }
0x67: {  	_ =	swait.ge [sflag:s3], $0x50  }
0x68: {  	[sflag:s3] =	ssyncset.done $0x0  }
0x69: {  	s20 =	simm.s32 $0x5600;
	s15 =	simm.s32 $0x1;
	[sflag:s3] =	ssyncadd.s32 $0xFFFFFFB0  }
0x6a: {  	[tilespmem:s20], [sflag:$0x3] =	stream.indirect.gather [hbm4b:s26+s0], $0x80, s13, s0, $0xb8;
	[tilespmem:$0x1DE80] =	vst v63  }
0x6b: {  	_ =	swait.ge [sflag:s15], $0x2800  }
0x6c: {  	[sflag:s15] =	ssyncset.done $0x0  }
0x6d: {  	[sflag:s15] =	ssyncadd.s32 $0xFFFFD800  }
0x6e: {  	s23 =	rddreg [dreg:$0x2]  }
0x6f: {  	[spmem:s23] =	stream.indirect.scatter.add.f32 [tilespmem:s8], [sflag:$0xB], $0x80, s10, s0, $0xb8;
	[tilespmem:$0x1DE80] =	vst v63  }
0x70: {  	_ =	swait.ge [sflag:s28], $0x2800  }
0x71: {  	s19 =	sld [smem:$0x7F6]  }
0x72: {  	[sflag:s28] =	ssyncset.done $0x0  }
0x73: {  	s22 =	simm.s32 $0x200;
	s2 =	sld [smem:$0x7F7];
	[sflag:s28] =	ssyncadd.s32 $0xFFFFD800  }
0x74: {  	[tilespmem:s22], [sflag:$0x9] =	stream.linear.gather [hbm4b:s19+s4], $0x50, $0x38;
	[tilespmem:$0x1DE80] =	vst v63  }
0x75: {  	s6 =	simm.s32 $0x500  }
0x76: {  	[tilespmem:s6], [sflag:$0x9] =	stream.linear.gather [hbm4b:s2+s4], $0x50, $0x38;
	[tilespmem:$0x1DE80] =	vst v63  }
0x77: {  	_ =	swait.ge [sflag:s12], $0x50  }
0x78: {  	[sflag:s12] =	ssyncset.done $0x0  }
0x79: {  	[sflag:s12] =	ssyncadd.s32 $0xFFFFFFB0  }
0x7a: {  	_ =	swait.ge [sflag:s12], $0x50  }
0x7b: {  	[sflag:s12] =	ssyncset.done $0x0  }
0x7c: {  	s2 =	simm.s32 $0x7E00;
	[sflag:s12] =	ssyncadd.s32 $0xFFFFFFB0  }
0x7d: {  	[tilespmem:s2], [sflag:$0x4] =	stream.indirect.gather [hbm4b:s26+s0], $0x80, s16, s0, $0xb8;
	[tilespmem:$0x1DE80] =	vst v63  }
0x7e: {  	_ =	swait.ge [sflag:s18], $0x2800  }
0x7f: {  	[sflag:s18] =	ssyncset.done $0x0  }
0x80: {  	[sflag:s18] =	ssyncadd.s32 $0xFFFFD800  }
0x81: {  	[spmem:s23] =	stream.indirect.scatter.add.f32 [tilespmem:s14], [sflag:$0xB], $0x80, s11, s0, $0xb8;
	[tilespmem:$0x1DE80] =	vst v63  }
0x82: {  	_ =	swait.ge [sflag:s28], $0x2800  }
0x83: {  	s9 =	sld [smem:$0x7F8]  }
0x84: {  	[sflag:s28] =	ssyncset.done $0x0  }
0x85: {  	s18 =	simm.s32 $0x280;
	s19 =	sld [smem:$0x7F9];
	[sflag:s28] =	ssyncadd.s32 $0xFFFFD800  }
0x86: {  	[tilespmem:s18], [sflag:$0xA] =	stream.linear.gather [hbm4b:s9+s4], $0x50, $0x38;
	[tilespmem:$0x1DE80] =	vst v63  }
0x87: {  	s22 =	simm.s32 $0x580;
	s9 =	simm.s32 $0x9  }
0x88: {  	[tilespmem:s22], [sflag:$0xA] =	stream.linear.gather [hbm4b:s19+s4], $0x50, $0x38;
	[tilespmem:$0x1DE80] =	vst v63  }
0x89: {  	_ =	swait.ge [sflag:s9], $0x50  }
0x8a: {  	[sflag:s9] =	ssyncset.done $0x0  }
0x8b: {  	[sflag:s9] =	ssyncadd.s32 $0xFFFFFFB0  }
0x8c: {  	_ =	swait.ge [sflag:s9], $0x50  }
0x8d: {  	[sflag:s9] =	ssyncset.done $0x0  }
0x8e: {  	s3 =	simm.s32 $0x200;
	s19 =	simm.s32 $0x3;
	[sflag:s9] =	ssyncadd.s32 $0xFFFFFFB0  }
0x8f: {  	[tilespmem:s8], [sflag:$0x1] =	stream.indirect.gather [hbm4b:s26+s0], $0x80, s3, s0, $0xb8;
	[tilespmem:$0x1DE80] =	vst v63  }
0x90: {  	_ =	swait.ge [sflag:s19], $0x2800  }
0x91: {  	[sflag:s19] =	ssyncset.done $0x0  }
0x92: {  	s21 =	simm.s32 $0x400;
	[sflag:s19] =	ssyncadd.s32 $0xFFFFD800  }
0x93: {  	[spmem:s23] =	stream.indirect.scatter.add.f32 [tilespmem:s20], [sflag:$0xB], $0x80, s21, s0, $0xb8;
	[tilespmem:$0x1DE80] =	vst v63  }
0x94: {  	_ =	swait.ge [sflag:s28], $0x2800  }
0x95: {  	s3 =	rddreg [dreg:$0x18];
	[sflag:s28] =	ssyncset.done $0x0  }
0x96: {  	s29 =	rddreg [dreg:$0x17];
	[sflag:s28] =	ssyncadd.s32 $0xFFFFD800;
	s7 =	sadd.s32 $0x0, s3  }
0x97: {  	[tilespmem:s4], [sflag:$0x5] =	stream.linear.gather [hbm4b:s7+s4], $0x50, $0x38;
	[tilespmem:$0x1DE80] =	vst v63  }
0x98: {  	s22 =	sadd.s32 $0x0, s29  }
0x99: {  	[tilespmem:s10], [sflag:$0x5] =	stream.linear.gather [hbm4b:s22+s4], $0x50, $0x38;
	[tilespmem:$0x1DE80] =	vst v63  }
0x9a: {  	s22 =	simm.s32 $0xA  }
0x9b: {  	_ =	swait.ge [sflag:s22], $0x50  }
0x9c: {  	[sflag:s22] =	ssyncset.done $0x0  }
0x9d: {  	[sflag:s22] =	ssyncadd.s32 $0xFFFFFFB0  }
0x9e: {  	_ =	swait.ge [sflag:s22], $0x50  }
0x9f: {  	[sflag:s22] =	ssyncset.done $0x0  }
0xa0: {  	s3 =	simm.s32 $0x4;
	[sflag:s22] =	ssyncadd.s32 $0xFFFFFFB0  }
0xa1: {  	[tilespmem:s14], [sflag:$0x2] =	stream.indirect.gather [hbm4b:s26+s0], $0x80, s18, s0, $0xb8;
	[tilespmem:$0x1DE80] =	vst v63  }
0xa2: {  	_ =	swait.ge [sflag:s3], $0x2800  }
0xa3: {  	[sflag:s3] =	ssyncset.done $0x0  }
0xa4: {  	s24 =	simm.s32 $0x480;
	[sflag:s3] =	ssyncadd.s32 $0xFFFFD800  }
0xa5: {  	[spmem:s23] =	stream.indirect.scatter.add.f32 [tilespmem:s2], [sflag:$0xB], $0x80, s24, s0, $0xb8;
	[tilespmem:$0x1DE80] =	vst v63  }
0xa6: {  	_ =	swait.ge [sflag:s28], $0x2800  }
0xa7: {  	s24 =	rddreg [dreg:$0x16];
	[sflag:s28] =	ssyncset.done $0x0  }
0xa8: {  	s29 =	rddreg [dreg:$0x15];
	[sflag:s28] =	ssyncadd.s32 $0xFFFFD800;
	s7 =	sadd.s32 $0x0, s24  }
0xa9: {  	[tilespmem:s5], [sflag:$0x6] =	stream.linear.gather [hbm4b:s7+s4], $0x50, $0x38;
	[tilespmem:$0x1DE80] =	vst v63  }
0xaa: {  	s24 =	sadd.s32 $0x0, s29  }
0xab: {  	[tilespmem:s11], [sflag:$0x6] =	stream.linear.gather [hbm4b:s24+s4], $0x50, $0x38;
	[tilespmem:$0x1DE80] =	vst v63  }
0xac: {  	_ =	swait.ge [sflag:s25], $0x50  }
0xad: {  	[sflag:s25] =	ssyncset.done $0x0  }
0xae: {  	[sflag:s25] =	ssyncadd.s32 $0xFFFFFFB0  }
0xaf: {  	_ =	swait.ge [sflag:s25], $0x50  }
0xb0: {  	[sflag:s25] =	ssyncset.done $0x0  }
0xb1: {  	[sflag:s25] =	ssyncadd.s32 $0xFFFFFFB0  }
0xb2: {  	[tilespmem:s20], [sflag:$0x3] =	stream.indirect.gather [hbm4b:s26+s0], $0x80, s4, s0, $0xb8;
	[tilespmem:$0x1DE80] =	vst v63  }
0xb3: {  	_ =	swait.ge [sflag:s15], $0x2800  }
0xb4: {  	[sflag:s15] =	ssyncset.done $0x0  }
0xb5: {  	s24 =	simm.s32 $0x500;
	[sflag:s15] =	ssyncadd.s32 $0xFFFFD800  }
0xb6: {  	[spmem:s23] =	stream.indirect.scatter.add.f32 [tilespmem:s8], [sflag:$0xB], $0x80, s24, s0, $0xb8;
	[tilespmem:$0x1DE80] =	vst v63  }
0xb7: {  	_ =	swait.ge [sflag:s28], $0x2800  }
0xb8: {  	s7 =	rddreg [dreg:$0x14];
	[sflag:s28] =	ssyncset.done $0x0  }
0xb9: {  	s29 =	rddreg [dreg:$0x13];
	[sflag:s28] =	ssyncadd.s32 $0xFFFFD800;
	s7 =	sadd.s32 $0x0, s7  }
0xba: {  	[tilespmem:s13], [sflag:$0x7] =	stream.linear.gather [hbm4b:s7+s4], $0x50, $0x38;
	[tilespmem:$0x1DE80] =	vst v63  }
0xbb: {  	s21 =	simm.s32 $0x400;
	s7 =	sadd.s32 $0x0, s29  }
0xbc: {  	[tilespmem:s21], [sflag:$0x7] =	stream.linear.gather [hbm4b:s7+s4], $0x50, $0x38;
	[tilespmem:$0x1DE80] =	vst v63  }
0xbd: {  	_ =	swait.ge [sflag:s1], $0x50  }
0xbe: {  	[sflag:s1] =	ssyncset.done $0x0  }
0xbf: {  	[sflag:s1] =	ssyncadd.s32 $0xFFFFFFB0  }
0xc0: {  	_ =	swait.ge [sflag:s1], $0x50  }
0xc1: {  	[sflag:s1] =	ssyncset.done $0x0  }
0xc2: {  	s6 =	simm.s32 $0x2;
	[sflag:s1] =	ssyncadd.s32 $0xFFFFFFB0  }
0xc3: {  	[tilespmem:s2], [sflag:$0x4] =	stream.indirect.gather [hbm4b:s26+s0], $0x80, s5, s0, $0xb8;
	[tilespmem:$0x1DE80] =	vst v63  }
0xc4: {  	_ =	swait.ge [sflag:s6], $0x2800  }
0xc5: {  	[sflag:s6] =	ssyncset.done $0x0  }
0xc6: {  	s21 =	simm.s32 $0x580;
	[sflag:s6] =	ssyncadd.s32 $0xFFFFD800  }
0xc7: {  	[spmem:s23] =	stream.indirect.scatter.add.f32 [tilespmem:s14], [sflag:$0xB], $0x80, s21, s0, $0xb8;
	[tilespmem:$0x1DE80] =	vst v63  }
0xc8: {  	_ =	swait.ge [sflag:s28], $0x2800  }
0xc9: {  	s7 =	rddreg [dreg:$0x12];
	[sflag:s28] =	ssyncset.done $0x0  }
0xca: {  	s29 =	rddreg [dreg:$0x11];
	[sflag:s28] =	ssyncadd.s32 $0xFFFFD800;
	s7 =	sadd.s32 $0x0, s7  }
0xcb: {  	[tilespmem:s16], [sflag:$0x8] =	stream.linear.gather [hbm4b:s7+s4], $0x50, $0x38;
	[tilespmem:$0x1DE80] =	vst v63  }
0xcc: {  	s30 =	simm.s32 $0x480;
	s17 =	simm.s32 $0x7;
	s7 =	sadd.s32 $0x0, s29  }
0xcd: {  	[tilespmem:s30], [sflag:$0x8] =	stream.linear.gather [hbm4b:s7+s4], $0x50, $0x38;
	[tilespmem:$0x1DE80] =	vst v63  }
0xce: {  	_ =	swait.ge [sflag:s17], $0x50  }
0xcf: {  	[sflag:s17] =	ssyncset.done $0x0  }
0xd0: {  	[sflag:s17] =	ssyncadd.s32 $0xFFFFFFB0  }
0xd1: {  	_ =	swait.ge [sflag:s17], $0x50  }
0xd2: {  	[sflag:s17] =	ssyncset.done $0x0  }
0xd3: {  	[sflag:s17] =	ssyncadd.s32 $0xFFFFFFB0  }
0xd4: {  	[tilespmem:s8], [sflag:$0x1] =	stream.indirect.gather [hbm4b:s26+s0], $0x80, s13, s0, $0xb8;
	[tilespmem:$0x1DE80] =	vst v63  }
0xd5: {  	_ =	swait.ge [sflag:s19], $0x2800  }
0xd6: {  	[sflag:s19] =	ssyncset.done $0x0  }
0xd7: {  	[sflag:s19] =	ssyncadd.s32 $0xFFFFD800  }
0xd8: {  	[spmem:s23] =	stream.indirect.scatter.add.f32 [tilespmem:s20], [sflag:$0xB], $0x80, s10, s0, $0xb8;
	[tilespmem:$0x1DE80] =	vst v63  }
0xd9: {  	_ =	swait.ge [sflag:s28], $0x2800  }
0xda: {  	s30 =	simm.s32 $0x200;
	s7 =	rddreg [dreg:$0x10];
	[sflag:s28] =	ssyncset.done $0x0  }
0xdb: {  	s29 =	rddreg [dreg:$0xf];
	[sflag:s28] =	ssyncadd.s32 $0xFFFFD800;
	s7 =	sadd.s32 $0x0, s7  }
0xdc: {  	[tilespmem:s30], [sflag:$0x9] =	stream.linear.gather [hbm4b:s7+s4], $0x50, $0x38;
	[tilespmem:$0x1DE80] =	vst v63  }
0xdd: {  	s7 =	sadd.s32 $0x0, s29  }
0xde: {  	[tilespmem:s24], [sflag:$0x9] =	stream.linear.gather [hbm4b:s7+s4], $0x50, $0x38;
	[tilespmem:$0x1DE80] =	vst v63  }
0xdf: {  	_ =	swait.ge [sflag:s12], $0x50  }
0xe0: {  	[sflag:s12] =	ssyncset.done $0x0  }
0xe1: {  	[sflag:s12] =	ssyncadd.s32 $0xFFFFFFB0  }
0xe2: {  	_ =	swait.ge [sflag:s12], $0x50  }
0xe3: {  	[sflag:s12] =	ssyncset.done $0x0  }
0xe4: {  	[sflag:s12] =	ssyncadd.s32 $0xFFFFFFB0  }
0xe5: {  	[tilespmem:s14], [sflag:$0x2] =	stream.indirect.gather [hbm4b:s26+s0], $0x80, s16, s0, $0xb8;
	[tilespmem:$0x1DE80] =	vst v63  }
0xe6: {  	_ =	swait.ge [sflag:s3], $0x2800  }
0xe7: {  	[sflag:s3] =	ssyncset.done $0x0  }
0xe8: {  	[sflag:s3] =	ssyncadd.s32 $0xFFFFD800  }
0xe9: {  	[spmem:s23] =	stream.indirect.scatter.add.f32 [tilespmem:s2], [sflag:$0xB], $0x80, s11, s0, $0xb8;
	[tilespmem:$0x1DE80] =	vst v63  }
0xea: {  	_ =	swait.ge [sflag:s28], $0x2800  }
0xeb: {  	s24 =	rddreg [dreg:$0xe];
	[sflag:s28] =	ssyncset.done $0x0  }
0xec: {  	s29 =	rddreg [dreg:$0xd];
	[sflag:s28] =	ssyncadd.s32 $0xFFFFD800;
	s7 =	sadd.s32 $0x0, s24  }
0xed: {  	[tilespmem:s18], [sflag:$0xA] =	stream.linear.gather [hbm4b:s7+s4], $0x50, $0x38;
	[tilespmem:$0x1DE80] =	vst v63  }
0xee: {  	s21 =	simm.s32 $0x580;
	s24 =	sadd.s32 $0x0, s29  }
0xef: {  	[tilespmem:s21], [sflag:$0xA] =	stream.linear.gather [hbm4b:s24+s4], $0x50, $0x38;
	[tilespmem:$0x1DE80] =	vst v63  }
0xf0: {  	_ =	swait.ge [sflag:s9], $0x50  }
0xf1: {  	[sflag:s9] =	ssyncset.done $0x0  }
0xf2: {  	[sflag:s9] =	ssyncadd.s32 $0xFFFFFFB0  }
0xf3: {  	_ =	swait.ge [sflag:s9], $0x50  }
0xf4: {  	[sflag:s9] =	ssyncset.done $0x0  }
0xf5: {  	[sflag:s9] =	ssyncadd.s32 $0xFFFFFFB0  }
0xf6: {  	[tilespmem:s20], [sflag:$0x3] =	stream.indirect.gather [hbm4b:s26+s0], $0x80, s30, s0, $0xb8;
	[tilespmem:$0x1DE80] =	vst v63  }
0xf7: {  	_ =	swait.ge [sflag:s15], $0x2800  }
0xf8: {  	[sflag:s15] =	ssyncset.done $0x0  }
0xf9: {  	s21 =	simm.s32 $0x400;
	[sflag:s15] =	ssyncadd.s32 $0xFFFFD800  }
0xfa: {  	[spmem:s23] =	stream.indirect.scatter.add.f32 [tilespmem:s8], [sflag:$0xB], $0x80, s21, s0, $0xb8;
	[tilespmem:$0x1DE80] =	vst v63  }
0xfb: {  	_ =	swait.ge [sflag:s28], $0x2800  }
0xfc: {  	s9 =	sld [smem:$0x7FC];
	_ =	sdelay $0x1  }
0xfd: {  	[sflag:s28] =	ssyncset.done $0x0  }
0xfe: {  	[sflag:s28] =	ssyncadd.s32 $0xFFFFD800;
	s7 =	sshrl.u32 s9, $0x3  }
0xff: {  	s24 =	rddreg [dreg:$0x1];
	s29 =	sadd.s32 s31, s7  }
0x100: {  	[tilespmem:s4], [sflag:$0x5] =	stream.linear.gather [hbm4b:s29+s4], $0x50, $0x38;
	[tilespmem:$0x1DE80] =	vst v63  }
0x101: {  	s7 =	sadd.s32 s24, s7  }
0x102: {  	[tilespmem:s10], [sflag:$0x5] =	stream.linear.gather [hbm4b:s7+s4], $0x50, $0x38;
	[tilespmem:$0x1DE80] =	vst v63  }
0x103: {  	_ =	swait.ge [sflag:s22], $0x50  }
0x104: {  	[sflag:s22] =	ssyncset.done $0x0  }
0x105: {  	[sflag:s22] =	ssyncadd.s32 $0xFFFFFFB0  }
0x106: {  	_ =	swait.ge [sflag:s22], $0x50  }
0x107: {  	[sflag:s22] =	ssyncset.done $0x0  }
0x108: {  	[sflag:s22] =	ssyncadd.s32 $0xFFFFFFB0  }
0x109: {  	[tilespmem:s2], [sflag:$0x4] =	stream.indirect.gather [hbm4b:s26+s0], $0x80, s18, s0, $0xb8;
	[tilespmem:$0x1DE80] =	vst v63  }
0x10a: {  	_ =	swait.ge [sflag:s6], $0x2800  }
0x10b: {  	[sflag:s6] =	ssyncset.done $0x0  }
0x10c: {  	s18 =	simm.s32 $0x480;
	[sflag:s6] =	ssyncadd.s32 $0xFFFFD800  }
0x10d: {  	[spmem:s23] =	stream.indirect.scatter.add.f32 [tilespmem:s14], [sflag:$0xB], $0x80, s18, s0, $0xb8;
	[tilespmem:$0x1DE80] =	vst v63  }
0x10e: {  	_ =	swait.ge [sflag:s28], $0x2800  }
0x10f: {  	s22 =	rddreg [dreg:$0xc];
	[sflag:s28] =	ssyncset.done $0x0  }
0x110: {  	s29 =	rddreg [dreg:$0xb];
	[sflag:s28] =	ssyncadd.s32 $0xFFFFD800;
	s7 =	sadd.s32 $0x0, s22  }
0x111: {  	[tilespmem:s5], [sflag:$0x6] =	stream.linear.gather [hbm4b:s7+s4], $0x50, $0x38;
	[tilespmem:$0x1DE80] =	vst v63  }
0x112: {  	s22 =	sadd.s32 $0x0, s29  }
0x113: {  	[tilespmem:s11], [sflag:$0x6] =	stream.linear.gather [hbm4b:s22+s4], $0x50, $0x38;
	[tilespmem:$0x1DE80] =	vst v63  }
0x114: {  	_ =	swait.ge [sflag:s25], $0x50  }
0x115: {  	[sflag:s25] =	ssyncset.done $0x0  }
0x116: {  	[sflag:s25] =	ssyncadd.s32 $0xFFFFFFB0  }
0x117: {  	_ =	swait.ge [sflag:s25], $0x50  }
0x118: {  	[sflag:s25] =	ssyncset.done $0x0  }
0x119: {  	[sflag:s25] =	ssyncadd.s32 $0xFFFFFFB0  }
0x11a: {  	[tilespmem:s8], [sflag:$0x1] =	stream.indirect.gather [hbm4b:s26+s0], $0x80, s4, s0, $0xb8;
	[tilespmem:$0x1DE80] =	vst v63  }
0x11b: {  	_ =	swait.ge [sflag:s19], $0x2800  }
0x11c: {  	[sflag:s19] =	ssyncset.done $0x0  }
0x11d: {  	[sflag:s19] =	ssyncadd.s32 $0xFFFFD800;
	s19 =	simm.s32 $0x500  }
0x11e: {  	[spmem:s23] =	stream.indirect.scatter.add.f32 [tilespmem:s20], [sflag:$0xB], $0x80, s19, s0, $0xb8;
	[tilespmem:$0x1DE80] =	vst v63  }
0x11f: {  	_ =	swait.ge [sflag:s28], $0x2800  }
0x120: {  	s25 =	rddreg [dreg:$0xa];
	[sflag:s28] =	ssyncset.done $0x0  }
0x121: {  	s29 =	rddreg [dreg:$0x9];
	[sflag:s28] =	ssyncadd.s32 $0xFFFFD800;
	s7 =	sadd.s32 $0x0, s25  }
0x122: {  	[tilespmem:s13], [sflag:$0x7] =	stream.linear.gather [hbm4b:s7+s4], $0x50, $0x38;
	[tilespmem:$0x1DE80] =	vst v63  }
0x123: {  	s22 =	sadd.s32 $0x0, s29  }
0x124: {  	[tilespmem:s21], [sflag:$0x7] =	stream.linear.gather [hbm4b:s22+s4], $0x50, $0x38;
	[tilespmem:$0x1DE80] =	vst v63  }
0x125: {  	_ =	swait.ge [sflag:s1], $0x50  }
0x126: {  	[sflag:s1] =	ssyncset.done $0x0  }
0x127: {  	[sflag:s1] =	ssyncadd.s32 $0xFFFFFFB0  }
0x128: {  	_ =	swait.ge [sflag:s1], $0x50  }
0x129: {  	[sflag:s1] =	ssyncset.done $0x0  }
0x12a: {  	[sflag:s1] =	ssyncadd.s32 $0xFFFFFFB0  }
0x12b: {  	[tilespmem:s14], [sflag:$0x2] =	stream.indirect.gather [hbm4b:s26+s0], $0x80, s5, s0, $0xb8;
	[tilespmem:$0x1DE80] =	vst v63  }
0x12c: {  	_ =	swait.ge [sflag:s3], $0x2800  }
0x12d: {  	[sflag:s3] =	ssyncset.done $0x0  }
0x12e: {  	s25 =	simm.s32 $0x580;
	[sflag:s3] =	ssyncadd.s32 $0xFFFFD800  }
0x12f: {  	[spmem:s23] =	stream.indirect.scatter.add.f32 [tilespmem:s2], [sflag:$0xB], $0x80, s25, s0, $0xb8;
	[tilespmem:$0x1DE80] =	vst v63  }
0x130: {  	_ =	swait.ge [sflag:s28], $0x2800  }
0x131: {  	s3 =	rddreg [dreg:$0x8];
	[sflag:s28] =	ssyncset.done $0x0  }
0x132: {  	s29 =	rddreg [dreg:$0x7];
	[sflag:s28] =	ssyncadd.s32 $0xFFFFD800;
	s7 =	sadd.s32 $0x0, s3  }
0x133: {  	[tilespmem:s16], [sflag:$0x8] =	stream.linear.gather [hbm4b:s7+s4], $0x50, $0x38;
	[tilespmem:$0x1DE80] =	vst v63  }
0x134: {  	s5 =	sadd.s32 $0x0, s29  }
0x135: {  	[tilespmem:s18], [sflag:$0x8] =	stream.linear.gather [hbm4b:s5+s4], $0x50, $0x38;
	[tilespmem:$0x1DE80] =	vst v63  }
0x136: {  	_ =	swait.ge [sflag:s17], $0x50  }
0x137: {  	[sflag:s17] =	ssyncset.done $0x0  }
0x138: {  	[sflag:s17] =	ssyncadd.s32 $0xFFFFFFB0  }
0x139: {  	_ =	swait.ge [sflag:s17], $0x50  }
0x13a: {  	[sflag:s17] =	ssyncset.done $0x0  }
0x13b: {  	[sflag:s17] =	ssyncadd.s32 $0xFFFFFFB0  }
0x13c: {  	[tilespmem:s20], [sflag:$0x3] =	stream.indirect.gather [hbm4b:s26+s0], $0x80, s13, s0, $0xb8;
	[tilespmem:$0x1DE80] =	vst v63  }
0x13d: {  	_ =	swait.ge [sflag:s15], $0x2800  }
0x13e: {  	[sflag:s15] =	ssyncset.done $0x0  }
0x13f: {  	[sflag:s15] =	ssyncadd.s32 $0xFFFFD800  }
0x140: {  	[spmem:s23] =	stream.indirect.scatter.add.f32 [tilespmem:s8], [sflag:$0xB], $0x80, s10, s0, $0xb8;
	[tilespmem:$0x1DE80] =	vst v63  }
0x141: {  	_ =	swait.ge [sflag:s28], $0x2800  }
0x142: {  	s30 =	simm.s32 $0x200;
	s21 =	rddreg [dreg:$0x6];
	[sflag:s28] =	ssyncset.done $0x0  }
0x143: {  	s29 =	rddreg [dreg:$0x5];
	[sflag:s28] =	ssyncadd.s32 $0xFFFFD800;
	s7 =	sadd.s32 $0x0, s21  }
0x144: {  	[tilespmem:s30], [sflag:$0x9] =	stream.linear.gather [hbm4b:s7+s4], $0x50, $0x38;
	[tilespmem:$0x1DE80] =	vst v63  }
0x145: {  	s22 =	sadd.s32 $0x0, s29  }
0x146: {  	[tilespmem:s19], [sflag:$0x9] =	stream.linear.gather [hbm4b:s22+s4], $0x50, $0x38;
	[tilespmem:$0x1DE80] =	vst v63  }
0x147: {  	_ =	swait.ge [sflag:s12], $0x50  }
0x148: {  	[sflag:s12] =	ssyncset.done $0x0  }
0x149: {  	[sflag:s12] =	ssyncadd.s32 $0xFFFFFFB0  }
0x14a: {  	_ =	swait.ge [sflag:s12], $0x50  }
0x14b: {  	[sflag:s12] =	ssyncset.done $0x0  }
0x14c: {  	[sflag:s12] =	ssyncadd.s32 $0xFFFFFFB0  }
0x14d: {  	[tilespmem:s2], [sflag:$0x4] =	stream.indirect.gather [hbm4b:s26+s0], $0x80, s16, s0, $0xb8;
	[tilespmem:$0x1DE80] =	vst v63  }
0x14e: {  	_ =	swait.ge [sflag:s6], $0x2800  }
0x14f: {  	[sflag:s6] =	ssyncset.done $0x0  }
0x150: {  	s25 =	smin.u32 s4, $0x6B;
	[sflag:s6] =	ssyncadd.s32 $0xFFFFD800  }
0x151: {  	[spmem:s23] =	stream.indirect.scatter.add.f32 [tilespmem:s14], [sflag:$0xB], $0x80, s11, s0, $0xb8;
	[tilespmem:$0x1DE80] =	vst v63  }
0x152: {  	s7 =	smul.u32 $0x50, s25;
	_ =	swait.ge [sflag:s28], $0x2800  }
0x153: {  	s29 =	rddreg [dreg:$0x4]  }
0x154: {  	s7 =	sadd.s32 s7, s29  }
0x155: {  	s30 =	sadd.s32 $0x3C0, s9;
	[sflag:s28] =	ssyncset.done $0x0;
	s29 =	sshrl.u32 s7, $0x3  }
0x156: {  	s16 =	simm.s32 $0x280;
	[sflag:s28] =	ssyncadd.s32 $0xFFFFD800;
	s7 =	sadd.s32 s31, s29  }
0x157: {  	[tilespmem:s16], [sflag:$0xA] =	stream.linear.gather [hbm4b:s7+s4], $0x50, $0x38;
	[tilespmem:$0x1DE80] =	vst v63  }
0x158: {  	s31 =	sadd.s32 s24, s29;
	s29 =	simm.s32 $0xC;
	s7 =	simm.s32 $0x78  }
.LBB2_2:
0x159: {  	s2 =	simm.s32 $0x580;
	s23 =	simm.s32 $0x9  }
0x15a: {  	[tilespmem:s2], [sflag:$0xA] =	stream.linear.gather [hbm4b:s31+s4], $0x50, $0x38;
	[tilespmem:$0x1DE80] =	vst v63  }
0x15b: {  	_ =	swait.ge [sflag:s23], $0x50  }
0x15c: {  	[sflag:s23] =	ssyncset.done $0x0  }
0x15d: {  	[sflag:s23] =	ssyncadd.s32 $0xFFFFFFB0  }
0x15e: {  	_ =	swait.ge [sflag:s23], $0x50  }
0x15f: {  	s14 =	simm.s32 $0x600;
	[sflag:s23] =	ssyncset.done $0x0  }
0x160: {  	s12 =	simm.s32 $0x200;
	s15 =	simm.s32 $0x3;
	[sflag:s23] =	ssyncadd.s32 $0xFFFFFFB0  }
0x161: {  	[tilespmem:s14], [sflag:$0x1] =	stream.indirect.gather [hbm4b:s26+s0], $0x80, s12, s0, $0xb8;
	[tilespmem:$0x1DE80] =	vst v63  }
0x162: {  	_ =	swait.ge [sflag:s15], $0x2800  }
0x163: {  	[sflag:s15] =	ssyncset.done $0x0  }
0x164: {  	[sflag:s15] =	ssyncadd.s32 $0xFFFFD800  }
0x165: {  	s13 =	simm.s32 $0x400;
	s21 =	simm.s32 $0x5600;
	s18 =	rddreg [dreg:$0x2]  }
0x166: {  	[spmem:s18] =	stream.indirect.scatter.add.f32 [tilespmem:s21], [sflag:$0xB], $0x80, s13, s0, $0xb8;
	[tilespmem:$0x1DE80] =	vst v63  }
0x167: {  	_ =	swait.ge [sflag:s28], $0x2800  }
0x168: {  	s31 =	smov.u32 s7;
	s9 =	rddreg [dreg:$0x18];
	[sflag:s28] =	ssyncset.done $0x0  }
0x169: {  	s10 =	rddreg [dreg:$0x17];
	[sflag:s28] =	ssyncadd.s32 $0xFFFFD800;
	s9 =	sadd.s32 s31, s9  }
0x16a: {  	[tilespmem:s4], [sflag:$0x5] =	stream.linear.gather [hbm4b:s9+s4], $0x50, $0x38;
	[tilespmem:$0x1DE80] =	vst v63  }
0x16b: {  	s19 =	simm.s32 $0x300;
	s25 =	simm.s32 $0xA;
	s17 =	sadd.s32 s31, s10  }
0x16c: {  	[tilespmem:s19], [sflag:$0x5] =	stream.linear.gather [hbm4b:s17+s4], $0x50, $0x38;
	[tilespmem:$0x1DE80] =	vst v63  }
0x16d: {  	_ =	swait.ge [sflag:s25], $0x50  }
0x16e: {  	[sflag:s25] =	ssyncset.done $0x0  }
0x16f: {  	[sflag:s25] =	ssyncadd.s32 $0xFFFFFFB0  }
0x170: {  	_ =	swait.ge [sflag:s25], $0x50  }
0x171: {  	[sflag:s25] =	ssyncset.done $0x0  }
0x172: {  	s22 =	simm.s32 $0x2E00;
	s3 =	simm.s32 $0x4;
	[sflag:s25] =	ssyncadd.s32 $0xFFFFFFB0  }
0x173: {  	[tilespmem:s22], [sflag:$0x2] =	stream.indirect.gather [hbm4b:s26+s0], $0x80, s16, s0, $0xb8;
	[tilespmem:$0x1DE80] =	vst v63  }
0x174: {  	_ =	swait.ge [sflag:s3], $0x2800  }
0x175: {  	[sflag:s3] =	ssyncset.done $0x0  }
0x176: {  	s11 =	simm.s32 $0x480;
	s16 =	simm.s32 $0x7E00;
	[sflag:s3] =	ssyncadd.s32 $0xFFFFD800  }
0x177: {  	[spmem:s18] =	stream.indirect.scatter.add.f32 [tilespmem:s16], [sflag:$0xB], $0x80, s11, s0, $0xb8;
	[tilespmem:$0x1DE80] =	vst v63  }
0x178: {  	_ =	swait.ge [sflag:s28], $0x2800  }
0x179: {  	s12 =	simm.s32 $0x80;
	s20 =	rddreg [dreg:$0x16];
	[sflag:s28] =	ssyncset.done $0x0  }
0x17a: {  	s24 =	rddreg [dreg:$0x15];
	[sflag:s28] =	ssyncadd.s32 $0xFFFFD800;
	s9 =	sadd.s32 s31, s20  }
0x17b: {  	[tilespmem:s12], [sflag:$0x6] =	stream.linear.gather [hbm4b:s9+s4], $0x50, $0x38;
	[tilespmem:$0x1DE80] =	vst v63  }
0x17c: {  	s8 =	simm.s32 $0x380;
	s13 =	simm.s32 $0x5;
	s2 =	sadd.s32 s31, s24  }
0x17d: {  	[tilespmem:s8], [sflag:$0x6] =	stream.linear.gather [hbm4b:s2+s4], $0x50, $0x38;
	[tilespmem:$0x1DE80] =	vst v63  }
0x17e: {  	_ =	swait.ge [sflag:s13], $0x50  }
0x17f: {  	[sflag:s13] =	ssyncset.done $0x0  }
0x180: {  	[sflag:s13] =	ssyncadd.s32 $0xFFFFFFB0  }
0x181: {  	_ =	swait.ge [sflag:s13], $0x50  }
0x182: {  	[sflag:s13] =	ssyncset.done $0x0  }
0x183: {  	s19 =	simm.s32 $0x1;
	[sflag:s13] =	ssyncadd.s32 $0xFFFFFFB0  }
0x184: {  	[tilespmem:s21], [sflag:$0x3] =	stream.indirect.gather [hbm4b:s26+s0], $0x80, s4, s0, $0xb8;
	[tilespmem:$0x1DE80] =	vst v63  }
0x185: {  	_ =	swait.ge [sflag:s19], $0x2800  }
0x186: {  	[sflag:s19] =	ssyncset.done $0x0  }
0x187: {  	s9 =	simm.s32 $0x500;
	[sflag:s19] =	ssyncadd.s32 $0xFFFFD800  }
0x188: {  	[spmem:s18] =	stream.indirect.scatter.add.f32 [tilespmem:s14], [sflag:$0xB], $0x80, s9, s0, $0xb8;
	[tilespmem:$0x1DE80] =	vst v63  }
0x189: {  	_ =	swait.ge [sflag:s28], $0x2800  }
0x18a: {  	s20 =	simm.s32 $0x100;
	s10 =	rddreg [dreg:$0x14];
	[sflag:s28] =	ssyncset.done $0x0  }
0x18b: {  	s13 =	rddreg [dreg:$0x13];
	[sflag:s28] =	ssyncadd.s32 $0xFFFFD800;
	s9 =	sadd.s32 s31, s10  }
0x18c: {  	[tilespmem:s20], [sflag:$0x7] =	stream.linear.gather [hbm4b:s9+s4], $0x50, $0x38;
	[tilespmem:$0x1DE80] =	vst v63  }
0x18d: {  	s6 =	simm.s32 $0x400;
	s24 =	sadd.s32 s31, s13  }
0x18e: {  	[tilespmem:s6], [sflag:$0x7] =	stream.linear.gather [hbm4b:s24+s4], $0x50, $0x38;
	[tilespmem:$0x1DE80] =	vst v63  }
0x18f: {  	_ =	swait.ge [sflag:s1], $0x50  }
0x190: {  	[sflag:s1] =	ssyncset.done $0x0  }
0x191: {  	[sflag:s1] =	ssyncadd.s32 $0xFFFFFFB0  }
0x192: {  	_ =	swait.ge [sflag:s1], $0x50  }
0x193: {  	[sflag:s1] =	ssyncset.done $0x0  }
0x194: {  	s13 =	simm.s32 $0x2;
	[sflag:s1] =	ssyncadd.s32 $0xFFFFFFB0  }
0x195: {  	[tilespmem:s16], [sflag:$0x4] =	stream.indirect.gather [hbm4b:s26+s0], $0x80, s12, s0, $0xb8;
	[tilespmem:$0x1DE80] =	vst v63  }
0x196: {  	_ =	swait.ge [sflag:s13], $0x2800  }
0x197: {  	[sflag:s13] =	ssyncset.done $0x0  }
0x198: {  	s2 =	simm.s32 $0x580;
	[sflag:s13] =	ssyncadd.s32 $0xFFFFD800  }
0x199: {  	[spmem:s18] =	stream.indirect.scatter.add.f32 [tilespmem:s22], [sflag:$0xB], $0x80, s2, s0, $0xb8;
	[tilespmem:$0x1DE80] =	vst v63  }
0x19a: {  	_ =	swait.ge [sflag:s28], $0x2800  }
0x19b: {  	s8 =	simm.s32 $0x180;
	s1 =	rddreg [dreg:$0x12];
	[sflag:s28] =	ssyncset.done $0x0  }
0x19c: {  	s6 =	rddreg [dreg:$0x11];
	[sflag:s28] =	ssyncadd.s32 $0xFFFFD800;
	s9 =	sadd.s32 s31, s1  }
0x19d: {  	[tilespmem:s8], [sflag:$0x8] =	stream.linear.gather [hbm4b:s9+s4], $0x50, $0x38;
	[tilespmem:$0x1DE80] =	vst v63  }
0x19e: {  	s24 =	sadd.s32 s31, s6;
	s6 =	simm.s32 $0x7  }
0x19f: {  	[tilespmem:s11], [sflag:$0x8] =	stream.linear.gather [hbm4b:s24+s4], $0x50, $0x38;
	[tilespmem:$0x1DE80] =	vst v63  }
0x1a0: {  	_ =	swait.ge [sflag:s6], $0x50  }
0x1a1: {  	[sflag:s6] =	ssyncset.done $0x0  }
0x1a2: {  	[sflag:s6] =	ssyncadd.s32 $0xFFFFFFB0  }
0x1a3: {  	_ =	swait.ge [sflag:s6], $0x50  }
0x1a4: {  	[sflag:s6] =	ssyncset.done $0x0  }
0x1a5: {  	[sflag:s6] =	ssyncadd.s32 $0xFFFFFFB0  }
0x1a6: {  	[tilespmem:s14], [sflag:$0x1] =	stream.indirect.gather [hbm4b:s26+s0], $0x80, s20, s0, $0xb8;
	[tilespmem:$0x1DE80] =	vst v63  }
0x1a7: {  	_ =	swait.ge [sflag:s15], $0x2800  }
0x1a8: {  	[sflag:s15] =	ssyncset.done $0x0  }
0x1a9: {  	s24 =	simm.s32 $0x300;
	[sflag:s15] =	ssyncadd.s32 $0xFFFFD800  }
0x1aa: {  	[spmem:s18] =	stream.indirect.scatter.add.f32 [tilespmem:s21], [sflag:$0xB], $0x80, s24, s0, $0xb8;
	[tilespmem:$0x1DE80] =	vst v63  }
0x1ab: {  	_ =	swait.ge [sflag:s28], $0x2800  }
0x1ac: {  	s1 =	rddreg [dreg:$0x10]  }
0x1ad: {  	[sflag:s28] =	ssyncset.done $0x0;
	s10 =	rddreg [dreg:$0xf]  }
0x1ae: {  	[sflag:s28] =	ssyncadd.s32 $0xFFFFD800;
	s9 =	sadd.s32 s31, s1;
	s1 =	simm.s32 $0x200  }
0x1af: {  	[tilespmem:s1], [sflag:$0x9] =	stream.linear.gather [hbm4b:s9+s4], $0x50, $0x38;
	[tilespmem:$0x1DE80] =	vst v63  }
0x1b0: {  	s5 =	simm.s32 $0x8;
	s17 =	simm.s32 $0x500;
	s10 =	sadd.s32 s31, s10  }
0x1b1: {  	[tilespmem:s17], [sflag:$0x9] =	stream.linear.gather [hbm4b:s10+s4], $0x50, $0x38;
	[tilespmem:$0x1DE80] =	vst v63  }
0x1b2: {  	_ =	swait.ge [sflag:s5], $0x50  }
0x1b3: {  	[sflag:s5] =	ssyncset.done $0x0  }
0x1b4: {  	[sflag:s5] =	ssyncadd.s32 $0xFFFFFFB0  }
0x1b5: {  	_ =	swait.ge [sflag:s5], $0x50  }
0x1b6: {  	[sflag:s5] =	ssyncset.done $0x0  }
0x1b7: {  	s8 =	simm.s32 $0x180;
	[sflag:s5] =	ssyncadd.s32 $0xFFFFFFB0  }
0x1b8: {  	[tilespmem:s22], [sflag:$0x2] =	stream.indirect.gather [hbm4b:s26+s0], $0x80, s8, s0, $0xb8;
	[tilespmem:$0x1DE80] =	vst v63  }
0x1b9: {  	_ =	swait.ge [sflag:s3], $0x2800  }
0x1ba: {  	[sflag:s3] =	ssyncset.done $0x0  }
0x1bb: {  	s17 =	simm.s32 $0x380;
	[sflag:s3] =	ssyncadd.s32 $0xFFFFD800  }
0x1bc: {  	[spmem:s18] =	stream.indirect.scatter.add.f32 [tilespmem:s16], [sflag:$0xB], $0x80, s17, s0, $0xb8;
	[tilespmem:$0x1DE80] =	vst v63  }
0x1bd: {  	_ =	swait.ge [sflag:s28], $0x2800  }
0x1be: {  	s8 =	simm.s32 $0x280;
	s5 =	rddreg [dreg:$0xe];
	[sflag:s28] =	ssyncset.done $0x0  }
0x1bf: {  	s10 =	rddreg [dreg:$0xd];
	[sflag:s28] =	ssyncadd.s32 $0xFFFFD800;
	s9 =	sadd.s32 s31, s5  }
0x1c0: {  	[tilespmem:s8], [sflag:$0xA] =	stream.linear.gather [hbm4b:s9+s4], $0x50, $0x38;
	[tilespmem:$0x1DE80] =	vst v63  }
0x1c1: {  	s10 =	sadd.s32 s31, s10  }
0x1c2: {  	[tilespmem:s2], [sflag:$0xA] =	stream.linear.gather [hbm4b:s10+s4], $0x50, $0x38;
	[tilespmem:$0x1DE80] =	vst v63  }
0x1c3: {  	_ =	swait.ge [sflag:s23], $0x50  }
0x1c4: {  	[sflag:s23] =	ssyncset.done $0x0  }
0x1c5: {  	[sflag:s23] =	ssyncadd.s32 $0xFFFFFFB0  }
0x1c6: {  	_ =	swait.ge [sflag:s23], $0x50  }
0x1c7: {  	[sflag:s23] =	ssyncset.done $0x0  }
0x1c8: {  	[sflag:s23] =	ssyncadd.s32 $0xFFFFFFB0  }
0x1c9: {  	[tilespmem:s21], [sflag:$0x3] =	stream.indirect.gather [hbm4b:s26+s0], $0x80, s1, s0, $0xb8;
	[tilespmem:$0x1DE80] =	vst v63  }
0x1ca: {  	_ =	swait.ge [sflag:s19], $0x2800  }
0x1cb: {  	[sflag:s19] =	ssyncset.done $0x0  }
0x1cc: {  	s8 =	simm.s32 $0x400;
	[sflag:s19] =	ssyncadd.s32 $0xFFFFD800  }
0x1cd: {  	[spmem:s18] =	stream.indirect.scatter.add.f32 [tilespmem:s14], [sflag:$0xB], $0x80, s8, s0, $0xb8;
	[tilespmem:$0x1DE80] =	vst v63  }
0x1ce: {  	_ =	swait.ge [sflag:s28], $0x2800  }
0x1cf: {  	s2 =	sshrl.u32 s30, $0x3;
	[sflag:s28] =	ssyncset.done $0x0;
	s23 =	rddreg [dreg:$0x19]  }
0x1d0: {  	[sflag:s28] =	ssyncadd.s32 $0xFFFFD800;
	s5 =	sadd.s32 s23, s2  }
0x1d1: {  	[tilespmem:s4], [sflag:$0x5] =	stream.linear.gather [hbm4b:s5+s4], $0x50, $0x38;
	[tilespmem:$0x1DE80] =	vst v63  }
0x1d2: {  	s5 =	rddreg [dreg:$0x1]  }
0x1d3: {  	s9 =	sadd.s32 s5, s2  }
0x1d4: {  	[tilespmem:s24], [sflag:$0x5] =	stream.linear.gather [hbm4b:s9+s4], $0x50, $0x38;
	[tilespmem:$0x1DE80] =	vst v63  }
0x1d5: {  	_ =	swait.ge [sflag:s25], $0x50  }
0x1d6: {  	[sflag:s25] =	ssyncset.done $0x0  }
0x1d7: {  	[sflag:s25] =	ssyncadd.s32 $0xFFFFFFB0  }
0x1d8: {  	_ =	swait.ge [sflag:s25], $0x50  }
0x1d9: {  	[sflag:s25] =	ssyncset.done $0x0  }
0x1da: {  	s10 =	simm.s32 $0x280;
	[sflag:s25] =	ssyncadd.s32 $0xFFFFFFB0  }
0x1db: {  	[tilespmem:s16], [sflag:$0x4] =	stream.indirect.gather [hbm4b:s26+s0], $0x80, s10, s0, $0xb8;
	[tilespmem:$0x1DE80] =	vst v63  }
0x1dc: {  	_ =	swait.ge [sflag:s13], $0x2800  }
0x1dd: {  	[sflag:s13] =	ssyncset.done $0x0  }
0x1de: {  	[sflag:s13] =	ssyncadd.s32 $0xFFFFD800  }
0x1df: {  	[spmem:s18] =	stream.indirect.scatter.add.f32 [tilespmem:s22], [sflag:$0xB], $0x80, s11, s0, $0xb8;
	[tilespmem:$0x1DE80] =	vst v63  }
0x1e0: {  	_ =	swait.ge [sflag:s28], $0x2800  }
0x1e1: {  	s24 =	rddreg [dreg:$0xc];
	[sflag:s28] =	ssyncset.done $0x0  }
0x1e2: {  	s2 =	rddreg [dreg:$0xb];
	[sflag:s28] =	ssyncadd.s32 $0xFFFFD800;
	s9 =	sadd.s32 s31, s24  }
0x1e3: {  	[tilespmem:s12], [sflag:$0x6] =	stream.linear.gather [hbm4b:s9+s4], $0x50, $0x38;
	[tilespmem:$0x1DE80] =	vst v63  }
0x1e4: {  	s25 =	simm.s32 $0x5;
	s10 =	sadd.s32 s31, s2  }
0x1e5: {  	[tilespmem:s17], [sflag:$0x6] =	stream.linear.gather [hbm4b:s10+s4], $0x50, $0x38;
	[tilespmem:$0x1DE80] =	vst v63  }
0x1e6: {  	_ =	swait.ge [sflag:s25], $0x50  }
0x1e7: {  	[sflag:s25] =	ssyncset.done $0x0  }
0x1e8: {  	[sflag:s25] =	ssyncadd.s32 $0xFFFFFFB0  }
0x1e9: {  	_ =	swait.ge [sflag:s25], $0x50  }
0x1ea: {  	[sflag:s25] =	ssyncset.done $0x0  }
0x1eb: {  	[sflag:s25] =	ssyncadd.s32 $0xFFFFFFB0  }
0x1ec: {  	[tilespmem:s14], [sflag:$0x1] =	stream.indirect.gather [hbm4b:s26+s0], $0x80, s4, s0, $0xb8;
	[tilespmem:$0x1DE80] =	vst v63  }
0x1ed: {  	_ =	swait.ge [sflag:s15], $0x2800  }
0x1ee: {  	[sflag:s15] =	ssyncset.done $0x0  }
0x1ef: {  	s17 =	simm.s32 $0x500;
	[sflag:s15] =	ssyncadd.s32 $0xFFFFD800  }
0x1f0: {  	[spmem:s18] =	stream.indirect.scatter.add.f32 [tilespmem:s21], [sflag:$0xB], $0x80, s17, s0, $0xb8;
	[tilespmem:$0x1DE80] =	vst v63  }
0x1f1: {  	_ =	swait.ge [sflag:s28], $0x2800  }
0x1f2: {  	s15 =	rddreg [dreg:$0xa];
	[sflag:s28] =	ssyncset.done $0x0  }
0x1f3: {  	s24 =	rddreg [dreg:$0x9];
	[sflag:s28] =	ssyncadd.s32 $0xFFFFD800;
	s9 =	sadd.s32 s31, s15  }
0x1f4: {  	[tilespmem:s20], [sflag:$0x7] =	stream.linear.gather [hbm4b:s9+s4], $0x50, $0x38;
	[tilespmem:$0x1DE80] =	vst v63  }
0x1f5: {  	s1 =	simm.s32 $0x6;
	s2 =	sadd.s32 s31, s24  }
0x1f6: {  	[tilespmem:s8], [sflag:$0x7] =	stream.linear.gather [hbm4b:s2+s4], $0x50, $0x38;
	[tilespmem:$0x1DE80] =	vst v63  }
0x1f7: {  	_ =	swait.ge [sflag:s1], $0x50  }
0x1f8: {  	[sflag:s1] =	ssyncset.done $0x0  }
0x1f9: {  	[sflag:s1] =	ssyncadd.s32 $0xFFFFFFB0  }
0x1fa: {  	_ =	swait.ge [sflag:s1], $0x50  }
0x1fb: {  	[sflag:s1] =	ssyncset.done $0x0  }
0x1fc: {  	[sflag:s1] =	ssyncadd.s32 $0xFFFFFFB0  }
0x1fd: {  	[tilespmem:s22], [sflag:$0x2] =	stream.indirect.gather [hbm4b:s26+s0], $0x80, s12, s0, $0xb8;
	[tilespmem:$0x1DE80] =	vst v63  }
0x1fe: {  	_ =	swait.ge [sflag:s3], $0x2800  }
0x1ff: {  	[sflag:s3] =	ssyncset.done $0x0  }
0x200: {  	s10 =	simm.s32 $0x580;
	[sflag:s3] =	ssyncadd.s32 $0xFFFFD800  }
0x201: {  	[spmem:s18] =	stream.indirect.scatter.add.f32 [tilespmem:s16], [sflag:$0xB], $0x80, s10, s0, $0xb8;
	[tilespmem:$0x1DE80] =	vst v63  }
0x202: {  	_ =	swait.ge [sflag:s28], $0x2800  }
0x203: {  	s3 =	rddreg [dreg:$0x8]  }
0x204: {  	[sflag:s28] =	ssyncset.done $0x0;
	s8 =	rddreg [dreg:$0x7]  }
0x205: {  	[sflag:s28] =	ssyncadd.s32 $0xFFFFD800;
	s9 =	sadd.s32 s31, s3;
	s3 =	simm.s32 $0x180  }
0x206: {  	[tilespmem:s3], [sflag:$0x8] =	stream.linear.gather [hbm4b:s9+s4], $0x50, $0x38;
	[tilespmem:$0x1DE80] =	vst v63  }
0x207: {  	s10 =	sadd.s32 s31, s8  }
0x208: {  	[tilespmem:s11], [sflag:$0x8] =	stream.linear.gather [hbm4b:s10+s4], $0x50, $0x38;
	[tilespmem:$0x1DE80] =	vst v63  }
0x209: {  	_ =	swait.ge [sflag:s6], $0x50  }
0x20a: {  	[sflag:s6] =	ssyncset.done $0x0  }
0x20b: {  	[sflag:s6] =	ssyncadd.s32 $0xFFFFFFB0  }
0x20c: {  	_ =	swait.ge [sflag:s6], $0x50  }
0x20d: {  	[sflag:s6] =	ssyncset.done $0x0  }
0x20e: {  	[sflag:s6] =	ssyncadd.s32 $0xFFFFFFB0  }
0x20f: {  	[tilespmem:s21], [sflag:$0x3] =	stream.indirect.gather [hbm4b:s26+s0], $0x80, s20, s0, $0xb8;
	[tilespmem:$0x1DE80] =	vst v63  }
0x210: {  	_ =	swait.ge [sflag:s19], $0x2800  }
0x211: {  	[sflag:s19] =	ssyncset.done $0x0  }
0x212: {  	[sflag:s19] =	ssyncadd.s32 $0xFFFFD800;
	s19 =	simm.s32 $0x300  }
0x213: {  	[spmem:s18] =	stream.indirect.scatter.add.f32 [tilespmem:s14], [sflag:$0xB], $0x80, s19, s0, $0xb8;
	[tilespmem:$0x1DE80] =	vst v63  }
0x214: {  	_ =	swait.ge [sflag:s28], $0x2800  }
0x215: {  	s8 =	simm.s32 $0x200;
	s20 =	rddreg [dreg:$0x6];
	[sflag:s28] =	ssyncset.done $0x0  }
0x216: {  	s21 =	rddreg [dreg:$0x5];
	[sflag:s28] =	ssyncadd.s32 $0xFFFFD800;
	s9 =	sadd.s32 s31, s20  }
0x217: {  	[tilespmem:s8], [sflag:$0x9] =	stream.linear.gather [hbm4b:s9+s4], $0x50, $0x38;
	[tilespmem:$0x1DE80] =	vst v63  }
0x218: {  	s12 =	simm.s32 $0x8;
	s10 =	sadd.s32 s31, s21  }
0x219: {  	[tilespmem:s17], [sflag:$0x9] =	stream.linear.gather [hbm4b:s10+s4], $0x50, $0x38;
	[tilespmem:$0x1DE80] =	vst v63  }
0x21a: {  	_ =	swait.ge [sflag:s12], $0x50  }
0x21b: {  	[sflag:s12] =	ssyncset.done $0x0  }
0x21c: {  	[sflag:s12] =	ssyncadd.s32 $0xFFFFFFB0  }
0x21d: {  	_ =	swait.ge [sflag:s12], $0x50  }
0x21e: {  	p1 =	sne.s32 s7, $0x438;
	[sflag:s12] =	ssyncset.done $0x0  }
0x21f: {  	s7 =	sadd.s32 $0x78, s7;
	s30 =	sadd.s32 $0x3C0, s30;
	[sflag:s12] =	ssyncadd.s32 $0xFFFFFFB0  }
0x220: {  	[tilespmem:s16], [sflag:$0x4] =	stream.indirect.gather [hbm4b:s26+s0], $0x80, s3, s0, $0xb8;
	[tilespmem:$0x1DE80] =	vst v63  }
0x221: {  	s24 =	simm.s32 $0x400;
	s15 =	simm.s32 $0x580;
	_ =	swait.ge [sflag:s13], $0x2800  }
0x222: {  	s2 =	simm.s32 $0x480;
	s11 =	simm.s32 $0x5600;
	[sflag:s13] =	ssyncset.done $0x0  }
0x223: {  	s19 =	smin.u32 s29, $0x6B;
	s17 =	simm.s32 $0x380;
	[sflag:s13] =	ssyncadd.s32 $0xFFFFD800  }
0x224: {  	[spmem:s18] =	stream.indirect.scatter.add.f32 [tilespmem:s22], [sflag:$0xB], $0x80, s17, s0, $0xb8;
	[tilespmem:$0x1DE80] =	vst v63  }
0x225: {  	s14 =	simm.s32 $0x200;
	s9 =	smul.u32 $0x50, s19;
	_ =	swait.ge [sflag:s28], $0x2800  }
.Ltmp0:
0x226: {  	s29 =	sadd.s32 $0xC, s29;
	s22 =	rddreg [dreg:$0x4];
	(pc) =	sbr.rel @p1 .LBB2_2-.Ltmp0, $4  }
0x227: {  	s21 =	simm.s32 $0x500;
	s20 =	simm.s32 $0x7E00;
	s9 =	sadd.s32 s9, s22  }
0x228: {  	s16 =	simm.s32 $0x280;
	[sflag:s28] =	ssyncset.done $0x0;
	s9 =	sshrl.u32 s9, $0x3  }
0x229: {  	[sflag:s28] =	ssyncadd.s32 $0xFFFFD800;
	s23 =	sadd.s32 s23, s9;
	s31 =	sadd.s32 s5, s9  }
0x22a: {  	[tilespmem:s16], [sflag:$0xA] =	stream.linear.gather [hbm4b:s23+s4], $0x50, $0x38;
	[tilespmem:$0x1DE80] =	vst v63  }
0x22b: {  	[tilespmem:s15], [sflag:$0xA] =	stream.linear.gather [hbm4b:s31+s4], $0x50, $0x38;
	[tilespmem:$0x1DE80] =	vst v63  }
0x22c: {  	s3 =	simm.s32 $0x9  }
0x22d: {  	_ =	swait.ge [sflag:s3], $0x50  }
0x22e: {  	[sflag:s3] =	ssyncset.done $0x0  }
0x22f: {  	[sflag:s3] =	ssyncadd.s32 $0xFFFFFFB0  }
0x230: {  	_ =	swait.ge [sflag:s3], $0x50  }
0x231: {  	[sflag:s3] =	ssyncset.done $0x0  }
0x232: {  	s5 =	simm.s32 $0x600;
	s7 =	simm.s32 $0x3;
	[sflag:s3] =	ssyncadd.s32 $0xFFFFFFB0  }
0x233: {  	[tilespmem:s5], [sflag:$0x1] =	stream.indirect.gather [hbm4b:s26+s0], $0x80, s14, s0, $0xb8;
	[tilespmem:$0x1DE80] =	vst v63  }
0x234: {  	_ =	swait.ge [sflag:s7], $0x2800  }
0x235: {  	[sflag:s7] =	ssyncset.done $0x0  }
0x236: {  	[sflag:s7] =	ssyncadd.s32 $0xFFFFD800  }
0x237: {  	s7 =	rddreg [dreg:$0x2]  }
0x238: {  	[spmem:s7] =	stream.indirect.scatter.add.f32 [tilespmem:s11], [sflag:$0xB], $0x80, s24, s0, $0xb8;
	[tilespmem:$0x1DE80] =	vst v63  }
0x239: {  	_ =	swait.ge [sflag:s28], $0x2800  }
0x23a: {  	[sflag:s28] =	ssyncset.done $0x0  }
0x23b: {  	s22 =	simm.s32 $0x4;
	[sflag:s28] =	ssyncadd.s32 $0xFFFFD800  }
0x23c: {  	_ =	swait.ge [sflag:s22], $0x2800  }
0x23d: {  	[sflag:s22] =	ssyncset.done $0x0  }
0x23e: {  	[sflag:s22] =	ssyncadd.s32 $0xFFFFD800  }
0x23f: {  	[spmem:s7] =	stream.indirect.scatter.add.f32 [tilespmem:s20], [sflag:$0xB], $0x80, s2, s0, $0xb8;
	[tilespmem:$0x1DE80] =	vst v63  }
0x240: {  	_ =	swait.ge [sflag:s28], $0x2800  }
0x241: {  	[sflag:s28] =	ssyncset.done $0x0  }
0x242: {  	s23 =	simm.s32 $0x1;
	[sflag:s28] =	ssyncadd.s32 $0xFFFFD800  }
0x243: {  	_ =	swait.ge [sflag:s23], $0x2800  }
0x244: {  	[sflag:s23] =	ssyncset.done $0x0  }
0x245: {  	[sflag:s23] =	ssyncadd.s32 $0xFFFFD800  }
0x246: {  	[spmem:s7] =	stream.indirect.scatter.add.f32 [tilespmem:s5], [sflag:$0xB], $0x80, s21, s0, $0xb8;
	[tilespmem:$0x1DE80] =	vst v63  }
0x247: {  	_ =	swait.ge [sflag:s28], $0x2800  }
0x248: {  	[sflag:s28] =	ssyncset.done $0x0  }
0x249: {  	s24 =	simm.s32 $0xA;
	[sflag:s28] =	ssyncadd.s32 $0xFFFFD800  }
0x24a: {  	_ =	swait.ge [sflag:s24], $0x50  }
0x24b: {  	[sflag:s24] =	ssyncset.done $0x0  }
0x24c: {  	[sflag:s24] =	ssyncadd.s32 $0xFFFFFFB0  }
0x24d: {  	_ =	swait.ge [sflag:s24], $0x50  }
0x24e: {  	[sflag:s24] =	ssyncset.done $0x0  }
0x24f: {  	[sflag:s24] =	ssyncadd.s32 $0xFFFFFFB0  }
0x250: {  	[bflag:$0x0] =	sbarrier.arrive $0xFFFF  }
0x251: {  	s10 =	sld [smem:$0x7FA]  }
0x252: {  	s2 =	sld [smem:$0x7ED];
	_ =	sdelay $0x1  }
0x253: {  	s9 =	simm.s32 @p0 $0x1FCB;
	s7 =	sadd.s32 @p0 $0x25800, s10  }
0x254: {  	[hbm:s7], [sflag:s9] =	dma.local @p0 [spmem:s2], $0x1900  }
0x255: {  	s7 =	simm.s32 @p0 $0xB  }
0x256: {  	_ =	swait.ge @p0 [sflag:s7], $0x1900  }
0x257: {  	s2 =	sld [smem:$0x7EE]  }
0x258: {  	[sflag:s7] =	ssyncset.done @p0 $0x0;
	s5 =	sld [smem:$0x7EF]  }
0x259: {  	[sflag:s7] =	ssyncadd.s32 @p0 $0xFFFFE700;
	s7 =	rddreg [dreg:$0x1a]  }
0x25a: {  	s7 =	sadd.s32 @!p0 s7, s10  }
0x25b: {  	[hbm:s7], [sflag:s2] =	dma.local @!p0 [spmem:s5], $0x2800  }
0x25c: {  	s7 =	simm.s32 @!p0 $0xB  }
0x25d: {  	_ =	swait.ge @!p0 [sflag:s7], $0x2800  }
0x25e: {  	s29 =	sld [smem:$0x7EC]  }
0x25f: {  	s30 =	sld [smem:$0x7FB];
	_ =	sdelay $0x1  }
0x260: {  	s2 =	sadd.s32 $0x1, s29  }
0x261: {  	p1 =	sne.s32 s2, s30  }
.Ltmp1:
0x262: {  	_ = 	snop;
	(pc) =	sbr.rel @p1 .LBB2_1-.Ltmp1, $4  }
0x263: {  	s13 =	simm.s32 $0x100;
	s16 =	simm.s32 $0x180  }
0x264: {  	s18 =	simm.s32 $0x2;
	s3 =	simm.s32 $0x7;
	s14 =	simm.s32 $0x2E00  }
0x265: {  	s11 =	simm.s32 $0x380;
	s10 =	simm.s32 $0x300;
	[sflag:s7] =	ssyncset.done @!p0 $0x0  }
0x266: {  	s5 =	simm.s32 $0x80;
	s31 =	rddreg [dreg:$0x19];
	[sflag:s7] =	ssyncadd.s32 @!p0 $0xFFFFD800  }
0x267: {  	_ =	sfence.sel $0x180000  }
0x268: {  	[bflag:$0x0] =	sbarrier.arrive $0xFFFF  }
0x269: {  	_ =	strace $0x90000047  }
0x26a: {  	s0 =	stileid.u32;
	[bflag:$0x2] =	sbarrier.arrive $0xFFFF  }
0x26b: {  	p0 =	sne.s32 s0, $0x0;
	s0 =	rddreg [dreg:$0x3]  }
0x26c: {  	s0 =	sadd.s32 @!p0 $0x100000, s0  }
0x26d: {  	[sflag:s0] =	ssyncadd.tile.s32 @!p0 $0x1;
	_ =	shalt  }
.Lfunc_end2:
_tile_overlayer_lowered:
.L_overlay_start_2:
0x26e: {  	(tag) =	ssettag $0x2  }
0x26f: {  	s0 =	rddreg [dreg:$0x0];
	s2 =	stileid.u32  }
0x270: {  	s1 =	rddreg [dreg:$0x1];
	p0 =	sne.s32 s2, $0x0  }
0x271: {  	s3 =	rddreg [dreg:$0x2];
	[bflag:$0x3] =	sbarrier.arrive $0xFFFF;
	s2 =	simm.s32 @!p0 $0x1C0B  }
0x272: {  	[timem:s3], [sflag:s2] =	dma.local @!p0 [hbm:s0], s1  }
0x273: {  	s0 =	simm.s32 @!p0 $0xB  }
0x274: {  	_ =	swait.ge @!p0 [sflag:s0], s1  }
0x275: {  	s1 =	ssub.s32 @!p0 $0x0, s1;
	[sflag:s0] =	ssyncset.done @!p0 $0x0  }
0x276: {  	[sflag:s0] =	ssyncadd.s32 @!p0 s1  }
0x277: {  	[bflag:$0x3] =	sbarrier.arrive $0xFFFF  }
0x278: {  	_ =	shalt  }

</sc_bundles>
